<compile_context>
chip_gen: v7x
topology: tpu7x:2x2x1
jax: 0.10.2.dev20260603
libtpu: 0.0.44.dev20260713+nightly
codegen_flags: <defaults>
</compile_context>

<pallas_src>
import functools

import jax
import jax.numpy as jnp
from jax import lax
from jax.experimental import pallas as pl
from jax.experimental.pallas import tpu as pltpu
from jax.experimental.pallas import tpu_sc as plsc

N = 10000
NP = 10240
D = 128
PD = 16
H = 128
E = 320000
G = 64
NCLS = 10

NC = 2
NS = 16
NW = NC * NS
EPW = 10240
EP = EPW * NW
ECH = EPW // 128
NI = 4
NBUF = 2
HH = H // 2
NCH = ECH * NC
NGRP = NCH // NI
RPS = NP // NS
RPW = NP // NW
RB = 1024
NBLK = NP // RB

f32 = jnp.float32
i32 = jnp.int32

def _sc_mesh():
    return plsc.VectorSubcoreMesh(
        core_axis_name="c", subcore_axis_name="s", num_cores=NC, num_subcores=NS)


@functools.cache
def _get_embed_sc():
    @functools.partial(
        pl.kernel,
        out_type=jax.ShapeDtypeStruct((NP, PD), f32),
        scratch_types=[
            pltpu.VMEM((80,), i32),
            pltpu.VMEM((80, PD), f32),
            pltpu.SemaphoreType.DMA,
        ],
        mesh=_sc_mesh(),
        compiler_params=pltpu.CompilerParams(use_tc_tiling_on_sc=False),
    )
    def _embed_sc(ports_hbm, ptab_hbm, pe_hbm, pidx, perows, sem):
        c = lax.axis_index("c")
        s = lax.axis_index("s")
        wid = s * NC + c
        base = wid * RPW

        @pl.loop(0, RPW // 80)
        def _chunk(j):
            off = base + j * 80
            pltpu.sync_copy(ports_hbm.at[pl.ds(off, 80)], pidx)
            pltpu.async_copy(ptab_hbm.at[pidx], perows, sem).wait()
            pltpu.sync_copy(perows, pe_hbm.at[pl.ds(off, 80)])

    return _embed_sc


@functools.cache
def _get_edge_sc():
    @functools.partial(
        pl.kernel,
        out_type=(
            jax.ShapeDtypeStruct((NP, HH), f32),
            jax.ShapeDtypeStruct((NP, HH), f32),
        ),
        scratch_types=[
            pltpu.VMEM((NI, 128), i32),
            pltpu.VMEM((NI, 128), i32),
            pltpu.VMEM((NBUF, 128, HH), f32),
            pltpu.VMEM_SHARED((NP, HH), f32),
            pltpu.VMEM_SHARED((NP, HH), f32),
            pltpu.SemaphoreType.DMA((NI,)),
            pltpu.SemaphoreType.DMA((NBUF,)),
            pltpu.SemaphoreType.DMA((NBUF,)),
        ],
        mesh=_sc_mesh(),
        compiler_params=pltpu.CompilerParams(use_tc_tiling_on_sc=False),
    )
    def _edge_sc(hwa_hbm, hwb_hbm, ei_hbm, zeros_hbm, aa_hbm, ab_hbm,
                 sidx, didx, rows, hws, acc, isem, gsem, ssem):
        c = lax.axis_index("c")
        s = lax.axis_index("s")
        pltpu.sync_copy(zeros_hbm.at[pl.ds(s * RPS, RPS)],
                        acc.at[pl.ds(s * RPS, RPS)])

        @pl.when(c == 0)
        def _():
            pltpu.sync_copy(hwa_hbm.at[pl.ds(s * RPS, RPS)],
                            hws.at[pl.ds(s * RPS, RPS)])

        @pl.when(c == 1)
        def _():
            pltpu.sync_copy(hwb_hbm.at[pl.ds(s * RPS, RPS)],
                            hws.at[pl.ds(s * RPS, RPS)])

        plsc.subcore_barrier()
        qb = s * NCH

        def idxs_d(k, j):
            return pltpu.make_async_copy(
                ei_hbm.at[pl.ds((qb + k) * 128, 128)], sidx.at[j], isem.at[j])

        def idxd_d(k, j):
            return pltpu.make_async_copy(
                ei_hbm.at[pl.ds(EP + (qb + k) * 128, 128)], didx.at[j],
                isem.at[j])

        def idx_start(k, j):
            idxs_d(k, j).start()
            idxd_d(k, j).start()

        def idx_wait(k, j):
            idxs_d(k, j).wait()
            idxd_d(k, j).wait()

        def gat_d(b, j):
            return pltpu.make_async_copy(hws.at[sidx.at[j]], rows.at[b],
                                         gsem.at[b])

        def sct_d(b, j):
            return pltpu.make_async_copy(rows.at[b], acc.at[didx.at[j]],
                                         ssem.at[b])

        for j in range(NBUF):
            idx_start(j, j)

        @pl.loop(0, NGRP)
        def _grp(g):
            for u in range(NI):
                b = u % NBUF
                k = g * NI + u
                if u < NBUF:
                    @pl.when(g > 0)
                    def _():
                        sct_d(b, u + NBUF).wait()
                else:
                    sct_d(b, u - NBUF).wait()
                idx_wait(k, u)
                gat_d(b, u).start()
                j2 = (u + NBUF) % NI
                if u < NBUF:
                    idx_start(k + NBUF, j2)
                else:
                    @pl.when(g < NGRP - 1)
                    def _():
                        idx_start(k + NBUF, j2)
                if u >= 1:
                    bp = (u - 1) % NBUF
                    gat_d(bp, u - 1).wait()
                    sct_d(bp, u - 1).start(add=True)
                else:
                    @pl.when(g > 0)
                    def _():
                        gat_d((NI - 1) % NBUF, NI - 1).wait()
                        sct_d((NI - 1) % NBUF, NI - 1).start(add=True)

        gat_d((NI - 1) % NBUF, NI - 1).wait()
        sct_d((NI - 1) % NBUF, NI - 1).start(add=True)
        for u in range(NI - NBUF, NI):
            sct_d(u % NBUF, u).wait()

        plsc.subcore_barrier()

        @pl.when(c == 0)
        def _():
            pltpu.sync_copy(acc.at[pl.ds(s * RPS, RPS)],
                            aa_hbm.at[pl.ds(s * RPS, RPS)])

        @pl.when(c == 1)
        def _():
            pltpu.sync_copy(acc.at[pl.ds(s * RPS, RPS)],
                            ab_hbm.at[pl.ds(s * RPS, RPS)])

    return _edge_sc


def _dot(a, b):
    return jnp.dot(a, b, preferred_element_type=f32)


def _dense0_body(x_ref, pe_ref, fl_ref, wxr, wpr, twr, wxt, wpt, twt, br,
                 hwa_ref, hwb_ref, hr_ref):
    x = x_ref[...]
    pe = pe_ref[...]
    oh = (fl_ref[...] == lax.broadcasted_iota(i32, (1, 256), 1)).astype(f32)
    hw = _dot(x, wxr[...]) + _dot(pe, wpr[...]) + _dot(oh, twr[...])
    hwa_ref[...] = hw[:, :HH]
    hwb_ref[...] = hw[:, HH:]
    hr_ref[...] = (_dot(x, wxt[...]) + _dot(pe, wpt[...]) + _dot(oh, twt[...])
                   + br[...])


_dense0 = pl.pallas_call(
    _dense0_body,
    grid=(NBLK,),
    in_specs=[
        pl.BlockSpec((RB, D), lambda i: (i, 0)),
        pl.BlockSpec((RB, PD), lambda i: (i, 0)),
        pl.BlockSpec((RB, 1), lambda i: (i, 0)),
        pl.BlockSpec((D, H), lambda i: (0, 0)),
        pl.BlockSpec((PD, H), lambda i: (0, 0)),
        pl.BlockSpec((256, H), lambda i: (0, 0)),
        pl.BlockSpec((D, H), lambda i: (0, 0)),
        pl.BlockSpec((PD, H), lambda i: (0, 0)),
        pl.BlockSpec((256, H), lambda i: (0, 0)),
        pl.BlockSpec((1, H), lambda i: (0, 0)),
    ],
    out_specs=(
        pl.BlockSpec((RB, HH), lambda i: (i, 0)),
        pl.BlockSpec((RB, HH), lambda i: (i, 0)),
        pl.BlockSpec((RB, H), lambda i: (i, 0)),
    ),
    out_shape=(
        jax.ShapeDtypeStruct((NP, HH), f32),
        jax.ShapeDtypeStruct((NP, HH), f32),
        jax.ShapeDtypeStruct((NP, H), f32),
    ),
)


def _densemid_body(aa_ref, ab_ref, hrin_ref, wr, wt, b,
                   hwa_ref, hwb_ref, hr_ref):
    a = jnp.concatenate([aa_ref[...], ab_ref[...]], axis=1)
    h = jnp.maximum(a + hrin_ref[...], 0.0)
    hw = _dot(h, wr[...])
    hwa_ref[...] = hw[:, :HH]
    hwb_ref[...] = hw[:, HH:]
    hr_ref[...] = _dot(h, wt[...]) + b[...]


_densemid = pl.pallas_call(
    _densemid_body,
    grid=(NBLK,),
    in_specs=[
        pl.BlockSpec((RB, HH), lambda i: (i, 0)),
        pl.BlockSpec((RB, HH), lambda i: (i, 0)),
        pl.BlockSpec((RB, H), lambda i: (i, 0)),
        pl.BlockSpec((H, H), lambda i: (0, 0)),
        pl.BlockSpec((H, H), lambda i: (0, 0)),
        pl.BlockSpec((1, H), lambda i: (0, 0)),
    ],
    out_specs=(
        pl.BlockSpec((RB, HH), lambda i: (i, 0)),
        pl.BlockSpec((RB, HH), lambda i: (i, 0)),
        pl.BlockSpec((RB, H), lambda i: (i, 0)),
    ),
    out_shape=(
        jax.ShapeDtypeStruct((NP, HH), f32),
        jax.ShapeDtypeStruct((NP, HH), f32),
        jax.ShapeDtypeStruct((NP, H), f32),
    ),
)


def _final_body(aa_ref, ab_ref, hrin_ref, b_ref, w0, b0, w1, b1, w2, b2,
                out_ref, pooled):
    i = pl.program_id(0)

    @pl.when(i == 0)
    def _():
        pooled[...] = jnp.full((G, H), -jnp.inf, f32)

    a = jnp.concatenate([aa_ref[...], ab_ref[...]], axis=1)
    h = jnp.maximum(a + hrin_ref[...], 0.0)
    bb = b_ref[...]
    gmin = jnp.min(bb)
    gmax = jnp.minimum(jnp.max(bb), G - 1)

    def upd(g, carry):
        m = bb == g
        v = jnp.max(jnp.where(m, h, -jnp.inf), axis=0, keepdims=True)
        pooled[pl.ds(g, 1), :] = jnp.maximum(pooled[pl.ds(g, 1), :], v)
        return carry

    lax.fori_loop(gmin, gmax + 1, upd, 0)

    @pl.when(i == NBLK - 1)
    def _():
        p = pooled[...]
        p1 = jnp.maximum(_dot(p, w0[...]) + b0[...], 0.0)
        p2 = jnp.maximum(_dot(p1, w1[...]) + b1[...], 0.0)
        out_ref[...] = _dot(p2, w2[...]) + b2[...]


_final = pl.pallas_call(
    _final_body,
    grid=(NBLK,),
    in_specs=[
        pl.BlockSpec((RB, HH), lambda i: (i, 0)),
        pl.BlockSpec((RB, HH), lambda i: (i, 0)),
        pl.BlockSpec((RB, H), lambda i: (i, 0)),
        pl.BlockSpec((RB, 1), lambda i: (i, 0)),
        pl.BlockSpec((H, H), lambda i: (0, 0)),
        pl.BlockSpec((1, H), lambda i: (0, 0)),
        pl.BlockSpec((H, H // 2), lambda i: (0, 0)),
        pl.BlockSpec((1, H // 2), lambda i: (0, 0)),
        pl.BlockSpec((H // 2, H), lambda i: (0, 0)),
        pl.BlockSpec((1, H), lambda i: (0, 0)),
    ],
    out_specs=pl.BlockSpec((G, H), lambda i: (0, 0)),
    out_shape=jax.ShapeDtypeStruct((G, H), f32),
    scratch_shapes=[pltpu.VMEM((G, H), f32)],
)


def kernel(x, dst_ports, tcp_flags, edge_index, batch, port_table, tcp_table,
           W_rel0, W_root0, b0, W_rel1, W_root1, b1, W_rel2, W_root2, b2,
           fc_W0, fc_b0, fc_W1, fc_b1, fc_W2, fc_b2):
    x_p = jnp.concatenate([x.astype(f32), jnp.zeros((NP - N, D), f32)], axis=0)
    ports_p = jnp.concatenate(
        [dst_ports.astype(i32), jnp.zeros((NP - N,), i32)], axis=0)
    flags_p = jnp.concatenate(
        [tcp_flags.astype(i32), jnp.zeros((NP - N,), i32)], axis=0
    ).reshape(NP, 1)
    src_p = jnp.concatenate(
        [edge_index[0].astype(i32), jnp.zeros((EP - E,), i32)], axis=0)
    dst_p = jnp.concatenate(
        [edge_index[1].astype(i32), jnp.full((EP - E,), NP - 1, i32)], axis=0)
    ei = jnp.concatenate([src_p, dst_p])
    batch_p = jnp.concatenate(
        [batch.astype(i32), jnp.full((NP - N,), G, i32)], axis=0
    ).reshape(NP, 1)
    zeros = jnp.zeros((NP, HH), f32)

    Wxr0, Wpr0, Wfr0 = W_rel0[:D], W_rel0[D:D + PD], W_rel0[D + PD:]
    Wxt0, Wpt0, Wft0 = W_root0[:D], W_root0[D:D + PD], W_root0[D + PD:]
    TWr = tcp_table.astype(f32) @ Wfr0
    TWt = tcp_table.astype(f32) @ Wft0
    b0r = b0.reshape(1, H)
    b1r = b1.reshape(1, H)
    b2r = b2.reshape(1, H)
    fb0 = fc_b0.reshape(1, H)
    fb1 = fc_b1.reshape(1, H // 2)
    fW2p = jnp.concatenate([fc_W2, jnp.zeros((H // 2, H - NCLS), f32)], axis=1)
    fb2p = jnp.concatenate([fc_b2, jnp.zeros((H - NCLS,), f32)]).reshape(1, H)

    embed_sc = _get_embed_sc()
    edge_sc = _get_edge_sc()
    pe = embed_sc(ports_p, port_table.astype(f32))
    hwa, hwb, hr = _dense0(x_p, pe, flags_p, Wxr0, Wpr0, TWr, Wxt0, Wpt0,
                           TWt, b0r)
    aa, ab = edge_sc(hwa, hwb, ei, zeros)
    hwa, hwb, hr = _densemid(aa, ab, hr, W_rel1, W_root1, b1r)
    aa, ab = edge_sc(hwa, hwb, ei, zeros)
    hwa, hwb, hr = _densemid(aa, ab, hr, W_rel2, W_root2, b2r)
    aa, ab = edge_sc(hwa, hwb, ei, zeros)
    out = _final(aa, ab, hr, batch_p, fc_W0, fb0, fc_W1, fb1, fW2p, fb2p)
    return out[:, :NCLS]

# --- scband reference (transcript-rebuilt; emitter-appended) ---
"""Pipeline reference for scband-repr1-classifier-2877628088444 (READ-ONLY COPY).

The authoritative reference and input builder live on the scoring server;
editing this copy changes nothing except your own understanding.
"""

import jax, jax.numpy as jnp
import numpy as np

N = 10000
E = 320000
D_IN = 128
PORT_DIM = 16
TCP_DIM = 2
IN_TOTAL = D_IN + PORT_DIM + TCP_DIM
H = 128
NUM_CLASSES = 10
NUM_GRAPHS = 64
TOTAL_PORTS = 65536
TCP_FLAGS_VALUES = 256


def setup_inputs(seed: int = 0) -> dict:
    key = jax.random.key(seed)
    ks = jax.random.split(key, 24)
    inp = {}
    inp["x"] = jax.random.normal(ks[0], (N, D_IN), dtype=jnp.float32)
    inp["dst_ports"] = jax.random.randint(ks[1], (N,), 0, TOTAL_PORTS)
    inp["tcp_flags"] = jax.random.randint(ks[2], (N,), 0, TCP_FLAGS_VALUES)
    inp["edge_index"] = jax.random.randint(ks[3], (2, E), 0, N)
    inp["batch"] = jnp.sort(jax.random.randint(ks[4], (N,), 0, NUM_GRAPHS))
    inp["port_table"] = jax.random.normal(ks[5], (TOTAL_PORTS, PORT_DIM), dtype=jnp.float32) * 0.02
    inp["tcp_table"] = jax.random.normal(ks[6], (TCP_FLAGS_VALUES, TCP_DIM), dtype=jnp.float32) * 0.02
    conv_dims = [(IN_TOTAL, H), (H, H), (H, H)]
    for i, (di, do) in enumerate(conv_dims):
        s = 1.0 / np.sqrt(di)
        inp[f"W_rel{i}"] = jax.random.uniform(ks[7 + 3 * i], (di, do), jnp.float32, -s, s)
        inp[f"W_root{i}"] = jax.random.uniform(ks[8 + 3 * i], (di, do), jnp.float32, -s, s)
        inp[f"b{i}"] = jnp.zeros((do,), jnp.float32)
    fc_dims = [(H, H), (H, H // 2), (H // 2, NUM_CLASSES)]
    for i, (di, do) in enumerate(fc_dims):
        s = 1.0 / np.sqrt(di)
        inp[f"fc_W{i}"] = jax.random.uniform(ks[16 + 2 * i], (di, do), jnp.float32, -s, s)
        inp[f"fc_b{i}"] = jax.random.uniform(ks[17 + 2 * i], (do,), jnp.float32, -s, s)
    return inp


def reference(x, dst_ports, tcp_flags, edge_index, batch, port_table, tcp_table,
              W_rel0, W_root0, b0, W_rel1, W_root1, b1, W_rel2, W_root2, b2,
              fc_W0, fc_b0, fc_W1, fc_b1, fc_W2, fc_b2):
    # Embedding lookups (gather) + feature concat
    h = jnp.concatenate([x.astype(jnp.float32), port_table[dst_ports], tcp_table[tcp_flags]], axis=1)
    src = edge_index[0]
    dst = edge_index[1]
    # GraphConv layers: out = sum_{j in N(i)} x_j @ W_rel + x_i @ W_root + b, then ReLU
    # (dropout is a no-op in eval mode)
    for Wr, Wt, b in ((W_rel0, W_root0, b0), (W_rel1, W_root1, b1), (W_rel2, W_root2, b2)):
        agg = jax.ops.segment_sum(h[src], dst, num_segments=N)
        h = jax.nn.relu(agg @ Wr + h @ Wt + b)
    # global max pool per graph
    pooled = jax.ops.segment_max(h, batch, num_segments=NUM_GRAPHS)
    out = jax.nn.relu(pooled @ fc_W0 + fc_b0)
    out = jax.nn.relu(out @ fc_W1 + fc_b1)
    out = out @ fc_W2 + fc_b2
    return out

if __name__ == "__main__":
    import jax
    _d = setup_inputs()
    print(jax.jit(kernel)(*tuple(_d.values())))

</pallas_src>

<mosaic_0001>
#map = affine_map<(d0, d1) -> (0, 0)>
#map1 = affine_map<(d0, d1) -> (0)>
module attributes {stable_mosaic.version = 14 : i64} {
  func.func @_edge_sc(%arg0: i32, %arg1: i32, %arg2: memref<10240x64xf32, #tpu.memory_space<hbm>>, %arg3: memref<10240x64xf32, #tpu.memory_space<hbm>>, %arg4: memref<655360xi32, #tpu.memory_space<hbm>>, %arg5: memref<10240x64xf32, #tpu.memory_space<hbm>>, %arg6: memref<10240x64xf32, #tpu.memory_space<hbm>>, %arg7: memref<10240x64xf32, #tpu.memory_space<hbm>>, %arg8: memref<4x128xi32, #tpu.memory_space<vmem>>, %arg9: memref<4x128xi32, #tpu.memory_space<vmem>>, %arg10: memref<2x128x64xf32, #tpu.memory_space<vmem>>, %arg11: memref<10240x64xf32, #tpu.memory_space<vmem_shared>>, %arg12: memref<10240x64xf32, #tpu.memory_space<vmem_shared>>, %arg13: memref<4x!tpu.dma_semaphore, #tpu.memory_space<semaphore_mem>>, %arg14: memref<2x!tpu.dma_semaphore, #tpu.memory_space<semaphore_mem>>, %arg15: memref<2x!tpu.dma_semaphore, #tpu.memory_space<semaphore_mem>>) attributes {dimension_semantics = [#tpu.dimension_semantics<core_parallel>, #tpu.dimension_semantics<subcore_parallel>], iteration_bounds = array<i64: 2, 16>, scalar_prefetch = 0 : i64, scratch_operands = 8 : i64, tpu.core_type = #tpu.core_type<sc_vector_subcore>, window_params = [{transform_indices = #map}, {transform_indices = #map}, {transform_indices = #map1}, {transform_indices = #map}, {transform_indices = #map}, {transform_indices = #map}]} {
    %mul3A = arith.constant 640 : i32
    %mul3A_0 = arith.muli %arg1, %mul3A : i32
    %mul3A_1 = arith.constant 640 : i32
    %mul3A_2 = arith.muli %arg1, %mul3A_1 : i32
    "tpu.region"() ({
      %run_scoped3A = tpu.sem_alloc : memref<!tpu.dma_semaphore, #tpu.memory_space<semaphore_mem>>
      %dma_start3A_152 = arith.constant 0 : i32
      %dma_start3A_153 = tpu.memref_slice %arg12[%mul3A_2, %dma_start3A_152] : memref<10240x64xf32, #tpu.memory_space<vmem_shared>> -> memref<640x64xf32, #tpu.memory_space<vmem_shared>>
      %dma_start3A_154 = arith.constant 0 : i32
      %dma_start3A_155 = tpu.memref_slice %arg5[%mul3A_0, %dma_start3A_154] : memref<10240x64xf32, #tpu.memory_space<hbm>> -> memref<640x64xf32, #tpu.memory_space<hbm>>
      tpu.enqueue_dma source(%dma_start3A_155 : memref<640x64xf32, #tpu.memory_space<hbm>>) target(%dma_start3A_153 : memref<640x64xf32, #tpu.memory_space<vmem_shared>>) target_semaphore(%run_scoped3A : memref<!tpu.dma_semaphore, #tpu.memory_space<semaphore_mem>>)
      %dma_wait3A_156 = arith.constant 0 : i32
      %dma_wait3A_157 = tpu.memref_slice %arg12[%mul3A_2, %dma_wait3A_156] : memref<10240x64xf32, #tpu.memory_space<vmem_shared>> -> memref<640x64xf32, #tpu.memory_space<vmem_shared>>
      %dma_wait3A_158 = arith.constant 0 : i32
      %dma_wait3A_159 = tpu.memref_slice %arg5[%mul3A_0, %dma_wait3A_158] : memref<10240x64xf32, #tpu.memory_space<hbm>> -> memref<640x64xf32, #tpu.memory_space<hbm>>
      tpu.wait_dma2 semaphore(%run_scoped3A : memref<!tpu.dma_semaphore, #tpu.memory_space<semaphore_mem>>) src(%dma_wait3A_159 : memref<640x64xf32, #tpu.memory_space<hbm>>) dst(%dma_wait3A_157 : memref<640x64xf32, #tpu.memory_space<vmem_shared>>)
      tpu.yield
    }) : () -> ()
    %eq3A = arith.constant 0 : i32
    %eq3A_3 = arith.cmpi eq, %arg0, %eq3A : i32
    %convert_element_type3A = arith.extui %eq3A_3 : i1 to i32
    %cond3A = arith.constant 0 : i32
    %cond3A_4 = arith.cmpi ne, %convert_element_type3A, %cond3A : i32
    scf.if %cond3A_4 {
      %mul3A_152 = arith.constant 640 : i32
      %mul3A_153 = arith.muli %arg1, %mul3A_152 : i32
      %mul3A_154 = arith.constant 640 : i32
      %mul3A_155 = arith.muli %arg1, %mul3A_154 : i32
      "tpu.region"() ({
        %run_scoped3A = tpu.sem_alloc : memref<!tpu.dma_semaphore, #tpu.memory_space<semaphore_mem>>
        %dma_start3A_156 = arith.constant 0 : i32
        %dma_start3A_157 = tpu.memref_slice %arg11[%mul3A_155, %dma_start3A_156] : memref<10240x64xf32, #tpu.memory_space<vmem_shared>> -> memref<640x64xf32, #tpu.memory_space<vmem_shared>>
        %dma_start3A_158 = arith.constant 0 : i32
        %dma_start3A_159 = tpu.memref_slice %arg2[%mul3A_153, %dma_start3A_158] : memref<10240x64xf32, #tpu.memory_space<hbm>> -> memref<640x64xf32, #tpu.memory_space<hbm>>
        tpu.enqueue_dma source(%dma_start3A_159 : memref<640x64xf32, #tpu.memory_space<hbm>>) target(%dma_start3A_157 : memref<640x64xf32, #tpu.memory_space<vmem_shared>>) target_semaphore(%run_scoped3A : memref<!tpu.dma_semaphore, #tpu.memory_space<semaphore_mem>>)
        %dma_wait3A_160 = arith.constant 0 : i32
        %dma_wait3A_161 = tpu.memref_slice %arg11[%mul3A_155, %dma_wait3A_160] : memref<10240x64xf32, #tpu.memory_space<vmem_shared>> -> memref<640x64xf32, #tpu.memory_space<vmem_shared>>
        %dma_wait3A_162 = arith.constant 0 : i32
        %dma_wait3A_163 = tpu.memref_slice %arg2[%mul3A_153, %dma_wait3A_162] : memref<10240x64xf32, #tpu.memory_space<hbm>> -> memref<640x64xf32, #tpu.memory_space<hbm>>
        tpu.wait_dma2 semaphore(%run_scoped3A : memref<!tpu.dma_semaphore, #tpu.memory_space<semaphore_mem>>) src(%dma_wait3A_163 : memref<640x64xf32, #tpu.memory_space<hbm>>) dst(%dma_wait3A_161 : memref<640x64xf32, #tpu.memory_space<vmem_shared>>)
        tpu.yield
      }) : () -> ()
    } else {
    }
    %eq3A_5 = arith.constant 1 : i32
    %eq3A_6 = arith.cmpi eq, %arg0, %eq3A_5 : i32
    %convert_element_type3A_7 = arith.extui %eq3A_6 : i1 to i32
    %cond3A_8 = arith.constant 0 : i32
    %cond3A_9 = arith.cmpi ne, %convert_element_type3A_7, %cond3A_8 : i32
    scf.if %cond3A_9 {
      %mul3A_152 = arith.constant 640 : i32
      %mul3A_153 = arith.muli %arg1, %mul3A_152 : i32
      %mul3A_154 = arith.constant 640 : i32
      %mul3A_155 = arith.muli %arg1, %mul3A_154 : i32
      "tpu.region"() ({
        %run_scoped3A = tpu.sem_alloc : memref<!tpu.dma_semaphore, #tpu.memory_space<semaphore_mem>>
        %dma_start3A_156 = arith.constant 0 : i32
        %dma_start3A_157 = tpu.memref_slice %arg11[%mul3A_155, %dma_start3A_156] : memref<10240x64xf32, #tpu.memory_space<vmem_shared>> -> memref<640x64xf32, #tpu.memory_space<vmem_shared>>
        %dma_start3A_158 = arith.constant 0 : i32
        %dma_start3A_159 = tpu.memref_slice %arg3[%mul3A_153, %dma_start3A_158] : memref<10240x64xf32, #tpu.memory_space<hbm>> -> memref<640x64xf32, #tpu.memory_space<hbm>>
        tpu.enqueue_dma source(%dma_start3A_159 : memref<640x64xf32, #tpu.memory_space<hbm>>) target(%dma_start3A_157 : memref<640x64xf32, #tpu.memory_space<vmem_shared>>) target_semaphore(%run_scoped3A : memref<!tpu.dma_semaphore, #tpu.memory_space<semaphore_mem>>)
        %dma_wait3A_160 = arith.constant 0 : i32
        %dma_wait3A_161 = tpu.memref_slice %arg11[%mul3A_155, %dma_wait3A_160] : memref<10240x64xf32, #tpu.memory_space<vmem_shared>> -> memref<640x64xf32, #tpu.memory_space<vmem_shared>>
        %dma_wait3A_162 = arith.constant 0 : i32
        %dma_wait3A_163 = tpu.memref_slice %arg3[%mul3A_153, %dma_wait3A_162] : memref<10240x64xf32, #tpu.memory_space<hbm>> -> memref<640x64xf32, #tpu.memory_space<hbm>>
        tpu.wait_dma2 semaphore(%run_scoped3A : memref<!tpu.dma_semaphore, #tpu.memory_space<semaphore_mem>>) src(%dma_wait3A_163 : memref<640x64xf32, #tpu.memory_space<hbm>>) dst(%dma_wait3A_161 : memref<640x64xf32, #tpu.memory_space<vmem_shared>>)
        tpu.yield
      }) : () -> ()
    } else {
    }
    %barrier3A = arith.constant 0 : index
    tpu.barrier barrier_id(%barrier3A)
    %mul3A_10 = arith.constant 160 : i32
    %mul3A_11 = arith.muli %arg1, %mul3A_10 : i32
    %add3A = arith.constant 0 : i32
    %add3A_12 = arith.addi %mul3A_11, %add3A : i32
    %mul3A_13 = arith.constant 128 : i32
    %mul3A_14 = arith.muli %add3A_12, %mul3A_13 : i32
    %dma_start3A = arith.constant 0 : i32
    %dma_start3A_15 = arith.constant 0 : i32
    %dma_start3A_16 = arith.constant 0 : i32
    %dma_start3A_17 = tpu.memref_slice %arg8[%dma_start3A, %dma_start3A_16] : memref<4x128xi32, #tpu.memory_space<vmem>> -> memref<1x128xi32, #tpu.memory_space<vmem>>
    %dma_start3A_18 = tpu.memref_squeeze %dma_start3A_17 : memref<1x128xi32, #tpu.memory_space<vmem>> -> memref<128xi32, #tpu.memory_space<vmem>>
    %dma_start3A_19 = tpu.memref_slice %arg4[%mul3A_14] : memref<655360xi32, #tpu.memory_space<hbm>> -> memref<128xi32, #tpu.memory_space<hbm>>
    %dma_start3A_20 = tpu.memref_slice %arg13[%dma_start3A_15] : memref<4x!tpu.dma_semaphore, #tpu.memory_space<semaphore_mem>> -> memref<1x!tpu.dma_semaphore, #tpu.memory_space<semaphore_mem>>
    %dma_start3A_21 = tpu.memref_squeeze %dma_start3A_20 : memref<1x!tpu.dma_semaphore, #tpu.memory_space<semaphore_mem>> -> memref<!tpu.dma_semaphore, #tpu.memory_space<semaphore_mem>>
    %dma_start3A_22 = arith.constant 0 : i32
    %dma_start3A_23 = tpu.memref_slice %arg8[%dma_start3A, %dma_start3A_22] : memref<4x128xi32, #tpu.memory_space<vmem>> -> memref<1x128xi32, #tpu.memory_space<vmem>>
    %dma_start3A_24 = tpu.memref_squeeze %dma_start3A_23 : memref<1x128xi32, #tpu.memory_space<vmem>> -> memref<128xi32, #tpu.memory_space<vmem>>
    %dma_start3A_25 = tpu.memref_slice %arg4[%mul3A_14] : memref<655360xi32, #tpu.memory_space<hbm>> -> memref<128xi32, #tpu.memory_space<hbm>>
    tpu.enqueue_dma source(%dma_start3A_25 : memref<128xi32, #tpu.memory_space<hbm>>) target(%dma_start3A_24 : memref<128xi32, #tpu.memory_space<vmem>>) target_semaphore(%dma_start3A_21 : memref<!tpu.dma_semaphore, #tpu.memory_space<semaphore_mem>>)
    %add3A_26 = arith.constant 0 : i32
    %add3A_27 = arith.addi %mul3A_11, %add3A_26 : i32
    %mul3A_28 = arith.constant 128 : i32
    %mul3A_29 = arith.muli %add3A_27, %mul3A_28 : i32
    %add3A_30 = arith.constant 327680 : i32
    %add3A_31 = arith.addi %add3A_30, %mul3A_29 : i32
    %dma_start3A_32 = arith.constant 0 : i32
    %dma_start3A_33 = arith.constant 0 : i32
    %dma_start3A_34 = arith.constant 0 : i32
    %dma_start3A_35 = tpu.memref_slice %arg9[%dma_start3A_32, %dma_start3A_34] : memref<4x128xi32, #tpu.memory_space<vmem>> -> memref<1x128xi32, #tpu.memory_space<vmem>>
    %dma_start3A_36 = tpu.memref_squeeze %dma_start3A_35 : memref<1x128xi32, #tpu.memory_space<vmem>> -> memref<128xi32, #tpu.memory_space<vmem>>
    %dma_start3A_37 = tpu.memref_slice %arg4[%add3A_31] : memref<655360xi32, #tpu.memory_space<hbm>> -> memref<128xi32, #tpu.memory_space<hbm>>
    %dma_start3A_38 = tpu.memref_slice %arg13[%dma_start3A_33] : memref<4x!tpu.dma_semaphore, #tpu.memory_space<semaphore_mem>> -> memref<1x!tpu.dma_semaphore, #tpu.memory_space<semaphore_mem>>
    %dma_start3A_39 = tpu.memref_squeeze %dma_start3A_38 : memref<1x!tpu.dma_semaphore, #tpu.memory_space<semaphore_mem>> -> memref<!tpu.dma_semaphore, #tpu.memory_space<semaphore_mem>>
    %dma_start3A_40 = arith.constant 0 : i32
    %dma_start3A_41 = tpu.memref_slice %arg9[%dma_start3A_32, %dma_start3A_40] : memref<4x128xi32, #tpu.memory_space<vmem>> -> memref<1x128xi32, #tpu.memory_space<vmem>>
    %dma_start3A_42 = tpu.memref_squeeze %dma_start3A_41 : memref<1x128xi32, #tpu.memory_space<vmem>> -> memref<128xi32, #tpu.memory_space<vmem>>
    %dma_start3A_43 = tpu.memref_slice %arg4[%add3A_31] : memref<655360xi32, #tpu.memory_space<hbm>> -> memref<128xi32, #tpu.memory_space<hbm>>
    tpu.enqueue_dma source(%dma_start3A_43 : memref<128xi32, #tpu.memory_space<hbm>>) target(%dma_start3A_42 : memref<128xi32, #tpu.memory_space<vmem>>) target_semaphore(%dma_start3A_39 : memref<!tpu.dma_semaphore, #tpu.memory_space<semaphore_mem>>)
    %add3A_44 = arith.constant 1 : i32
    %add3A_45 = arith.addi %mul3A_11, %add3A_44 : i32
    %mul3A_46 = arith.constant 128 : i32
    %mul3A_47 = arith.muli %add3A_45, %mul3A_46 : i32
    %dma_start3A_48 = arith.constant 1 : i32
    %dma_start3A_49 = arith.constant 1 : i32
    %dma_start3A_50 = arith.constant 0 : i32
    %dma_start3A_51 = tpu.memref_slice %arg8[%dma_start3A_48, %dma_start3A_50] : memref<4x128xi32, #tpu.memory_space<vmem>> -> memref<1x128xi32, #tpu.memory_space<vmem>>
    %dma_start3A_52 = tpu.memref_squeeze %dma_start3A_51 : memref<1x128xi32, #tpu.memory_space<vmem>> -> memref<128xi32, #tpu.memory_space<vmem>>
    %dma_start3A_53 = tpu.memref_slice %arg4[%mul3A_47] : memref<655360xi32, #tpu.memory_space<hbm>> -> memref<128xi32, #tpu.memory_space<hbm>>
    %dma_start3A_54 = tpu.memref_slice %arg13[%dma_start3A_49] : memref<4x!tpu.dma_semaphore, #tpu.memory_space<semaphore_mem>> -> memref<1x!tpu.dma_semaphore, #tpu.memory_space<semaphore_mem>>
    %dma_start3A_55 = tpu.memref_squeeze %dma_start3A_54 : memref<1x!tpu.dma_semaphore, #tpu.memory_space<semaphore_mem>> -> memref<!tpu.dma_semaphore, #tpu.memory_space<semaphore_mem>>
    %dma_start3A_56 = arith.constant 0 : i32
    %dma_start3A_57 = tpu.memref_slice %arg8[%dma_start3A_48, %dma_start3A_56] : memref<4x128xi32, #tpu.memory_space<vmem>> -> memref<1x128xi32, #tpu.memory_space<vmem>>
    %dma_start3A_58 = tpu.memref_squeeze %dma_start3A_57 : memref<1x128xi32, #tpu.memory_space<vmem>> -> memref<128xi32, #tpu.memory_space<vmem>>
    %dma_start3A_59 = tpu.memref_slice %arg4[%mul3A_47] : memref<655360xi32, #tpu.memory_space<hbm>> -> memref<128xi32, #tpu.memory_space<hbm>>
    tpu.enqueue_dma source(%dma_start3A_59 : memref<128xi32, #tpu.memory_space<hbm>>) target(%dma_start3A_58 : memref<128xi32, #tpu.memory_space<vmem>>) target_semaphore(%dma_start3A_55 : memref<!tpu.dma_semaphore, #tpu.memory_space<semaphore_mem>>)
    %add3A_60 = arith.constant 1 : i32
    %add3A_61 = arith.addi %mul3A_11, %add3A_60 : i32
    %mul3A_62 = arith.constant 128 : i32
    %mul3A_63 = arith.muli %add3A_61, %mul3A_62 : i32
    %add3A_64 = arith.constant 327680 : i32
    %add3A_65 = arith.addi %add3A_64, %mul3A_63 : i32
    %dma_start3A_66 = arith.constant 1 : i32
    %dma_start3A_67 = arith.constant 1 : i32
    %dma_start3A_68 = arith.constant 0 : i32
    %dma_start3A_69 = tpu.memref_slice %arg9[%dma_start3A_66, %dma_start3A_68] : memref<4x128xi32, #tpu.memory_space<vmem>> -> memref<1x128xi32, #tpu.memory_space<vmem>>
    %dma_start3A_70 = tpu.memref_squeeze %dma_start3A_69 : memref<1x128xi32, #tpu.memory_space<vmem>> -> memref<128xi32, #tpu.memory_space<vmem>>
    %dma_start3A_71 = tpu.memref_slice %arg4[%add3A_65] : memref<655360xi32, #tpu.memory_space<hbm>> -> memref<128xi32, #tpu.memory_space<hbm>>
    %dma_start3A_72 = tpu.memref_slice %arg13[%dma_start3A_67] : memref<4x!tpu.dma_semaphore, #tpu.memory_space<semaphore_mem>> -> memref<1x!tpu.dma_semaphore, #tpu.memory_space<semaphore_mem>>
    %dma_start3A_73 = tpu.memref_squeeze %dma_start3A_72 : memref<1x!tpu.dma_semaphore, #tpu.memory_space<semaphore_mem>> -> memref<!tpu.dma_semaphore, #tpu.memory_space<semaphore_mem>>
    %dma_start3A_74 = arith.constant 0 : i32
    %dma_start3A_75 = tpu.memref_slice %arg9[%dma_start3A_66, %dma_start3A_74] : memref<4x128xi32, #tpu.memory_space<vmem>> -> memref<1x128xi32, #tpu.memory_space<vmem>>
    %dma_start3A_76 = tpu.memref_squeeze %dma_start3A_75 : memref<1x128xi32, #tpu.memory_space<vmem>> -> memref<128xi32, #tpu.memory_space<vmem>>
    %dma_start3A_77 = tpu.memref_slice %arg4[%add3A_65] : memref<655360xi32, #tpu.memory_space<hbm>> -> memref<128xi32, #tpu.memory_space<hbm>>
    tpu.enqueue_dma source(%dma_start3A_77 : memref<128xi32, #tpu.memory_space<hbm>>) target(%dma_start3A_76 : memref<128xi32, #tpu.memory_space<vmem>>) target_semaphore(%dma_start3A_73 : memref<!tpu.dma_semaphore, #tpu.memory_space<semaphore_mem>>)
    %scan3A = arith.constant 0 : i32
    %scan3A_78 = arith.constant 40 : i32
    %scan3A_79 = arith.addi %scan3A, %scan3A_78 : i32
    %scan3A_80 = arith.constant 1 : i32
    scf.for %scan3A_152 = %scan3A to %scan3A_79 step %scan3A_80  : i32 {
      %mul3A_153 = arith.constant 1 : i32
      %mul3A_154 = arith.muli %scan3A_152, %mul3A_153 : i32
      %add3A_155 = arith.constant 0 : i32
      %add3A_156 = arith.addi %add3A_155, %mul3A_154 : i32
      %mul3A_157 = arith.constant 4 : i32
      %mul3A_158 = arith.muli %add3A_156, %mul3A_157 : i32
      %add3A_159 = arith.constant 0 : i32
      %add3A_160 = arith.addi %mul3A_158, %add3A_159 : i32
      %gt3A = arith.constant 0 : i32
      %gt3A_161 = arith.cmpi sgt, %add3A_156, %gt3A : i32
      %convert_element_type3A_162 = arith.extui %gt3A_161 : i1 to i32
      %cond3A_163 = arith.constant 0 : i32
      %cond3A_164 = arith.cmpi ne, %convert_element_type3A_162, %cond3A_163 : i32
      scf.if %cond3A_164 {
        %dma_wait3A_572 = arith.constant 0 : i32
        %dma_wait3A_573 = arith.constant 2 : i32
        %dma_wait3A_574 = arith.constant 0 : i32
        %dma_wait3A_575 = arith.constant 0 : i32
        %dma_wait3A_576 = arith.constant 0 : i32
        %dma_wait3A_577 = tpu.memref_slice %arg10[%dma_wait3A_572, %dma_wait3A_575, %dma_wait3A_576] : memref<2x128x64xf32, #tpu.memory_space<vmem>> -> memref<1x128x64xf32, #tpu.memory_space<vmem>>
        %dma_wait3A_578 = tpu.memref_squeeze %dma_wait3A_577 : memref<1x128x64xf32, #tpu.memory_space<vmem>> -> memref<128x64xf32, #tpu.memory_space<vmem>>
        %dma_wait3A_579 = arith.constant 0 : i32
        %dma_wait3A_580 = tpu.memref_slice %arg9[%dma_wait3A_573, %dma_wait3A_579] : memref<4x128xi32, #tpu.memory_space<vmem>> -> memref<1x128xi32, #tpu.memory_space<vmem>>
        %dma_wait3A_581 = tpu.memref_squeeze %dma_wait3A_580 : memref<1x128xi32, #tpu.memory_space<vmem>> -> memref<128xi32, #tpu.memory_space<vmem>>
        %dma_wait3A_582 = arith.constant 0 : i32
        %dma_wait3A_583 = arith.constant 0 : i32
        %dma_wait3A_584 = tpu.memref_slice %arg12[%dma_wait3A_582, %dma_wait3A_583] : memref<10240x64xf32, #tpu.memory_space<vmem_shared>> -> memref<10240x64xf32, #tpu.memory_space<vmem_shared>>
        %dma_wait3A_585 = tpu.memref_slice %arg15[%dma_wait3A_574] : memref<2x!tpu.dma_semaphore, #tpu.memory_space<semaphore_mem>> -> memref<1x!tpu.dma_semaphore, #tpu.memory_space<semaphore_mem>>
        %dma_wait3A_586 = tpu.memref_squeeze %dma_wait3A_585 : memref<1x!tpu.dma_semaphore, #tpu.memory_space<semaphore_mem>> -> memref<!tpu.dma_semaphore, #tpu.memory_space<semaphore_mem>>
        tpu.wait_indirect_dma semaphore(%dma_wait3A_586 : memref<!tpu.dma_semaphore, #tpu.memory_space<semaphore_mem>>) src(%dma_wait3A_578 : memref<128x64xf32, #tpu.memory_space<vmem>>) dst(%dma_wait3A_584 : memref<10240x64xf32, #tpu.memory_space<vmem_shared>>)
      } else {
      }
      %add3A_165 = arith.addi %mul3A_11, %add3A_160 : i32
      %mul3A_166 = arith.constant 128 : i32
      %mul3A_167 = arith.muli %add3A_165, %mul3A_166 : i32
      %dma_wait3A_168 = arith.constant 0 : i32
      %dma_wait3A_169 = arith.constant 0 : i32
      %dma_wait3A_170 = arith.constant 0 : i32
      %dma_wait3A_171 = tpu.memref_slice %arg8[%dma_wait3A_168, %dma_wait3A_170] : memref<4x128xi32, #tpu.memory_space<vmem>> -> memref<1x128xi32, #tpu.memory_space<vmem>>
      %dma_wait3A_172 = tpu.memref_squeeze %dma_wait3A_171 : memref<1x128xi32, #tpu.memory_space<vmem>> -> memref<128xi32, #tpu.memory_space<vmem>>
      %dma_wait3A_173 = tpu.memref_slice %arg4[%mul3A_167] : memref<655360xi32, #tpu.memory_space<hbm>> -> memref<128xi32, #tpu.memory_space<hbm>>
      %dma_wait3A_174 = tpu.memref_slice %arg13[%dma_wait3A_169] : memref<4x!tpu.dma_semaphore, #tpu.memory_space<semaphore_mem>> -> memref<1x!tpu.dma_semaphore, #tpu.memory_space<semaphore_mem>>
      %dma_wait3A_175 = tpu.memref_squeeze %dma_wait3A_174 : memref<1x!tpu.dma_semaphore, #tpu.memory_space<semaphore_mem>> -> memref<!tpu.dma_semaphore, #tpu.memory_space<semaphore_mem>>
      %dma_wait3A_176 = arith.constant 0 : i32
      %dma_wait3A_177 = tpu.memref_slice %arg8[%dma_wait3A_168, %dma_wait3A_176] : memref<4x128xi32, #tpu.memory_space<vmem>> -> memref<1x128xi32, #tpu.memory_space<vmem>>
      %dma_wait3A_178 = tpu.memref_squeeze %dma_wait3A_177 : memref<1x128xi32, #tpu.memory_space<vmem>> -> memref<128xi32, #tpu.memory_space<vmem>>
      %dma_wait3A_179 = tpu.memref_slice %arg4[%mul3A_167] : memref<655360xi32, #tpu.memory_space<hbm>> -> memref<128xi32, #tpu.memory_space<hbm>>
      tpu.wait_dma2 semaphore(%dma_wait3A_175 : memref<!tpu.dma_semaphore, #tpu.memory_space<semaphore_mem>>) src(%dma_wait3A_179 : memref<128xi32, #tpu.memory_space<hbm>>) dst(%dma_wait3A_178 : memref<128xi32, #tpu.memory_space<vmem>>)
      %add3A_180 = arith.addi %mul3A_11, %add3A_160 : i32
      %mul3A_181 = arith.constant 128 : i32
      %mul3A_182 = arith.muli %add3A_180, %mul3A_181 : i32
      %add3A_183 = arith.constant 327680 : i32
      %add3A_184 = arith.addi %add3A_183, %mul3A_182 : i32
      %dma_wait3A_185 = arith.constant 0 : i32
      %dma_wait3A_186 = arith.constant 0 : i32
      %dma_wait3A_187 = arith.constant 0 : i32
      %dma_wait3A_188 = tpu.memref_slice %arg9[%dma_wait3A_185, %dma_wait3A_187] : memref<4x128xi32, #tpu.memory_space<vmem>> -> memref<1x128xi32, #tpu.memory_space<vmem>>
      %dma_wait3A_189 = tpu.memref_squeeze %dma_wait3A_188 : memref<1x128xi32, #tpu.memory_space<vmem>> -> memref<128xi32, #tpu.memory_space<vmem>>
      %dma_wait3A_190 = tpu.memref_slice %arg4[%add3A_184] : memref<655360xi32, #tpu.memory_space<hbm>> -> memref<128xi32, #tpu.memory_space<hbm>>
      %dma_wait3A_191 = tpu.memref_slice %arg13[%dma_wait3A_186] : memref<4x!tpu.dma_semaphore, #tpu.memory_space<semaphore_mem>> -> memref<1x!tpu.dma_semaphore, #tpu.memory_space<semaphore_mem>>
      %dma_wait3A_192 = tpu.memref_squeeze %dma_wait3A_191 : memref<1x!tpu.dma_semaphore, #tpu.memory_space<semaphore_mem>> -> memref<!tpu.dma_semaphore, #tpu.memory_space<semaphore_mem>>
      %dma_wait3A_193 = arith.constant 0 : i32
      %dma_wait3A_194 = tpu.memref_slice %arg9[%dma_wait3A_185, %dma_wait3A_193] : memref<4x128xi32, #tpu.memory_space<vmem>> -> memref<1x128xi32, #tpu.memory_space<vmem>>
      %dma_wait3A_195 = tpu.memref_squeeze %dma_wait3A_194 : memref<1x128xi32, #tpu.memory_space<vmem>> -> memref<128xi32, #tpu.memory_space<vmem>>
      %dma_wait3A_196 = tpu.memref_slice %arg4[%add3A_184] : memref<655360xi32, #tpu.memory_space<hbm>> -> memref<128xi32, #tpu.memory_space<hbm>>
      tpu.wait_dma2 semaphore(%dma_wait3A_192 : memref<!tpu.dma_semaphore, #tpu.memory_space<semaphore_mem>>) src(%dma_wait3A_196 : memref<128xi32, #tpu.memory_space<hbm>>) dst(%dma_wait3A_195 : memref<128xi32, #tpu.memory_space<vmem>>)
      %dma_start3A_197 = arith.constant 0 : i32
      %dma_start3A_198 = arith.constant 0 : i32
      %dma_start3A_199 = arith.constant 0 : i32
      %dma_start3A_200 = arith.constant 0 : i32
      %dma_start3A_201 = arith.constant 0 : i32
      %dma_start3A_202 = tpu.memref_slice %arg10[%dma_start3A_198, %dma_start3A_200, %dma_start3A_201] : memref<2x128x64xf32, #tpu.memory_space<vmem>> -> memref<1x128x64xf32, #tpu.memory_space<vmem>>
      %dma_start3A_203 = tpu.memref_squeeze %dma_start3A_202 : memref<1x128x64xf32, #tpu.memory_space<vmem>> -> memref<128x64xf32, #tpu.memory_space<vmem>>
      %dma_start3A_204 = arith.constant 0 : i32
      %dma_start3A_205 = tpu.memref_slice %arg8[%dma_start3A_197, %dma_start3A_204] : memref<4x128xi32, #tpu.memory_space<vmem>> -> memref<1x128xi32, #tpu.memory_space<vmem>>
      %dma_start3A_206 = tpu.memref_squeeze %dma_start3A_205 : memref<1x128xi32, #tpu.memory_space<vmem>> -> memref<128xi32, #tpu.memory_space<vmem>>
      %dma_start3A_207 = arith.constant 0 : i32
      %dma_start3A_208 = arith.constant 0 : i32
      %dma_start3A_209 = tpu.memref_slice %arg11[%dma_start3A_207, %dma_start3A_208] : memref<10240x64xf32, #tpu.memory_space<vmem_shared>> -> memref<10240x64xf32, #tpu.memory_space<vmem_shared>>
      %dma_start3A_210 = tpu.memref_slice %arg14[%dma_start3A_199] : memref<2x!tpu.dma_semaphore, #tpu.memory_space<semaphore_mem>> -> memref<1x!tpu.dma_semaphore, #tpu.memory_space<semaphore_mem>>
      %dma_start3A_211 = tpu.memref_squeeze %dma_start3A_210 : memref<1x!tpu.dma_semaphore, #tpu.memory_space<semaphore_mem>> -> memref<!tpu.dma_semaphore, #tpu.memory_space<semaphore_mem>>
      tpu.enqueue_indirect_dma source(%dma_start3A_209 : memref<10240x64xf32, #tpu.memory_space<vmem_shared>>) target(%dma_start3A_203 : memref<128x64xf32, #tpu.memory_space<vmem>>) offsets(%dma_start3A_206 : memref<128xi32, #tpu.memory_space<vmem>>) semaphore(%dma_start3A_211 : memref<!tpu.dma_semaphore, #tpu.memory_space<semaphore_mem>>)
      %add3A_212 = arith.constant 2 : i32
      %add3A_213 = arith.addi %add3A_160, %add3A_212 : i32
      %add3A_214 = arith.addi %mul3A_11, %add3A_213 : i32
      %mul3A_215 = arith.constant 128 : i32
      %mul3A_216 = arith.muli %add3A_214, %mul3A_215 : i32
      %dma_start3A_217 = arith.constant 2 : i32
      %dma_start3A_218 = arith.constant 2 : i32
      %dma_start3A_219 = arith.constant 0 : i32
      %dma_start3A_220 = tpu.memref_slice %arg8[%dma_start3A_217, %dma_start3A_219] : memref<4x128xi32, #tpu.memory_space<vmem>> -> memref<1x128xi32, #tpu.memory_space<vmem>>
      %dma_start3A_221 = tpu.memref_squeeze %dma_start3A_220 : memref<1x128xi32, #tpu.memory_space<vmem>> -> memref<128xi32, #tpu.memory_space<vmem>>
      %dma_start3A_222 = tpu.memref_slice %arg4[%mul3A_216] : memref<655360xi32, #tpu.memory_space<hbm>> -> memref<128xi32, #tpu.memory_space<hbm>>
      %dma_start3A_223 = tpu.memref_slice %arg13[%dma_start3A_218] : memref<4x!tpu.dma_semaphore, #tpu.memory_space<semaphore_mem>> -> memref<1x!tpu.dma_semaphore, #tpu.memory_space<semaphore_mem>>
      %dma_start3A_224 = tpu.memref_squeeze %dma_start3A_223 : memref<1x!tpu.dma_semaphore, #tpu.memory_space<semaphore_mem>> -> memref<!tpu.dma_semaphore, #tpu.memory_space<semaphore_mem>>
      %dma_start3A_225 = arith.constant 0 : i32
      %dma_start3A_226 = tpu.memref_slice %arg8[%dma_start3A_217, %dma_start3A_225] : memref<4x128xi32, #tpu.memory_space<vmem>> -> memref<1x128xi32, #tpu.memory_space<vmem>>
      %dma_start3A_227 = tpu.memref_squeeze %dma_start3A_226 : memref<1x128xi32, #tpu.memory_space<vmem>> -> memref<128xi32, #tpu.memory_space<vmem>>
      %dma_start3A_228 = tpu.memref_slice %arg4[%mul3A_216] : memref<655360xi32, #tpu.memory_space<hbm>> -> memref<128xi32, #tpu.memory_space<hbm>>
      tpu.enqueue_dma source(%dma_start3A_228 : memref<128xi32, #tpu.memory_space<hbm>>) target(%dma_start3A_227 : memref<128xi32, #tpu.memory_space<vmem>>) target_semaphore(%dma_start3A_224 : memref<!tpu.dma_semaphore, #tpu.memory_space<semaphore_mem>>)
      %add3A_229 = arith.addi %mul3A_11, %add3A_213 : i32
      %mul3A_230 = arith.constant 128 : i32
      %mul3A_231 = arith.muli %add3A_229, %mul3A_230 : i32
      %add3A_232 = arith.constant 327680 : i32
      %add3A_233 = arith.addi %add3A_232, %mul3A_231 : i32
      %dma_start3A_234 = arith.constant 2 : i32
      %dma_start3A_235 = arith.constant 2 : i32
      %dma_start3A_236 = arith.constant 0 : i32
      %dma_start3A_237 = tpu.memref_slice %arg9[%dma_start3A_234, %dma_start3A_236] : memref<4x128xi32, #tpu.memory_space<vmem>> -> memref<1x128xi32, #tpu.memory_space<vmem>>
      %dma_start3A_238 = tpu.memref_squeeze %dma_start3A_237 : memref<1x128xi32, #tpu.memory_space<vmem>> -> memref<128xi32, #tpu.memory_space<vmem>>
      %dma_start3A_239 = tpu.memref_slice %arg4[%add3A_233] : memref<655360xi32, #tpu.memory_space<hbm>> -> memref<128xi32, #tpu.memory_space<hbm>>
      %dma_start3A_240 = tpu.memref_slice %arg13[%dma_start3A_235] : memref<4x!tpu.dma_semaphore, #tpu.memory_space<semaphore_mem>> -> memref<1x!tpu.dma_semaphore, #tpu.memory_space<semaphore_mem>>
      %dma_start3A_241 = tpu.memref_squeeze %dma_start3A_240 : memref<1x!tpu.dma_semaphore, #tpu.memory_space<semaphore_mem>> -> memref<!tpu.dma_semaphore, #tpu.memory_space<semaphore_mem>>
      %dma_start3A_242 = arith.constant 0 : i32
      %dma_start3A_243 = tpu.memref_slice %arg9[%dma_start3A_234, %dma_start3A_242] : memref<4x128xi32, #tpu.memory_space<vmem>> -> memref<1x128xi32, #tpu.memory_space<vmem>>
      %dma_start3A_244 = tpu.memref_squeeze %dma_start3A_243 : memref<1x128xi32, #tpu.memory_space<vmem>> -> memref<128xi32, #tpu.memory_space<vmem>>
      %dma_start3A_245 = tpu.memref_slice %arg4[%add3A_233] : memref<655360xi32, #tpu.memory_space<hbm>> -> memref<128xi32, #tpu.memory_space<hbm>>
      tpu.enqueue_dma source(%dma_start3A_245 : memref<128xi32, #tpu.memory_space<hbm>>) target(%dma_start3A_244 : memref<128xi32, #tpu.memory_space<vmem>>) target_semaphore(%dma_start3A_241 : memref<!tpu.dma_semaphore, #tpu.memory_space<semaphore_mem>>)
      %gt3A_246 = arith.constant 0 : i32
      %gt3A_247 = arith.cmpi sgt, %add3A_156, %gt3A_246 : i32
      %convert_element_type3A_248 = arith.extui %gt3A_247 : i1 to i32
      %cond3A_249 = arith.constant 0 : i32
      %cond3A_250 = arith.cmpi ne, %convert_element_type3A_248, %cond3A_249 : i32
      scf.if %cond3A_250 {
        %dma_wait3A_572 = arith.constant 3 : i32
        %dma_wait3A_573 = arith.constant 1 : i32
        %dma_wait3A_574 = arith.constant 1 : i32
        %dma_wait3A_575 = arith.constant 0 : i32
        %dma_wait3A_576 = arith.constant 0 : i32
        %dma_wait3A_577 = tpu.memref_slice %arg10[%dma_wait3A_573, %dma_wait3A_575, %dma_wait3A_576] : memref<2x128x64xf32, #tpu.memory_space<vmem>> -> memref<1x128x64xf32, #tpu.memory_space<vmem>>
        %dma_wait3A_578 = tpu.memref_squeeze %dma_wait3A_577 : memref<1x128x64xf32, #tpu.memory_space<vmem>> -> memref<128x64xf32, #tpu.memory_space<vmem>>
        %dma_wait3A_579 = arith.constant 0 : i32
        %dma_wait3A_580 = tpu.memref_slice %arg8[%dma_wait3A_572, %dma_wait3A_579] : memref<4x128xi32, #tpu.memory_space<vmem>> -> memref<1x128xi32, #tpu.memory_space<vmem>>
        %dma_wait3A_581 = tpu.memref_squeeze %dma_wait3A_580 : memref<1x128xi32, #tpu.memory_space<vmem>> -> memref<128xi32, #tpu.memory_space<vmem>>
        %dma_wait3A_582 = arith.constant 0 : i32
        %dma_wait3A_583 = arith.constant 0 : i32
        %dma_wait3A_584 = tpu.memref_slice %arg11[%dma_wait3A_582, %dma_wait3A_583] : memref<10240x64xf32, #tpu.memory_space<vmem_shared>> -> memref<10240x64xf32, #tpu.memory_space<vmem_shared>>
        %dma_wait3A_585 = tpu.memref_slice %arg14[%dma_wait3A_574] : memref<2x!tpu.dma_semaphore, #tpu.memory_space<semaphore_mem>> -> memref<1x!tpu.dma_semaphore, #tpu.memory_space<semaphore_mem>>
        %dma_wait3A_586 = tpu.memref_squeeze %dma_wait3A_585 : memref<1x!tpu.dma_semaphore, #tpu.memory_space<semaphore_mem>> -> memref<!tpu.dma_semaphore, #tpu.memory_space<semaphore_mem>>
        tpu.wait_indirect_dma semaphore(%dma_wait3A_586 : memref<!tpu.dma_semaphore, #tpu.memory_space<semaphore_mem>>) src(%dma_wait3A_584 : memref<10240x64xf32, #tpu.memory_space<vmem_shared>>) dst(%dma_wait3A_578 : memref<128x64xf32, #tpu.memory_space<vmem>>)
        %dma_start3A_587 = arith.constant 1 : i32
        %dma_start3A_588 = arith.constant 3 : i32
        %dma_start3A_589 = arith.constant 1 : i32
        %dma_start3A_590 = arith.constant 0 : i32
        %dma_start3A_591 = arith.constant 0 : i32
        %dma_start3A_592 = tpu.memref_slice %arg10[%dma_start3A_587, %dma_start3A_590, %dma_start3A_591] : memref<2x128x64xf32, #tpu.memory_space<vmem>> -> memref<1x128x64xf32, #tpu.memory_space<vmem>>
        %dma_start3A_593 = tpu.memref_squeeze %dma_start3A_592 : memref<1x128x64xf32, #tpu.memory_space<vmem>> -> memref<128x64xf32, #tpu.memory_space<vmem>>
        %dma_start3A_594 = arith.constant 0 : i32
        %dma_start3A_595 = tpu.memref_slice %arg9[%dma_start3A_588, %dma_start3A_594] : memref<4x128xi32, #tpu.memory_space<vmem>> -> memref<1x128xi32, #tpu.memory_space<vmem>>
        %dma_start3A_596 = tpu.memref_squeeze %dma_start3A_595 : memref<1x128xi32, #tpu.memory_space<vmem>> -> memref<128xi32, #tpu.memory_space<vmem>>
        %dma_start3A_597 = arith.constant 0 : i32
        %dma_start3A_598 = arith.constant 0 : i32
        %dma_start3A_599 = tpu.memref_slice %arg12[%dma_start3A_597, %dma_start3A_598] : memref<10240x64xf32, #tpu.memory_space<vmem_shared>> -> memref<10240x64xf32, #tpu.memory_space<vmem_shared>>
        %dma_start3A_600 = tpu.memref_slice %arg15[%dma_start3A_589] : memref<2x!tpu.dma_semaphore, #tpu.memory_space<semaphore_mem>> -> memref<1x!tpu.dma_semaphore, #tpu.memory_space<semaphore_mem>>
        %dma_start3A_601 = tpu.memref_squeeze %dma_start3A_600 : memref<1x!tpu.dma_semaphore, #tpu.memory_space<semaphore_mem>> -> memref<!tpu.dma_semaphore, #tpu.memory_space<semaphore_mem>>
        tpu.enqueue_indirect_dma source(%dma_start3A_593 : memref<128x64xf32, #tpu.memory_space<vmem>>) target(%dma_start3A_599 : memref<10240x64xf32, #tpu.memory_space<vmem_shared>>) offsets(%dma_start3A_596 : memref<128xi32, #tpu.memory_space<vmem>>) semaphore(%dma_start3A_601 : memref<!tpu.dma_semaphore, #tpu.memory_space<semaphore_mem>>) {add = true}
      } else {
      }
      %mul3A_251 = arith.constant 4 : i32
      %mul3A_252 = arith.muli %add3A_156, %mul3A_251 : i32
      %add3A_253 = arith.constant 1 : i32
      %add3A_254 = arith.addi %mul3A_252, %add3A_253 : i32
      %gt3A_255 = arith.constant 0 : i32
      %gt3A_256 = arith.cmpi sgt, %add3A_156, %gt3A_255 : i32
      %convert_element_type3A_257 = arith.extui %gt3A_256 : i1 to i32
      %cond3A_258 = arith.constant 0 : i32
      %cond3A_259 = arith.cmpi ne, %convert_element_type3A_257, %cond3A_258 : i32
      scf.if %cond3A_259 {
        %dma_wait3A_572 = arith.constant 1 : i32
        %dma_wait3A_573 = arith.constant 3 : i32
        %dma_wait3A_574 = arith.constant 1 : i32
        %dma_wait3A_575 = arith.constant 0 : i32
        %dma_wait3A_576 = arith.constant 0 : i32
        %dma_wait3A_577 = tpu.memref_slice %arg10[%dma_wait3A_572, %dma_wait3A_575, %dma_wait3A_576] : memref<2x128x64xf32, #tpu.memory_space<vmem>> -> memref<1x128x64xf32, #tpu.memory_space<vmem>>
        %dma_wait3A_578 = tpu.memref_squeeze %dma_wait3A_577 : memref<1x128x64xf32, #tpu.memory_space<vmem>> -> memref<128x64xf32, #tpu.memory_space<vmem>>
        %dma_wait3A_579 = arith.constant 0 : i32
        %dma_wait3A_580 = tpu.memref_slice %arg9[%dma_wait3A_573, %dma_wait3A_579] : memref<4x128xi32, #tpu.memory_space<vmem>> -> memref<1x128xi32, #tpu.memory_space<vmem>>
        %dma_wait3A_581 = tpu.memref_squeeze %dma_wait3A_580 : memref<1x128xi32, #tpu.memory_space<vmem>> -> memref<128xi32, #tpu.memory_space<vmem>>
        %dma_wait3A_582 = arith.constant 0 : i32
        %dma_wait3A_583 = arith.constant 0 : i32
        %dma_wait3A_584 = tpu.memref_slice %arg12[%dma_wait3A_582, %dma_wait3A_583] : memref<10240x64xf32, #tpu.memory_space<vmem_shared>> -> memref<10240x64xf32, #tpu.memory_space<vmem_shared>>
        %dma_wait3A_585 = tpu.memref_slice %arg15[%dma_wait3A_574] : memref<2x!tpu.dma_semaphore, #tpu.memory_space<semaphore_mem>> -> memref<1x!tpu.dma_semaphore, #tpu.memory_space<semaphore_mem>>
        %dma_wait3A_586 = tpu.memref_squeeze %dma_wait3A_585 : memref<1x!tpu.dma_semaphore, #tpu.memory_space<semaphore_mem>> -> memref<!tpu.dma_semaphore, #tpu.memory_space<semaphore_mem>>
        tpu.wait_indirect_dma semaphore(%dma_wait3A_586 : memref<!tpu.dma_semaphore, #tpu.memory_space<semaphore_mem>>) src(%dma_wait3A_578 : memref<128x64xf32, #tpu.memory_space<vmem>>) dst(%dma_wait3A_584 : memref<10240x64xf32, #tpu.memory_space<vmem_shared>>)
      } else {
      }
      %add3A_260 = arith.addi %mul3A_11, %add3A_254 : i32
      %mul3A_261 = arith.constant 128 : i32
      %mul3A_262 = arith.muli %add3A_260, %mul3A_261 : i32
      %dma_wait3A_263 = arith.constant 1 : i32
      %dma_wait3A_264 = arith.constant 1 : i32
      %dma_wait3A_265 = arith.constant 0 : i32
      %dma_wait3A_266 = tpu.memref_slice %arg8[%dma_wait3A_263, %dma_wait3A_265] : memref<4x128xi32, #tpu.memory_space<vmem>> -> memref<1x128xi32, #tpu.memory_space<vmem>>
      %dma_wait3A_267 = tpu.memref_squeeze %dma_wait3A_266 : memref<1x128xi32, #tpu.memory_space<vmem>> -> memref<128xi32, #tpu.memory_space<vmem>>
      %dma_wait3A_268 = tpu.memref_slice %arg4[%mul3A_262] : memref<655360xi32, #tpu.memory_space<hbm>> -> memref<128xi32, #tpu.memory_space<hbm>>
      %dma_wait3A_269 = tpu.memref_slice %arg13[%dma_wait3A_264] : memref<4x!tpu.dma_semaphore, #tpu.memory_space<semaphore_mem>> -> memref<1x!tpu.dma_semaphore, #tpu.memory_space<semaphore_mem>>
      %dma_wait3A_270 = tpu.memref_squeeze %dma_wait3A_269 : memref<1x!tpu.dma_semaphore, #tpu.memory_space<semaphore_mem>> -> memref<!tpu.dma_semaphore, #tpu.memory_space<semaphore_mem>>
      %dma_wait3A_271 = arith.constant 0 : i32
      %dma_wait3A_272 = tpu.memref_slice %arg8[%dma_wait3A_263, %dma_wait3A_271] : memref<4x128xi32, #tpu.memory_space<vmem>> -> memref<1x128xi32, #tpu.memory_space<vmem>>
      %dma_wait3A_273 = tpu.memref_squeeze %dma_wait3A_272 : memref<1x128xi32, #tpu.memory_space<vmem>> -> memref<128xi32, #tpu.memory_space<vmem>>
      %dma_wait3A_274 = tpu.memref_slice %arg4[%mul3A_262] : memref<655360xi32, #tpu.memory_space<hbm>> -> memref<128xi32, #tpu.memory_space<hbm>>
      tpu.wait_dma2 semaphore(%dma_wait3A_270 : memref<!tpu.dma_semaphore, #tpu.memory_space<semaphore_mem>>) src(%dma_wait3A_274 : memref<128xi32, #tpu.memory_space<hbm>>) dst(%dma_wait3A_273 : memref<128xi32, #tpu.memory_space<vmem>>)
      %add3A_275 = arith.addi %mul3A_11, %add3A_254 : i32
      %mul3A_276 = arith.constant 128 : i32
      %mul3A_277 = arith.muli %add3A_275, %mul3A_276 : i32
      %add3A_278 = arith.constant 327680 : i32
      %add3A_279 = arith.addi %add3A_278, %mul3A_277 : i32
      %dma_wait3A_280 = arith.constant 1 : i32
      %dma_wait3A_281 = arith.constant 1 : i32
      %dma_wait3A_282 = arith.constant 0 : i32
      %dma_wait3A_283 = tpu.memref_slice %arg9[%dma_wait3A_280, %dma_wait3A_282] : memref<4x128xi32, #tpu.memory_space<vmem>> -> memref<1x128xi32, #tpu.memory_space<vmem>>
      %dma_wait3A_284 = tpu.memref_squeeze %dma_wait3A_283 : memref<1x128xi32, #tpu.memory_space<vmem>> -> memref<128xi32, #tpu.memory_space<vmem>>
      %dma_wait3A_285 = tpu.memref_slice %arg4[%add3A_279] : memref<655360xi32, #tpu.memory_space<hbm>> -> memref<128xi32, #tpu.memory_space<hbm>>
      %dma_wait3A_286 = tpu.memref_slice %arg13[%dma_wait3A_281] : memref<4x!tpu.dma_semaphore, #tpu.memory_space<semaphore_mem>> -> memref<1x!tpu.dma_semaphore, #tpu.memory_space<semaphore_mem>>
      %dma_wait3A_287 = tpu.memref_squeeze %dma_wait3A_286 : memref<1x!tpu.dma_semaphore, #tpu.memory_space<semaphore_mem>> -> memref<!tpu.dma_semaphore, #tpu.memory_space<semaphore_mem>>
      %dma_wait3A_288 = arith.constant 0 : i32
      %dma_wait3A_289 = tpu.memref_slice %arg9[%dma_wait3A_280, %dma_wait3A_288] : memref<4x128xi32, #tpu.memory_space<vmem>> -> memref<1x128xi32, #tpu.memory_space<vmem>>
      %dma_wait3A_290 = tpu.memref_squeeze %dma_wait3A_289 : memref<1x128xi32, #tpu.memory_space<vmem>> -> memref<128xi32, #tpu.memory_space<vmem>>
      %dma_wait3A_291 = tpu.memref_slice %arg4[%add3A_279] : memref<655360xi32, #tpu.memory_space<hbm>> -> memref<128xi32, #tpu.memory_space<hbm>>
      tpu.wait_dma2 semaphore(%dma_wait3A_287 : memref<!tpu.dma_semaphore, #tpu.memory_space<semaphore_mem>>) src(%dma_wait3A_291 : memref<128xi32, #tpu.memory_space<hbm>>) dst(%dma_wait3A_290 : memref<128xi32, #tpu.memory_space<vmem>>)
      %dma_start3A_292 = arith.constant 1 : i32
      %dma_start3A_293 = arith.constant 1 : i32
      %dma_start3A_294 = arith.constant 1 : i32
      %dma_start3A_295 = arith.constant 0 : i32
      %dma_start3A_296 = arith.constant 0 : i32
      %dma_start3A_297 = tpu.memref_slice %arg10[%dma_start3A_293, %dma_start3A_295, %dma_start3A_296] : memref<2x128x64xf32, #tpu.memory_space<vmem>> -> memref<1x128x64xf32, #tpu.memory_space<vmem>>
      %dma_start3A_298 = tpu.memref_squeeze %dma_start3A_297 : memref<1x128x64xf32, #tpu.memory_space<vmem>> -> memref<128x64xf32, #tpu.memory_space<vmem>>
      %dma_start3A_299 = arith.constant 0 : i32
      %dma_start3A_300 = tpu.memref_slice %arg8[%dma_start3A_292, %dma_start3A_299] : memref<4x128xi32, #tpu.memory_space<vmem>> -> memref<1x128xi32, #tpu.memory_space<vmem>>
      %dma_start3A_301 = tpu.memref_squeeze %dma_start3A_300 : memref<1x128xi32, #tpu.memory_space<vmem>> -> memref<128xi32, #tpu.memory_space<vmem>>
      %dma_start3A_302 = arith.constant 0 : i32
      %dma_start3A_303 = arith.constant 0 : i32
      %dma_start3A_304 = tpu.memref_slice %arg11[%dma_start3A_302, %dma_start3A_303] : memref<10240x64xf32, #tpu.memory_space<vmem_shared>> -> memref<10240x64xf32, #tpu.memory_space<vmem_shared>>
      %dma_start3A_305 = tpu.memref_slice %arg14[%dma_start3A_294] : memref<2x!tpu.dma_semaphore, #tpu.memory_space<semaphore_mem>> -> memref<1x!tpu.dma_semaphore, #tpu.memory_space<semaphore_mem>>
      %dma_start3A_306 = tpu.memref_squeeze %dma_start3A_305 : memref<1x!tpu.dma_semaphore, #tpu.memory_space<semaphore_mem>> -> memref<!tpu.dma_semaphore, #tpu.memory_space<semaphore_mem>>
      tpu.enqueue_indirect_dma source(%dma_start3A_304 : memref<10240x64xf32, #tpu.memory_space<vmem_shared>>) target(%dma_start3A_298 : memref<128x64xf32, #tpu.memory_space<vmem>>) offsets(%dma_start3A_301 : memref<128xi32, #tpu.memory_space<vmem>>) semaphore(%dma_start3A_306 : memref<!tpu.dma_semaphore, #tpu.memory_space<semaphore_mem>>)
      %add3A_307 = arith.constant 2 : i32
      %add3A_308 = arith.addi %add3A_254, %add3A_307 : i32
      %add3A_309 = arith.addi %mul3A_11, %add3A_308 : i32
      %mul3A_310 = arith.constant 128 : i32
      %mul3A_311 = arith.muli %add3A_309, %mul3A_310 : i32
      %dma_start3A_312 = arith.constant 3 : i32
      %dma_start3A_313 = arith.constant 3 : i32
      %dma_start3A_314 = arith.constant 0 : i32
      %dma_start3A_315 = tpu.memref_slice %arg8[%dma_start3A_312, %dma_start3A_314] : memref<4x128xi32, #tpu.memory_space<vmem>> -> memref<1x128xi32, #tpu.memory_space<vmem>>
      %dma_start3A_316 = tpu.memref_squeeze %dma_start3A_315 : memref<1x128xi32, #tpu.memory_space<vmem>> -> memref<128xi32, #tpu.memory_space<vmem>>
      %dma_start3A_317 = tpu.memref_slice %arg4[%mul3A_311] : memref<655360xi32, #tpu.memory_space<hbm>> -> memref<128xi32, #tpu.memory_space<hbm>>
      %dma_start3A_318 = tpu.memref_slice %arg13[%dma_start3A_313] : memref<4x!tpu.dma_semaphore, #tpu.memory_space<semaphore_mem>> -> memref<1x!tpu.dma_semaphore, #tpu.memory_space<semaphore_mem>>
      %dma_start3A_319 = tpu.memref_squeeze %dma_start3A_318 : memref<1x!tpu.dma_semaphore, #tpu.memory_space<semaphore_mem>> -> memref<!tpu.dma_semaphore, #tpu.memory_space<semaphore_mem>>
      %dma_start3A_320 = arith.constant 0 : i32
      %dma_start3A_321 = tpu.memref_slice %arg8[%dma_start3A_312, %dma_start3A_320] : memref<4x128xi32, #tpu.memory_space<vmem>> -> memref<1x128xi32, #tpu.memory_space<vmem>>
      %dma_start3A_322 = tpu.memref_squeeze %dma_start3A_321 : memref<1x128xi32, #tpu.memory_space<vmem>> -> memref<128xi32, #tpu.memory_space<vmem>>
      %dma_start3A_323 = tpu.memref_slice %arg4[%mul3A_311] : memref<655360xi32, #tpu.memory_space<hbm>> -> memref<128xi32, #tpu.memory_space<hbm>>
      tpu.enqueue_dma source(%dma_start3A_323 : memref<128xi32, #tpu.memory_space<hbm>>) target(%dma_start3A_322 : memref<128xi32, #tpu.memory_space<vmem>>) target_semaphore(%dma_start3A_319 : memref<!tpu.dma_semaphore, #tpu.memory_space<semaphore_mem>>)
      %add3A_324 = arith.addi %mul3A_11, %add3A_308 : i32
      %mul3A_325 = arith.constant 128 : i32
      %mul3A_326 = arith.muli %add3A_324, %mul3A_325 : i32
      %add3A_327 = arith.constant 327680 : i32
      %add3A_328 = arith.addi %add3A_327, %mul3A_326 : i32
      %dma_start3A_329 = arith.constant 3 : i32
      %dma_start3A_330 = arith.constant 3 : i32
      %dma_start3A_331 = arith.constant 0 : i32
      %dma_start3A_332 = tpu.memref_slice %arg9[%dma_start3A_329, %dma_start3A_331] : memref<4x128xi32, #tpu.memory_space<vmem>> -> memref<1x128xi32, #tpu.memory_space<vmem>>
      %dma_start3A_333 = tpu.memref_squeeze %dma_start3A_332 : memref<1x128xi32, #tpu.memory_space<vmem>> -> memref<128xi32, #tpu.memory_space<vmem>>
      %dma_start3A_334 = tpu.memref_slice %arg4[%add3A_328] : memref<655360xi32, #tpu.memory_space<hbm>> -> memref<128xi32, #tpu.memory_space<hbm>>
      %dma_start3A_335 = tpu.memref_slice %arg13[%dma_start3A_330] : memref<4x!tpu.dma_semaphore, #tpu.memory_space<semaphore_mem>> -> memref<1x!tpu.dma_semaphore, #tpu.memory_space<semaphore_mem>>
      %dma_start3A_336 = tpu.memref_squeeze %dma_start3A_335 : memref<1x!tpu.dma_semaphore, #tpu.memory_space<semaphore_mem>> -> memref<!tpu.dma_semaphore, #tpu.memory_space<semaphore_mem>>
      %dma_start3A_337 = arith.constant 0 : i32
      %dma_start3A_338 = tpu.memref_slice %arg9[%dma_start3A_329, %dma_start3A_337] : memref<4x128xi32, #tpu.memory_space<vmem>> -> memref<1x128xi32, #tpu.memory_space<vmem>>
      %dma_start3A_339 = tpu.memref_squeeze %dma_start3A_338 : memref<1x128xi32, #tpu.memory_space<vmem>> -> memref<128xi32, #tpu.memory_space<vmem>>
      %dma_start3A_340 = tpu.memref_slice %arg4[%add3A_328] : memref<655360xi32, #tpu.memory_space<hbm>> -> memref<128xi32, #tpu.memory_space<hbm>>
      tpu.enqueue_dma source(%dma_start3A_340 : memref<128xi32, #tpu.memory_space<hbm>>) target(%dma_start3A_339 : memref<128xi32, #tpu.memory_space<vmem>>) target_semaphore(%dma_start3A_336 : memref<!tpu.dma_semaphore, #tpu.memory_space<semaphore_mem>>)
      %dma_wait3A_341 = arith.constant 0 : i32
      %dma_wait3A_342 = arith.constant 0 : i32
      %dma_wait3A_343 = arith.constant 0 : i32
      %dma_wait3A_344 = arith.constant 0 : i32
      %dma_wait3A_345 = arith.constant 0 : i32
      %dma_wait3A_346 = tpu.memref_slice %arg10[%dma_wait3A_342, %dma_wait3A_344, %dma_wait3A_345] : memref<2x128x64xf32, #tpu.memory_space<vmem>> -> memref<1x128x64xf32, #tpu.memory_space<vmem>>
      %dma_wait3A_347 = tpu.memref_squeeze %dma_wait3A_346 : memref<1x128x64xf32, #tpu.memory_space<vmem>> -> memref<128x64xf32, #tpu.memory_space<vmem>>
      %dma_wait3A_348 = arith.constant 0 : i32
      %dma_wait3A_349 = tpu.memref_slice %arg8[%dma_wait3A_341, %dma_wait3A_348] : memref<4x128xi32, #tpu.memory_space<vmem>> -> memref<1x128xi32, #tpu.memory_space<vmem>>
      %dma_wait3A_350 = tpu.memref_squeeze %dma_wait3A_349 : memref<1x128xi32, #tpu.memory_space<vmem>> -> memref<128xi32, #tpu.memory_space<vmem>>
      %dma_wait3A_351 = arith.constant 0 : i32
      %dma_wait3A_352 = arith.constant 0 : i32
      %dma_wait3A_353 = tpu.memref_slice %arg11[%dma_wait3A_351, %dma_wait3A_352] : memref<10240x64xf32, #tpu.memory_space<vmem_shared>> -> memref<10240x64xf32, #tpu.memory_space<vmem_shared>>
      %dma_wait3A_354 = tpu.memref_slice %arg14[%dma_wait3A_343] : memref<2x!tpu.dma_semaphore, #tpu.memory_space<semaphore_mem>> -> memref<1x!tpu.dma_semaphore, #tpu.memory_space<semaphore_mem>>
      %dma_wait3A_355 = tpu.memref_squeeze %dma_wait3A_354 : memref<1x!tpu.dma_semaphore, #tpu.memory_space<semaphore_mem>> -> memref<!tpu.dma_semaphore, #tpu.memory_space<semaphore_mem>>
      tpu.wait_indirect_dma semaphore(%dma_wait3A_355 : memref<!tpu.dma_semaphore, #tpu.memory_space<semaphore_mem>>) src(%dma_wait3A_353 : memref<10240x64xf32, #tpu.memory_space<vmem_shared>>) dst(%dma_wait3A_347 : memref<128x64xf32, #tpu.memory_space<vmem>>)
      %dma_start3A_356 = arith.constant 0 : i32
      %dma_start3A_357 = arith.constant 0 : i32
      %dma_start3A_358 = arith.constant 0 : i32
      %dma_start3A_359 = arith.constant 0 : i32
      %dma_start3A_360 = arith.constant 0 : i32
      %dma_start3A_361 = tpu.memref_slice %arg10[%dma_start3A_356, %dma_start3A_359, %dma_start3A_360] : memref<2x128x64xf32, #tpu.memory_space<vmem>> -> memref<1x128x64xf32, #tpu.memory_space<vmem>>
      %dma_start3A_362 = tpu.memref_squeeze %dma_start3A_361 : memref<1x128x64xf32, #tpu.memory_space<vmem>> -> memref<128x64xf32, #tpu.memory_space<vmem>>
      %dma_start3A_363 = arith.constant 0 : i32
      %dma_start3A_364 = tpu.memref_slice %arg9[%dma_start3A_357, %dma_start3A_363] : memref<4x128xi32, #tpu.memory_space<vmem>> -> memref<1x128xi32, #tpu.memory_space<vmem>>
      %dma_start3A_365 = tpu.memref_squeeze %dma_start3A_364 : memref<1x128xi32, #tpu.memory_space<vmem>> -> memref<128xi32, #tpu.memory_space<vmem>>
      %dma_start3A_366 = arith.constant 0 : i32
      %dma_start3A_367 = arith.constant 0 : i32
      %dma_start3A_368 = tpu.memref_slice %arg12[%dma_start3A_366, %dma_start3A_367] : memref<10240x64xf32, #tpu.memory_space<vmem_shared>> -> memref<10240x64xf32, #tpu.memory_space<vmem_shared>>
      %dma_start3A_369 = tpu.memref_slice %arg15[%dma_start3A_358] : memref<2x!tpu.dma_semaphore, #tpu.memory_space<semaphore_mem>> -> memref<1x!tpu.dma_semaphore, #tpu.memory_space<semaphore_mem>>
      %dma_start3A_370 = tpu.memref_squeeze %dma_start3A_369 : memref<1x!tpu.dma_semaphore, #tpu.memory_space<semaphore_mem>> -> memref<!tpu.dma_semaphore, #tpu.memory_space<semaphore_mem>>
      tpu.enqueue_indirect_dma source(%dma_start3A_362 : memref<128x64xf32, #tpu.memory_space<vmem>>) target(%dma_start3A_368 : memref<10240x64xf32, #tpu.memory_space<vmem_shared>>) offsets(%dma_start3A_365 : memref<128xi32, #tpu.memory_space<vmem>>) semaphore(%dma_start3A_370 : memref<!tpu.dma_semaphore, #tpu.memory_space<semaphore_mem>>) {add = true}
      %mul3A_371 = arith.constant 4 : i32
      %mul3A_372 = arith.muli %add3A_156, %mul3A_371 : i32
      %add3A_373 = arith.constant 2 : i32
      %add3A_374 = arith.addi %mul3A_372, %add3A_373 : i32
      %dma_wait3A_375 = arith.constant 0 : i32
      %dma_wait3A_376 = arith.constant 0 : i32
      %dma_wait3A_377 = arith.constant 0 : i32
      %dma_wait3A_378 = arith.constant 0 : i32
      %dma_wait3A_379 = arith.constant 0 : i32
      %dma_wait3A_380 = tpu.memref_slice %arg10[%dma_wait3A_375, %dma_wait3A_378, %dma_wait3A_379] : memref<2x128x64xf32, #tpu.memory_space<vmem>> -> memref<1x128x64xf32, #tpu.memory_space<vmem>>
      %dma_wait3A_381 = tpu.memref_squeeze %dma_wait3A_380 : memref<1x128x64xf32, #tpu.memory_space<vmem>> -> memref<128x64xf32, #tpu.memory_space<vmem>>
      %dma_wait3A_382 = arith.constant 0 : i32
      %dma_wait3A_383 = tpu.memref_slice %arg9[%dma_wait3A_376, %dma_wait3A_382] : memref<4x128xi32, #tpu.memory_space<vmem>> -> memref<1x128xi32, #tpu.memory_space<vmem>>
      %dma_wait3A_384 = tpu.memref_squeeze %dma_wait3A_383 : memref<1x128xi32, #tpu.memory_space<vmem>> -> memref<128xi32, #tpu.memory_space<vmem>>
      %dma_wait3A_385 = arith.constant 0 : i32
      %dma_wait3A_386 = arith.constant 0 : i32
      %dma_wait3A_387 = tpu.memref_slice %arg12[%dma_wait3A_385, %dma_wait3A_386] : memref<10240x64xf32, #tpu.memory_space<vmem_shared>> -> memref<10240x64xf32, #tpu.memory_space<vmem_shared>>
      %dma_wait3A_388 = tpu.memref_slice %arg15[%dma_wait3A_377] : memref<2x!tpu.dma_semaphore, #tpu.memory_space<semaphore_mem>> -> memref<1x!tpu.dma_semaphore, #tpu.memory_space<semaphore_mem>>
      %dma_wait3A_389 = tpu.memref_squeeze %dma_wait3A_388 : memref<1x!tpu.dma_semaphore, #tpu.memory_space<semaphore_mem>> -> memref<!tpu.dma_semaphore, #tpu.memory_space<semaphore_mem>>
      tpu.wait_indirect_dma semaphore(%dma_wait3A_389 : memref<!tpu.dma_semaphore, #tpu.memory_space<semaphore_mem>>) src(%dma_wait3A_381 : memref<128x64xf32, #tpu.memory_space<vmem>>) dst(%dma_wait3A_387 : memref<10240x64xf32, #tpu.memory_space<vmem_shared>>)
      %add3A_390 = arith.addi %mul3A_11, %add3A_374 : i32
      %mul3A_391 = arith.constant 128 : i32
      %mul3A_392 = arith.muli %add3A_390, %mul3A_391 : i32
      %dma_wait3A_393 = arith.constant 2 : i32
      %dma_wait3A_394 = arith.constant 2 : i32
      %dma_wait3A_395 = arith.constant 0 : i32
      %dma_wait3A_396 = tpu.memref_slice %arg8[%dma_wait3A_393, %dma_wait3A_395] : memref<4x128xi32, #tpu.memory_space<vmem>> -> memref<1x128xi32, #tpu.memory_space<vmem>>
      %dma_wait3A_397 = tpu.memref_squeeze %dma_wait3A_396 : memref<1x128xi32, #tpu.memory_space<vmem>> -> memref<128xi32, #tpu.memory_space<vmem>>
      %dma_wait3A_398 = tpu.memref_slice %arg4[%mul3A_392] : memref<655360xi32, #tpu.memory_space<hbm>> -> memref<128xi32, #tpu.memory_space<hbm>>
      %dma_wait3A_399 = tpu.memref_slice %arg13[%dma_wait3A_394] : memref<4x!tpu.dma_semaphore, #tpu.memory_space<semaphore_mem>> -> memref<1x!tpu.dma_semaphore, #tpu.memory_space<semaphore_mem>>
      %dma_wait3A_400 = tpu.memref_squeeze %dma_wait3A_399 : memref<1x!tpu.dma_semaphore, #tpu.memory_space<semaphore_mem>> -> memref<!tpu.dma_semaphore, #tpu.memory_space<semaphore_mem>>
      %dma_wait3A_401 = arith.constant 0 : i32
      %dma_wait3A_402 = tpu.memref_slice %arg8[%dma_wait3A_393, %dma_wait3A_401] : memref<4x128xi32, #tpu.memory_space<vmem>> -> memref<1x128xi32, #tpu.memory_space<vmem>>
      %dma_wait3A_403 = tpu.memref_squeeze %dma_wait3A_402 : memref<1x128xi32, #tpu.memory_space<vmem>> -> memref<128xi32, #tpu.memory_space<vmem>>
      %dma_wait3A_404 = tpu.memref_slice %arg4[%mul3A_392] : memref<655360xi32, #tpu.memory_space<hbm>> -> memref<128xi32, #tpu.memory_space<hbm>>
      tpu.wait_dma2 semaphore(%dma_wait3A_400 : memref<!tpu.dma_semaphore, #tpu.memory_space<semaphore_mem>>) src(%dma_wait3A_404 : memref<128xi32, #tpu.memory_space<hbm>>) dst(%dma_wait3A_403 : memref<128xi32, #tpu.memory_space<vmem>>)
      %add3A_405 = arith.addi %mul3A_11, %add3A_374 : i32
      %mul3A_406 = arith.constant 128 : i32
      %mul3A_407 = arith.muli %add3A_405, %mul3A_406 : i32
      %add3A_408 = arith.constant 327680 : i32
      %add3A_409 = arith.addi %add3A_408, %mul3A_407 : i32
      %dma_wait3A_410 = arith.constant 2 : i32
      %dma_wait3A_411 = arith.constant 2 : i32
      %dma_wait3A_412 = arith.constant 0 : i32
      %dma_wait3A_413 = tpu.memref_slice %arg9[%dma_wait3A_410, %dma_wait3A_412] : memref<4x128xi32, #tpu.memory_space<vmem>> -> memref<1x128xi32, #tpu.memory_space<vmem>>
      %dma_wait3A_414 = tpu.memref_squeeze %dma_wait3A_413 : memref<1x128xi32, #tpu.memory_space<vmem>> -> memref<128xi32, #tpu.memory_space<vmem>>
      %dma_wait3A_415 = tpu.memref_slice %arg4[%add3A_409] : memref<655360xi32, #tpu.memory_space<hbm>> -> memref<128xi32, #tpu.memory_space<hbm>>
      %dma_wait3A_416 = tpu.memref_slice %arg13[%dma_wait3A_411] : memref<4x!tpu.dma_semaphore, #tpu.memory_space<semaphore_mem>> -> memref<1x!tpu.dma_semaphore, #tpu.memory_space<semaphore_mem>>
      %dma_wait3A_417 = tpu.memref_squeeze %dma_wait3A_416 : memref<1x!tpu.dma_semaphore, #tpu.memory_space<semaphore_mem>> -> memref<!tpu.dma_semaphore, #tpu.memory_space<semaphore_mem>>
      %dma_wait3A_418 = arith.constant 0 : i32
      %dma_wait3A_419 = tpu.memref_slice %arg9[%dma_wait3A_410, %dma_wait3A_418] : memref<4x128xi32, #tpu.memory_space<vmem>> -> memref<1x128xi32, #tpu.memory_space<vmem>>
      %dma_wait3A_420 = tpu.memref_squeeze %dma_wait3A_419 : memref<1x128xi32, #tpu.memory_space<vmem>> -> memref<128xi32, #tpu.memory_space<vmem>>
      %dma_wait3A_421 = tpu.memref_slice %arg4[%add3A_409] : memref<655360xi32, #tpu.memory_space<hbm>> -> memref<128xi32, #tpu.memory_space<hbm>>
      tpu.wait_dma2 semaphore(%dma_wait3A_417 : memref<!tpu.dma_semaphore, #tpu.memory_space<semaphore_mem>>) src(%dma_wait3A_421 : memref<128xi32, #tpu.memory_space<hbm>>) dst(%dma_wait3A_420 : memref<128xi32, #tpu.memory_space<vmem>>)
      %dma_start3A_422 = arith.constant 2 : i32
      %dma_start3A_423 = arith.constant 0 : i32
      %dma_start3A_424 = arith.constant 0 : i32
      %dma_start3A_425 = arith.constant 0 : i32
      %dma_start3A_426 = arith.constant 0 : i32
      %dma_start3A_427 = tpu.memref_slice %arg10[%dma_start3A_423, %dma_start3A_425, %dma_start3A_426] : memref<2x128x64xf32, #tpu.memory_space<vmem>> -> memref<1x128x64xf32, #tpu.memory_space<vmem>>
      %dma_start3A_428 = tpu.memref_squeeze %dma_start3A_427 : memref<1x128x64xf32, #tpu.memory_space<vmem>> -> memref<128x64xf32, #tpu.memory_space<vmem>>
      %dma_start3A_429 = arith.constant 0 : i32
      %dma_start3A_430 = tpu.memref_slice %arg8[%dma_start3A_422, %dma_start3A_429] : memref<4x128xi32, #tpu.memory_space<vmem>> -> memref<1x128xi32, #tpu.memory_space<vmem>>
      %dma_start3A_431 = tpu.memref_squeeze %dma_start3A_430 : memref<1x128xi32, #tpu.memory_space<vmem>> -> memref<128xi32, #tpu.memory_space<vmem>>
      %dma_start3A_432 = arith.constant 0 : i32
      %dma_start3A_433 = arith.constant 0 : i32
      %dma_start3A_434 = tpu.memref_slice %arg11[%dma_start3A_432, %dma_start3A_433] : memref<10240x64xf32, #tpu.memory_space<vmem_shared>> -> memref<10240x64xf32, #tpu.memory_space<vmem_shared>>
      %dma_start3A_435 = tpu.memref_slice %arg14[%dma_start3A_424] : memref<2x!tpu.dma_semaphore, #tpu.memory_space<semaphore_mem>> -> memref<1x!tpu.dma_semaphore, #tpu.memory_space<semaphore_mem>>
      %dma_start3A_436 = tpu.memref_squeeze %dma_start3A_435 : memref<1x!tpu.dma_semaphore, #tpu.memory_space<semaphore_mem>> -> memref<!tpu.dma_semaphore, #tpu.memory_space<semaphore_mem>>
      tpu.enqueue_indirect_dma source(%dma_start3A_434 : memref<10240x64xf32, #tpu.memory_space<vmem_shared>>) target(%dma_start3A_428 : memref<128x64xf32, #tpu.memory_space<vmem>>) offsets(%dma_start3A_431 : memref<128xi32, #tpu.memory_space<vmem>>) semaphore(%dma_start3A_436 : memref<!tpu.dma_semaphore, #tpu.memory_space<semaphore_mem>>)
      %lt3A = arith.constant 39 : i32
      %lt3A_437 = arith.cmpi slt, %add3A_156, %lt3A : i32
      %convert_element_type3A_438 = arith.extui %lt3A_437 : i1 to i32
      %cond3A_439 = arith.constant 0 : i32
      %cond3A_440 = arith.cmpi ne, %convert_element_type3A_438, %cond3A_439 : i32
      scf.if %cond3A_440 {
        %add3A_572 = arith.constant 2 : i32
        %add3A_573 = arith.addi %add3A_374, %add3A_572 : i32
        %add3A_574 = arith.addi %mul3A_11, %add3A_573 : i32
        %mul3A_575 = arith.constant 128 : i32
        %mul3A_576 = arith.muli %add3A_574, %mul3A_575 : i32
        %dma_start3A_577 = arith.constant 0 : i32
        %dma_start3A_578 = arith.constant 0 : i32
        %dma_start3A_579 = arith.constant 0 : i32
        %dma_start3A_580 = tpu.memref_slice %arg8[%dma_start3A_577, %dma_start3A_579] : memref<4x128xi32, #tpu.memory_space<vmem>> -> memref<1x128xi32, #tpu.memory_space<vmem>>
        %dma_start3A_581 = tpu.memref_squeeze %dma_start3A_580 : memref<1x128xi32, #tpu.memory_space<vmem>> -> memref<128xi32, #tpu.memory_space<vmem>>
        %dma_start3A_582 = tpu.memref_slice %arg4[%mul3A_576] : memref<655360xi32, #tpu.memory_space<hbm>> -> memref<128xi32, #tpu.memory_space<hbm>>
        %dma_start3A_583 = tpu.memref_slice %arg13[%dma_start3A_578] : memref<4x!tpu.dma_semaphore, #tpu.memory_space<semaphore_mem>> -> memref<1x!tpu.dma_semaphore, #tpu.memory_space<semaphore_mem>>
        %dma_start3A_584 = tpu.memref_squeeze %dma_start3A_583 : memref<1x!tpu.dma_semaphore, #tpu.memory_space<semaphore_mem>> -> memref<!tpu.dma_semaphore, #tpu.memory_space<semaphore_mem>>
        %dma_start3A_585 = arith.constant 0 : i32
        %dma_start3A_586 = tpu.memref_slice %arg8[%dma_start3A_577, %dma_start3A_585] : memref<4x128xi32, #tpu.memory_space<vmem>> -> memref<1x128xi32, #tpu.memory_space<vmem>>
        %dma_start3A_587 = tpu.memref_squeeze %dma_start3A_586 : memref<1x128xi32, #tpu.memory_space<vmem>> -> memref<128xi32, #tpu.memory_space<vmem>>
        %dma_start3A_588 = tpu.memref_slice %arg4[%mul3A_576] : memref<655360xi32, #tpu.memory_space<hbm>> -> memref<128xi32, #tpu.memory_space<hbm>>
        tpu.enqueue_dma source(%dma_start3A_588 : memref<128xi32, #tpu.memory_space<hbm>>) target(%dma_start3A_587 : memref<128xi32, #tpu.memory_space<vmem>>) target_semaphore(%dma_start3A_584 : memref<!tpu.dma_semaphore, #tpu.memory_space<semaphore_mem>>)
        %add3A_589 = arith.addi %mul3A_11, %add3A_573 : i32
        %mul3A_590 = arith.constant 128 : i32
        %mul3A_591 = arith.muli %add3A_589, %mul3A_590 : i32
        %add3A_592 = arith.constant 327680 : i32
        %add3A_593 = arith.addi %add3A_592, %mul3A_591 : i32
        %dma_start3A_594 = arith.constant 0 : i32
        %dma_start3A_595 = arith.constant 0 : i32
        %dma_start3A_596 = arith.constant 0 : i32
        %dma_start3A_597 = tpu.memref_slice %arg9[%dma_start3A_594, %dma_start3A_596] : memref<4x128xi32, #tpu.memory_space<vmem>> -> memref<1x128xi32, #tpu.memory_space<vmem>>
        %dma_start3A_598 = tpu.memref_squeeze %dma_start3A_597 : memref<1x128xi32, #tpu.memory_space<vmem>> -> memref<128xi32, #tpu.memory_space<vmem>>
        %dma_start3A_599 = tpu.memref_slice %arg4[%add3A_593] : memref<655360xi32, #tpu.memory_space<hbm>> -> memref<128xi32, #tpu.memory_space<hbm>>
        %dma_start3A_600 = tpu.memref_slice %arg13[%dma_start3A_595] : memref<4x!tpu.dma_semaphore, #tpu.memory_space<semaphore_mem>> -> memref<1x!tpu.dma_semaphore, #tpu.memory_space<semaphore_mem>>
        %dma_start3A_601 = tpu.memref_squeeze %dma_start3A_600 : memref<1x!tpu.dma_semaphore, #tpu.memory_space<semaphore_mem>> -> memref<!tpu.dma_semaphore, #tpu.memory_space<semaphore_mem>>
        %dma_start3A_602 = arith.constant 0 : i32
        %dma_start3A_603 = tpu.memref_slice %arg9[%dma_start3A_594, %dma_start3A_602] : memref<4x128xi32, #tpu.memory_space<vmem>> -> memref<1x128xi32, #tpu.memory_space<vmem>>
        %dma_start3A_604 = tpu.memref_squeeze %dma_start3A_603 : memref<1x128xi32, #tpu.memory_space<vmem>> -> memref<128xi32, #tpu.memory_space<vmem>>
        %dma_start3A_605 = tpu.memref_slice %arg4[%add3A_593] : memref<655360xi32, #tpu.memory_space<hbm>> -> memref<128xi32, #tpu.memory_space<hbm>>
        tpu.enqueue_dma source(%dma_start3A_605 : memref<128xi32, #tpu.memory_space<hbm>>) target(%dma_start3A_604 : memref<128xi32, #tpu.memory_space<vmem>>) target_semaphore(%dma_start3A_601 : memref<!tpu.dma_semaphore, #tpu.memory_space<semaphore_mem>>)
      } else {
      }
      %dma_wait3A_441 = arith.constant 1 : i32
      %dma_wait3A_442 = arith.constant 1 : i32
      %dma_wait3A_443 = arith.constant 1 : i32
      %dma_wait3A_444 = arith.constant 0 : i32
      %dma_wait3A_445 = arith.constant 0 : i32
      %dma_wait3A_446 = tpu.memref_slice %arg10[%dma_wait3A_442, %dma_wait3A_444, %dma_wait3A_445] : memref<2x128x64xf32, #tpu.memory_space<vmem>> -> memref<1x128x64xf32, #tpu.memory_space<vmem>>
      %dma_wait3A_447 = tpu.memref_squeeze %dma_wait3A_446 : memref<1x128x64xf32, #tpu.memory_space<vmem>> -> memref<128x64xf32, #tpu.memory_space<vmem>>
      %dma_wait3A_448 = arith.constant 0 : i32
      %dma_wait3A_449 = tpu.memref_slice %arg8[%dma_wait3A_441, %dma_wait3A_448] : memref<4x128xi32, #tpu.memory_space<vmem>> -> memref<1x128xi32, #tpu.memory_space<vmem>>
      %dma_wait3A_450 = tpu.memref_squeeze %dma_wait3A_449 : memref<1x128xi32, #tpu.memory_space<vmem>> -> memref<128xi32, #tpu.memory_space<vmem>>
      %dma_wait3A_451 = arith.constant 0 : i32
      %dma_wait3A_452 = arith.constant 0 : i32
      %dma_wait3A_453 = tpu.memref_slice %arg11[%dma_wait3A_451, %dma_wait3A_452] : memref<10240x64xf32, #tpu.memory_space<vmem_shared>> -> memref<10240x64xf32, #tpu.memory_space<vmem_shared>>
      %dma_wait3A_454 = tpu.memref_slice %arg14[%dma_wait3A_443] : memref<2x!tpu.dma_semaphore, #tpu.memory_space<semaphore_mem>> -> memref<1x!tpu.dma_semaphore, #tpu.memory_space<semaphore_mem>>
      %dma_wait3A_455 = tpu.memref_squeeze %dma_wait3A_454 : memref<1x!tpu.dma_semaphore, #tpu.memory_space<semaphore_mem>> -> memref<!tpu.dma_semaphore, #tpu.memory_space<semaphore_mem>>
      tpu.wait_indirect_dma semaphore(%dma_wait3A_455 : memref<!tpu.dma_semaphore, #tpu.memory_space<semaphore_mem>>) src(%dma_wait3A_453 : memref<10240x64xf32, #tpu.memory_space<vmem_shared>>) dst(%dma_wait3A_447 : memref<128x64xf32, #tpu.memory_space<vmem>>)
      %dma_start3A_456 = arith.constant 1 : i32
      %dma_start3A_457 = arith.constant 1 : i32
      %dma_start3A_458 = arith.constant 1 : i32
      %dma_start3A_459 = arith.constant 0 : i32
      %dma_start3A_460 = arith.constant 0 : i32
      %dma_start3A_461 = tpu.memref_slice %arg10[%dma_start3A_456, %dma_start3A_459, %dma_start3A_460] : memref<2x128x64xf32, #tpu.memory_space<vmem>> -> memref<1x128x64xf32, #tpu.memory_space<vmem>>
      %dma_start3A_462 = tpu.memref_squeeze %dma_start3A_461 : memref<1x128x64xf32, #tpu.memory_space<vmem>> -> memref<128x64xf32, #tpu.memory_space<vmem>>
      %dma_start3A_463 = arith.constant 0 : i32
      %dma_start3A_464 = tpu.memref_slice %arg9[%dma_start3A_457, %dma_start3A_463] : memref<4x128xi32, #tpu.memory_space<vmem>> -> memref<1x128xi32, #tpu.memory_space<vmem>>
      %dma_start3A_465 = tpu.memref_squeeze %dma_start3A_464 : memref<1x128xi32, #tpu.memory_space<vmem>> -> memref<128xi32, #tpu.memory_space<vmem>>
      %dma_start3A_466 = arith.constant 0 : i32
      %dma_start3A_467 = arith.constant 0 : i32
      %dma_start3A_468 = tpu.memref_slice %arg12[%dma_start3A_466, %dma_start3A_467] : memref<10240x64xf32, #tpu.memory_space<vmem_shared>> -> memref<10240x64xf32, #tpu.memory_space<vmem_shared>>
      %dma_start3A_469 = tpu.memref_slice %arg15[%dma_start3A_458] : memref<2x!tpu.dma_semaphore, #tpu.memory_space<semaphore_mem>> -> memref<1x!tpu.dma_semaphore, #tpu.memory_space<semaphore_mem>>
      %dma_start3A_470 = tpu.memref_squeeze %dma_start3A_469 : memref<1x!tpu.dma_semaphore, #tpu.memory_space<semaphore_mem>> -> memref<!tpu.dma_semaphore, #tpu.memory_space<semaphore_mem>>
      tpu.enqueue_indirect_dma source(%dma_start3A_462 : memref<128x64xf32, #tpu.memory_space<vmem>>) target(%dma_start3A_468 : memref<10240x64xf32, #tpu.memory_space<vmem_shared>>) offsets(%dma_start3A_465 : memref<128xi32, #tpu.memory_space<vmem>>) semaphore(%dma_start3A_470 : memref<!tpu.dma_semaphore, #tpu.memory_space<semaphore_mem>>) {add = true}
      %mul3A_471 = arith.constant 4 : i32
      %mul3A_472 = arith.muli %add3A_156, %mul3A_471 : i32
      %add3A_473 = arith.constant 3 : i32
      %add3A_474 = arith.addi %mul3A_472, %add3A_473 : i32
      %dma_wait3A_475 = arith.constant 1 : i32
      %dma_wait3A_476 = arith.constant 1 : i32
      %dma_wait3A_477 = arith.constant 1 : i32
      %dma_wait3A_478 = arith.constant 0 : i32
      %dma_wait3A_479 = arith.constant 0 : i32
      %dma_wait3A_480 = tpu.memref_slice %arg10[%dma_wait3A_475, %dma_wait3A_478, %dma_wait3A_479] : memref<2x128x64xf32, #tpu.memory_space<vmem>> -> memref<1x128x64xf32, #tpu.memory_space<vmem>>
      %dma_wait3A_481 = tpu.memref_squeeze %dma_wait3A_480 : memref<1x128x64xf32, #tpu.memory_space<vmem>> -> memref<128x64xf32, #tpu.memory_space<vmem>>
      %dma_wait3A_482 = arith.constant 0 : i32
      %dma_wait3A_483 = tpu.memref_slice %arg9[%dma_wait3A_476, %dma_wait3A_482] : memref<4x128xi32, #tpu.memory_space<vmem>> -> memref<1x128xi32, #tpu.memory_space<vmem>>
      %dma_wait3A_484 = tpu.memref_squeeze %dma_wait3A_483 : memref<1x128xi32, #tpu.memory_space<vmem>> -> memref<128xi32, #tpu.memory_space<vmem>>
      %dma_wait3A_485 = arith.constant 0 : i32
      %dma_wait3A_486 = arith.constant 0 : i32
      %dma_wait3A_487 = tpu.memref_slice %arg12[%dma_wait3A_485, %dma_wait3A_486] : memref<10240x64xf32, #tpu.memory_space<vmem_shared>> -> memref<10240x64xf32, #tpu.memory_space<vmem_shared>>
      %dma_wait3A_488 = tpu.memref_slice %arg15[%dma_wait3A_477] : memref<2x!tpu.dma_semaphore, #tpu.memory_space<semaphore_mem>> -> memref<1x!tpu.dma_semaphore, #tpu.memory_space<semaphore_mem>>
      %dma_wait3A_489 = tpu.memref_squeeze %dma_wait3A_488 : memref<1x!tpu.dma_semaphore, #tpu.memory_space<semaphore_mem>> -> memref<!tpu.dma_semaphore, #tpu.memory_space<semaphore_mem>>
      tpu.wait_indirect_dma semaphore(%dma_wait3A_489 : memref<!tpu.dma_semaphore, #tpu.memory_space<semaphore_mem>>) src(%dma_wait3A_481 : memref<128x64xf32, #tpu.memory_space<vmem>>) dst(%dma_wait3A_487 : memref<10240x64xf32, #tpu.memory_space<vmem_shared>>)
      %add3A_490 = arith.addi %mul3A_11, %add3A_474 : i32
      %mul3A_491 = arith.constant 128 : i32
      %mul3A_492 = arith.muli %add3A_490, %mul3A_491 : i32
      %dma_wait3A_493 = arith.constant 3 : i32
      %dma_wait3A_494 = arith.constant 3 : i32
      %dma_wait3A_495 = arith.constant 0 : i32
      %dma_wait3A_496 = tpu.memref_slice %arg8[%dma_wait3A_493, %dma_wait3A_495] : memref<4x128xi32, #tpu.memory_space<vmem>> -> memref<1x128xi32, #tpu.memory_space<vmem>>
      %dma_wait3A_497 = tpu.memref_squeeze %dma_wait3A_496 : memref<1x128xi32, #tpu.memory_space<vmem>> -> memref<128xi32, #tpu.memory_space<vmem>>
      %dma_wait3A_498 = tpu.memref_slice %arg4[%mul3A_492] : memref<655360xi32, #tpu.memory_space<hbm>> -> memref<128xi32, #tpu.memory_space<hbm>>
      %dma_wait3A_499 = tpu.memref_slice %arg13[%dma_wait3A_494] : memref<4x!tpu.dma_semaphore, #tpu.memory_space<semaphore_mem>> -> memref<1x!tpu.dma_semaphore, #tpu.memory_space<semaphore_mem>>
      %dma_wait3A_500 = tpu.memref_squeeze %dma_wait3A_499 : memref<1x!tpu.dma_semaphore, #tpu.memory_space<semaphore_mem>> -> memref<!tpu.dma_semaphore, #tpu.memory_space<semaphore_mem>>
      %dma_wait3A_501 = arith.constant 0 : i32
      %dma_wait3A_502 = tpu.memref_slice %arg8[%dma_wait3A_493, %dma_wait3A_501] : memref<4x128xi32, #tpu.memory_space<vmem>> -> memref<1x128xi32, #tpu.memory_space<vmem>>
      %dma_wait3A_503 = tpu.memref_squeeze %dma_wait3A_502 : memref<1x128xi32, #tpu.memory_space<vmem>> -> memref<128xi32, #tpu.memory_space<vmem>>
      %dma_wait3A_504 = tpu.memref_slice %arg4[%mul3A_492] : memref<655360xi32, #tpu.memory_space<hbm>> -> memref<128xi32, #tpu.memory_space<hbm>>
      tpu.wait_dma2 semaphore(%dma_wait3A_500 : memref<!tpu.dma_semaphore, #tpu.memory_space<semaphore_mem>>) src(%dma_wait3A_504 : memref<128xi32, #tpu.memory_space<hbm>>) dst(%dma_wait3A_503 : memref<128xi32, #tpu.memory_space<vmem>>)
      %add3A_505 = arith.addi %mul3A_11, %add3A_474 : i32
      %mul3A_506 = arith.constant 128 : i32
      %mul3A_507 = arith.muli %add3A_505, %mul3A_506 : i32
      %add3A_508 = arith.constant 327680 : i32
      %add3A_509 = arith.addi %add3A_508, %mul3A_507 : i32
      %dma_wait3A_510 = arith.constant 3 : i32
      %dma_wait3A_511 = arith.constant 3 : i32
      %dma_wait3A_512 = arith.constant 0 : i32
      %dma_wait3A_513 = tpu.memref_slice %arg9[%dma_wait3A_510, %dma_wait3A_512] : memref<4x128xi32, #tpu.memory_space<vmem>> -> memref<1x128xi32, #tpu.memory_space<vmem>>
      %dma_wait3A_514 = tpu.memref_squeeze %dma_wait3A_513 : memref<1x128xi32, #tpu.memory_space<vmem>> -> memref<128xi32, #tpu.memory_space<vmem>>
      %dma_wait3A_515 = tpu.memref_slice %arg4[%add3A_509] : memref<655360xi32, #tpu.memory_space<hbm>> -> memref<128xi32, #tpu.memory_space<hbm>>
      %dma_wait3A_516 = tpu.memref_slice %arg13[%dma_wait3A_511] : memref<4x!tpu.dma_semaphore, #tpu.memory_space<semaphore_mem>> -> memref<1x!tpu.dma_semaphore, #tpu.memory_space<semaphore_mem>>
      %dma_wait3A_517 = tpu.memref_squeeze %dma_wait3A_516 : memref<1x!tpu.dma_semaphore, #tpu.memory_space<semaphore_mem>> -> memref<!tpu.dma_semaphore, #tpu.memory_space<semaphore_mem>>
      %dma_wait3A_518 = arith.constant 0 : i32
      %dma_wait3A_519 = tpu.memref_slice %arg9[%dma_wait3A_510, %dma_wait3A_518] : memref<4x128xi32, #tpu.memory_space<vmem>> -> memref<1x128xi32, #tpu.memory_space<vmem>>
      %dma_wait3A_520 = tpu.memref_squeeze %dma_wait3A_519 : memref<1x128xi32, #tpu.memory_space<vmem>> -> memref<128xi32, #tpu.memory_space<vmem>>
      %dma_wait3A_521 = tpu.memref_slice %arg4[%add3A_509] : memref<655360xi32, #tpu.memory_space<hbm>> -> memref<128xi32, #tpu.memory_space<hbm>>
      tpu.wait_dma2 semaphore(%dma_wait3A_517 : memref<!tpu.dma_semaphore, #tpu.memory_space<semaphore_mem>>) src(%dma_wait3A_521 : memref<128xi32, #tpu.memory_space<hbm>>) dst(%dma_wait3A_520 : memref<128xi32, #tpu.memory_space<vmem>>)
      %dma_start3A_522 = arith.constant 3 : i32
      %dma_start3A_523 = arith.constant 1 : i32
      %dma_start3A_524 = arith.constant 1 : i32
      %dma_start3A_525 = arith.constant 0 : i32
      %dma_start3A_526 = arith.constant 0 : i32
      %dma_start3A_527 = tpu.memref_slice %arg10[%dma_start3A_523, %dma_start3A_525, %dma_start3A_526] : memref<2x128x64xf32, #tpu.memory_space<vmem>> -> memref<1x128x64xf32, #tpu.memory_space<vmem>>
      %dma_start3A_528 = tpu.memref_squeeze %dma_start3A_527 : memref<1x128x64xf32, #tpu.memory_space<vmem>> -> memref<128x64xf32, #tpu.memory_space<vmem>>
      %dma_start3A_529 = arith.constant 0 : i32
      %dma_start3A_530 = tpu.memref_slice %arg8[%dma_start3A_522, %dma_start3A_529] : memref<4x128xi32, #tpu.memory_space<vmem>> -> memref<1x128xi32, #tpu.memory_space<vmem>>
      %dma_start3A_531 = tpu.memref_squeeze %dma_start3A_530 : memref<1x128xi32, #tpu.memory_space<vmem>> -> memref<128xi32, #tpu.memory_space<vmem>>
      %dma_start3A_532 = arith.constant 0 : i32
      %dma_start3A_533 = arith.constant 0 : i32
      %dma_start3A_534 = tpu.memref_slice %arg11[%dma_start3A_532, %dma_start3A_533] : memref<10240x64xf32, #tpu.memory_space<vmem_shared>> -> memref<10240x64xf32, #tpu.memory_space<vmem_shared>>
      %dma_start3A_535 = tpu.memref_slice %arg14[%dma_start3A_524] : memref<2x!tpu.dma_semaphore, #tpu.memory_space<semaphore_mem>> -> memref<1x!tpu.dma_semaphore, #tpu.memory_space<semaphore_mem>>
      %dma_start3A_536 = tpu.memref_squeeze %dma_start3A_535 : memref<1x!tpu.dma_semaphore, #tpu.memory_space<semaphore_mem>> -> memref<!tpu.dma_semaphore, #tpu.memory_space<semaphore_mem>>
      tpu.enqueue_indirect_dma source(%dma_start3A_534 : memref<10240x64xf32, #tpu.memory_space<vmem_shared>>) target(%dma_start3A_528 : memref<128x64xf32, #tpu.memory_space<vmem>>) offsets(%dma_start3A_531 : memref<128xi32, #tpu.memory_space<vmem>>) semaphore(%dma_start3A_536 : memref<!tpu.dma_semaphore, #tpu.memory_space<semaphore_mem>>)
      %lt3A_537 = arith.constant 39 : i32
      %lt3A_538 = arith.cmpi slt, %add3A_156, %lt3A_537 : i32
      %convert_element_type3A_539 = arith.extui %lt3A_538 : i1 to i32
      %cond3A_540 = arith.constant 0 : i32
      %cond3A_541 = arith.cmpi ne, %convert_element_type3A_539, %cond3A_540 : i32
      scf.if %cond3A_541 {
        %add3A_572 = arith.constant 2 : i32
        %add3A_573 = arith.addi %add3A_474, %add3A_572 : i32
        %add3A_574 = arith.addi %mul3A_11, %add3A_573 : i32
        %mul3A_575 = arith.constant 128 : i32
        %mul3A_576 = arith.muli %add3A_574, %mul3A_575 : i32
        %dma_start3A_577 = arith.constant 1 : i32
        %dma_start3A_578 = arith.constant 1 : i32
        %dma_start3A_579 = arith.constant 0 : i32
        %dma_start3A_580 = tpu.memref_slice %arg8[%dma_start3A_577, %dma_start3A_579] : memref<4x128xi32, #tpu.memory_space<vmem>> -> memref<1x128xi32, #tpu.memory_space<vmem>>
        %dma_start3A_581 = tpu.memref_squeeze %dma_start3A_580 : memref<1x128xi32, #tpu.memory_space<vmem>> -> memref<128xi32, #tpu.memory_space<vmem>>
        %dma_start3A_582 = tpu.memref_slice %arg4[%mul3A_576] : memref<655360xi32, #tpu.memory_space<hbm>> -> memref<128xi32, #tpu.memory_space<hbm>>
        %dma_start3A_583 = tpu.memref_slice %arg13[%dma_start3A_578] : memref<4x!tpu.dma_semaphore, #tpu.memory_space<semaphore_mem>> -> memref<1x!tpu.dma_semaphore, #tpu.memory_space<semaphore_mem>>
        %dma_start3A_584 = tpu.memref_squeeze %dma_start3A_583 : memref<1x!tpu.dma_semaphore, #tpu.memory_space<semaphore_mem>> -> memref<!tpu.dma_semaphore, #tpu.memory_space<semaphore_mem>>
        %dma_start3A_585 = arith.constant 0 : i32
        %dma_start3A_586 = tpu.memref_slice %arg8[%dma_start3A_577, %dma_start3A_585] : memref<4x128xi32, #tpu.memory_space<vmem>> -> memref<1x128xi32, #tpu.memory_space<vmem>>
        %dma_start3A_587 = tpu.memref_squeeze %dma_start3A_586 : memref<1x128xi32, #tpu.memory_space<vmem>> -> memref<128xi32, #tpu.memory_space<vmem>>
        %dma_start3A_588 = tpu.memref_slice %arg4[%mul3A_576] : memref<655360xi32, #tpu.memory_space<hbm>> -> memref<128xi32, #tpu.memory_space<hbm>>
        tpu.enqueue_dma source(%dma_start3A_588 : memref<128xi32, #tpu.memory_space<hbm>>) target(%dma_start3A_587 : memref<128xi32, #tpu.memory_space<vmem>>) target_semaphore(%dma_start3A_584 : memref<!tpu.dma_semaphore, #tpu.memory_space<semaphore_mem>>)
        %add3A_589 = arith.addi %mul3A_11, %add3A_573 : i32
        %mul3A_590 = arith.constant 128 : i32
        %mul3A_591 = arith.muli %add3A_589, %mul3A_590 : i32
        %add3A_592 = arith.constant 327680 : i32
        %add3A_593 = arith.addi %add3A_592, %mul3A_591 : i32
        %dma_start3A_594 = arith.constant 1 : i32
        %dma_start3A_595 = arith.constant 1 : i32
        %dma_start3A_596 = arith.constant 0 : i32
        %dma_start3A_597 = tpu.memref_slice %arg9[%dma_start3A_594, %dma_start3A_596] : memref<4x128xi32, #tpu.memory_space<vmem>> -> memref<1x128xi32, #tpu.memory_space<vmem>>
        %dma_start3A_598 = tpu.memref_squeeze %dma_start3A_597 : memref<1x128xi32, #tpu.memory_space<vmem>> -> memref<128xi32, #tpu.memory_space<vmem>>
        %dma_start3A_599 = tpu.memref_slice %arg4[%add3A_593] : memref<655360xi32, #tpu.memory_space<hbm>> -> memref<128xi32, #tpu.memory_space<hbm>>
        %dma_start3A_600 = tpu.memref_slice %arg13[%dma_start3A_595] : memref<4x!tpu.dma_semaphore, #tpu.memory_space<semaphore_mem>> -> memref<1x!tpu.dma_semaphore, #tpu.memory_space<semaphore_mem>>
        %dma_start3A_601 = tpu.memref_squeeze %dma_start3A_600 : memref<1x!tpu.dma_semaphore, #tpu.memory_space<semaphore_mem>> -> memref<!tpu.dma_semaphore, #tpu.memory_space<semaphore_mem>>
        %dma_start3A_602 = arith.constant 0 : i32
        %dma_start3A_603 = tpu.memref_slice %arg9[%dma_start3A_594, %dma_start3A_602] : memref<4x128xi32, #tpu.memory_space<vmem>> -> memref<1x128xi32, #tpu.memory_space<vmem>>
        %dma_start3A_604 = tpu.memref_squeeze %dma_start3A_603 : memref<1x128xi32, #tpu.memory_space<vmem>> -> memref<128xi32, #tpu.memory_space<vmem>>
        %dma_start3A_605 = tpu.memref_slice %arg4[%add3A_593] : memref<655360xi32, #tpu.memory_space<hbm>> -> memref<128xi32, #tpu.memory_space<hbm>>
        tpu.enqueue_dma source(%dma_start3A_605 : memref<128xi32, #tpu.memory_space<hbm>>) target(%dma_start3A_604 : memref<128xi32, #tpu.memory_space<vmem>>) target_semaphore(%dma_start3A_601 : memref<!tpu.dma_semaphore, #tpu.memory_space<semaphore_mem>>)
      } else {
      }
      %dma_wait3A_542 = arith.constant 2 : i32
      %dma_wait3A_543 = arith.constant 0 : i32
      %dma_wait3A_544 = arith.constant 0 : i32
      %dma_wait3A_545 = arith.constant 0 : i32
      %dma_wait3A_546 = arith.constant 0 : i32
      %dma_wait3A_547 = tpu.memref_slice %arg10[%dma_wait3A_543, %dma_wait3A_545, %dma_wait3A_546] : memref<2x128x64xf32, #tpu.memory_space<vmem>> -> memref<1x128x64xf32, #tpu.memory_space<vmem>>
      %dma_wait3A_548 = tpu.memref_squeeze %dma_wait3A_547 : memref<1x128x64xf32, #tpu.memory_space<vmem>> -> memref<128x64xf32, #tpu.memory_space<vmem>>
      %dma_wait3A_549 = arith.constant 0 : i32
      %dma_wait3A_550 = tpu.memref_slice %arg8[%dma_wait3A_542, %dma_wait3A_549] : memref<4x128xi32, #tpu.memory_space<vmem>> -> memref<1x128xi32, #tpu.memory_space<vmem>>
      %dma_wait3A_551 = tpu.memref_squeeze %dma_wait3A_550 : memref<1x128xi32, #tpu.memory_space<vmem>> -> memref<128xi32, #tpu.memory_space<vmem>>
      %dma_wait3A_552 = arith.constant 0 : i32
      %dma_wait3A_553 = arith.constant 0 : i32
      %dma_wait3A_554 = tpu.memref_slice %arg11[%dma_wait3A_552, %dma_wait3A_553] : memref<10240x64xf32, #tpu.memory_space<vmem_shared>> -> memref<10240x64xf32, #tpu.memory_space<vmem_shared>>
      %dma_wait3A_555 = tpu.memref_slice %arg14[%dma_wait3A_544] : memref<2x!tpu.dma_semaphore, #tpu.memory_space<semaphore_mem>> -> memref<1x!tpu.dma_semaphore, #tpu.memory_space<semaphore_mem>>
      %dma_wait3A_556 = tpu.memref_squeeze %dma_wait3A_555 : memref<1x!tpu.dma_semaphore, #tpu.memory_space<semaphore_mem>> -> memref<!tpu.dma_semaphore, #tpu.memory_space<semaphore_mem>>
      tpu.wait_indirect_dma semaphore(%dma_wait3A_556 : memref<!tpu.dma_semaphore, #tpu.memory_space<semaphore_mem>>) src(%dma_wait3A_554 : memref<10240x64xf32, #tpu.memory_space<vmem_shared>>) dst(%dma_wait3A_548 : memref<128x64xf32, #tpu.memory_space<vmem>>)
      %dma_start3A_557 = arith.constant 0 : i32
      %dma_start3A_558 = arith.constant 2 : i32
      %dma_start3A_559 = arith.constant 0 : i32
      %dma_start3A_560 = arith.constant 0 : i32
      %dma_start3A_561 = arith.constant 0 : i32
      %dma_start3A_562 = tpu.memref_slice %arg10[%dma_start3A_557, %dma_start3A_560, %dma_start3A_561] : memref<2x128x64xf32, #tpu.memory_space<vmem>> -> memref<1x128x64xf32, #tpu.memory_space<vmem>>
      %dma_start3A_563 = tpu.memref_squeeze %dma_start3A_562 : memref<1x128x64xf32, #tpu.memory_space<vmem>> -> memref<128x64xf32, #tpu.memory_space<vmem>>
      %dma_start3A_564 = arith.constant 0 : i32
      %dma_start3A_565 = tpu.memref_slice %arg9[%dma_start3A_558, %dma_start3A_564] : memref<4x128xi32, #tpu.memory_space<vmem>> -> memref<1x128xi32, #tpu.memory_space<vmem>>
      %dma_start3A_566 = tpu.memref_squeeze %dma_start3A_565 : memref<1x128xi32, #tpu.memory_space<vmem>> -> memref<128xi32, #tpu.memory_space<vmem>>
      %dma_start3A_567 = arith.constant 0 : i32
      %dma_start3A_568 = arith.constant 0 : i32
      %dma_start3A_569 = tpu.memref_slice %arg12[%dma_start3A_567, %dma_start3A_568] : memref<10240x64xf32, #tpu.memory_space<vmem_shared>> -> memref<10240x64xf32, #tpu.memory_space<vmem_shared>>
      %dma_start3A_570 = tpu.memref_slice %arg15[%dma_start3A_559] : memref<2x!tpu.dma_semaphore, #tpu.memory_space<semaphore_mem>> -> memref<1x!tpu.dma_semaphore, #tpu.memory_space<semaphore_mem>>
      %dma_start3A_571 = tpu.memref_squeeze %dma_start3A_570 : memref<1x!tpu.dma_semaphore, #tpu.memory_space<semaphore_mem>> -> memref<!tpu.dma_semaphore, #tpu.memory_space<semaphore_mem>>
      tpu.enqueue_indirect_dma source(%dma_start3A_563 : memref<128x64xf32, #tpu.memory_space<vmem>>) target(%dma_start3A_569 : memref<10240x64xf32, #tpu.memory_space<vmem_shared>>) offsets(%dma_start3A_566 : memref<128xi32, #tpu.memory_space<vmem>>) semaphore(%dma_start3A_571 : memref<!tpu.dma_semaphore, #tpu.memory_space<semaphore_mem>>) {add = true}
    }
    %scan3A_81 = arith.constant 40 : i32
    %dma_wait3A = arith.constant 3 : i32
    %dma_wait3A_82 = arith.constant 1 : i32
    %dma_wait3A_83 = arith.constant 1 : i32
    %dma_wait3A_84 = arith.constant 0 : i32
    %dma_wait3A_85 = arith.constant 0 : i32
    %dma_wait3A_86 = tpu.memref_slice %arg10[%dma_wait3A_82, %dma_wait3A_84, %dma_wait3A_85] : memref<2x128x64xf32, #tpu.memory_space<vmem>> -> memref<1x128x64xf32, #tpu.memory_space<vmem>>
    %dma_wait3A_87 = tpu.memref_squeeze %dma_wait3A_86 : memref<1x128x64xf32, #tpu.memory_space<vmem>> -> memref<128x64xf32, #tpu.memory_space<vmem>>
    %dma_wait3A_88 = arith.constant 0 : i32
    %dma_wait3A_89 = tpu.memref_slice %arg8[%dma_wait3A, %dma_wait3A_88] : memref<4x128xi32, #tpu.memory_space<vmem>> -> memref<1x128xi32, #tpu.memory_space<vmem>>
    %dma_wait3A_90 = tpu.memref_squeeze %dma_wait3A_89 : memref<1x128xi32, #tpu.memory_space<vmem>> -> memref<128xi32, #tpu.memory_space<vmem>>
    %dma_wait3A_91 = arith.constant 0 : i32
    %dma_wait3A_92 = arith.constant 0 : i32
    %dma_wait3A_93 = tpu.memref_slice %arg11[%dma_wait3A_91, %dma_wait3A_92] : memref<10240x64xf32, #tpu.memory_space<vmem_shared>> -> memref<10240x64xf32, #tpu.memory_space<vmem_shared>>
    %dma_wait3A_94 = tpu.memref_slice %arg14[%dma_wait3A_83] : memref<2x!tpu.dma_semaphore, #tpu.memory_space<semaphore_mem>> -> memref<1x!tpu.dma_semaphore, #tpu.memory_space<semaphore_mem>>
    %dma_wait3A_95 = tpu.memref_squeeze %dma_wait3A_94 : memref<1x!tpu.dma_semaphore, #tpu.memory_space<semaphore_mem>> -> memref<!tpu.dma_semaphore, #tpu.memory_space<semaphore_mem>>
    tpu.wait_indirect_dma semaphore(%dma_wait3A_95 : memref<!tpu.dma_semaphore, #tpu.memory_space<semaphore_mem>>) src(%dma_wait3A_93 : memref<10240x64xf32, #tpu.memory_space<vmem_shared>>) dst(%dma_wait3A_87 : memref<128x64xf32, #tpu.memory_space<vmem>>)
    %dma_start3A_96 = arith.constant 1 : i32
    %dma_start3A_97 = arith.constant 3 : i32
    %dma_start3A_98 = arith.constant 1 : i32
    %dma_start3A_99 = arith.constant 0 : i32
    %dma_start3A_100 = arith.constant 0 : i32
    %dma_start3A_101 = tpu.memref_slice %arg10[%dma_start3A_96, %dma_start3A_99, %dma_start3A_100] : memref<2x128x64xf32, #tpu.memory_space<vmem>> -> memref<1x128x64xf32, #tpu.memory_space<vmem>>
    %dma_start3A_102 = tpu.memref_squeeze %dma_start3A_101 : memref<1x128x64xf32, #tpu.memory_space<vmem>> -> memref<128x64xf32, #tpu.memory_space<vmem>>
    %dma_start3A_103 = arith.constant 0 : i32
    %dma_start3A_104 = tpu.memref_slice %arg9[%dma_start3A_97, %dma_start3A_103] : memref<4x128xi32, #tpu.memory_space<vmem>> -> memref<1x128xi32, #tpu.memory_space<vmem>>
    %dma_start3A_105 = tpu.memref_squeeze %dma_start3A_104 : memref<1x128xi32, #tpu.memory_space<vmem>> -> memref<128xi32, #tpu.memory_space<vmem>>
    %dma_start3A_106 = arith.constant 0 : i32
    %dma_start3A_107 = arith.constant 0 : i32
    %dma_start3A_108 = tpu.memref_slice %arg12[%dma_start3A_106, %dma_start3A_107] : memref<10240x64xf32, #tpu.memory_space<vmem_shared>> -> memref<10240x64xf32, #tpu.memory_space<vmem_shared>>
    %dma_start3A_109 = tpu.memref_slice %arg15[%dma_start3A_98] : memref<2x!tpu.dma_semaphore, #tpu.memory_space<semaphore_mem>> -> memref<1x!tpu.dma_semaphore, #tpu.memory_space<semaphore_mem>>
    %dma_start3A_110 = tpu.memref_squeeze %dma_start3A_109 : memref<1x!tpu.dma_semaphore, #tpu.memory_space<semaphore_mem>> -> memref<!tpu.dma_semaphore, #tpu.memory_space<semaphore_mem>>
    tpu.enqueue_indirect_dma source(%dma_start3A_102 : memref<128x64xf32, #tpu.memory_space<vmem>>) target(%dma_start3A_108 : memref<10240x64xf32, #tpu.memory_space<vmem_shared>>) offsets(%dma_start3A_105 : memref<128xi32, #tpu.memory_space<vmem>>) semaphore(%dma_start3A_110 : memref<!tpu.dma_semaphore, #tpu.memory_space<semaphore_mem>>) {add = true}
    %dma_wait3A_111 = arith.constant 0 : i32
    %dma_wait3A_112 = arith.constant 2 : i32
    %dma_wait3A_113 = arith.constant 0 : i32
    %dma_wait3A_114 = arith.constant 0 : i32
    %dma_wait3A_115 = arith.constant 0 : i32
    %dma_wait3A_116 = tpu.memref_slice %arg10[%dma_wait3A_111, %dma_wait3A_114, %dma_wait3A_115] : memref<2x128x64xf32, #tpu.memory_space<vmem>> -> memref<1x128x64xf32, #tpu.memory_space<vmem>>
    %dma_wait3A_117 = tpu.memref_squeeze %dma_wait3A_116 : memref<1x128x64xf32, #tpu.memory_space<vmem>> -> memref<128x64xf32, #tpu.memory_space<vmem>>
    %dma_wait3A_118 = arith.constant 0 : i32
    %dma_wait3A_119 = tpu.memref_slice %arg9[%dma_wait3A_112, %dma_wait3A_118] : memref<4x128xi32, #tpu.memory_space<vmem>> -> memref<1x128xi32, #tpu.memory_space<vmem>>
    %dma_wait3A_120 = tpu.memref_squeeze %dma_wait3A_119 : memref<1x128xi32, #tpu.memory_space<vmem>> -> memref<128xi32, #tpu.memory_space<vmem>>
    %dma_wait3A_121 = arith.constant 0 : i32
    %dma_wait3A_122 = arith.constant 0 : i32
    %dma_wait3A_123 = tpu.memref_slice %arg12[%dma_wait3A_121, %dma_wait3A_122] : memref<10240x64xf32, #tpu.memory_space<vmem_shared>> -> memref<10240x64xf32, #tpu.memory_space<vmem_shared>>
    %dma_wait3A_124 = tpu.memref_slice %arg15[%dma_wait3A_113] : memref<2x!tpu.dma_semaphore, #tpu.memory_space<semaphore_mem>> -> memref<1x!tpu.dma_semaphore, #tpu.memory_space<semaphore_mem>>
    %dma_wait3A_125 = tpu.memref_squeeze %dma_wait3A_124 : memref<1x!tpu.dma_semaphore, #tpu.memory_space<semaphore_mem>> -> memref<!tpu.dma_semaphore, #tpu.memory_space<semaphore_mem>>
    tpu.wait_indirect_dma semaphore(%dma_wait3A_125 : memref<!tpu.dma_semaphore, #tpu.memory_space<semaphore_mem>>) src(%dma_wait3A_117 : memref<128x64xf32, #tpu.memory_space<vmem>>) dst(%dma_wait3A_123 : memref<10240x64xf32, #tpu.memory_space<vmem_shared>>)
    %dma_wait3A_126 = arith.constant 1 : i32
    %dma_wait3A_127 = arith.constant 3 : i32
    %dma_wait3A_128 = arith.constant 1 : i32
    %dma_wait3A_129 = arith.constant 0 : i32
    %dma_wait3A_130 = arith.constant 0 : i32
    %dma_wait3A_131 = tpu.memref_slice %arg10[%dma_wait3A_126, %dma_wait3A_129, %dma_wait3A_130] : memref<2x128x64xf32, #tpu.memory_space<vmem>> -> memref<1x128x64xf32, #tpu.memory_space<vmem>>
    %dma_wait3A_132 = tpu.memref_squeeze %dma_wait3A_131 : memref<1x128x64xf32, #tpu.memory_space<vmem>> -> memref<128x64xf32, #tpu.memory_space<vmem>>
    %dma_wait3A_133 = arith.constant 0 : i32
    %dma_wait3A_134 = tpu.memref_slice %arg9[%dma_wait3A_127, %dma_wait3A_133] : memref<4x128xi32, #tpu.memory_space<vmem>> -> memref<1x128xi32, #tpu.memory_space<vmem>>
    %dma_wait3A_135 = tpu.memref_squeeze %dma_wait3A_134 : memref<1x128xi32, #tpu.memory_space<vmem>> -> memref<128xi32, #tpu.memory_space<vmem>>
    %dma_wait3A_136 = arith.constant 0 : i32
    %dma_wait3A_137 = arith.constant 0 : i32
    %dma_wait3A_138 = tpu.memref_slice %arg12[%dma_wait3A_136, %dma_wait3A_137] : memref<10240x64xf32, #tpu.memory_space<vmem_shared>> -> memref<10240x64xf32, #tpu.memory_space<vmem_shared>>
    %dma_wait3A_139 = tpu.memref_slice %arg15[%dma_wait3A_128] : memref<2x!tpu.dma_semaphore, #tpu.memory_space<semaphore_mem>> -> memref<1x!tpu.dma_semaphore, #tpu.memory_space<semaphore_mem>>
    %dma_wait3A_140 = tpu.memref_squeeze %dma_wait3A_139 : memref<1x!tpu.dma_semaphore, #tpu.memory_space<semaphore_mem>> -> memref<!tpu.dma_semaphore, #tpu.memory_space<semaphore_mem>>
    tpu.wait_indirect_dma semaphore(%dma_wait3A_140 : memref<!tpu.dma_semaphore, #tpu.memory_space<semaphore_mem>>) src(%dma_wait3A_132 : memref<128x64xf32, #tpu.memory_space<vmem>>) dst(%dma_wait3A_138 : memref<10240x64xf32, #tpu.memory_space<vmem_shared>>)
    %barrier3A_141 = arith.constant 0 : index
    tpu.barrier barrier_id(%barrier3A_141)
    %eq3A_142 = arith.constant 0 : i32
    %eq3A_143 = arith.cmpi eq, %arg0, %eq3A_142 : i32
    %convert_element_type3A_144 = arith.extui %eq3A_143 : i1 to i32
    %cond3A_145 = arith.constant 0 : i32
    %cond3A_146 = arith.cmpi ne, %convert_element_type3A_144, %cond3A_145 : i32
    scf.if %cond3A_146 {
      %mul3A_152 = arith.constant 640 : i32
      %mul3A_153 = arith.muli %arg1, %mul3A_152 : i32
      %mul3A_154 = arith.constant 640 : i32
      %mul3A_155 = arith.muli %arg1, %mul3A_154 : i32
      "tpu.region"() ({
        %run_scoped3A = tpu.sem_alloc : memref<!tpu.dma_semaphore, #tpu.memory_space<semaphore_mem>>
        %dma_start3A_156 = arith.constant 0 : i32
        %dma_start3A_157 = tpu.memref_slice %arg6[%mul3A_155, %dma_start3A_156] : memref<10240x64xf32, #tpu.memory_space<hbm>> -> memref<640x64xf32, #tpu.memory_space<hbm>>
        %dma_start3A_158 = arith.constant 0 : i32
        %dma_start3A_159 = tpu.memref_slice %arg12[%mul3A_153, %dma_start3A_158] : memref<10240x64xf32, #tpu.memory_space<vmem_shared>> -> memref<640x64xf32, #tpu.memory_space<vmem_shared>>
        tpu.enqueue_dma source(%dma_start3A_159 : memref<640x64xf32, #tpu.memory_space<vmem_shared>>) target(%dma_start3A_157 : memref<640x64xf32, #tpu.memory_space<hbm>>) target_semaphore(%run_scoped3A : memref<!tpu.dma_semaphore, #tpu.memory_space<semaphore_mem>>)
        %dma_wait3A_160 = arith.constant 0 : i32
        %dma_wait3A_161 = tpu.memref_slice %arg6[%mul3A_155, %dma_wait3A_160] : memref<10240x64xf32, #tpu.memory_space<hbm>> -> memref<640x64xf32, #tpu.memory_space<hbm>>
        %dma_wait3A_162 = arith.constant 0 : i32
        %dma_wait3A_163 = tpu.memref_slice %arg12[%mul3A_153, %dma_wait3A_162] : memref<10240x64xf32, #tpu.memory_space<vmem_shared>> -> memref<640x64xf32, #tpu.memory_space<vmem_shared>>
        tpu.wait_dma2 semaphore(%run_scoped3A : memref<!tpu.dma_semaphore, #tpu.memory_space<semaphore_mem>>) src(%dma_wait3A_163 : memref<640x64xf32, #tpu.memory_space<vmem_shared>>) dst(%dma_wait3A_161 : memref<640x64xf32, #tpu.memory_space<hbm>>)
        tpu.yield
      }) : () -> ()
    } else {
    }
    %eq3A_147 = arith.constant 1 : i32
    %eq3A_148 = arith.cmpi eq, %arg0, %eq3A_147 : i32
    %convert_element_type3A_149 = arith.extui %eq3A_148 : i1 to i32
    %cond3A_150 = arith.constant 0 : i32
    %cond3A_151 = arith.cmpi ne, %convert_element_type3A_149, %cond3A_150 : i32
    scf.if %cond3A_151 {
      %mul3A_152 = arith.constant 640 : i32
      %mul3A_153 = arith.muli %arg1, %mul3A_152 : i32
      %mul3A_154 = arith.constant 640 : i32
      %mul3A_155 = arith.muli %arg1, %mul3A_154 : i32
      "tpu.region"() ({
        %run_scoped3A = tpu.sem_alloc : memref<!tpu.dma_semaphore, #tpu.memory_space<semaphore_mem>>
        %dma_start3A_156 = arith.constant 0 : i32
        %dma_start3A_157 = tpu.memref_slice %arg7[%mul3A_155, %dma_start3A_156] : memref<10240x64xf32, #tpu.memory_space<hbm>> -> memref<640x64xf32, #tpu.memory_space<hbm>>
        %dma_start3A_158 = arith.constant 0 : i32
        %dma_start3A_159 = tpu.memref_slice %arg12[%mul3A_153, %dma_start3A_158] : memref<10240x64xf32, #tpu.memory_space<vmem_shared>> -> memref<640x64xf32, #tpu.memory_space<vmem_shared>>
        tpu.enqueue_dma source(%dma_start3A_159 : memref<640x64xf32, #tpu.memory_space<vmem_shared>>) target(%dma_start3A_157 : memref<640x64xf32, #tpu.memory_space<hbm>>) target_semaphore(%run_scoped3A : memref<!tpu.dma_semaphore, #tpu.memory_space<semaphore_mem>>)
        %dma_wait3A_160 = arith.constant 0 : i32
        %dma_wait3A_161 = tpu.memref_slice %arg7[%mul3A_155, %dma_wait3A_160] : memref<10240x64xf32, #tpu.memory_space<hbm>> -> memref<640x64xf32, #tpu.memory_space<hbm>>
        %dma_wait3A_162 = arith.constant 0 : i32
        %dma_wait3A_163 = tpu.memref_slice %arg12[%mul3A_153, %dma_wait3A_162] : memref<10240x64xf32, #tpu.memory_space<vmem_shared>> -> memref<640x64xf32, #tpu.memory_space<vmem_shared>>
        tpu.wait_dma2 semaphore(%run_scoped3A : memref<!tpu.dma_semaphore, #tpu.memory_space<semaphore_mem>>) src(%dma_wait3A_163 : memref<640x64xf32, #tpu.memory_space<vmem_shared>>) dst(%dma_wait3A_161 : memref<640x64xf32, #tpu.memory_space<hbm>>)
        tpu.yield
      }) : () -> ()
    } else {
    }
    return
  }
}

#map = affine_map<(d0, d1) -> (0)>
#map1 = affine_map<(d0, d1) -> (0, 0)>
module attributes {stable_mosaic.version = 14 : i64} {
  func.func @_embed_sc(%arg0: i32, %arg1: i32, %arg2: memref<10240xi32, #tpu.memory_space<hbm>>, %arg3: memref<65536x16xf32, #tpu.memory_space<hbm>>, %arg4: memref<10240x16xf32, #tpu.memory_space<hbm>>, %arg5: memref<80xi32, #tpu.memory_space<vmem>>, %arg6: memref<80x16xf32, #tpu.memory_space<vmem>>, %arg7: memref<!tpu.dma_semaphore, #tpu.memory_space<semaphore_mem>>) attributes {dimension_semantics = [#tpu.dimension_semantics<core_parallel>, #tpu.dimension_semantics<subcore_parallel>], iteration_bounds = array<i64: 2, 16>, scalar_prefetch = 0 : i64, scratch_operands = 3 : i64, tpu.core_type = #tpu.core_type<sc_vector_subcore>, window_params = [{transform_indices = #map}, {transform_indices = #map1}, {transform_indices = #map1}]} {
    %mul3A = arith.constant 2 : i32
    %mul3A_0 = arith.muli %arg1, %mul3A : i32
    %add3A = arith.addi %mul3A_0, %arg0 : i32
    %mul3A_1 = arith.constant 320 : i32
    %mul3A_2 = arith.muli %add3A, %mul3A_1 : i32
    %scan3A = arith.constant 0 : i32
    %scan3A_3 = arith.constant 4 : i32
    %scan3A_4 = arith.addi %scan3A, %scan3A_3 : i32
    %scan3A_5 = arith.constant 1 : i32
    scf.for %scan3A_7 = %scan3A to %scan3A_4 step %scan3A_5  : i32 {
      %mul3A_8 = arith.constant 1 : i32
      %mul3A_9 = arith.muli %scan3A_7, %mul3A_8 : i32
      %add3A_10 = arith.constant 0 : i32
      %add3A_11 = arith.addi %add3A_10, %mul3A_9 : i32
      %mul3A_12 = arith.constant 80 : i32
      %mul3A_13 = arith.muli %add3A_11, %mul3A_12 : i32
      %add3A_14 = arith.addi %mul3A_2, %mul3A_13 : i32
      "tpu.region"() ({
        %run_scoped3A = tpu.sem_alloc : memref<!tpu.dma_semaphore, #tpu.memory_space<semaphore_mem>>
        %dma_start3A_19 = tpu.memref_slice %arg2[%add3A_14] : memref<10240xi32, #tpu.memory_space<hbm>> -> memref<80xi32, #tpu.memory_space<hbm>>
        %dma_start3A_20 = tpu.memref_slice %arg2[%add3A_14] : memref<10240xi32, #tpu.memory_space<hbm>> -> memref<80xi32, #tpu.memory_space<hbm>>
        tpu.enqueue_dma source(%dma_start3A_20 : memref<80xi32, #tpu.memory_space<hbm>>) target(%arg5 : memref<80xi32, #tpu.memory_space<vmem>>) target_semaphore(%run_scoped3A : memref<!tpu.dma_semaphore, #tpu.memory_space<semaphore_mem>>)
        %dma_wait3A_21 = tpu.memref_slice %arg2[%add3A_14] : memref<10240xi32, #tpu.memory_space<hbm>> -> memref<80xi32, #tpu.memory_space<hbm>>
        %dma_wait3A_22 = tpu.memref_slice %arg2[%add3A_14] : memref<10240xi32, #tpu.memory_space<hbm>> -> memref<80xi32, #tpu.memory_space<hbm>>
        tpu.wait_dma2 semaphore(%run_scoped3A : memref<!tpu.dma_semaphore, #tpu.memory_space<semaphore_mem>>) src(%dma_wait3A_22 : memref<80xi32, #tpu.memory_space<hbm>>) dst(%arg5 : memref<80xi32, #tpu.memory_space<vmem>>)
        tpu.yield
      }) : () -> ()
      %dma_start3A = arith.constant 0 : i32
      %dma_start3A_15 = arith.constant 0 : i32
      %dma_start3A_16 = tpu.memref_slice %arg3[%dma_start3A, %dma_start3A_15] : memref<65536x16xf32, #tpu.memory_space<hbm>> -> memref<65536x16xf32, #tpu.memory_space<hbm>>
      tpu.enqueue_indirect_dma source(%dma_start3A_16 : memref<65536x16xf32, #tpu.memory_space<hbm>>) target(%arg6 : memref<80x16xf32, #tpu.memory_space<vmem>>) offsets(%arg5 : memref<80xi32, #tpu.memory_space<vmem>>) semaphore(%arg7 : memref<!tpu.dma_semaphore, #tpu.memory_space<semaphore_mem>>)
      %dma_wait3A = arith.constant 0 : i32
      %dma_wait3A_17 = arith.constant 0 : i32
      %dma_wait3A_18 = tpu.memref_slice %arg3[%dma_wait3A, %dma_wait3A_17] : memref<65536x16xf32, #tpu.memory_space<hbm>> -> memref<65536x16xf32, #tpu.memory_space<hbm>>
      tpu.wait_indirect_dma semaphore(%arg7 : memref<!tpu.dma_semaphore, #tpu.memory_space<semaphore_mem>>) src(%dma_wait3A_18 : memref<65536x16xf32, #tpu.memory_space<hbm>>) dst(%arg6 : memref<80x16xf32, #tpu.memory_space<vmem>>)
      "tpu.region"() ({
        %run_scoped3A = tpu.sem_alloc : memref<!tpu.dma_semaphore, #tpu.memory_space<semaphore_mem>>
        %dma_start3A_19 = arith.constant 0 : i32
        %dma_start3A_20 = tpu.memref_slice %arg4[%add3A_14, %dma_start3A_19] : memref<10240x16xf32, #tpu.memory_space<hbm>> -> memref<80x16xf32, #tpu.memory_space<hbm>>
        %dma_start3A_21 = arith.constant 0 : i32
        %dma_start3A_22 = tpu.memref_slice %arg4[%add3A_14, %dma_start3A_21] : memref<10240x16xf32, #tpu.memory_space<hbm>> -> memref<80x16xf32, #tpu.memory_space<hbm>>
        tpu.enqueue_dma source(%arg6 : memref<80x16xf32, #tpu.memory_space<vmem>>) target(%dma_start3A_22 : memref<80x16xf32, #tpu.memory_space<hbm>>) target_semaphore(%run_scoped3A : memref<!tpu.dma_semaphore, #tpu.memory_space<semaphore_mem>>)
        %dma_wait3A_23 = arith.constant 0 : i32
        %dma_wait3A_24 = tpu.memref_slice %arg4[%add3A_14, %dma_wait3A_23] : memref<10240x16xf32, #tpu.memory_space<hbm>> -> memref<80x16xf32, #tpu.memory_space<hbm>>
        %dma_wait3A_25 = arith.constant 0 : i32
        %dma_wait3A_26 = tpu.memref_slice %arg4[%add3A_14, %dma_wait3A_25] : memref<10240x16xf32, #tpu.memory_space<hbm>> -> memref<80x16xf32, #tpu.memory_space<hbm>>
        tpu.wait_dma2 semaphore(%run_scoped3A : memref<!tpu.dma_semaphore, #tpu.memory_space<semaphore_mem>>) src(%arg6 : memref<80x16xf32, #tpu.memory_space<vmem>>) dst(%dma_wait3A_26 : memref<80x16xf32, #tpu.memory_space<hbm>>)
        tpu.yield
      }) : () -> ()
    }
    %scan3A_6 = arith.constant 4 : i32
    return
  }
}

#map = affine_map<(d0, d1) -> (0, 0)>
#map1 = affine_map<(d0, d1) -> (0)>
module attributes {stable_mosaic.version = 14 : i64} {
  func.func @_edge_sc(%arg0: i32, %arg1: i32, %arg2: memref<10240x64xf32, #tpu.memory_space<hbm>>, %arg3: memref<10240x64xf32, #tpu.memory_space<hbm>>, %arg4: memref<655360xi32, #tpu.memory_space<hbm>>, %arg5: memref<10240x64xf32, #tpu.memory_space<hbm>>, %arg6: memref<10240x64xf32, #tpu.memory_space<hbm>>, %arg7: memref<10240x64xf32, #tpu.memory_space<hbm>>, %arg8: memref<4x128xi32, #tpu.memory_space<vmem>>, %arg9: memref<4x128xi32, #tpu.memory_space<vmem>>, %arg10: memref<2x128x64xf32, #tpu.memory_space<vmem>>, %arg11: memref<10240x64xf32, #tpu.memory_space<vmem_shared>>, %arg12: memref<10240x64xf32, #tpu.memory_space<vmem_shared>>, %arg13: memref<4x!tpu.dma_semaphore, #tpu.memory_space<semaphore_mem>>, %arg14: memref<2x!tpu.dma_semaphore, #tpu.memory_space<semaphore_mem>>, %arg15: memref<2x!tpu.dma_semaphore, #tpu.memory_space<semaphore_mem>>) attributes {dimension_semantics = [#tpu.dimension_semantics<core_parallel>, #tpu.dimension_semantics<subcore_parallel>], iteration_bounds = array<i64: 2, 16>, scalar_prefetch = 0 : i64, scratch_operands = 8 : i64, tpu.core_type = #tpu.core_type<sc_vector_subcore>, window_params = [{transform_indices = #map}, {transform_indices = #map}, {transform_indices = #map1}, {transform_indices = #map}, {transform_indices = #map}, {transform_indices = #map}]} {
    %mul3A = arith.constant 640 : i32
    %mul3A_0 = arith.muli %arg1, %mul3A : i32
    %mul3A_1 = arith.constant 640 : i32
    %mul3A_2 = arith.muli %arg1, %mul3A_1 : i32
    "tpu.region"() ({
      %run_scoped3A = tpu.sem_alloc : memref<!tpu.dma_semaphore, #tpu.memory_space<semaphore_mem>>
      %dma_start3A_152 = arith.constant 0 : i32
      %dma_start3A_153 = tpu.memref_slice %arg12[%mul3A_2, %dma_start3A_152] : memref<10240x64xf32, #tpu.memory_space<vmem_shared>> -> memref<640x64xf32, #tpu.memory_space<vmem_shared>>
      %dma_start3A_154 = arith.constant 0 : i32
      %dma_start3A_155 = tpu.memref_slice %arg5[%mul3A_0, %dma_start3A_154] : memref<10240x64xf32, #tpu.memory_space<hbm>> -> memref<640x64xf32, #tpu.memory_space<hbm>>
      tpu.enqueue_dma source(%dma_start3A_155 : memref<640x64xf32, #tpu.memory_space<hbm>>) target(%dma_start3A_153 : memref<640x64xf32, #tpu.memory_space<vmem_shared>>) target_semaphore(%run_scoped3A : memref<!tpu.dma_semaphore, #tpu.memory_space<semaphore_mem>>)
      %dma_wait3A_156 = arith.constant 0 : i32
      %dma_wait3A_157 = tpu.memref_slice %arg12[%mul3A_2, %dma_wait3A_156] : memref<10240x64xf32, #tpu.memory_space<vmem_shared>> -> memref<640x64xf32, #tpu.memory_space<vmem_shared>>
      %dma_wait3A_158 = arith.constant 0 : i32
      %dma_wait3A_159 = tpu.memref_slice %arg5[%mul3A_0, %dma_wait3A_158] : memref<10240x64xf32, #tpu.memory_space<hbm>> -> memref<640x64xf32, #tpu.memory_space<hbm>>
      tpu.wait_dma2 semaphore(%run_scoped3A : memref<!tpu.dma_semaphore, #tpu.memory_space<semaphore_mem>>) src(%dma_wait3A_159 : memref<640x64xf32, #tpu.memory_space<hbm>>) dst(%dma_wait3A_157 : memref<640x64xf32, #tpu.memory_space<vmem_shared>>)
      tpu.yield
    }) : () -> ()
    %eq3A = arith.constant 0 : i32
    %eq3A_3 = arith.cmpi eq, %arg0, %eq3A : i32
    %convert_element_type3A = arith.extui %eq3A_3 : i1 to i32
    %cond3A = arith.constant 0 : i32
    %cond3A_4 = arith.cmpi ne, %convert_element_type3A, %cond3A : i32
    scf.if %cond3A_4 {
      %mul3A_152 = arith.constant 640 : i32
      %mul3A_153 = arith.muli %arg1, %mul3A_152 : i32
      %mul3A_154 = arith.constant 640 : i32
      %mul3A_155 = arith.muli %arg1, %mul3A_154 : i32
      "tpu.region"() ({
        %run_scoped3A = tpu.sem_alloc : memref<!tpu.dma_semaphore, #tpu.memory_space<semaphore_mem>>
        %dma_start3A_156 = arith.constant 0 : i32
        %dma_start3A_157 = tpu.memref_slice %arg11[%mul3A_155, %dma_start3A_156] : memref<10240x64xf32, #tpu.memory_space<vmem_shared>> -> memref<640x64xf32, #tpu.memory_space<vmem_shared>>
        %dma_start3A_158 = arith.constant 0 : i32
        %dma_start3A_159 = tpu.memref_slice %arg2[%mul3A_153, %dma_start3A_158] : memref<10240x64xf32, #tpu.memory_space<hbm>> -> memref<640x64xf32, #tpu.memory_space<hbm>>
        tpu.enqueue_dma source(%dma_start3A_159 : memref<640x64xf32, #tpu.memory_space<hbm>>) target(%dma_start3A_157 : memref<640x64xf32, #tpu.memory_space<vmem_shared>>) target_semaphore(%run_scoped3A : memref<!tpu.dma_semaphore, #tpu.memory_space<semaphore_mem>>)
        %dma_wait3A_160 = arith.constant 0 : i32
        %dma_wait3A_161 = tpu.memref_slice %arg11[%mul3A_155, %dma_wait3A_160] : memref<10240x64xf32, #tpu.memory_space<vmem_shared>> -> memref<640x64xf32, #tpu.memory_space<vmem_shared>>
        %dma_wait3A_162 = arith.constant 0 : i32
        %dma_wait3A_163 = tpu.memref_slice %arg2[%mul3A_153, %dma_wait3A_162] : memref<10240x64xf32, #tpu.memory_space<hbm>> -> memref<640x64xf32, #tpu.memory_space<hbm>>
        tpu.wait_dma2 semaphore(%run_scoped3A : memref<!tpu.dma_semaphore, #tpu.memory_space<semaphore_mem>>) src(%dma_wait3A_163 : memref<640x64xf32, #tpu.memory_space<hbm>>) dst(%dma_wait3A_161 : memref<640x64xf32, #tpu.memory_space<vmem_shared>>)
        tpu.yield
      }) : () -> ()
    } else {
    }
    %eq3A_5 = arith.constant 1 : i32
    %eq3A_6 = arith.cmpi eq, %arg0, %eq3A_5 : i32
    %convert_element_type3A_7 = arith.extui %eq3A_6 : i1 to i32
    %cond3A_8 = arith.constant 0 : i32
    %cond3A_9 = arith.cmpi ne, %convert_element_type3A_7, %cond3A_8 : i32
    scf.if %cond3A_9 {
      %mul3A_152 = arith.constant 640 : i32
      %mul3A_153 = arith.muli %arg1, %mul3A_152 : i32
      %mul3A_154 = arith.constant 640 : i32
      %mul3A_155 = arith.muli %arg1, %mul3A_154 : i32
      "tpu.region"() ({
        %run_scoped3A = tpu.sem_alloc : memref<!tpu.dma_semaphore, #tpu.memory_space<semaphore_mem>>
        %dma_start3A_156 = arith.constant 0 : i32
        %dma_start3A_157 = tpu.memref_slice %arg11[%mul3A_155, %dma_start3A_156] : memref<10240x64xf32, #tpu.memory_space<vmem_shared>> -> memref<640x64xf32, #tpu.memory_space<vmem_shared>>
        %dma_start3A_158 = arith.constant 0 : i32
        %dma_start3A_159 = tpu.memref_slice %arg3[%mul3A_153, %dma_start3A_158] : memref<10240x64xf32, #tpu.memory_space<hbm>> -> memref<640x64xf32, #tpu.memory_space<hbm>>
        tpu.enqueue_dma source(%dma_start3A_159 : memref<640x64xf32, #tpu.memory_space<hbm>>) target(%dma_start3A_157 : memref<640x64xf32, #tpu.memory_space<vmem_shared>>) target_semaphore(%run_scoped3A : memref<!tpu.dma_semaphore, #tpu.memory_space<semaphore_mem>>)
        %dma_wait3A_160 = arith.constant 0 : i32
        %dma_wait3A_161 = tpu.memref_slice %arg11[%mul3A_155, %dma_wait3A_160] : memref<10240x64xf32, #tpu.memory_space<vmem_shared>> -> memref<640x64xf32, #tpu.memory_space<vmem_shared>>
        %dma_wait3A_162 = arith.constant 0 : i32
        %dma_wait3A_163 = tpu.memref_slice %arg3[%mul3A_153, %dma_wait3A_162] : memref<10240x64xf32, #tpu.memory_space<hbm>> -> memref<640x64xf32, #tpu.memory_space<hbm>>
        tpu.wait_dma2 semaphore(%run_scoped3A : memref<!tpu.dma_semaphore, #tpu.memory_space<semaphore_mem>>) src(%dma_wait3A_163 : memref<640x64xf32, #tpu.memory_space<hbm>>) dst(%dma_wait3A_161 : memref<640x64xf32, #tpu.memory_space<vmem_shared>>)
        tpu.yield
      }) : () -> ()
    } else {
    }
    %barrier3A = arith.constant 0 : index
    tpu.barrier barrier_id(%barrier3A)
    %mul3A_10 = arith.constant 160 : i32
    %mul3A_11 = arith.muli %arg1, %mul3A_10 : i32
    %add3A = arith.constant 0 : i32
    %add3A_12 = arith.addi %mul3A_11, %add3A : i32
    %mul3A_13 = arith.constant 128 : i32
    %mul3A_14 = arith.muli %add3A_12, %mul3A_13 : i32
    %dma_start3A = arith.constant 0 : i32
    %dma_start3A_15 = arith.constant 0 : i32
    %dma_start3A_16 = arith.constant 0 : i32
    %dma_start3A_17 = tpu.memref_slice %arg8[%dma_start3A, %dma_start3A_16] : memref<4x128xi32, #tpu.memory_space<vmem>> -> memref<1x128xi32, #tpu.memory_space<vmem>>
    %dma_start3A_18 = tpu.memref_squeeze %dma_start3A_17 : memref<1x128xi32, #tpu.memory_space<vmem>> -> memref<128xi32, #tpu.memory_space<vmem>>
    %dma_start3A_19 = tpu.memref_slice %arg4[%mul3A_14] : memref<655360xi32, #tpu.memory_space<hbm>> -> memref<128xi32, #tpu.memory_space<hbm>>
    %dma_start3A_20 = tpu.memref_slice %arg13[%dma_start3A_15] : memref<4x!tpu.dma_semaphore, #tpu.memory_space<semaphore_mem>> -> memref<1x!tpu.dma_semaphore, #tpu.memory_space<semaphore_mem>>
    %dma_start3A_21 = tpu.memref_squeeze %dma_start3A_20 : memref<1x!tpu.dma_semaphore, #tpu.memory_space<semaphore_mem>> -> memref<!tpu.dma_semaphore, #tpu.memory_space<semaphore_mem>>
    %dma_start3A_22 = arith.constant 0 : i32
    %dma_start3A_23 = tpu.memref_slice %arg8[%dma_start3A, %dma_start3A_22] : memref<4x128xi32, #tpu.memory_space<vmem>> -> memref<1x128xi32, #tpu.memory_space<vmem>>
    %dma_start3A_24 = tpu.memref_squeeze %dma_start3A_23 : memref<1x128xi32, #tpu.memory_space<vmem>> -> memref<128xi32, #tpu.memory_space<vmem>>
    %dma_start3A_25 = tpu.memref_slice %arg4[%mul3A_14] : memref<655360xi32, #tpu.memory_space<hbm>> -> memref<128xi32, #tpu.memory_space<hbm>>
    tpu.enqueue_dma source(%dma_start3A_25 : memref<128xi32, #tpu.memory_space<hbm>>) target(%dma_start3A_24 : memref<128xi32, #tpu.memory_space<vmem>>) target_semaphore(%dma_start3A_21 : memref<!tpu.dma_semaphore, #tpu.memory_space<semaphore_mem>>)
    %add3A_26 = arith.constant 0 : i32
    %add3A_27 = arith.addi %mul3A_11, %add3A_26 : i32
    %mul3A_28 = arith.constant 128 : i32
    %mul3A_29 = arith.muli %add3A_27, %mul3A_28 : i32
    %add3A_30 = arith.constant 327680 : i32
    %add3A_31 = arith.addi %add3A_30, %mul3A_29 : i32
    %dma_start3A_32 = arith.constant 0 : i32
    %dma_start3A_33 = arith.constant 0 : i32
    %dma_start3A_34 = arith.constant 0 : i32
    %dma_start3A_35 = tpu.memref_slice %arg9[%dma_start3A_32, %dma_start3A_34] : memref<4x128xi32, #tpu.memory_space<vmem>> -> memref<1x128xi32, #tpu.memory_space<vmem>>
    %dma_start3A_36 = tpu.memref_squeeze %dma_start3A_35 : memref<1x128xi32, #tpu.memory_space<vmem>> -> memref<128xi32, #tpu.memory_space<vmem>>
    %dma_start3A_37 = tpu.memref_slice %arg4[%add3A_31] : memref<655360xi32, #tpu.memory_space<hbm>> -> memref<128xi32, #tpu.memory_space<hbm>>
    %dma_start3A_38 = tpu.memref_slice %arg13[%dma_start3A_33] : memref<4x!tpu.dma_semaphore, #tpu.memory_space<semaphore_mem>> -> memref<1x!tpu.dma_semaphore, #tpu.memory_space<semaphore_mem>>
    %dma_start3A_39 = tpu.memref_squeeze %dma_start3A_38 : memref<1x!tpu.dma_semaphore, #tpu.memory_space<semaphore_mem>> -> memref<!tpu.dma_semaphore, #tpu.memory_space<semaphore_mem>>
    %dma_start3A_40 = arith.constant 0 : i32
    %dma_start3A_41 = tpu.memref_slice %arg9[%dma_start3A_32, %dma_start3A_40] : memref<4x128xi32, #tpu.memory_space<vmem>> -> memref<1x128xi32, #tpu.memory_space<vmem>>
    %dma_start3A_42 = tpu.memref_squeeze %dma_start3A_41 : memref<1x128xi32, #tpu.memory_space<vmem>> -> memref<128xi32, #tpu.memory_space<vmem>>
    %dma_start3A_43 = tpu.memref_slice %arg4[%add3A_31] : memref<655360xi32, #tpu.memory_space<hbm>> -> memref<128xi32, #tpu.memory_space<hbm>>
    tpu.enqueue_dma source(%dma_start3A_43 : memref<128xi32, #tpu.memory_space<hbm>>) target(%dma_start3A_42 : memref<128xi32, #tpu.memory_space<vmem>>) target_semaphore(%dma_start3A_39 : memref<!tpu.dma_semaphore, #tpu.memory_space<semaphore_mem>>)
    %add3A_44 = arith.constant 1 : i32
    %add3A_45 = arith.addi %mul3A_11, %add3A_44 : i32
    %mul3A_46 = arith.constant 128 : i32
    %mul3A_47 = arith.muli %add3A_45, %mul3A_46 : i32
    %dma_start3A_48 = arith.constant 1 : i32
    %dma_start3A_49 = arith.constant 1 : i32
    %dma_start3A_50 = arith.constant 0 : i32
    %dma_start3A_51 = tpu.memref_slice %arg8[%dma_start3A_48, %dma_start3A_50] : memref<4x128xi32, #tpu.memory_space<vmem>> -> memref<1x128xi32, #tpu.memory_space<vmem>>
    %dma_start3A_52 = tpu.memref_squeeze %dma_start3A_51 : memref<1x128xi32, #tpu.memory_space<vmem>> -> memref<128xi32, #tpu.memory_space<vmem>>
    %dma_start3A_53 = tpu.memref_slice %arg4[%mul3A_47] : memref<655360xi32, #tpu.memory_space<hbm>> -> memref<128xi32, #tpu.memory_space<hbm>>
    %dma_start3A_54 = tpu.memref_slice %arg13[%dma_start3A_49] : memref<4x!tpu.dma_semaphore, #tpu.memory_space<semaphore_mem>> -> memref<1x!tpu.dma_semaphore, #tpu.memory_space<semaphore_mem>>
    %dma_start3A_55 = tpu.memref_squeeze %dma_start3A_54 : memref<1x!tpu.dma_semaphore, #tpu.memory_space<semaphore_mem>> -> memref<!tpu.dma_semaphore, #tpu.memory_space<semaphore_mem>>
    %dma_start3A_56 = arith.constant 0 : i32
    %dma_start3A_57 = tpu.memref_slice %arg8[%dma_start3A_48, %dma_start3A_56] : memref<4x128xi32, #tpu.memory_space<vmem>> -> memref<1x128xi32, #tpu.memory_space<vmem>>
    %dma_start3A_58 = tpu.memref_squeeze %dma_start3A_57 : memref<1x128xi32, #tpu.memory_space<vmem>> -> memref<128xi32, #tpu.memory_space<vmem>>
    %dma_start3A_59 = tpu.memref_slice %arg4[%mul3A_47] : memref<655360xi32, #tpu.memory_space<hbm>> -> memref<128xi32, #tpu.memory_space<hbm>>
    tpu.enqueue_dma source(%dma_start3A_59 : memref<128xi32, #tpu.memory_space<hbm>>) target(%dma_start3A_58 : memref<128xi32, #tpu.memory_space<vmem>>) target_semaphore(%dma_start3A_55 : memref<!tpu.dma_semaphore, #tpu.memory_space<semaphore_mem>>)
    %add3A_60 = arith.constant 1 : i32
    %add3A_61 = arith.addi %mul3A_11, %add3A_60 : i32
    %mul3A_62 = arith.constant 128 : i32
    %mul3A_63 = arith.muli %add3A_61, %mul3A_62 : i32
    %add3A_64 = arith.constant 327680 : i32
    %add3A_65 = arith.addi %add3A_64, %mul3A_63 : i32
    %dma_start3A_66 = arith.constant 1 : i32
    %dma_start3A_67 = arith.constant 1 : i32
    %dma_start3A_68 = arith.constant 0 : i32
    %dma_start3A_69 = tpu.memref_slice %arg9[%dma_start3A_66, %dma_start3A_68] : memref<4x128xi32, #tpu.memory_space<vmem>> -> memref<1x128xi32, #tpu.memory_space<vmem>>
    %dma_start3A_70 = tpu.memref_squeeze %dma_start3A_69 : memref<1x128xi32, #tpu.memory_space<vmem>> -> memref<128xi32, #tpu.memory_space<vmem>>
    %dma_start3A_71 = tpu.memref_slice %arg4[%add3A_65] : memref<655360xi32, #tpu.memory_space<hbm>> -> memref<128xi32, #tpu.memory_space<hbm>>
    %dma_start3A_72 = tpu.memref_slice %arg13[%dma_start3A_67] : memref<4x!tpu.dma_semaphore, #tpu.memory_space<semaphore_mem>> -> memref<1x!tpu.dma_semaphore, #tpu.memory_space<semaphore_mem>>
    %dma_start3A_73 = tpu.memref_squeeze %dma_start3A_72 : memref<1x!tpu.dma_semaphore, #tpu.memory_space<semaphore_mem>> -> memref<!tpu.dma_semaphore, #tpu.memory_space<semaphore_mem>>
    %dma_start3A_74 = arith.constant 0 : i32
    %dma_start3A_75 = tpu.memref_slice %arg9[%dma_start3A_66, %dma_start3A_74] : memref<4x128xi32, #tpu.memory_space<vmem>> -> memref<1x128xi32, #tpu.memory_space<vmem>>
    %dma_start3A_76 = tpu.memref_squeeze %dma_start3A_75 : memref<1x128xi32, #tpu.memory_space<vmem>> -> memref<128xi32, #tpu.memory_space<vmem>>
    %dma_start3A_77 = tpu.memref_slice %arg4[%add3A_65] : memref<655360xi32, #tpu.memory_space<hbm>> -> memref<128xi32, #tpu.memory_space<hbm>>
    tpu.enqueue_dma source(%dma_start3A_77 : memref<128xi32, #tpu.memory_space<hbm>>) target(%dma_start3A_76 : memref<128xi32, #tpu.memory_space<vmem>>) target_semaphore(%dma_start3A_73 : memref<!tpu.dma_semaphore, #tpu.memory_space<semaphore_mem>>)
    %scan3A = arith.constant 0 : i32
    %scan3A_78 = arith.constant 40 : i32
    %scan3A_79 = arith.addi %scan3A, %scan3A_78 : i32
    %scan3A_80 = arith.constant 1 : i32
    scf.for %scan3A_152 = %scan3A to %scan3A_79 step %scan3A_80  : i32 {
      %mul3A_153 = arith.constant 1 : i32
      %mul3A_154 = arith.muli %scan3A_152, %mul3A_153 : i32
      %add3A_155 = arith.constant 0 : i32
      %add3A_156 = arith.addi %add3A_155, %mul3A_154 : i32
      %mul3A_157 = arith.constant 4 : i32
      %mul3A_158 = arith.muli %add3A_156, %mul3A_157 : i32
      %add3A_159 = arith.constant 0 : i32
      %add3A_160 = arith.addi %mul3A_158, %add3A_159 : i32
      %gt3A = arith.constant 0 : i32
      %gt3A_161 = arith.cmpi sgt, %add3A_156, %gt3A : i32
      %convert_element_type3A_162 = arith.extui %gt3A_161 : i1 to i32
      %cond3A_163 = arith.constant 0 : i32
      %cond3A_164 = arith.cmpi ne, %convert_element_type3A_162, %cond3A_163 : i32
      scf.if %cond3A_164 {
        %dma_wait3A_572 = arith.constant 0 : i32
        %dma_wait3A_573 = arith.constant 2 : i32
        %dma_wait3A_574 = arith.constant 0 : i32
        %dma_wait3A_575 = arith.constant 0 : i32
        %dma_wait3A_576 = arith.constant 0 : i32
        %dma_wait3A_577 = tpu.memref_slice %arg10[%dma_wait3A_572, %dma_wait3A_575, %dma_wait3A_576] : memref<2x128x64xf32, #tpu.memory_space<vmem>> -> memref<1x128x64xf32, #tpu.memory_space<vmem>>
        %dma_wait3A_578 = tpu.memref_squeeze %dma_wait3A_577 : memref<1x128x64xf32, #tpu.memory_space<vmem>> -> memref<128x64xf32, #tpu.memory_space<vmem>>
        %dma_wait3A_579 = arith.constant 0 : i32
        %dma_wait3A_580 = tpu.memref_slice %arg9[%dma_wait3A_573, %dma_wait3A_579] : memref<4x128xi32, #tpu.memory_space<vmem>> -> memref<1x128xi32, #tpu.memory_space<vmem>>
        %dma_wait3A_581 = tpu.memref_squeeze %dma_wait3A_580 : memref<1x128xi32, #tpu.memory_space<vmem>> -> memref<128xi32, #tpu.memory_space<vmem>>
        %dma_wait3A_582 = arith.constant 0 : i32
        %dma_wait3A_583 = arith.constant 0 : i32
        %dma_wait3A_584 = tpu.memref_slice %arg12[%dma_wait3A_582, %dma_wait3A_583] : memref<10240x64xf32, #tpu.memory_space<vmem_shared>> -> memref<10240x64xf32, #tpu.memory_space<vmem_shared>>
        %dma_wait3A_585 = tpu.memref_slice %arg15[%dma_wait3A_574] : memref<2x!tpu.dma_semaphore, #tpu.memory_space<semaphore_mem>> -> memref<1x!tpu.dma_semaphore, #tpu.memory_space<semaphore_mem>>
        %dma_wait3A_586 = tpu.memref_squeeze %dma_wait3A_585 : memref<1x!tpu.dma_semaphore, #tpu.memory_space<semaphore_mem>> -> memref<!tpu.dma_semaphore, #tpu.memory_space<semaphore_mem>>
        tpu.wait_indirect_dma semaphore(%dma_wait3A_586 : memref<!tpu.dma_semaphore, #tpu.memory_space<semaphore_mem>>) src(%dma_wait3A_578 : memref<128x64xf32, #tpu.memory_space<vmem>>) dst(%dma_wait3A_584 : memref<10240x64xf32, #tpu.memory_space<vmem_shared>>)
      } else {
      }
      %add3A_165 = arith.addi %mul3A_11, %add3A_160 : i32
      %mul3A_166 = arith.constant 128 : i32
      %mul3A_167 = arith.muli %add3A_165, %mul3A_166 : i32
      %dma_wait3A_168 = arith.constant 0 : i32
      %dma_wait3A_169 = arith.constant 0 : i32
      %dma_wait3A_170 = arith.constant 0 : i32
      %dma_wait3A_171 = tpu.memref_slice %arg8[%dma_wait3A_168, %dma_wait3A_170] : memref<4x128xi32, #tpu.memory_space<vmem>> -> memref<1x128xi32, #tpu.memory_space<vmem>>
      %dma_wait3A_172 = tpu.memref_squeeze %dma_wait3A_171 : memref<1x128xi32, #tpu.memory_space<vmem>> -> memref<128xi32, #tpu.memory_space<vmem>>
      %dma_wait3A_173 = tpu.memref_slice %arg4[%mul3A_167] : memref<655360xi32, #tpu.memory_space<hbm>> -> memref<128xi32, #tpu.memory_space<hbm>>
      %dma_wait3A_174 = tpu.memref_slice %arg13[%dma_wait3A_169] : memref<4x!tpu.dma_semaphore, #tpu.memory_space<semaphore_mem>> -> memref<1x!tpu.dma_semaphore, #tpu.memory_space<semaphore_mem>>
      %dma_wait3A_175 = tpu.memref_squeeze %dma_wait3A_174 : memref<1x!tpu.dma_semaphore, #tpu.memory_space<semaphore_mem>> -> memref<!tpu.dma_semaphore, #tpu.memory_space<semaphore_mem>>
      %dma_wait3A_176 = arith.constant 0 : i32
      %dma_wait3A_177 = tpu.memref_slice %arg8[%dma_wait3A_168, %dma_wait3A_176] : memref<4x128xi32, #tpu.memory_space<vmem>> -> memref<1x128xi32, #tpu.memory_space<vmem>>
      %dma_wait3A_178 = tpu.memref_squeeze %dma_wait3A_177 : memref<1x128xi32, #tpu.memory_space<vmem>> -> memref<128xi32, #tpu.memory_space<vmem>>
      %dma_wait3A_179 = tpu.memref_slice %arg4[%mul3A_167] : memref<655360xi32, #tpu.memory_space<hbm>> -> memref<128xi32, #tpu.memory_space<hbm>>
      tpu.wait_dma2 semaphore(%dma_wait3A_175 : memref<!tpu.dma_semaphore, #tpu.memory_space<semaphore_mem>>) src(%dma_wait3A_179 : memref<128xi32, #tpu.memory_space<hbm>>) dst(%dma_wait3A_178 : memref<128xi32, #tpu.memory_space<vmem>>)
      %add3A_180 = arith.addi %mul3A_11, %add3A_160 : i32
      %mul3A_181 = arith.constant 128 : i32
      %mul3A_182 = arith.muli %add3A_180, %mul3A_181 : i32
      %add3A_183 = arith.constant 327680 : i32
      %add3A_184 = arith.addi %add3A_183, %mul3A_182 : i32
      %dma_wait3A_185 = arith.constant 0 : i32
      %dma_wait3A_186 = arith.constant 0 : i32
      %dma_wait3A_187 = arith.constant 0 : i32
      %dma_wait3A_188 = tpu.memref_slice %arg9[%dma_wait3A_185, %dma_wait3A_187] : memref<4x128xi32, #tpu.memory_space<vmem>> -> memref<1x128xi32, #tpu.memory_space<vmem>>
      %dma_wait3A_189 = tpu.memref_squeeze %dma_wait3A_188 : memref<1x128xi32, #tpu.memory_space<vmem>> -> memref<128xi32, #tpu.memory_space<vmem>>
      %dma_wait3A_190 = tpu.memref_slice %arg4[%add3A_184] : memref<655360xi32, #tpu.memory_space<hbm>> -> memref<128xi32, #tpu.memory_space<hbm>>
      %dma_wait3A_191 = tpu.memref_slice %arg13[%dma_wait3A_186] : memref<4x!tpu.dma_semaphore, #tpu.memory_space<semaphore_mem>> -> memref<1x!tpu.dma_semaphore, #tpu.memory_space<semaphore_mem>>
      %dma_wait3A_192 = tpu.memref_squeeze %dma_wait3A_191 : memref<1x!tpu.dma_semaphore, #tpu.memory_space<semaphore_mem>> -> memref<!tpu.dma_semaphore, #tpu.memory_space<semaphore_mem>>
      %dma_wait3A_193 = arith.constant 0 : i32
      %dma_wait3A_194 = tpu.memref_slice %arg9[%dma_wait3A_185, %dma_wait3A_193] : memref<4x128xi32, #tpu.memory_space<vmem>> -> memref<1x128xi32, #tpu.memory_space<vmem>>
      %dma_wait3A_195 = tpu.memref_squeeze %dma_wait3A_194 : memref<1x128xi32, #tpu.memory_space<vmem>> -> memref<128xi32, #tpu.memory_space<vmem>>
      %dma_wait3A_196 = tpu.memref_slice %arg4[%add3A_184] : memref<655360xi32, #tpu.memory_space<hbm>> -> memref<128xi32, #tpu.memory_space<hbm>>
      tpu.wait_dma2 semaphore(%dma_wait3A_192 : memref<!tpu.dma_semaphore, #tpu.memory_space<semaphore_mem>>) src(%dma_wait3A_196 : memref<128xi32, #tpu.memory_space<hbm>>) dst(%dma_wait3A_195 : memref<128xi32, #tpu.memory_space<vmem>>)
      %dma_start3A_197 = arith.constant 0 : i32
      %dma_start3A_198 = arith.constant 0 : i32
      %dma_start3A_199 = arith.constant 0 : i32
      %dma_start3A_200 = arith.constant 0 : i32
      %dma_start3A_201 = arith.constant 0 : i32
      %dma_start3A_202 = tpu.memref_slice %arg10[%dma_start3A_198, %dma_start3A_200, %dma_start3A_201] : memref<2x128x64xf32, #tpu.memory_space<vmem>> -> memref<1x128x64xf32, #tpu.memory_space<vmem>>
      %dma_start3A_203 = tpu.memref_squeeze %dma_start3A_202 : memref<1x128x64xf32, #tpu.memory_space<vmem>> -> memref<128x64xf32, #tpu.memory_space<vmem>>
      %dma_start3A_204 = arith.constant 0 : i32
      %dma_start3A_205 = tpu.memref_slice %arg8[%dma_start3A_197, %dma_start3A_204] : memref<4x128xi32, #tpu.memory_space<vmem>> -> memref<1x128xi32, #tpu.memory_space<vmem>>
      %dma_start3A_206 = tpu.memref_squeeze %dma_start3A_205 : memref<1x128xi32, #tpu.memory_space<vmem>> -> memref<128xi32, #tpu.memory_space<vmem>>
      %dma_start3A_207 = arith.constant 0 : i32
      %dma_start3A_208 = arith.constant 0 : i32
      %dma_start3A_209 = tpu.memref_slice %arg11[%dma_start3A_207, %dma_start3A_208] : memref<10240x64xf32, #tpu.memory_space<vmem_shared>> -> memref<10240x64xf32, #tpu.memory_space<vmem_shared>>
      %dma_start3A_210 = tpu.memref_slice %arg14[%dma_start3A_199] : memref<2x!tpu.dma_semaphore, #tpu.memory_space<semaphore_mem>> -> memref<1x!tpu.dma_semaphore, #tpu.memory_space<semaphore_mem>>
      %dma_start3A_211 = tpu.memref_squeeze %dma_start3A_210 : memref<1x!tpu.dma_semaphore, #tpu.memory_space<semaphore_mem>> -> memref<!tpu.dma_semaphore, #tpu.memory_space<semaphore_mem>>
      tpu.enqueue_indirect_dma source(%dma_start3A_209 : memref<10240x64xf32, #tpu.memory_space<vmem_shared>>) target(%dma_start3A_203 : memref<128x64xf32, #tpu.memory_space<vmem>>) offsets(%dma_start3A_206 : memref<128xi32, #tpu.memory_space<vmem>>) semaphore(%dma_start3A_211 : memref<!tpu.dma_semaphore, #tpu.memory_space<semaphore_mem>>)
      %add3A_212 = arith.constant 2 : i32
      %add3A_213 = arith.addi %add3A_160, %add3A_212 : i32
      %add3A_214 = arith.addi %mul3A_11, %add3A_213 : i32
      %mul3A_215 = arith.constant 128 : i32
      %mul3A_216 = arith.muli %add3A_214, %mul3A_215 : i32
      %dma_start3A_217 = arith.constant 2 : i32
      %dma_start3A_218 = arith.constant 2 : i32
      %dma_start3A_219 = arith.constant 0 : i32
      %dma_start3A_220 = tpu.memref_slice %arg8[%dma_start3A_217, %dma_start3A_219] : memref<4x128xi32, #tpu.memory_space<vmem>> -> memref<1x128xi32, #tpu.memory_space<vmem>>
      %dma_start3A_221 = tpu.memref_squeeze %dma_start3A_220 : memref<1x128xi32, #tpu.memory_space<vmem>> -> memref<128xi32, #tpu.memory_space<vmem>>
      %dma_start3A_222 = tpu.memref_slice %arg4[%mul3A_216] : memref<655360xi32, #tpu.memory_space<hbm>> -> memref<128xi32, #tpu.memory_space<hbm>>
      %dma_start3A_223 = tpu.memref_slice %arg13[%dma_start3A_218] : memref<4x!tpu.dma_semaphore, #tpu.memory_space<semaphore_mem>> -> memref<1x!tpu.dma_semaphore, #tpu.memory_space<semaphore_mem>>
      %dma_start3A_224 = tpu.memref_squeeze %dma_start3A_223 : memref<1x!tpu.dma_semaphore, #tpu.memory_space<semaphore_mem>> -> memref<!tpu.dma_semaphore, #tpu.memory_space<semaphore_mem>>
      %dma_start3A_225 = arith.constant 0 : i32
      %dma_start3A_226 = tpu.memref_slice %arg8[%dma_start3A_217, %dma_start3A_225] : memref<4x128xi32, #tpu.memory_space<vmem>> -> memref<1x128xi32, #tpu.memory_space<vmem>>
      %dma_start3A_227 = tpu.memref_squeeze %dma_start3A_226 : memref<1x128xi32, #tpu.memory_space<vmem>> -> memref<128xi32, #tpu.memory_space<vmem>>
      %dma_start3A_228 = tpu.memref_slice %arg4[%mul3A_216] : memref<655360xi32, #tpu.memory_space<hbm>> -> memref<128xi32, #tpu.memory_space<hbm>>
      tpu.enqueue_dma source(%dma_start3A_228 : memref<128xi32, #tpu.memory_space<hbm>>) target(%dma_start3A_227 : memref<128xi32, #tpu.memory_space<vmem>>) target_semaphore(%dma_start3A_224 : memref<!tpu.dma_semaphore, #tpu.memory_space<semaphore_mem>>)
      %add3A_229 = arith.addi %mul3A_11, %add3A_213 : i32
      %mul3A_230 = arith.constant 128 : i32
      %mul3A_231 = arith.muli %add3A_229, %mul3A_230 : i32
      %add3A_232 = arith.constant 327680 : i32
      %add3A_233 = arith.addi %add3A_232, %mul3A_231 : i32
      %dma_start3A_234 = arith.constant 2 : i32
      %dma_start3A_235 = arith.constant 2 : i32
      %dma_start3A_236 = arith.constant 0 : i32
      %dma_start3A_237 = tpu.memref_slice %arg9[%dma_start3A_234, %dma_start3A_236] : memref<4x128xi32, #tpu.memory_space<vmem>> -> memref<1x128xi32, #tpu.memory_space<vmem>>
      %dma_start3A_238 = tpu.memref_squeeze %dma_start3A_237 : memref<1x128xi32, #tpu.memory_space<vmem>> -> memref<128xi32, #tpu.memory_space<vmem>>
      %dma_start3A_239 = tpu.memref_slice %arg4[%add3A_233] : memref<655360xi32, #tpu.memory_space<hbm>> -> memref<128xi32, #tpu.memory_space<hbm>>
      %dma_start3A_240 = tpu.memref_slice %arg13[%dma_start3A_235] : memref<4x!tpu.dma_semaphore, #tpu.memory_space<semaphore_mem>> -> memref<1x!tpu.dma_semaphore, #tpu.memory_space<semaphore_mem>>
      %dma_start3A_241 = tpu.memref_squeeze %dma_start3A_240 : memref<1x!tpu.dma_semaphore, #tpu.memory_space<semaphore_mem>> -> memref<!tpu.dma_semaphore, #tpu.memory_space<semaphore_mem>>
      %dma_start3A_242 = arith.constant 0 : i32
      %dma_start3A_243 = tpu.memref_slice %arg9[%dma_start3A_234, %dma_start3A_242] : memref<4x128xi32, #tpu.memory_space<vmem>> -> memref<1x128xi32, #tpu.memory_space<vmem>>
      %dma_start3A_244 = tpu.memref_squeeze %dma_start3A_243 : memref<1x128xi32, #tpu.memory_space<vmem>> -> memref<128xi32, #tpu.memory_space<vmem>>
      %dma_start3A_245 = tpu.memref_slice %arg4[%add3A_233] : memref<655360xi32, #tpu.memory_space<hbm>> -> memref<128xi32, #tpu.memory_space<hbm>>
      tpu.enqueue_dma source(%dma_start3A_245 : memref<128xi32, #tpu.memory_space<hbm>>) target(%dma_start3A_244 : memref<128xi32, #tpu.memory_space<vmem>>) target_semaphore(%dma_start3A_241 : memref<!tpu.dma_semaphore, #tpu.memory_space<semaphore_mem>>)
      %gt3A_246 = arith.constant 0 : i32
      %gt3A_247 = arith.cmpi sgt, %add3A_156, %gt3A_246 : i32
      %convert_element_type3A_248 = arith.extui %gt3A_247 : i1 to i32
      %cond3A_249 = arith.constant 0 : i32
      %cond3A_250 = arith.cmpi ne, %convert_element_type3A_248, %cond3A_249 : i32
      scf.if %cond3A_250 {
        %dma_wait3A_572 = arith.constant 3 : i32
        %dma_wait3A_573 = arith.constant 1 : i32
        %dma_wait3A_574 = arith.constant 1 : i32
        %dma_wait3A_575 = arith.constant 0 : i32
        %dma_wait3A_576 = arith.constant 0 : i32
        %dma_wait3A_577 = tpu.memref_slice %arg10[%dma_wait3A_573, %dma_wait3A_575, %dma_wait3A_576] : memref<2x128x64xf32, #tpu.memory_space<vmem>> -> memref<1x128x64xf32, #tpu.memory_space<vmem>>
        %dma_wait3A_578 = tpu.memref_squeeze %dma_wait3A_577 : memref<1x128x64xf32, #tpu.memory_space<vmem>> -> memref<128x64xf32, #tpu.memory_space<vmem>>
        %dma_wait3A_579 = arith.constant 0 : i32
        %dma_wait3A_580 = tpu.memref_slice %arg8[%dma_wait3A_572, %dma_wait3A_579] : memref<4x128xi32, #tpu.memory_space<vmem>> -> memref<1x128xi32, #tpu.memory_space<vmem>>
        %dma_wait3A_581 = tpu.memref_squeeze %dma_wait3A_580 : memref<1x128xi32, #tpu.memory_space<vmem>> -> memref<128xi32, #tpu.memory_space<vmem>>
        %dma_wait3A_582 = arith.constant 0 : i32
        %dma_wait3A_583 = arith.constant 0 : i32
        %dma_wait3A_584 = tpu.memref_slice %arg11[%dma_wait3A_582, %dma_wait3A_583] : memref<10240x64xf32, #tpu.memory_space<vmem_shared>> -> memref<10240x64xf32, #tpu.memory_space<vmem_shared>>
        %dma_wait3A_585 = tpu.memref_slice %arg14[%dma_wait3A_574] : memref<2x!tpu.dma_semaphore, #tpu.memory_space<semaphore_mem>> -> memref<1x!tpu.dma_semaphore, #tpu.memory_space<semaphore_mem>>
        %dma_wait3A_586 = tpu.memref_squeeze %dma_wait3A_585 : memref<1x!tpu.dma_semaphore, #tpu.memory_space<semaphore_mem>> -> memref<!tpu.dma_semaphore, #tpu.memory_space<semaphore_mem>>
        tpu.wait_indirect_dma semaphore(%dma_wait3A_586 : memref<!tpu.dma_semaphore, #tpu.memory_space<semaphore_mem>>) src(%dma_wait3A_584 : memref<10240x64xf32, #tpu.memory_space<vmem_shared>>) dst(%dma_wait3A_578 : memref<128x64xf32, #tpu.memory_space<vmem>>)
        %dma_start3A_587 = arith.constant 1 : i32
        %dma_start3A_588 = arith.constant 3 : i32
        %dma_start3A_589 = arith.constant 1 : i32
        %dma_start3A_590 = arith.constant 0 : i32
        %dma_start3A_591 = arith.constant 0 : i32
        %dma_start3A_592 = tpu.memref_slice %arg10[%dma_start3A_587, %dma_start3A_590, %dma_start3A_591] : memref<2x128x64xf32, #tpu.memory_space<vmem>> -> memref<1x128x64xf32, #tpu.memory_space<vmem>>
        %dma_start3A_593 = tpu.memref_squeeze %dma_start3A_592 : memref<1x128x64xf32, #tpu.memory_space<vmem>> -> memref<128x64xf32, #tpu.memory_space<vmem>>
        %dma_start3A_594 = arith.constant 0 : i32
        %dma_start3A_595 = tpu.memref_slice %arg9[%dma_start3A_588, %dma_start3A_594] : memref<4x128xi32, #tpu.memory_space<vmem>> -> memref<1x128xi32, #tpu.memory_space<vmem>>
        %dma_start3A_596 = tpu.memref_squeeze %dma_start3A_595 : memref<1x128xi32, #tpu.memory_space<vmem>> -> memref<128xi32, #tpu.memory_space<vmem>>
        %dma_start3A_597 = arith.constant 0 : i32
        %dma_start3A_598 = arith.constant 0 : i32
        %dma_start3A_599 = tpu.memref_slice %arg12[%dma_start3A_597, %dma_start3A_598] : memref<10240x64xf32, #tpu.memory_space<vmem_shared>> -> memref<10240x64xf32, #tpu.memory_space<vmem_shared>>
        %dma_start3A_600 = tpu.memref_slice %arg15[%dma_start3A_589] : memref<2x!tpu.dma_semaphore, #tpu.memory_space<semaphore_mem>> -> memref<1x!tpu.dma_semaphore, #tpu.memory_space<semaphore_mem>>
        %dma_start3A_601 = tpu.memref_squeeze %dma_start3A_600 : memref<1x!tpu.dma_semaphore, #tpu.memory_space<semaphore_mem>> -> memref<!tpu.dma_semaphore, #tpu.memory_space<semaphore_mem>>
        tpu.enqueue_indirect_dma source(%dma_start3A_593 : memref<128x64xf32, #tpu.memory_space<vmem>>) target(%dma_start3A_599 : memref<10240x64xf32, #tpu.memory_space<vmem_shared>>) offsets(%dma_start3A_596 : memref<128xi32, #tpu.memory_space<vmem>>) semaphore(%dma_start3A_601 : memref<!tpu.dma_semaphore, #tpu.memory_space<semaphore_mem>>) {add = true}
      } else {
      }
      %mul3A_251 = arith.constant 4 : i32
      %mul3A_252 = arith.muli %add3A_156, %mul3A_251 : i32
      %add3A_253 = arith.constant 1 : i32
      %add3A_254 = arith.addi %mul3A_252, %add3A_253 : i32
      %gt3A_255 = arith.constant 0 : i32
      %gt3A_256 = arith.cmpi sgt, %add3A_156, %gt3A_255 : i32
      %convert_element_type3A_257 = arith.extui %gt3A_256 : i1 to i32
      %cond3A_258 = arith.constant 0 : i32
      %cond3A_259 = arith.cmpi ne, %convert_element_type3A_257, %cond3A_258 : i32
      scf.if %cond3A_259 {
        %dma_wait3A_572 = arith.constant 1 : i32
        %dma_wait3A_573 = arith.constant 3 : i32
        %dma_wait3A_574 = arith.constant 1 : i32
        %dma_wait3A_575 = arith.constant 0 : i32
        %dma_wait3A_576 = arith.constant 0 : i32
        %dma_wait3A_577 = tpu.memref_slice %arg10[%dma_wait3A_572, %dma_wait3A_575, %dma_wait3A_576] : memref<2x128x64xf32, #tpu.memory_space<vmem>> -> memref<1x128x64xf32, #tpu.memory_space<vmem>>
        %dma_wait3A_578 = tpu.memref_squeeze %dma_wait3A_577 : memref<1x128x64xf32, #tpu.memory_space<vmem>> -> memref<128x64xf32, #tpu.memory_space<vmem>>
        %dma_wait3A_579 = arith.constant 0 : i32
        %dma_wait3A_580 = tpu.memref_slice %arg9[%dma_wait3A_573, %dma_wait3A_579] : memref<4x128xi32, #tpu.memory_space<vmem>> -> memref<1x128xi32, #tpu.memory_space<vmem>>
        %dma_wait3A_581 = tpu.memref_squeeze %dma_wait3A_580 : memref<1x128xi32, #tpu.memory_space<vmem>> -> memref<128xi32, #tpu.memory_space<vmem>>
        %dma_wait3A_582 = arith.constant 0 : i32
        %dma_wait3A_583 = arith.constant 0 : i32
        %dma_wait3A_584 = tpu.memref_slice %arg12[%dma_wait3A_582, %dma_wait3A_583] : memref<10240x64xf32, #tpu.memory_space<vmem_shared>> -> memref<10240x64xf32, #tpu.memory_space<vmem_shared>>
        %dma_wait3A_585 = tpu.memref_slice %arg15[%dma_wait3A_574] : memref<2x!tpu.dma_semaphore, #tpu.memory_space<semaphore_mem>> -> memref<1x!tpu.dma_semaphore, #tpu.memory_space<semaphore_mem>>
        %dma_wait3A_586 = tpu.memref_squeeze %dma_wait3A_585 : memref<1x!tpu.dma_semaphore, #tpu.memory_space<semaphore_mem>> -> memref<!tpu.dma_semaphore, #tpu.memory_space<semaphore_mem>>
        tpu.wait_indirect_dma semaphore(%dma_wait3A_586 : memref<!tpu.dma_semaphore, #tpu.memory_space<semaphore_mem>>) src(%dma_wait3A_578 : memref<128x64xf32, #tpu.memory_space<vmem>>) dst(%dma_wait3A_584 : memref<10240x64xf32, #tpu.memory_space<vmem_shared>>)
      } else {
      }
      %add3A_260 = arith.addi %mul3A_11, %add3A_254 : i32
      %mul3A_261 = arith.constant 128 : i32
      %mul3A_262 = arith.muli %add3A_260, %mul3A_261 : i32
      %dma_wait3A_263 = arith.constant 1 : i32
      %dma_wait3A_264 = arith.constant 1 : i32
      %dma_wait3A_265 = arith.constant 0 : i32
      %dma_wait3A_266 = tpu.memref_slice %arg8[%dma_wait3A_263, %dma_wait3A_265] : memref<4x128xi32, #tpu.memory_space<vmem>> -> memref<1x128xi32, #tpu.memory_space<vmem>>
      %dma_wait3A_267 = tpu.memref_squeeze %dma_wait3A_266 : memref<1x128xi32, #tpu.memory_space<vmem>> -> memref<128xi32, #tpu.memory_space<vmem>>
      %dma_wait3A_268 = tpu.memref_slice %arg4[%mul3A_262] : memref<655360xi32, #tpu.memory_space<hbm>> -> memref<128xi32, #tpu.memory_space<hbm>>
      %dma_wait3A_269 = tpu.memref_slice %arg13[%dma_wait3A_264] : memref<4x!tpu.dma_semaphore, #tpu.memory_space<semaphore_mem>> -> memref<1x!tpu.dma_semaphore, #tpu.memory_space<semaphore_mem>>
      %dma_wait3A_270 = tpu.memref_squeeze %dma_wait3A_269 : memref<1x!tpu.dma_semaphore, #tpu.memory_space<semaphore_mem>> -> memref<!tpu.dma_semaphore, #tpu.memory_space<semaphore_mem>>
      %dma_wait3A_271 = arith.constant 0 : i32
      %dma_wait3A_272 = tpu.memref_slice %arg8[%dma_wait3A_263, %dma_wait3A_271] : memref<4x128xi32, #tpu.memory_space<vmem>> -> memref<1x128xi32, #tpu.memory_space<vmem>>
      %dma_wait3A_273 = tpu.memref_squeeze %dma_wait3A_272 : memref<1x128xi32, #tpu.memory_space<vmem>> -> memref<128xi32, #tpu.memory_space<vmem>>
      %dma_wait3A_274 = tpu.memref_slice %arg4[%mul3A_262] : memref<655360xi32, #tpu.memory_space<hbm>> -> memref<128xi32, #tpu.memory_space<hbm>>
      tpu.wait_dma2 semaphore(%dma_wait3A_270 : memref<!tpu.dma_semaphore, #tpu.memory_space<semaphore_mem>>) src(%dma_wait3A_274 : memref<128xi32, #tpu.memory_space<hbm>>) dst(%dma_wait3A_273 : memref<128xi32, #tpu.memory_space<vmem>>)
      %add3A_275 = arith.addi %mul3A_11, %add3A_254 : i32
      %mul3A_276 = arith.constant 128 : i32
      %mul3A_277 = arith.muli %add3A_275, %mul3A_276 : i32
      %add3A_278 = arith.constant 327680 : i32
      %add3A_279 = arith.addi %add3A_278, %mul3A_277 : i32
      %dma_wait3A_280 = arith.constant 1 : i32
      %dma_wait3A_281 = arith.constant 1 : i32
      %dma_wait3A_282 = arith.constant 0 : i32
      %dma_wait3A_283 = tpu.memref_slice %arg9[%dma_wait3A_280, %dma_wait3A_282] : memref<4x128xi32, #tpu.memory_space<vmem>> -> memref<1x128xi32, #tpu.memory_space<vmem>>
      %dma_wait3A_284 = tpu.memref_squeeze %dma_wait3A_283 : memref<1x128xi32, #tpu.memory_space<vmem>> -> memref<128xi32, #tpu.memory_space<vmem>>
      %dma_wait3A_285 = tpu.memref_slice %arg4[%add3A_279] : memref<655360xi32, #tpu.memory_space<hbm>> -> memref<128xi32, #tpu.memory_space<hbm>>
      %dma_wait3A_286 = tpu.memref_slice %arg13[%dma_wait3A_281] : memref<4x!tpu.dma_semaphore, #tpu.memory_space<semaphore_mem>> -> memref<1x!tpu.dma_semaphore, #tpu.memory_space<semaphore_mem>>
      %dma_wait3A_287 = tpu.memref_squeeze %dma_wait3A_286 : memref<1x!tpu.dma_semaphore, #tpu.memory_space<semaphore_mem>> -> memref<!tpu.dma_semaphore, #tpu.memory_space<semaphore_mem>>
      %dma_wait3A_288 = arith.constant 0 : i32
      %dma_wait3A_289 = tpu.memref_slice %arg9[%dma_wait3A_280, %dma_wait3A_288] : memref<4x128xi32, #tpu.memory_space<vmem>> -> memref<1x128xi32, #tpu.memory_space<vmem>>
      %dma_wait3A_290 = tpu.memref_squeeze %dma_wait3A_289 : memref<1x128xi32, #tpu.memory_space<vmem>> -> memref<128xi32, #tpu.memory_space<vmem>>
      %dma_wait3A_291 = tpu.memref_slice %arg4[%add3A_279] : memref<655360xi32, #tpu.memory_space<hbm>> -> memref<128xi32, #tpu.memory_space<hbm>>
      tpu.wait_dma2 semaphore(%dma_wait3A_287 : memref<!tpu.dma_semaphore, #tpu.memory_space<semaphore_mem>>) src(%dma_wait3A_291 : memref<128xi32, #tpu.memory_space<hbm>>) dst(%dma_wait3A_290 : memref<128xi32, #tpu.memory_space<vmem>>)
      %dma_start3A_292 = arith.constant 1 : i32
      %dma_start3A_293 = arith.constant 1 : i32
      %dma_start3A_294 = arith.constant 1 : i32
      %dma_start3A_295 = arith.constant 0 : i32
      %dma_start3A_296 = arith.constant 0 : i32
      %dma_start3A_297 = tpu.memref_slice %arg10[%dma_start3A_293, %dma_start3A_295, %dma_start3A_296] : memref<2x128x64xf32, #tpu.memory_space<vmem>> -> memref<1x128x64xf32, #tpu.memory_space<vmem>>
      %dma_start3A_298 = tpu.memref_squeeze %dma_start3A_297 : memref<1x128x64xf32, #tpu.memory_space<vmem>> -> memref<128x64xf32, #tpu.memory_space<vmem>>
      %dma_start3A_299 = arith.constant 0 : i32
      %dma_start3A_300 = tpu.memref_slice %arg8[%dma_start3A_292, %dma_start3A_299] : memref<4x128xi32, #tpu.memory_space<vmem>> -> memref<1x128xi32, #tpu.memory_space<vmem>>
      %dma_start3A_301 = tpu.memref_squeeze %dma_start3A_300 : memref<1x128xi32, #tpu.memory_space<vmem>> -> memref<128xi32, #tpu.memory_space<vmem>>
      %dma_start3A_302 = arith.constant 0 : i32
      %dma_start3A_303 = arith.constant 0 : i32
      %dma_start3A_304 = tpu.memref_slice %arg11[%dma_start3A_302, %dma_start3A_303] : memref<10240x64xf32, #tpu.memory_space<vmem_shared>> -> memref<10240x64xf32, #tpu.memory_space<vmem_shared>>
      %dma_start3A_305 = tpu.memref_slice %arg14[%dma_start3A_294] : memref<2x!tpu.dma_semaphore, #tpu.memory_space<semaphore_mem>> -> memref<1x!tpu.dma_semaphore, #tpu.memory_space<semaphore_mem>>
      %dma_start3A_306 = tpu.memref_squeeze %dma_start3A_305 : memref<1x!tpu.dma_semaphore, #tpu.memory_space<semaphore_mem>> -> memref<!tpu.dma_semaphore, #tpu.memory_space<semaphore_mem>>
      tpu.enqueue_indirect_dma source(%dma_start3A_304 : memref<10240x64xf32, #tpu.memory_space<vmem_shared>>) target(%dma_start3A_298 : memref<128x64xf32, #tpu.memory_space<vmem>>) offsets(%dma_start3A_301 : memref<128xi32, #tpu.memory_space<vmem>>) semaphore(%dma_start3A_306 : memref<!tpu.dma_semaphore, #tpu.memory_space<semaphore_mem>>)
      %add3A_307 = arith.constant 2 : i32
      %add3A_308 = arith.addi %add3A_254, %add3A_307 : i32
      %add3A_309 = arith.addi %mul3A_11, %add3A_308 : i32
      %mul3A_310 = arith.constant 128 : i32
      %mul3A_311 = arith.muli %add3A_309, %mul3A_310 : i32
      %dma_start3A_312 = arith.constant 3 : i32
      %dma_start3A_313 = arith.constant 3 : i32
      %dma_start3A_314 = arith.constant 0 : i32
      %dma_start3A_315 = tpu.memref_slice %arg8[%dma_start3A_312, %dma_start3A_314] : memref<4x128xi32, #tpu.memory_space<vmem>> -> memref<1x128xi32, #tpu.memory_space<vmem>>
      %dma_start3A_316 = tpu.memref_squeeze %dma_start3A_315 : memref<1x128xi32, #tpu.memory_space<vmem>> -> memref<128xi32, #tpu.memory_space<vmem>>
      %dma_start3A_317 = tpu.memref_slice %arg4[%mul3A_311] : memref<655360xi32, #tpu.memory_space<hbm>> -> memref<128xi32, #tpu.memory_space<hbm>>
      %dma_start3A_318 = tpu.memref_slice %arg13[%dma_start3A_313] : memref<4x!tpu.dma_semaphore, #tpu.memory_space<semaphore_mem>> -> memref<1x!tpu.dma_semaphore, #tpu.memory_space<semaphore_mem>>
      %dma_start3A_319 = tpu.memref_squeeze %dma_start3A_318 : memref<1x!tpu.dma_semaphore, #tpu.memory_space<semaphore_mem>> -> memref<!tpu.dma_semaphore, #tpu.memory_space<semaphore_mem>>
      %dma_start3A_320 = arith.constant 0 : i32
      %dma_start3A_321 = tpu.memref_slice %arg8[%dma_start3A_312, %dma_start3A_320] : memref<4x128xi32, #tpu.memory_space<vmem>> -> memref<1x128xi32, #tpu.memory_space<vmem>>
      %dma_start3A_322 = tpu.memref_squeeze %dma_start3A_321 : memref<1x128xi32, #tpu.memory_space<vmem>> -> memref<128xi32, #tpu.memory_space<vmem>>
      %dma_start3A_323 = tpu.memref_slice %arg4[%mul3A_311] : memref<655360xi32, #tpu.memory_space<hbm>> -> memref<128xi32, #tpu.memory_space<hbm>>
      tpu.enqueue_dma source(%dma_start3A_323 : memref<128xi32, #tpu.memory_space<hbm>>) target(%dma_start3A_322 : memref<128xi32, #tpu.memory_space<vmem>>) target_semaphore(%dma_start3A_319 : memref<!tpu.dma_semaphore, #tpu.memory_space<semaphore_mem>>)
      %add3A_324 = arith.addi %mul3A_11, %add3A_308 : i32
      %mul3A_325 = arith.constant 128 : i32
      %mul3A_326 = arith.muli %add3A_324, %mul3A_325 : i32
      %add3A_327 = arith.constant 327680 : i32
      %add3A_328 = arith.addi %add3A_327, %mul3A_326 : i32
      %dma_start3A_329 = arith.constant 3 : i32
      %dma_start3A_330 = arith.constant 3 : i32
      %dma_start3A_331 = arith.constant 0 : i32
      %dma_start3A_332 = tpu.memref_slice %arg9[%dma_start3A_329, %dma_start3A_331] : memref<4x128xi32, #tpu.memory_space<vmem>> -> memref<1x128xi32, #tpu.memory_space<vmem>>
      %dma_start3A_333 = tpu.memref_squeeze %dma_start3A_332 : memref<1x128xi32, #tpu.memory_space<vmem>> -> memref<128xi32, #tpu.memory_space<vmem>>
      %dma_start3A_334 = tpu.memref_slice %arg4[%add3A_328] : memref<655360xi32, #tpu.memory_space<hbm>> -> memref<128xi32, #tpu.memory_space<hbm>>
      %dma_start3A_335 = tpu.memref_slice %arg13[%dma_start3A_330] : memref<4x!tpu.dma_semaphore, #tpu.memory_space<semaphore_mem>> -> memref<1x!tpu.dma_semaphore, #tpu.memory_space<semaphore_mem>>
      %dma_start3A_336 = tpu.memref_squeeze %dma_start3A_335 : memref<1x!tpu.dma_semaphore, #tpu.memory_space<semaphore_mem>> -> memref<!tpu.dma_semaphore, #tpu.memory_space<semaphore_mem>>
      %dma_start3A_337 = arith.constant 0 : i32
      %dma_start3A_338 = tpu.memref_slice %arg9[%dma_start3A_329, %dma_start3A_337] : memref<4x128xi32, #tpu.memory_space<vmem>> -> memref<1x128xi32, #tpu.memory_space<vmem>>
      %dma_start3A_339 = tpu.memref_squeeze %dma_start3A_338 : memref<1x128xi32, #tpu.memory_space<vmem>> -> memref<128xi32, #tpu.memory_space<vmem>>
      %dma_start3A_340 = tpu.memref_slice %arg4[%add3A_328] : memref<655360xi32, #tpu.memory_space<hbm>> -> memref<128xi32, #tpu.memory_space<hbm>>
      tpu.enqueue_dma source(%dma_start3A_340 : memref<128xi32, #tpu.memory_space<hbm>>) target(%dma_start3A_339 : memref<128xi32, #tpu.memory_space<vmem>>) target_semaphore(%dma_start3A_336 : memref<!tpu.dma_semaphore, #tpu.memory_space<semaphore_mem>>)
      %dma_wait3A_341 = arith.constant 0 : i32
      %dma_wait3A_342 = arith.constant 0 : i32
      %dma_wait3A_343 = arith.constant 0 : i32
      %dma_wait3A_344 = arith.constant 0 : i32
      %dma_wait3A_345 = arith.constant 0 : i32
      %dma_wait3A_346 = tpu.memref_slice %arg10[%dma_wait3A_342, %dma_wait3A_344, %dma_wait3A_345] : memref<2x128x64xf32, #tpu.memory_space<vmem>> -> memref<1x128x64xf32, #tpu.memory_space<vmem>>
      %dma_wait3A_347 = tpu.memref_squeeze %dma_wait3A_346 : memref<1x128x64xf32, #tpu.memory_space<vmem>> -> memref<128x64xf32, #tpu.memory_space<vmem>>
      %dma_wait3A_348 = arith.constant 0 : i32
      %dma_wait3A_349 = tpu.memref_slice %arg8[%dma_wait3A_341, %dma_wait3A_348] : memref<4x128xi32, #tpu.memory_space<vmem>> -> memref<1x128xi32, #tpu.memory_space<vmem>>
      %dma_wait3A_350 = tpu.memref_squeeze %dma_wait3A_349 : memref<1x128xi32, #tpu.memory_space<vmem>> -> memref<128xi32, #tpu.memory_space<vmem>>
      %dma_wait3A_351 = arith.constant 0 : i32
      %dma_wait3A_352 = arith.constant 0 : i32
      %dma_wait3A_353 = tpu.memref_slice %arg11[%dma_wait3A_351, %dma_wait3A_352] : memref<10240x64xf32, #tpu.memory_space<vmem_shared>> -> memref<10240x64xf32, #tpu.memory_space<vmem_shared>>
      %dma_wait3A_354 = tpu.memref_slice %arg14[%dma_wait3A_343] : memref<2x!tpu.dma_semaphore, #tpu.memory_space<semaphore_mem>> -> memref<1x!tpu.dma_semaphore, #tpu.memory_space<semaphore_mem>>
      %dma_wait3A_355 = tpu.memref_squeeze %dma_wait3A_354 : memref<1x!tpu.dma_semaphore, #tpu.memory_space<semaphore_mem>> -> memref<!tpu.dma_semaphore, #tpu.memory_space<semaphore_mem>>
      tpu.wait_indirect_dma semaphore(%dma_wait3A_355 : memref<!tpu.dma_semaphore, #tpu.memory_space<semaphore_mem>>) src(%dma_wait3A_353 : memref<10240x64xf32, #tpu.memory_space<vmem_shared>>) dst(%dma_wait3A_347 : memref<128x64xf32, #tpu.memory_space<vmem>>)
      %dma_start3A_356 = arith.constant 0 : i32
      %dma_start3A_357 = arith.constant 0 : i32
      %dma_start3A_358 = arith.constant 0 : i32
      %dma_start3A_359 = arith.constant 0 : i32
      %dma_start3A_360 = arith.constant 0 : i32
      %dma_start3A_361 = tpu.memref_slice %arg10[%dma_start3A_356, %dma_start3A_359, %dma_start3A_360] : memref<2x128x64xf32, #tpu.memory_space<vmem>> -> memref<1x128x64xf32, #tpu.memory_space<vmem>>
      %dma_start3A_362 = tpu.memref_squeeze %dma_start3A_361 : memref<1x128x64xf32, #tpu.memory_space<vmem>> -> memref<128x64xf32, #tpu.memory_space<vmem>>
      %dma_start3A_363 = arith.constant 0 : i32
      %dma_start3A_364 = tpu.memref_slice %arg9[%dma_start3A_357, %dma_start3A_363] : memref<4x128xi32, #tpu.memory_space<vmem>> -> memref<1x128xi32, #tpu.memory_space<vmem>>
      %dma_start3A_365 = tpu.memref_squeeze %dma_start3A_364 : memref<1x128xi32, #tpu.memory_space<vmem>> -> memref<128xi32, #tpu.memory_space<vmem>>
      %dma_start3A_366 = arith.constant 0 : i32
      %dma_start3A_367 = arith.constant 0 : i32
      %dma_start3A_368 = tpu.memref_slice %arg12[%dma_start3A_366, %dma_start3A_367] : memref<10240x64xf32, #tpu.memory_space<vmem_shared>> -> memref<10240x64xf32, #tpu.memory_space<vmem_shared>>
      %dma_start3A_369 = tpu.memref_slice %arg15[%dma_start3A_358] : memref<2x!tpu.dma_semaphore, #tpu.memory_space<semaphore_mem>> -> memref<1x!tpu.dma_semaphore, #tpu.memory_space<semaphore_mem>>
      %dma_start3A_370 = tpu.memref_squeeze %dma_start3A_369 : memref<1x!tpu.dma_semaphore, #tpu.memory_space<semaphore_mem>> -> memref<!tpu.dma_semaphore, #tpu.memory_space<semaphore_mem>>
      tpu.enqueue_indirect_dma source(%dma_start3A_362 : memref<128x64xf32, #tpu.memory_space<vmem>>) target(%dma_start3A_368 : memref<10240x64xf32, #tpu.memory_space<vmem_shared>>) offsets(%dma_start3A_365 : memref<128xi32, #tpu.memory_space<vmem>>) semaphore(%dma_start3A_370 : memref<!tpu.dma_semaphore, #tpu.memory_space<semaphore_mem>>) {add = true}
      %mul3A_371 = arith.constant 4 : i32
      %mul3A_372 = arith.muli %add3A_156, %mul3A_371 : i32
      %add3A_373 = arith.constant 2 : i32
      %add3A_374 = arith.addi %mul3A_372, %add3A_373 : i32
      %dma_wait3A_375 = arith.constant 0 : i32
      %dma_wait3A_376 = arith.constant 0 : i32
      %dma_wait3A_377 = arith.constant 0 : i32
      %dma_wait3A_378 = arith.constant 0 : i32
      %dma_wait3A_379 = arith.constant 0 : i32
      %dma_wait3A_380 = tpu.memref_slice %arg10[%dma_wait3A_375, %dma_wait3A_378, %dma_wait3A_379] : memref<2x128x64xf32, #tpu.memory_space<vmem>> -> memref<1x128x64xf32, #tpu.memory_space<vmem>>
      %dma_wait3A_381 = tpu.memref_squeeze %dma_wait3A_380 : memref<1x128x64xf32, #tpu.memory_space<vmem>> -> memref<128x64xf32, #tpu.memory_space<vmem>>
      %dma_wait3A_382 = arith.constant 0 : i32
      %dma_wait3A_383 = tpu.memref_slice %arg9[%dma_wait3A_376, %dma_wait3A_382] : memref<4x128xi32, #tpu.memory_space<vmem>> -> memref<1x128xi32, #tpu.memory_space<vmem>>
      %dma_wait3A_384 = tpu.memref_squeeze %dma_wait3A_383 : memref<1x128xi32, #tpu.memory_space<vmem>> -> memref<128xi32, #tpu.memory_space<vmem>>
      %dma_wait3A_385 = arith.constant 0 : i32
      %dma_wait3A_386 = arith.constant 0 : i32
      %dma_wait3A_387 = tpu.memref_slice %arg12[%dma_wait3A_385, %dma_wait3A_386] : memref<10240x64xf32, #tpu.memory_space<vmem_shared>> -> memref<10240x64xf32, #tpu.memory_space<vmem_shared>>
      %dma_wait3A_388 = tpu.memref_slice %arg15[%dma_wait3A_377] : memref<2x!tpu.dma_semaphore, #tpu.memory_space<semaphore_mem>> -> memref<1x!tpu.dma_semaphore, #tpu.memory_space<semaphore_mem>>
      %dma_wait3A_389 = tpu.memref_squeeze %dma_wait3A_388 : memref<1x!tpu.dma_semaphore, #tpu.memory_space<semaphore_mem>> -> memref<!tpu.dma_semaphore, #tpu.memory_space<semaphore_mem>>
      tpu.wait_indirect_dma semaphore(%dma_wait3A_389 : memref<!tpu.dma_semaphore, #tpu.memory_space<semaphore_mem>>) src(%dma_wait3A_381 : memref<128x64xf32, #tpu.memory_space<vmem>>) dst(%dma_wait3A_387 : memref<10240x64xf32, #tpu.memory_space<vmem_shared>>)
      %add3A_390 = arith.addi %mul3A_11, %add3A_374 : i32
      %mul3A_391 = arith.constant 128 : i32
      %mul3A_392 = arith.muli %add3A_390, %mul3A_391 : i32
      %dma_wait3A_393 = arith.constant 2 : i32
      %dma_wait3A_394 = arith.constant 2 : i32
      %dma_wait3A_395 = arith.constant 0 : i32
      %dma_wait3A_396 = tpu.memref_slice %arg8[%dma_wait3A_393, %dma_wait3A_395] : memref<4x128xi32, #tpu.memory_space<vmem>> -> memref<1x128xi32, #tpu.memory_space<vmem>>
      %dma_wait3A_397 = tpu.memref_squeeze %dma_wait3A_396 : memref<1x128xi32, #tpu.memory_space<vmem>> -> memref<128xi32, #tpu.memory_space<vmem>>
      %dma_wait3A_398 = tpu.memref_slice %arg4[%mul3A_392] : memref<655360xi32, #tpu.memory_space<hbm>> -> memref<128xi32, #tpu.memory_space<hbm>>
      %dma_wait3A_399 = tpu.memref_slice %arg13[%dma_wait3A_394] : memref<4x!tpu.dma_semaphore, #tpu.memory_space<semaphore_mem>> -> memref<1x!tpu.dma_semaphore, #tpu.memory_space<semaphore_mem>>
      %dma_wait3A_400 = tpu.memref_squeeze %dma_wait3A_399 : memref<1x!tpu.dma_semaphore, #tpu.memory_space<semaphore_mem>> -> memref<!tpu.dma_semaphore, #tpu.memory_space<semaphore_mem>>
      %dma_wait3A_401 = arith.constant 0 : i32
      %dma_wait3A_402 = tpu.memref_slice %arg8[%dma_wait3A_393, %dma_wait3A_401] : memref<4x128xi32, #tpu.memory_space<vmem>> -> memref<1x128xi32, #tpu.memory_space<vmem>>
      %dma_wait3A_403 = tpu.memref_squeeze %dma_wait3A_402 : memref<1x128xi32, #tpu.memory_space<vmem>> -> memref<128xi32, #tpu.memory_space<vmem>>
      %dma_wait3A_404 = tpu.memref_slice %arg4[%mul3A_392] : memref<655360xi32, #tpu.memory_space<hbm>> -> memref<128xi32, #tpu.memory_space<hbm>>
      tpu.wait_dma2 semaphore(%dma_wait3A_400 : memref<!tpu.dma_semaphore, #tpu.memory_space<semaphore_mem>>) src(%dma_wait3A_404 : memref<128xi32, #tpu.memory_space<hbm>>) dst(%dma_wait3A_403 : memref<128xi32, #tpu.memory_space<vmem>>)
      %add3A_405 = arith.addi %mul3A_11, %add3A_374 : i32
      %mul3A_406 = arith.constant 128 : i32
      %mul3A_407 = arith.muli %add3A_405, %mul3A_406 : i32
      %add3A_408 = arith.constant 327680 : i32
      %add3A_409 = arith.addi %add3A_408, %mul3A_407 : i32
      %dma_wait3A_410 = arith.constant 2 : i32
      %dma_wait3A_411 = arith.constant 2 : i32
      %dma_wait3A_412 = arith.constant 0 : i32
      %dma_wait3A_413 = tpu.memref_slice %arg9[%dma_wait3A_410, %dma_wait3A_412] : memref<4x128xi32, #tpu.memory_space<vmem>> -> memref<1x128xi32, #tpu.memory_space<vmem>>
      %dma_wait3A_414 = tpu.memref_squeeze %dma_wait3A_413 : memref<1x128xi32, #tpu.memory_space<vmem>> -> memref<128xi32, #tpu.memory_space<vmem>>
      %dma_wait3A_415 = tpu.memref_slice %arg4[%add3A_409] : memref<655360xi32, #tpu.memory_space<hbm>> -> memref<128xi32, #tpu.memory_space<hbm>>
      %dma_wait3A_416 = tpu.memref_slice %arg13[%dma_wait3A_411] : memref<4x!tpu.dma_semaphore, #tpu.memory_space<semaphore_mem>> -> memref<1x!tpu.dma_semaphore, #tpu.memory_space<semaphore_mem>>
      %dma_wait3A_417 = tpu.memref_squeeze %dma_wait3A_416 : memref<1x!tpu.dma_semaphore, #tpu.memory_space<semaphore_mem>> -> memref<!tpu.dma_semaphore, #tpu.memory_space<semaphore_mem>>
      %dma_wait3A_418 = arith.constant 0 : i32
      %dma_wait3A_419 = tpu.memref_slice %arg9[%dma_wait3A_410, %dma_wait3A_418] : memref<4x128xi32, #tpu.memory_space<vmem>> -> memref<1x128xi32, #tpu.memory_space<vmem>>
      %dma_wait3A_420 = tpu.memref_squeeze %dma_wait3A_419 : memref<1x128xi32, #tpu.memory_space<vmem>> -> memref<128xi32, #tpu.memory_space<vmem>>
      %dma_wait3A_421 = tpu.memref_slice %arg4[%add3A_409] : memref<655360xi32, #tpu.memory_space<hbm>> -> memref<128xi32, #tpu.memory_space<hbm>>
      tpu.wait_dma2 semaphore(%dma_wait3A_417 : memref<!tpu.dma_semaphore, #tpu.memory_space<semaphore_mem>>) src(%dma_wait3A_421 : memref<128xi32, #tpu.memory_space<hbm>>) dst(%dma_wait3A_420 : memref<128xi32, #tpu.memory_space<vmem>>)
      %dma_start3A_422 = arith.constant 2 : i32
      %dma_start3A_423 = arith.constant 0 : i32
      %dma_start3A_424 = arith.constant 0 : i32
      %dma_start3A_425 = arith.constant 0 : i32
      %dma_start3A_426 = arith.constant 0 : i32
      %dma_start3A_427 = tpu.memref_slice %arg10[%dma_start3A_423, %dma_start3A_425, %dma_start3A_426] : memref<2x128x64xf32, #tpu.memory_space<vmem>> -> memref<1x128x64xf32, #tpu.memory_space<vmem>>
      %dma_start3A_428 = tpu.memref_squeeze %dma_start3A_427 : memref<1x128x64xf32, #tpu.memory_space<vmem>> -> memref<128x64xf32, #tpu.memory_space<vmem>>
      %dma_start3A_429 = arith.constant 0 : i32
      %dma_start3A_430 = tpu.memref_slice %arg8[%dma_start3A_422, %dma_start3A_429] : memref<4x128xi32, #tpu.memory_space<vmem>> -> memref<1x128xi32, #tpu.memory_space<vmem>>
      %dma_start3A_431 = tpu.memref_squeeze %dma_start3A_430 : memref<1x128xi32, #tpu.memory_space<vmem>> -> memref<128xi32, #tpu.memory_space<vmem>>
      %dma_start3A_432 = arith.constant 0 : i32
      %dma_start3A_433 = arith.constant 0 : i32
      %dma_start3A_434 = tpu.memref_slice %arg11[%dma_start3A_432, %dma_start3A_433] : memref<10240x64xf32, #tpu.memory_space<vmem_shared>> -> memref<10240x64xf32, #tpu.memory_space<vmem_shared>>
      %dma_start3A_435 = tpu.memref_slice %arg14[%dma_start3A_424] : memref<2x!tpu.dma_semaphore, #tpu.memory_space<semaphore_mem>> -> memref<1x!tpu.dma_semaphore, #tpu.memory_space<semaphore_mem>>
      %dma_start3A_436 = tpu.memref_squeeze %dma_start3A_435 : memref<1x!tpu.dma_semaphore, #tpu.memory_space<semaphore_mem>> -> memref<!tpu.dma_semaphore, #tpu.memory_space<semaphore_mem>>
      tpu.enqueue_indirect_dma source(%dma_start3A_434 : memref<10240x64xf32, #tpu.memory_space<vmem_shared>>) target(%dma_start3A_428 : memref<128x64xf32, #tpu.memory_space<vmem>>) offsets(%dma_start3A_431 : memref<128xi32, #tpu.memory_space<vmem>>) semaphore(%dma_start3A_436 : memref<!tpu.dma_semaphore, #tpu.memory_space<semaphore_mem>>)
      %lt3A = arith.constant 39 : i32
      %lt3A_437 = arith.cmpi slt, %add3A_156, %lt3A : i32
      %convert_element_type3A_438 = arith.extui %lt3A_437 : i1 to i32
      %cond3A_439 = arith.constant 0 : i32
      %cond3A_440 = arith.cmpi ne, %convert_element_type3A_438, %cond3A_439 : i32
      scf.if %cond3A_440 {
        %add3A_572 = arith.constant 2 : i32
        %add3A_573 = arith.addi %add3A_374, %add3A_572 : i32
        %add3A_574 = arith.addi %mul3A_11, %add3A_573 : i32
        %mul3A_575 = arith.constant 128 : i32
        %mul3A_576 = arith.muli %add3A_574, %mul3A_575 : i32
        %dma_start3A_577 = arith.constant 0 : i32
        %dma_start3A_578 = arith.constant 0 : i32
        %dma_start3A_579 = arith.constant 0 : i32
        %dma_start3A_580 = tpu.memref_slice %arg8[%dma_start3A_577, %dma_start3A_579] : memref<4x128xi32, #tpu.memory_space<vmem>> -> memref<1x128xi32, #tpu.memory_space<vmem>>
        %dma_start3A_581 = tpu.memref_squeeze %dma_start3A_580 : memref<1x128xi32, #tpu.memory_space<vmem>> -> memref<128xi32, #tpu.memory_space<vmem>>
        %dma_start3A_582 = tpu.memref_slice %arg4[%mul3A_576] : memref<655360xi32, #tpu.memory_space<hbm>> -> memref<128xi32, #tpu.memory_space<hbm>>
        %dma_start3A_583 = tpu.memref_slice %arg13[%dma_start3A_578] : memref<4x!tpu.dma_semaphore, #tpu.memory_space<semaphore_mem>> -> memref<1x!tpu.dma_semaphore, #tpu.memory_space<semaphore_mem>>
        %dma_start3A_584 = tpu.memref_squeeze %dma_start3A_583 : memref<1x!tpu.dma_semaphore, #tpu.memory_space<semaphore_mem>> -> memref<!tpu.dma_semaphore, #tpu.memory_space<semaphore_mem>>
        %dma_start3A_585 = arith.constant 0 : i32
        %dma_start3A_586 = tpu.memref_slice %arg8[%dma_start3A_577, %dma_start3A_585] : memref<4x128xi32, #tpu.memory_space<vmem>> -> memref<1x128xi32, #tpu.memory_space<vmem>>
        %dma_start3A_587 = tpu.memref_squeeze %dma_start3A_586 : memref<1x128xi32, #tpu.memory_space<vmem>> -> memref<128xi32, #tpu.memory_space<vmem>>
        %dma_start3A_588 = tpu.memref_slice %arg4[%mul3A_576] : memref<655360xi32, #tpu.memory_space<hbm>> -> memref<128xi32, #tpu.memory_space<hbm>>
        tpu.enqueue_dma source(%dma_start3A_588 : memref<128xi32, #tpu.memory_space<hbm>>) target(%dma_start3A_587 : memref<128xi32, #tpu.memory_space<vmem>>) target_semaphore(%dma_start3A_584 : memref<!tpu.dma_semaphore, #tpu.memory_space<semaphore_mem>>)
        %add3A_589 = arith.addi %mul3A_11, %add3A_573 : i32
        %mul3A_590 = arith.constant 128 : i32
        %mul3A_591 = arith.muli %add3A_589, %mul3A_590 : i32
        %add3A_592 = arith.constant 327680 : i32
        %add3A_593 = arith.addi %add3A_592, %mul3A_591 : i32
        %dma_start3A_594 = arith.constant 0 : i32
        %dma_start3A_595 = arith.constant 0 : i32
        %dma_start3A_596 = arith.constant 0 : i32
        %dma_start3A_597 = tpu.memref_slice %arg9[%dma_start3A_594, %dma_start3A_596] : memref<4x128xi32, #tpu.memory_space<vmem>> -> memref<1x128xi32, #tpu.memory_space<vmem>>
        %dma_start3A_598 = tpu.memref_squeeze %dma_start3A_597 : memref<1x128xi32, #tpu.memory_space<vmem>> -> memref<128xi32, #tpu.memory_space<vmem>>
        %dma_start3A_599 = tpu.memref_slice %arg4[%add3A_593] : memref<655360xi32, #tpu.memory_space<hbm>> -> memref<128xi32, #tpu.memory_space<hbm>>
        %dma_start3A_600 = tpu.memref_slice %arg13[%dma_start3A_595] : memref<4x!tpu.dma_semaphore, #tpu.memory_space<semaphore_mem>> -> memref<1x!tpu.dma_semaphore, #tpu.memory_space<semaphore_mem>>
        %dma_start3A_601 = tpu.memref_squeeze %dma_start3A_600 : memref<1x!tpu.dma_semaphore, #tpu.memory_space<semaphore_mem>> -> memref<!tpu.dma_semaphore, #tpu.memory_space<semaphore_mem>>
        %dma_start3A_602 = arith.constant 0 : i32
        %dma_start3A_603 = tpu.memref_slice %arg9[%dma_start3A_594, %dma_start3A_602] : memref<4x128xi32, #tpu.memory_space<vmem>> -> memref<1x128xi32, #tpu.memory_space<vmem>>
        %dma_start3A_604 = tpu.memref_squeeze %dma_start3A_603 : memref<1x128xi32, #tpu.memory_space<vmem>> -> memref<128xi32, #tpu.memory_space<vmem>>
        %dma_start3A_605 = tpu.memref_slice %arg4[%add3A_593] : memref<655360xi32, #tpu.memory_space<hbm>> -> memref<128xi32, #tpu.memory_space<hbm>>
        tpu.enqueue_dma source(%dma_start3A_605 : memref<128xi32, #tpu.memory_space<hbm>>) target(%dma_start3A_604 : memref<128xi32, #tpu.memory_space<vmem>>) target_semaphore(%dma_start3A_601 : memref<!tpu.dma_semaphore, #tpu.memory_space<semaphore_mem>>)
      } else {
      }
      %dma_wait3A_441 = arith.constant 1 : i32
      %dma_wait3A_442 = arith.constant 1 : i32
      %dma_wait3A_443 = arith.constant 1 : i32
      %dma_wait3A_444 = arith.constant 0 : i32
      %dma_wait3A_445 = arith.constant 0 : i32
      %dma_wait3A_446 = tpu.memref_slice %arg10[%dma_wait3A_442, %dma_wait3A_444, %dma_wait3A_445] : memref<2x128x64xf32, #tpu.memory_space<vmem>> -> memref<1x128x64xf32, #tpu.memory_space<vmem>>
      %dma_wait3A_447 = tpu.memref_squeeze %dma_wait3A_446 : memref<1x128x64xf32, #tpu.memory_space<vmem>> -> memref<128x64xf32, #tpu.memory_space<vmem>>
      %dma_wait3A_448 = arith.constant 0 : i32
      %dma_wait3A_449 = tpu.memref_slice %arg8[%dma_wait3A_441, %dma_wait3A_448] : memref<4x128xi32, #tpu.memory_space<vmem>> -> memref<1x128xi32, #tpu.memory_space<vmem>>
      %dma_wait3A_450 = tpu.memref_squeeze %dma_wait3A_449 : memref<1x128xi32, #tpu.memory_space<vmem>> -> memref<128xi32, #tpu.memory_space<vmem>>
      %dma_wait3A_451 = arith.constant 0 : i32
      %dma_wait3A_452 = arith.constant 0 : i32
      %dma_wait3A_453 = tpu.memref_slice %arg11[%dma_wait3A_451, %dma_wait3A_452] : memref<10240x64xf32, #tpu.memory_space<vmem_shared>> -> memref<10240x64xf32, #tpu.memory_space<vmem_shared>>
      %dma_wait3A_454 = tpu.memref_slice %arg14[%dma_wait3A_443] : memref<2x!tpu.dma_semaphore, #tpu.memory_space<semaphore_mem>> -> memref<1x!tpu.dma_semaphore, #tpu.memory_space<semaphore_mem>>
      %dma_wait3A_455 = tpu.memref_squeeze %dma_wait3A_454 : memref<1x!tpu.dma_semaphore, #tpu.memory_space<semaphore_mem>> -> memref<!tpu.dma_semaphore, #tpu.memory_space<semaphore_mem>>
      tpu.wait_indirect_dma semaphore(%dma_wait3A_455 : memref<!tpu.dma_semaphore, #tpu.memory_space<semaphore_mem>>) src(%dma_wait3A_453 : memref<10240x64xf32, #tpu.memory_space<vmem_shared>>) dst(%dma_wait3A_447 : memref<128x64xf32, #tpu.memory_space<vmem>>)
      %dma_start3A_456 = arith.constant 1 : i32
      %dma_start3A_457 = arith.constant 1 : i32
      %dma_start3A_458 = arith.constant 1 : i32
      %dma_start3A_459 = arith.constant 0 : i32
      %dma_start3A_460 = arith.constant 0 : i32
      %dma_start3A_461 = tpu.memref_slice %arg10[%dma_start3A_456, %dma_start3A_459, %dma_start3A_460] : memref<2x128x64xf32, #tpu.memory_space<vmem>> -> memref<1x128x64xf32, #tpu.memory_space<vmem>>
      %dma_start3A_462 = tpu.memref_squeeze %dma_start3A_461 : memref<1x128x64xf32, #tpu.memory_space<vmem>> -> memref<128x64xf32, #tpu.memory_space<vmem>>
      %dma_start3A_463 = arith.constant 0 : i32
      %dma_start3A_464 = tpu.memref_slice %arg9[%dma_start3A_457, %dma_start3A_463] : memref<4x128xi32, #tpu.memory_space<vmem>> -> memref<1x128xi32, #tpu.memory_space<vmem>>
      %dma_start3A_465 = tpu.memref_squeeze %dma_start3A_464 : memref<1x128xi32, #tpu.memory_space<vmem>> -> memref<128xi32, #tpu.memory_space<vmem>>
      %dma_start3A_466 = arith.constant 0 : i32
      %dma_start3A_467 = arith.constant 0 : i32
      %dma_start3A_468 = tpu.memref_slice %arg12[%dma_start3A_466, %dma_start3A_467] : memref<10240x64xf32, #tpu.memory_space<vmem_shared>> -> memref<10240x64xf32, #tpu.memory_space<vmem_shared>>
      %dma_start3A_469 = tpu.memref_slice %arg15[%dma_start3A_458] : memref<2x!tpu.dma_semaphore, #tpu.memory_space<semaphore_mem>> -> memref<1x!tpu.dma_semaphore, #tpu.memory_space<semaphore_mem>>
      %dma_start3A_470 = tpu.memref_squeeze %dma_start3A_469 : memref<1x!tpu.dma_semaphore, #tpu.memory_space<semaphore_mem>> -> memref<!tpu.dma_semaphore, #tpu.memory_space<semaphore_mem>>
      tpu.enqueue_indirect_dma source(%dma_start3A_462 : memref<128x64xf32, #tpu.memory_space<vmem>>) target(%dma_start3A_468 : memref<10240x64xf32, #tpu.memory_space<vmem_shared>>) offsets(%dma_start3A_465 : memref<128xi32, #tpu.memory_space<vmem>>) semaphore(%dma_start3A_470 : memref<!tpu.dma_semaphore, #tpu.memory_space<semaphore_mem>>) {add = true}
      %mul3A_471 = arith.constant 4 : i32
      %mul3A_472 = arith.muli %add3A_156, %mul3A_471 : i32
      %add3A_473 = arith.constant 3 : i32
      %add3A_474 = arith.addi %mul3A_472, %add3A_473 : i32
      %dma_wait3A_475 = arith.constant 1 : i32
      %dma_wait3A_476 = arith.constant 1 : i32
      %dma_wait3A_477 = arith.constant 1 : i32
      %dma_wait3A_478 = arith.constant 0 : i32
      %dma_wait3A_479 = arith.constant 0 : i32
      %dma_wait3A_480 = tpu.memref_slice %arg10[%dma_wait3A_475, %dma_wait3A_478, %dma_wait3A_479] : memref<2x128x64xf32, #tpu.memory_space<vmem>> -> memref<1x128x64xf32, #tpu.memory_space<vmem>>
      %dma_wait3A_481 = tpu.memref_squeeze %dma_wait3A_480 : memref<1x128x64xf32, #tpu.memory_space<vmem>> -> memref<128x64xf32, #tpu.memory_space<vmem>>
      %dma_wait3A_482 = arith.constant 0 : i32
      %dma_wait3A_483 = tpu.memref_slice %arg9[%dma_wait3A_476, %dma_wait3A_482] : memref<4x128xi32, #tpu.memory_space<vmem>> -> memref<1x128xi32, #tpu.memory_space<vmem>>
      %dma_wait3A_484 = tpu.memref_squeeze %dma_wait3A_483 : memref<1x128xi32, #tpu.memory_space<vmem>> -> memref<128xi32, #tpu.memory_space<vmem>>
      %dma_wait3A_485 = arith.constant 0 : i32
      %dma_wait3A_486 = arith.constant 0 : i32
      %dma_wait3A_487 = tpu.memref_slice %arg12[%dma_wait3A_485, %dma_wait3A_486] : memref<10240x64xf32, #tpu.memory_space<vmem_shared>> -> memref<10240x64xf32, #tpu.memory_space<vmem_shared>>
      %dma_wait3A_488 = tpu.memref_slice %arg15[%dma_wait3A_477] : memref<2x!tpu.dma_semaphore, #tpu.memory_space<semaphore_mem>> -> memref<1x!tpu.dma_semaphore, #tpu.memory_space<semaphore_mem>>
      %dma_wait3A_489 = tpu.memref_squeeze %dma_wait3A_488 : memref<1x!tpu.dma_semaphore, #tpu.memory_space<semaphore_mem>> -> memref<!tpu.dma_semaphore, #tpu.memory_space<semaphore_mem>>
      tpu.wait_indirect_dma semaphore(%dma_wait3A_489 : memref<!tpu.dma_semaphore, #tpu.memory_space<semaphore_mem>>) src(%dma_wait3A_481 : memref<128x64xf32, #tpu.memory_space<vmem>>) dst(%dma_wait3A_487 : memref<10240x64xf32, #tpu.memory_space<vmem_shared>>)
      %add3A_490 = arith.addi %mul3A_11, %add3A_474 : i32
      %mul3A_491 = arith.constant 128 : i32
      %mul3A_492 = arith.muli %add3A_490, %mul3A_491 : i32
      %dma_wait3A_493 = arith.constant 3 : i32
      %dma_wait3A_494 = arith.constant 3 : i32
      %dma_wait3A_495 = arith.constant 0 : i32
      %dma_wait3A_496 = tpu.memref_slice %arg8[%dma_wait3A_493, %dma_wait3A_495] : memref<4x128xi32, #tpu.memory_space<vmem>> -> memref<1x128xi32, #tpu.memory_space<vmem>>
      %dma_wait3A_497 = tpu.memref_squeeze %dma_wait3A_496 : memref<1x128xi32, #tpu.memory_space<vmem>> -> memref<128xi32, #tpu.memory_space<vmem>>
      %dma_wait3A_498 = tpu.memref_slice %arg4[%mul3A_492] : memref<655360xi32, #tpu.memory_space<hbm>> -> memref<128xi32, #tpu.memory_space<hbm>>
      %dma_wait3A_499 = tpu.memref_slice %arg13[%dma_wait3A_494] : memref<4x!tpu.dma_semaphore, #tpu.memory_space<semaphore_mem>> -> memref<1x!tpu.dma_semaphore, #tpu.memory_space<semaphore_mem>>
      %dma_wait3A_500 = tpu.memref_squeeze %dma_wait3A_499 : memref<1x!tpu.dma_semaphore, #tpu.memory_space<semaphore_mem>> -> memref<!tpu.dma_semaphore, #tpu.memory_space<semaphore_mem>>
      %dma_wait3A_501 = arith.constant 0 : i32
      %dma_wait3A_502 = tpu.memref_slice %arg8[%dma_wait3A_493, %dma_wait3A_501] : memref<4x128xi32, #tpu.memory_space<vmem>> -> memref<1x128xi32, #tpu.memory_space<vmem>>
      %dma_wait3A_503 = tpu.memref_squeeze %dma_wait3A_502 : memref<1x128xi32, #tpu.memory_space<vmem>> -> memref<128xi32, #tpu.memory_space<vmem>>
      %dma_wait3A_504 = tpu.memref_slice %arg4[%mul3A_492] : memref<655360xi32, #tpu.memory_space<hbm>> -> memref<128xi32, #tpu.memory_space<hbm>>
      tpu.wait_dma2 semaphore(%dma_wait3A_500 : memref<!tpu.dma_semaphore, #tpu.memory_space<semaphore_mem>>) src(%dma_wait3A_504 : memref<128xi32, #tpu.memory_space<hbm>>) dst(%dma_wait3A_503 : memref<128xi32, #tpu.memory_space<vmem>>)
      %add3A_505 = arith.addi %mul3A_11, %add3A_474 : i32
      %mul3A_506 = arith.constant 128 : i32
      %mul3A_507 = arith.muli %add3A_505, %mul3A_506 : i32
      %add3A_508 = arith.constant 327680 : i32
      %add3A_509 = arith.addi %add3A_508, %mul3A_507 : i32
      %dma_wait3A_510 = arith.constant 3 : i32
      %dma_wait3A_511 = arith.constant 3 : i32
      %dma_wait3A_512 = arith.constant 0 : i32
      %dma_wait3A_513 = tpu.memref_slice %arg9[%dma_wait3A_510, %dma_wait3A_512] : memref<4x128xi32, #tpu.memory_space<vmem>> -> memref<1x128xi32, #tpu.memory_space<vmem>>
      %dma_wait3A_514 = tpu.memref_squeeze %dma_wait3A_513 : memref<1x128xi32, #tpu.memory_space<vmem>> -> memref<128xi32, #tpu.memory_space<vmem>>
      %dma_wait3A_515 = tpu.memref_slice %arg4[%add3A_509] : memref<655360xi32, #tpu.memory_space<hbm>> -> memref<128xi32, #tpu.memory_space<hbm>>
      %dma_wait3A_516 = tpu.memref_slice %arg13[%dma_wait3A_511] : memref<4x!tpu.dma_semaphore, #tpu.memory_space<semaphore_mem>> -> memref<1x!tpu.dma_semaphore, #tpu.memory_space<semaphore_mem>>
      %dma_wait3A_517 = tpu.memref_squeeze %dma_wait3A_516 : memref<1x!tpu.dma_semaphore, #tpu.memory_space<semaphore_mem>> -> memref<!tpu.dma_semaphore, #tpu.memory_space<semaphore_mem>>
      %dma_wait3A_518 = arith.constant 0 : i32
      %dma_wait3A_519 = tpu.memref_slice %arg9[%dma_wait3A_510, %dma_wait3A_518] : memref<4x128xi32, #tpu.memory_space<vmem>> -> memref<1x128xi32, #tpu.memory_space<vmem>>
      %dma_wait3A_520 = tpu.memref_squeeze %dma_wait3A_519 : memref<1x128xi32, #tpu.memory_space<vmem>> -> memref<128xi32, #tpu.memory_space<vmem>>
      %dma_wait3A_521 = tpu.memref_slice %arg4[%add3A_509] : memref<655360xi32, #tpu.memory_space<hbm>> -> memref<128xi32, #tpu.memory_space<hbm>>
      tpu.wait_dma2 semaphore(%dma_wait3A_517 : memref<!tpu.dma_semaphore, #tpu.memory_space<semaphore_mem>>) src(%dma_wait3A_521 : memref<128xi32, #tpu.memory_space<hbm>>) dst(%dma_wait3A_520 : memref<128xi32, #tpu.memory_space<vmem>>)
      %dma_start3A_522 = arith.constant 3 : i32
      %dma_start3A_523 = arith.constant 1 : i32
      %dma_start3A_524 = arith.constant 1 : i32
      %dma_start3A_525 = arith.constant 0 : i32
      %dma_start3A_526 = arith.constant 0 : i32
      %dma_start3A_527 = tpu.memref_slice %arg10[%dma_start3A_523, %dma_start3A_525, %dma_start3A_526] : memref<2x128x64xf32, #tpu.memory_space<vmem>> -> memref<1x128x64xf32, #tpu.memory_space<vmem>>
      %dma_start3A_528 = tpu.memref_squeeze %dma_start3A_527 : memref<1x128x64xf32, #tpu.memory_space<vmem>> -> memref<128x64xf32, #tpu.memory_space<vmem>>
      %dma_start3A_529 = arith.constant 0 : i32
      %dma_start3A_530 = tpu.memref_slice %arg8[%dma_start3A_522, %dma_start3A_529] : memref<4x128xi32, #tpu.memory_space<vmem>> -> memref<1x128xi32, #tpu.memory_space<vmem>>
      %dma_start3A_531 = tpu.memref_squeeze %dma_start3A_530 : memref<1x128xi32, #tpu.memory_space<vmem>> -> memref<128xi32, #tpu.memory_space<vmem>>
      %dma_start3A_532 = arith.constant 0 : i32
      %dma_start3A_533 = arith.constant 0 : i32
      %dma_start3A_534 = tpu.memref_slice %arg11[%dma_start3A_532, %dma_start3A_533] : memref<10240x64xf32, #tpu.memory_space<vmem_shared>> -> memref<10240x64xf32, #tpu.memory_space<vmem_shared>>
      %dma_start3A_535 = tpu.memref_slice %arg14[%dma_start3A_524] : memref<2x!tpu.dma_semaphore, #tpu.memory_space<semaphore_mem>> -> memref<1x!tpu.dma_semaphore, #tpu.memory_space<semaphore_mem>>
      %dma_start3A_536 = tpu.memref_squeeze %dma_start3A_535 : memref<1x!tpu.dma_semaphore, #tpu.memory_space<semaphore_mem>> -> memref<!tpu.dma_semaphore, #tpu.memory_space<semaphore_mem>>
      tpu.enqueue_indirect_dma source(%dma_start3A_534 : memref<10240x64xf32, #tpu.memory_space<vmem_shared>>) target(%dma_start3A_528 : memref<128x64xf32, #tpu.memory_space<vmem>>) offsets(%dma_start3A_531 : memref<128xi32, #tpu.memory_space<vmem>>) semaphore(%dma_start3A_536 : memref<!tpu.dma_semaphore, #tpu.memory_space<semaphore_mem>>)
      %lt3A_537 = arith.constant 39 : i32
      %lt3A_538 = arith.cmpi slt, %add3A_156, %lt3A_537 : i32
      %convert_element_type3A_539 = arith.extui %lt3A_538 : i1 to i32
      %cond3A_540 = arith.constant 0 : i32
      %cond3A_541 = arith.cmpi ne, %convert_element_type3A_539, %cond3A_540 : i32
      scf.if %cond3A_541 {
        %add3A_572 = arith.constant 2 : i32
        %add3A_573 = arith.addi %add3A_474, %add3A_572 : i32
        %add3A_574 = arith.addi %mul3A_11, %add3A_573 : i32
        %mul3A_575 = arith.constant 128 : i32
        %mul3A_576 = arith.muli %add3A_574, %mul3A_575 : i32
        %dma_start3A_577 = arith.constant 1 : i32
        %dma_start3A_578 = arith.constant 1 : i32
        %dma_start3A_579 = arith.constant 0 : i32
        %dma_start3A_580 = tpu.memref_slice %arg8[%dma_start3A_577, %dma_start3A_579] : memref<4x128xi32, #tpu.memory_space<vmem>> -> memref<1x128xi32, #tpu.memory_space<vmem>>
        %dma_start3A_581 = tpu.memref_squeeze %dma_start3A_580 : memref<1x128xi32, #tpu.memory_space<vmem>> -> memref<128xi32, #tpu.memory_space<vmem>>
        %dma_start3A_582 = tpu.memref_slice %arg4[%mul3A_576] : memref<655360xi32, #tpu.memory_space<hbm>> -> memref<128xi32, #tpu.memory_space<hbm>>
        %dma_start3A_583 = tpu.memref_slice %arg13[%dma_start3A_578] : memref<4x!tpu.dma_semaphore, #tpu.memory_space<semaphore_mem>> -> memref<1x!tpu.dma_semaphore, #tpu.memory_space<semaphore_mem>>
        %dma_start3A_584 = tpu.memref_squeeze %dma_start3A_583 : memref<1x!tpu.dma_semaphore, #tpu.memory_space<semaphore_mem>> -> memref<!tpu.dma_semaphore, #tpu.memory_space<semaphore_mem>>
        %dma_start3A_585 = arith.constant 0 : i32
        %dma_start3A_586 = tpu.memref_slice %arg8[%dma_start3A_577, %dma_start3A_585] : memref<4x128xi32, #tpu.memory_space<vmem>> -> memref<1x128xi32, #tpu.memory_space<vmem>>
        %dma_start3A_587 = tpu.memref_squeeze %dma_start3A_586 : memref<1x128xi32, #tpu.memory_space<vmem>> -> memref<128xi32, #tpu.memory_space<vmem>>
        %dma_start3A_588 = tpu.memref_slice %arg4[%mul3A_576] : memref<655360xi32, #tpu.memory_space<hbm>> -> memref<128xi32, #tpu.memory_space<hbm>>
        tpu.enqueue_dma source(%dma_start3A_588 : memref<128xi32, #tpu.memory_space<hbm>>) target(%dma_start3A_587 : memref<128xi32, #tpu.memory_space<vmem>>) target_semaphore(%dma_start3A_584 : memref<!tpu.dma_semaphore, #tpu.memory_space<semaphore_mem>>)
        %add3A_589 = arith.addi %mul3A_11, %add3A_573 : i32
        %mul3A_590 = arith.constant 128 : i32
        %mul3A_591 = arith.muli %add3A_589, %mul3A_590 : i32
        %add3A_592 = arith.constant 327680 : i32
        %add3A_593 = arith.addi %add3A_592, %mul3A_591 : i32
        %dma_start3A_594 = arith.constant 1 : i32
        %dma_start3A_595 = arith.constant 1 : i32
        %dma_start3A_596 = arith.constant 0 : i32
        %dma_start3A_597 = tpu.memref_slice %arg9[%dma_start3A_594, %dma_start3A_596] : memref<4x128xi32, #tpu.memory_space<vmem>> -> memref<1x128xi32, #tpu.memory_space<vmem>>
        %dma_start3A_598 = tpu.memref_squeeze %dma_start3A_597 : memref<1x128xi32, #tpu.memory_space<vmem>> -> memref<128xi32, #tpu.memory_space<vmem>>
        %dma_start3A_599 = tpu.memref_slice %arg4[%add3A_593] : memref<655360xi32, #tpu.memory_space<hbm>> -> memref<128xi32, #tpu.memory_space<hbm>>
        %dma_start3A_600 = tpu.memref_slice %arg13[%dma_start3A_595] : memref<4x!tpu.dma_semaphore, #tpu.memory_space<semaphore_mem>> -> memref<1x!tpu.dma_semaphore, #tpu.memory_space<semaphore_mem>>
        %dma_start3A_601 = tpu.memref_squeeze %dma_start3A_600 : memref<1x!tpu.dma_semaphore, #tpu.memory_space<semaphore_mem>> -> memref<!tpu.dma_semaphore, #tpu.memory_space<semaphore_mem>>
        %dma_start3A_602 = arith.constant 0 : i32
        %dma_start3A_603 = tpu.memref_slice %arg9[%dma_start3A_594, %dma_start3A_602] : memref<4x128xi32, #tpu.memory_space<vmem>> -> memref<1x128xi32, #tpu.memory_space<vmem>>
        %dma_start3A_604 = tpu.memref_squeeze %dma_start3A_603 : memref<1x128xi32, #tpu.memory_space<vmem>> -> memref<128xi32, #tpu.memory_space<vmem>>
        %dma_start3A_605 = tpu.memref_slice %arg4[%add3A_593] : memref<655360xi32, #tpu.memory_space<hbm>> -> memref<128xi32, #tpu.memory_space<hbm>>
        tpu.enqueue_dma source(%dma_start3A_605 : memref<128xi32, #tpu.memory_space<hbm>>) target(%dma_start3A_604 : memref<128xi32, #tpu.memory_space<vmem>>) target_semaphore(%dma_start3A_601 : memref<!tpu.dma_semaphore, #tpu.memory_space<semaphore_mem>>)
      } else {
      }
      %dma_wait3A_542 = arith.constant 2 : i32
      %dma_wait3A_543 = arith.constant 0 : i32
      %dma_wait3A_544 = arith.constant 0 : i32
      %dma_wait3A_545 = arith.constant 0 : i32
      %dma_wait3A_546 = arith.constant 0 : i32
      %dma_wait3A_547 = tpu.memref_slice %arg10[%dma_wait3A_543, %dma_wait3A_545, %dma_wait3A_546] : memref<2x128x64xf32, #tpu.memory_space<vmem>> -> memref<1x128x64xf32, #tpu.memory_space<vmem>>
      %dma_wait3A_548 = tpu.memref_squeeze %dma_wait3A_547 : memref<1x128x64xf32, #tpu.memory_space<vmem>> -> memref<128x64xf32, #tpu.memory_space<vmem>>
      %dma_wait3A_549 = arith.constant 0 : i32
      %dma_wait3A_550 = tpu.memref_slice %arg8[%dma_wait3A_542, %dma_wait3A_549] : memref<4x128xi32, #tpu.memory_space<vmem>> -> memref<1x128xi32, #tpu.memory_space<vmem>>
      %dma_wait3A_551 = tpu.memref_squeeze %dma_wait3A_550 : memref<1x128xi32, #tpu.memory_space<vmem>> -> memref<128xi32, #tpu.memory_space<vmem>>
      %dma_wait3A_552 = arith.constant 0 : i32
      %dma_wait3A_553 = arith.constant 0 : i32
      %dma_wait3A_554 = tpu.memref_slice %arg11[%dma_wait3A_552, %dma_wait3A_553] : memref<10240x64xf32, #tpu.memory_space<vmem_shared>> -> memref<10240x64xf32, #tpu.memory_space<vmem_shared>>
      %dma_wait3A_555 = tpu.memref_slice %arg14[%dma_wait3A_544] : memref<2x!tpu.dma_semaphore, #tpu.memory_space<semaphore_mem>> -> memref<1x!tpu.dma_semaphore, #tpu.memory_space<semaphore_mem>>
      %dma_wait3A_556 = tpu.memref_squeeze %dma_wait3A_555 : memref<1x!tpu.dma_semaphore, #tpu.memory_space<semaphore_mem>> -> memref<!tpu.dma_semaphore, #tpu.memory_space<semaphore_mem>>
      tpu.wait_indirect_dma semaphore(%dma_wait3A_556 : memref<!tpu.dma_semaphore, #tpu.memory_space<semaphore_mem>>) src(%dma_wait3A_554 : memref<10240x64xf32, #tpu.memory_space<vmem_shared>>) dst(%dma_wait3A_548 : memref<128x64xf32, #tpu.memory_space<vmem>>)
      %dma_start3A_557 = arith.constant 0 : i32
      %dma_start3A_558 = arith.constant 2 : i32
      %dma_start3A_559 = arith.constant 0 : i32
      %dma_start3A_560 = arith.constant 0 : i32
      %dma_start3A_561 = arith.constant 0 : i32
      %dma_start3A_562 = tpu.memref_slice %arg10[%dma_start3A_557, %dma_start3A_560, %dma_start3A_561] : memref<2x128x64xf32, #tpu.memory_space<vmem>> -> memref<1x128x64xf32, #tpu.memory_space<vmem>>
      %dma_start3A_563 = tpu.memref_squeeze %dma_start3A_562 : memref<1x128x64xf32, #tpu.memory_space<vmem>> -> memref<128x64xf32, #tpu.memory_space<vmem>>
      %dma_start3A_564 = arith.constant 0 : i32
      %dma_start3A_565 = tpu.memref_slice %arg9[%dma_start3A_558, %dma_start3A_564] : memref<4x128xi32, #tpu.memory_space<vmem>> -> memref<1x128xi32, #tpu.memory_space<vmem>>
      %dma_start3A_566 = tpu.memref_squeeze %dma_start3A_565 : memref<1x128xi32, #tpu.memory_space<vmem>> -> memref<128xi32, #tpu.memory_space<vmem>>
      %dma_start3A_567 = arith.constant 0 : i32
      %dma_start3A_568 = arith.constant 0 : i32
      %dma_start3A_569 = tpu.memref_slice %arg12[%dma_start3A_567, %dma_start3A_568] : memref<10240x64xf32, #tpu.memory_space<vmem_shared>> -> memref<10240x64xf32, #tpu.memory_space<vmem_shared>>
      %dma_start3A_570 = tpu.memref_slice %arg15[%dma_start3A_559] : memref<2x!tpu.dma_semaphore, #tpu.memory_space<semaphore_mem>> -> memref<1x!tpu.dma_semaphore, #tpu.memory_space<semaphore_mem>>
      %dma_start3A_571 = tpu.memref_squeeze %dma_start3A_570 : memref<1x!tpu.dma_semaphore, #tpu.memory_space<semaphore_mem>> -> memref<!tpu.dma_semaphore, #tpu.memory_space<semaphore_mem>>
      tpu.enqueue_indirect_dma source(%dma_start3A_563 : memref<128x64xf32, #tpu.memory_space<vmem>>) target(%dma_start3A_569 : memref<10240x64xf32, #tpu.memory_space<vmem_shared>>) offsets(%dma_start3A_566 : memref<128xi32, #tpu.memory_space<vmem>>) semaphore(%dma_start3A_571 : memref<!tpu.dma_semaphore, #tpu.memory_space<semaphore_mem>>) {add = true}
    }
    %scan3A_81 = arith.constant 40 : i32
    %dma_wait3A = arith.constant 3 : i32
    %dma_wait3A_82 = arith.constant 1 : i32
    %dma_wait3A_83 = arith.constant 1 : i32
    %dma_wait3A_84 = arith.constant 0 : i32
    %dma_wait3A_85 = arith.constant 0 : i32
    %dma_wait3A_86 = tpu.memref_slice %arg10[%dma_wait3A_82, %dma_wait3A_84, %dma_wait3A_85] : memref<2x128x64xf32, #tpu.memory_space<vmem>> -> memref<1x128x64xf32, #tpu.memory_space<vmem>>
    %dma_wait3A_87 = tpu.memref_squeeze %dma_wait3A_86 : memref<1x128x64xf32, #tpu.memory_space<vmem>> -> memref<128x64xf32, #tpu.memory_space<vmem>>
    %dma_wait3A_88 = arith.constant 0 : i32
    %dma_wait3A_89 = tpu.memref_slice %arg8[%dma_wait3A, %dma_wait3A_88] : memref<4x128xi32, #tpu.memory_space<vmem>> -> memref<1x128xi32, #tpu.memory_space<vmem>>
    %dma_wait3A_90 = tpu.memref_squeeze %dma_wait3A_89 : memref<1x128xi32, #tpu.memory_space<vmem>> -> memref<128xi32, #tpu.memory_space<vmem>>
    %dma_wait3A_91 = arith.constant 0 : i32
    %dma_wait3A_92 = arith.constant 0 : i32
    %dma_wait3A_93 = tpu.memref_slice %arg11[%dma_wait3A_91, %dma_wait3A_92] : memref<10240x64xf32, #tpu.memory_space<vmem_shared>> -> memref<10240x64xf32, #tpu.memory_space<vmem_shared>>
    %dma_wait3A_94 = tpu.memref_slice %arg14[%dma_wait3A_83] : memref<2x!tpu.dma_semaphore, #tpu.memory_space<semaphore_mem>> -> memref<1x!tpu.dma_semaphore, #tpu.memory_space<semaphore_mem>>
    %dma_wait3A_95 = tpu.memref_squeeze %dma_wait3A_94 : memref<1x!tpu.dma_semaphore, #tpu.memory_space<semaphore_mem>> -> memref<!tpu.dma_semaphore, #tpu.memory_space<semaphore_mem>>
    tpu.wait_indirect_dma semaphore(%dma_wait3A_95 : memref<!tpu.dma_semaphore, #tpu.memory_space<semaphore_mem>>) src(%dma_wait3A_93 : memref<10240x64xf32, #tpu.memory_space<vmem_shared>>) dst(%dma_wait3A_87 : memref<128x64xf32, #tpu.memory_space<vmem>>)
    %dma_start3A_96 = arith.constant 1 : i32
    %dma_start3A_97 = arith.constant 3 : i32
    %dma_start3A_98 = arith.constant 1 : i32
    %dma_start3A_99 = arith.constant 0 : i32
    %dma_start3A_100 = arith.constant 0 : i32
    %dma_start3A_101 = tpu.memref_slice %arg10[%dma_start3A_96, %dma_start3A_99, %dma_start3A_100] : memref<2x128x64xf32, #tpu.memory_space<vmem>> -> memref<1x128x64xf32, #tpu.memory_space<vmem>>
    %dma_start3A_102 = tpu.memref_squeeze %dma_start3A_101 : memref<1x128x64xf32, #tpu.memory_space<vmem>> -> memref<128x64xf32, #tpu.memory_space<vmem>>
    %dma_start3A_103 = arith.constant 0 : i32
    %dma_start3A_104 = tpu.memref_slice %arg9[%dma_start3A_97, %dma_start3A_103] : memref<4x128xi32, #tpu.memory_space<vmem>> -> memref<1x128xi32, #tpu.memory_space<vmem>>
    %dma_start3A_105 = tpu.memref_squeeze %dma_start3A_104 : memref<1x128xi32, #tpu.memory_space<vmem>> -> memref<128xi32, #tpu.memory_space<vmem>>
    %dma_start3A_106 = arith.constant 0 : i32
    %dma_start3A_107 = arith.constant 0 : i32
    %dma_start3A_108 = tpu.memref_slice %arg12[%dma_start3A_106, %dma_start3A_107] : memref<10240x64xf32, #tpu.memory_space<vmem_shared>> -> memref<10240x64xf32, #tpu.memory_space<vmem_shared>>
    %dma_start3A_109 = tpu.memref_slice %arg15[%dma_start3A_98] : memref<2x!tpu.dma_semaphore, #tpu.memory_space<semaphore_mem>> -> memref<1x!tpu.dma_semaphore, #tpu.memory_space<semaphore_mem>>
    %dma_start3A_110 = tpu.memref_squeeze %dma_start3A_109 : memref<1x!tpu.dma_semaphore, #tpu.memory_space<semaphore_mem>> -> memref<!tpu.dma_semaphore, #tpu.memory_space<semaphore_mem>>
    tpu.enqueue_indirect_dma source(%dma_start3A_102 : memref<128x64xf32, #tpu.memory_space<vmem>>) target(%dma_start3A_108 : memref<10240x64xf32, #tpu.memory_space<vmem_shared>>) offsets(%dma_start3A_105 : memref<128xi32, #tpu.memory_space<vmem>>) semaphore(%dma_start3A_110 : memref<!tpu.dma_semaphore, #tpu.memory_space<semaphore_mem>>) {add = true}
    %dma_wait3A_111 = arith.constant 0 : i32
    %dma_wait3A_112 = arith.constant 2 : i32
    %dma_wait3A_113 = arith.constant 0 : i32
    %dma_wait3A_114 = arith.constant 0 : i32
    %dma_wait3A_115 = arith.constant 0 : i32
    %dma_wait3A_116 = tpu.memref_slice %arg10[%dma_wait3A_111, %dma_wait3A_114, %dma_wait3A_115] : memref<2x128x64xf32, #tpu.memory_space<vmem>> -> memref<1x128x64xf32, #tpu.memory_space<vmem>>
    %dma_wait3A_117 = tpu.memref_squeeze %dma_wait3A_116 : memref<1x128x64xf32, #tpu.memory_space<vmem>> -> memref<128x64xf32, #tpu.memory_space<vmem>>
    %dma_wait3A_118 = arith.constant 0 : i32
    %dma_wait3A_119 = tpu.memref_slice %arg9[%dma_wait3A_112, %dma_wait3A_118] : memref<4x128xi32, #tpu.memory_space<vmem>> -> memref<1x128xi32, #tpu.memory_space<vmem>>
    %dma_wait3A_120 = tpu.memref_squeeze %dma_wait3A_119 : memref<1x128xi32, #tpu.memory_space<vmem>> -> memref<128xi32, #tpu.memory_space<vmem>>
    %dma_wait3A_121 = arith.constant 0 : i32
    %dma_wait3A_122 = arith.constant 0 : i32
    %dma_wait3A_123 = tpu.memref_slice %arg12[%dma_wait3A_121, %dma_wait3A_122] : memref<10240x64xf32, #tpu.memory_space<vmem_shared>> -> memref<10240x64xf32, #tpu.memory_space<vmem_shared>>
    %dma_wait3A_124 = tpu.memref_slice %arg15[%dma_wait3A_113] : memref<2x!tpu.dma_semaphore, #tpu.memory_space<semaphore_mem>> -> memref<1x!tpu.dma_semaphore, #tpu.memory_space<semaphore_mem>>
    %dma_wait3A_125 = tpu.memref_squeeze %dma_wait3A_124 : memref<1x!tpu.dma_semaphore, #tpu.memory_space<semaphore_mem>> -> memref<!tpu.dma_semaphore, #tpu.memory_space<semaphore_mem>>
    tpu.wait_indirect_dma semaphore(%dma_wait3A_125 : memref<!tpu.dma_semaphore, #tpu.memory_space<semaphore_mem>>) src(%dma_wait3A_117 : memref<128x64xf32, #tpu.memory_space<vmem>>) dst(%dma_wait3A_123 : memref<10240x64xf32, #tpu.memory_space<vmem_shared>>)
    %dma_wait3A_126 = arith.constant 1 : i32
    %dma_wait3A_127 = arith.constant 3 : i32
    %dma_wait3A_128 = arith.constant 1 : i32
    %dma_wait3A_129 = arith.constant 0 : i32
    %dma_wait3A_130 = arith.constant 0 : i32
    %dma_wait3A_131 = tpu.memref_slice %arg10[%dma_wait3A_126, %dma_wait3A_129, %dma_wait3A_130] : memref<2x128x64xf32, #tpu.memory_space<vmem>> -> memref<1x128x64xf32, #tpu.memory_space<vmem>>
    %dma_wait3A_132 = tpu.memref_squeeze %dma_wait3A_131 : memref<1x128x64xf32, #tpu.memory_space<vmem>> -> memref<128x64xf32, #tpu.memory_space<vmem>>
    %dma_wait3A_133 = arith.constant 0 : i32
    %dma_wait3A_134 = tpu.memref_slice %arg9[%dma_wait3A_127, %dma_wait3A_133] : memref<4x128xi32, #tpu.memory_space<vmem>> -> memref<1x128xi32, #tpu.memory_space<vmem>>
    %dma_wait3A_135 = tpu.memref_squeeze %dma_wait3A_134 : memref<1x128xi32, #tpu.memory_space<vmem>> -> memref<128xi32, #tpu.memory_space<vmem>>
    %dma_wait3A_136 = arith.constant 0 : i32
    %dma_wait3A_137 = arith.constant 0 : i32
    %dma_wait3A_138 = tpu.memref_slice %arg12[%dma_wait3A_136, %dma_wait3A_137] : memref<10240x64xf32, #tpu.memory_space<vmem_shared>> -> memref<10240x64xf32, #tpu.memory_space<vmem_shared>>
    %dma_wait3A_139 = tpu.memref_slice %arg15[%dma_wait3A_128] : memref<2x!tpu.dma_semaphore, #tpu.memory_space<semaphore_mem>> -> memref<1x!tpu.dma_semaphore, #tpu.memory_space<semaphore_mem>>
    %dma_wait3A_140 = tpu.memref_squeeze %dma_wait3A_139 : memref<1x!tpu.dma_semaphore, #tpu.memory_space<semaphore_mem>> -> memref<!tpu.dma_semaphore, #tpu.memory_space<semaphore_mem>>
    tpu.wait_indirect_dma semaphore(%dma_wait3A_140 : memref<!tpu.dma_semaphore, #tpu.memory_space<semaphore_mem>>) src(%dma_wait3A_132 : memref<128x64xf32, #tpu.memory_space<vmem>>) dst(%dma_wait3A_138 : memref<10240x64xf32, #tpu.memory_space<vmem_shared>>)
    %barrier3A_141 = arith.constant 0 : index
    tpu.barrier barrier_id(%barrier3A_141)
    %eq3A_142 = arith.constant 0 : i32
    %eq3A_143 = arith.cmpi eq, %arg0, %eq3A_142 : i32
    %convert_element_type3A_144 = arith.extui %eq3A_143 : i1 to i32
    %cond3A_145 = arith.constant 0 : i32
    %cond3A_146 = arith.cmpi ne, %convert_element_type3A_144, %cond3A_145 : i32
    scf.if %cond3A_146 {
      %mul3A_152 = arith.constant 640 : i32
      %mul3A_153 = arith.muli %arg1, %mul3A_152 : i32
      %mul3A_154 = arith.constant 640 : i32
      %mul3A_155 = arith.muli %arg1, %mul3A_154 : i32
      "tpu.region"() ({
        %run_scoped3A = tpu.sem_alloc : memref<!tpu.dma_semaphore, #tpu.memory_space<semaphore_mem>>
        %dma_start3A_156 = arith.constant 0 : i32
        %dma_start3A_157 = tpu.memref_slice %arg6[%mul3A_155, %dma_start3A_156] : memref<10240x64xf32, #tpu.memory_space<hbm>> -> memref<640x64xf32, #tpu.memory_space<hbm>>
        %dma_start3A_158 = arith.constant 0 : i32
        %dma_start3A_159 = tpu.memref_slice %arg12[%mul3A_153, %dma_start3A_158] : memref<10240x64xf32, #tpu.memory_space<vmem_shared>> -> memref<640x64xf32, #tpu.memory_space<vmem_shared>>
        tpu.enqueue_dma source(%dma_start3A_159 : memref<640x64xf32, #tpu.memory_space<vmem_shared>>) target(%dma_start3A_157 : memref<640x64xf32, #tpu.memory_space<hbm>>) target_semaphore(%run_scoped3A : memref<!tpu.dma_semaphore, #tpu.memory_space<semaphore_mem>>)
        %dma_wait3A_160 = arith.constant 0 : i32
        %dma_wait3A_161 = tpu.memref_slice %arg6[%mul3A_155, %dma_wait3A_160] : memref<10240x64xf32, #tpu.memory_space<hbm>> -> memref<640x64xf32, #tpu.memory_space<hbm>>
        %dma_wait3A_162 = arith.constant 0 : i32
        %dma_wait3A_163 = tpu.memref_slice %arg12[%mul3A_153, %dma_wait3A_162] : memref<10240x64xf32, #tpu.memory_space<vmem_shared>> -> memref<640x64xf32, #tpu.memory_space<vmem_shared>>
        tpu.wait_dma2 semaphore(%run_scoped3A : memref<!tpu.dma_semaphore, #tpu.memory_space<semaphore_mem>>) src(%dma_wait3A_163 : memref<640x64xf32, #tpu.memory_space<vmem_shared>>) dst(%dma_wait3A_161 : memref<640x64xf32, #tpu.memory_space<hbm>>)
        tpu.yield
      }) : () -> ()
    } else {
    }
    %eq3A_147 = arith.constant 1 : i32
    %eq3A_148 = arith.cmpi eq, %arg0, %eq3A_147 : i32
    %convert_element_type3A_149 = arith.extui %eq3A_148 : i1 to i32
    %cond3A_150 = arith.constant 0 : i32
    %cond3A_151 = arith.cmpi ne, %convert_element_type3A_149, %cond3A_150 : i32
    scf.if %cond3A_151 {
      %mul3A_152 = arith.constant 640 : i32
      %mul3A_153 = arith.muli %arg1, %mul3A_152 : i32
      %mul3A_154 = arith.constant 640 : i32
      %mul3A_155 = arith.muli %arg1, %mul3A_154 : i32
      "tpu.region"() ({
        %run_scoped3A = tpu.sem_alloc : memref<!tpu.dma_semaphore, #tpu.memory_space<semaphore_mem>>
        %dma_start3A_156 = arith.constant 0 : i32
        %dma_start3A_157 = tpu.memref_slice %arg7[%mul3A_155, %dma_start3A_156] : memref<10240x64xf32, #tpu.memory_space<hbm>> -> memref<640x64xf32, #tpu.memory_space<hbm>>
        %dma_start3A_158 = arith.constant 0 : i32
        %dma_start3A_159 = tpu.memref_slice %arg12[%mul3A_153, %dma_start3A_158] : memref<10240x64xf32, #tpu.memory_space<vmem_shared>> -> memref<640x64xf32, #tpu.memory_space<vmem_shared>>
        tpu.enqueue_dma source(%dma_start3A_159 : memref<640x64xf32, #tpu.memory_space<vmem_shared>>) target(%dma_start3A_157 : memref<640x64xf32, #tpu.memory_space<hbm>>) target_semaphore(%run_scoped3A : memref<!tpu.dma_semaphore, #tpu.memory_space<semaphore_mem>>)
        %dma_wait3A_160 = arith.constant 0 : i32
        %dma_wait3A_161 = tpu.memref_slice %arg7[%mul3A_155, %dma_wait3A_160] : memref<10240x64xf32, #tpu.memory_space<hbm>> -> memref<640x64xf32, #tpu.memory_space<hbm>>
        %dma_wait3A_162 = arith.constant 0 : i32
        %dma_wait3A_163 = tpu.memref_slice %arg12[%mul3A_153, %dma_wait3A_162] : memref<10240x64xf32, #tpu.memory_space<vmem_shared>> -> memref<640x64xf32, #tpu.memory_space<vmem_shared>>
        tpu.wait_dma2 semaphore(%run_scoped3A : memref<!tpu.dma_semaphore, #tpu.memory_space<semaphore_mem>>) src(%dma_wait3A_163 : memref<640x64xf32, #tpu.memory_space<vmem_shared>>) dst(%dma_wait3A_161 : memref<640x64xf32, #tpu.memory_space<hbm>>)
        tpu.yield
      }) : () -> ()
    } else {
    }
    return
  }
}

#map = affine_map<(d0, d1) -> (0, 0)>
#map1 = affine_map<(d0, d1) -> (0)>
module attributes {stable_mosaic.version = 14 : i64} {
  func.func @_edge_sc(%arg0: i32, %arg1: i32, %arg2: memref<10240x64xf32, #tpu.memory_space<hbm>>, %arg3: memref<10240x64xf32, #tpu.memory_space<hbm>>, %arg4: memref<655360xi32, #tpu.memory_space<hbm>>, %arg5: memref<10240x64xf32, #tpu.memory_space<hbm>>, %arg6: memref<10240x64xf32, #tpu.memory_space<hbm>>, %arg7: memref<10240x64xf32, #tpu.memory_space<hbm>>, %arg8: memref<4x128xi32, #tpu.memory_space<vmem>>, %arg9: memref<4x128xi32, #tpu.memory_space<vmem>>, %arg10: memref<2x128x64xf32, #tpu.memory_space<vmem>>, %arg11: memref<10240x64xf32, #tpu.memory_space<vmem_shared>>, %arg12: memref<10240x64xf32, #tpu.memory_space<vmem_shared>>, %arg13: memref<4x!tpu.dma_semaphore, #tpu.memory_space<semaphore_mem>>, %arg14: memref<2x!tpu.dma_semaphore, #tpu.memory_space<semaphore_mem>>, %arg15: memref<2x!tpu.dma_semaphore, #tpu.memory_space<semaphore_mem>>) attributes {dimension_semantics = [#tpu.dimension_semantics<core_parallel>, #tpu.dimension_semantics<subcore_parallel>], iteration_bounds = array<i64: 2, 16>, scalar_prefetch = 0 : i64, scratch_operands = 8 : i64, tpu.core_type = #tpu.core_type<sc_vector_subcore>, window_params = [{transform_indices = #map}, {transform_indices = #map}, {transform_indices = #map1}, {transform_indices = #map}, {transform_indices = #map}, {transform_indices = #map}]} {
    %mul3A = arith.constant 640 : i32
    %mul3A_0 = arith.muli %arg1, %mul3A : i32
    %mul3A_1 = arith.constant 640 : i32
    %mul3A_2 = arith.muli %arg1, %mul3A_1 : i32
    "tpu.region"() ({
      %run_scoped3A = tpu.sem_alloc : memref<!tpu.dma_semaphore, #tpu.memory_space<semaphore_mem>>
      %dma_start3A_152 = arith.constant 0 : i32
      %dma_start3A_153 = tpu.memref_slice %arg12[%mul3A_2, %dma_start3A_152] : memref<10240x64xf32, #tpu.memory_space<vmem_shared>> -> memref<640x64xf32, #tpu.memory_space<vmem_shared>>
      %dma_start3A_154 = arith.constant 0 : i32
      %dma_start3A_155 = tpu.memref_slice %arg5[%mul3A_0, %dma_start3A_154] : memref<10240x64xf32, #tpu.memory_space<hbm>> -> memref<640x64xf32, #tpu.memory_space<hbm>>
      tpu.enqueue_dma source(%dma_start3A_155 : memref<640x64xf32, #tpu.memory_space<hbm>>) target(%dma_start3A_153 : memref<640x64xf32, #tpu.memory_space<vmem_shared>>) target_semaphore(%run_scoped3A : memref<!tpu.dma_semaphore, #tpu.memory_space<semaphore_mem>>)
      %dma_wait3A_156 = arith.constant 0 : i32
      %dma_wait3A_157 = tpu.memref_slice %arg12[%mul3A_2, %dma_wait3A_156] : memref<10240x64xf32, #tpu.memory_space<vmem_shared>> -> memref<640x64xf32, #tpu.memory_space<vmem_shared>>
      %dma_wait3A_158 = arith.constant 0 : i32
      %dma_wait3A_159 = tpu.memref_slice %arg5[%mul3A_0, %dma_wait3A_158] : memref<10240x64xf32, #tpu.memory_space<hbm>> -> memref<640x64xf32, #tpu.memory_space<hbm>>
      tpu.wait_dma2 semaphore(%run_scoped3A : memref<!tpu.dma_semaphore, #tpu.memory_space<semaphore_mem>>) src(%dma_wait3A_159 : memref<640x64xf32, #tpu.memory_space<hbm>>) dst(%dma_wait3A_157 : memref<640x64xf32, #tpu.memory_space<vmem_shared>>)
      tpu.yield
    }) : () -> ()
    %eq3A = arith.constant 0 : i32
    %eq3A_3 = arith.cmpi eq, %arg0, %eq3A : i32
    %convert_element_type3A = arith.extui %eq3A_3 : i1 to i32
    %cond3A = arith.constant 0 : i32
    %cond3A_4 = arith.cmpi ne, %convert_element_type3A, %cond3A : i32
    scf.if %cond3A_4 {
      %mul3A_152 = arith.constant 640 : i32
      %mul3A_153 = arith.muli %arg1, %mul3A_152 : i32
      %mul3A_154 = arith.constant 640 : i32
      %mul3A_155 = arith.muli %arg1, %mul3A_154 : i32
      "tpu.region"() ({
        %run_scoped3A = tpu.sem_alloc : memref<!tpu.dma_semaphore, #tpu.memory_space<semaphore_mem>>
        %dma_start3A_156 = arith.constant 0 : i32
        %dma_start3A_157 = tpu.memref_slice %arg11[%mul3A_155, %dma_start3A_156] : memref<10240x64xf32, #tpu.memory_space<vmem_shared>> -> memref<640x64xf32, #tpu.memory_space<vmem_shared>>
        %dma_start3A_158 = arith.constant 0 : i32
        %dma_start3A_159 = tpu.memref_slice %arg2[%mul3A_153, %dma_start3A_158] : memref<10240x64xf32, #tpu.memory_space<hbm>> -> memref<640x64xf32, #tpu.memory_space<hbm>>
        tpu.enqueue_dma source(%dma_start3A_159 : memref<640x64xf32, #tpu.memory_space<hbm>>) target(%dma_start3A_157 : memref<640x64xf32, #tpu.memory_space<vmem_shared>>) target_semaphore(%run_scoped3A : memref<!tpu.dma_semaphore, #tpu.memory_space<semaphore_mem>>)
        %dma_wait3A_160 = arith.constant 0 : i32
        %dma_wait3A_161 = tpu.memref_slice %arg11[%mul3A_155, %dma_wait3A_160] : memref<10240x64xf32, #tpu.memory_space<vmem_shared>> -> memref<640x64xf32, #tpu.memory_space<vmem_shared>>
        %dma_wait3A_162 = arith.constant 0 : i32
        %dma_wait3A_163 = tpu.memref_slice %arg2[%mul3A_153, %dma_wait3A_162] : memref<10240x64xf32, #tpu.memory_space<hbm>> -> memref<640x64xf32, #tpu.memory_space<hbm>>
        tpu.wait_dma2 semaphore(%run_scoped3A : memref<!tpu.dma_semaphore, #tpu.memory_space<semaphore_mem>>) src(%dma_wait3A_163 : memref<640x64xf32, #tpu.memory_space<hbm>>) dst(%dma_wait3A_161 : memref<640x64xf32, #tpu.memory_space<vmem_shared>>)
        tpu.yield
      }) : () -> ()
    } else {
    }
    %eq3A_5 = arith.constant 1 : i32
    %eq3A_6 = arith.cmpi eq, %arg0, %eq3A_5 : i32
    %convert_element_type3A_7 = arith.extui %eq3A_6 : i1 to i32
    %cond3A_8 = arith.constant 0 : i32
    %cond3A_9 = arith.cmpi ne, %convert_element_type3A_7, %cond3A_8 : i32
    scf.if %cond3A_9 {
      %mul3A_152 = arith.constant 640 : i32
      %mul3A_153 = arith.muli %arg1, %mul3A_152 : i32
      %mul3A_154 = arith.constant 640 : i32
      %mul3A_155 = arith.muli %arg1, %mul3A_154 : i32
      "tpu.region"() ({
        %run_scoped3A = tpu.sem_alloc : memref<!tpu.dma_semaphore, #tpu.memory_space<semaphore_mem>>
        %dma_start3A_156 = arith.constant 0 : i32
        %dma_start3A_157 = tpu.memref_slice %arg11[%mul3A_155, %dma_start3A_156] : memref<10240x64xf32, #tpu.memory_space<vmem_shared>> -> memref<640x64xf32, #tpu.memory_space<vmem_shared>>
        %dma_start3A_158 = arith.constant 0 : i32
        %dma_start3A_159 = tpu.memref_slice %arg3[%mul3A_153, %dma_start3A_158] : memref<10240x64xf32, #tpu.memory_space<hbm>> -> memref<640x64xf32, #tpu.memory_space<hbm>>
        tpu.enqueue_dma source(%dma_start3A_159 : memref<640x64xf32, #tpu.memory_space<hbm>>) target(%dma_start3A_157 : memref<640x64xf32, #tpu.memory_space<vmem_shared>>) target_semaphore(%run_scoped3A : memref<!tpu.dma_semaphore, #tpu.memory_space<semaphore_mem>>)
        %dma_wait3A_160 = arith.constant 0 : i32
        %dma_wait3A_161 = tpu.memref_slice %arg11[%mul3A_155, %dma_wait3A_160] : memref<10240x64xf32, #tpu.memory_space<vmem_shared>> -> memref<640x64xf32, #tpu.memory_space<vmem_shared>>
        %dma_wait3A_162 = arith.constant 0 : i32
        %dma_wait3A_163 = tpu.memref_slice %arg3[%mul3A_153, %dma_wait3A_162] : memref<10240x64xf32, #tpu.memory_space<hbm>> -> memref<640x64xf32, #tpu.memory_space<hbm>>
        tpu.wait_dma2 semaphore(%run_scoped3A : memref<!tpu.dma_semaphore, #tpu.memory_space<semaphore_mem>>) src(%dma_wait3A_163 : memref<640x64xf32, #tpu.memory_space<hbm>>) dst(%dma_wait3A_161 : memref<640x64xf32, #tpu.memory_space<vmem_shared>>)
        tpu.yield
      }) : () -> ()
    } else {
    }
    %barrier3A = arith.constant 0 : index
    tpu.barrier barrier_id(%barrier3A)
    %mul3A_10 = arith.constant 160 : i32
    %mul3A_11 = arith.muli %arg1, %mul3A_10 : i32
    %add3A = arith.constant 0 : i32
    %add3A_12 = arith.addi %mul3A_11, %add3A : i32
    %mul3A_13 = arith.constant 128 : i32
    %mul3A_14 = arith.muli %add3A_12, %mul3A_13 : i32
    %dma_start3A = arith.constant 0 : i32
    %dma_start3A_15 = arith.constant 0 : i32
    %dma_start3A_16 = arith.constant 0 : i32
    %dma_start3A_17 = tpu.memref_slice %arg8[%dma_start3A, %dma_start3A_16] : memref<4x128xi32, #tpu.memory_space<vmem>> -> memref<1x128xi32, #tpu.memory_space<vmem>>
    %dma_start3A_18 = tpu.memref_squeeze %dma_start3A_17 : memref<1x128xi32, #tpu.memory_space<vmem>> -> memref<128xi32, #tpu.memory_space<vmem>>
    %dma_start3A_19 = tpu.memref_slice %arg4[%mul3A_14] : memref<655360xi32, #tpu.memory_space<hbm>> -> memref<128xi32, #tpu.memory_space<hbm>>
    %dma_start3A_20 = tpu.memref_slice %arg13[%dma_start3A_15] : memref<4x!tpu.dma_semaphore, #tpu.memory_space<semaphore_mem>> -> memref<1x!tpu.dma_semaphore, #tpu.memory_space<semaphore_mem>>
    %dma_start3A_21 = tpu.memref_squeeze %dma_start3A_20 : memref<1x!tpu.dma_semaphore, #tpu.memory_space<semaphore_mem>> -> memref<!tpu.dma_semaphore, #tpu.memory_space<semaphore_mem>>
    %dma_start3A_22 = arith.constant 0 : i32
    %dma_start3A_23 = tpu.memref_slice %arg8[%dma_start3A, %dma_start3A_22] : memref<4x128xi32, #tpu.memory_space<vmem>> -> memref<1x128xi32, #tpu.memory_space<vmem>>
    %dma_start3A_24 = tpu.memref_squeeze %dma_start3A_23 : memref<1x128xi32, #tpu.memory_space<vmem>> -> memref<128xi32, #tpu.memory_space<vmem>>
    %dma_start3A_25 = tpu.memref_slice %arg4[%mul3A_14] : memref<655360xi32, #tpu.memory_space<hbm>> -> memref<128xi32, #tpu.memory_space<hbm>>
    tpu.enqueue_dma source(%dma_start3A_25 : memref<128xi32, #tpu.memory_space<hbm>>) target(%dma_start3A_24 : memref<128xi32, #tpu.memory_space<vmem>>) target_semaphore(%dma_start3A_21 : memref<!tpu.dma_semaphore, #tpu.memory_space<semaphore_mem>>)
    %add3A_26 = arith.constant 0 : i32
    %add3A_27 = arith.addi %mul3A_11, %add3A_26 : i32
    %mul3A_28 = arith.constant 128 : i32
    %mul3A_29 = arith.muli %add3A_27, %mul3A_28 : i32
    %add3A_30 = arith.constant 327680 : i32
    %add3A_31 = arith.addi %add3A_30, %mul3A_29 : i32
    %dma_start3A_32 = arith.constant 0 : i32
    %dma_start3A_33 = arith.constant 0 : i32
    %dma_start3A_34 = arith.constant 0 : i32
    %dma_start3A_35 = tpu.memref_slice %arg9[%dma_start3A_32, %dma_start3A_34] : memref<4x128xi32, #tpu.memory_space<vmem>> -> memref<1x128xi32, #tpu.memory_space<vmem>>
    %dma_start3A_36 = tpu.memref_squeeze %dma_start3A_35 : memref<1x128xi32, #tpu.memory_space<vmem>> -> memref<128xi32, #tpu.memory_space<vmem>>
    %dma_start3A_37 = tpu.memref_slice %arg4[%add3A_31] : memref<655360xi32, #tpu.memory_space<hbm>> -> memref<128xi32, #tpu.memory_space<hbm>>
    %dma_start3A_38 = tpu.memref_slice %arg13[%dma_start3A_33] : memref<4x!tpu.dma_semaphore, #tpu.memory_space<semaphore_mem>> -> memref<1x!tpu.dma_semaphore, #tpu.memory_space<semaphore_mem>>
    %dma_start3A_39 = tpu.memref_squeeze %dma_start3A_38 : memref<1x!tpu.dma_semaphore, #tpu.memory_space<semaphore_mem>> -> memref<!tpu.dma_semaphore, #tpu.memory_space<semaphore_mem>>
    %dma_start3A_40 = arith.constant 0 : i32
    %dma_start3A_41 = tpu.memref_slice %arg9[%dma_start3A_32, %dma_start3A_40] : memref<4x128xi32, #tpu.memory_space<vmem>> -> memref<1x128xi32, #tpu.memory_space<vmem>>
    %dma_start3A_42 = tpu.memref_squeeze %dma_start3A_41 : memref<1x128xi32, #tpu.memory_space<vmem>> -> memref<128xi32, #tpu.memory_space<vmem>>
    %dma_start3A_43 = tpu.memref_slice %arg4[%add3A_31] : memref<655360xi32, #tpu.memory_space<hbm>> -> memref<128xi32, #tpu.memory_space<hbm>>
    tpu.enqueue_dma source(%dma_start3A_43 : memref<128xi32, #tpu.memory_space<hbm>>) target(%dma_start3A_42 : memref<128xi32, #tpu.memory_space<vmem>>) target_semaphore(%dma_start3A_39 : memref<!tpu.dma_semaphore, #tpu.memory_space<semaphore_mem>>)
    %add3A_44 = arith.constant 1 : i32
    %add3A_45 = arith.addi %mul3A_11, %add3A_44 : i32
    %mul3A_46 = arith.constant 128 : i32
    %mul3A_47 = arith.muli %add3A_45, %mul3A_46 : i32
    %dma_start3A_48 = arith.constant 1 : i32
    %dma_start3A_49 = arith.constant 1 : i32
    %dma_start3A_50 = arith.constant 0 : i32
    %dma_start3A_51 = tpu.memref_slice %arg8[%dma_start3A_48, %dma_start3A_50] : memref<4x128xi32, #tpu.memory_space<vmem>> -> memref<1x128xi32, #tpu.memory_space<vmem>>
    %dma_start3A_52 = tpu.memref_squeeze %dma_start3A_51 : memref<1x128xi32, #tpu.memory_space<vmem>> -> memref<128xi32, #tpu.memory_space<vmem>>
    %dma_start3A_53 = tpu.memref_slice %arg4[%mul3A_47] : memref<655360xi32, #tpu.memory_space<hbm>> -> memref<128xi32, #tpu.memory_space<hbm>>
    %dma_start3A_54 = tpu.memref_slice %arg13[%dma_start3A_49] : memref<4x!tpu.dma_semaphore, #tpu.memory_space<semaphore_mem>> -> memref<1x!tpu.dma_semaphore, #tpu.memory_space<semaphore_mem>>
    %dma_start3A_55 = tpu.memref_squeeze %dma_start3A_54 : memref<1x!tpu.dma_semaphore, #tpu.memory_space<semaphore_mem>> -> memref<!tpu.dma_semaphore, #tpu.memory_space<semaphore_mem>>
    %dma_start3A_56 = arith.constant 0 : i32
    %dma_start3A_57 = tpu.memref_slice %arg8[%dma_start3A_48, %dma_start3A_56] : memref<4x128xi32, #tpu.memory_space<vmem>> -> memref<1x128xi32, #tpu.memory_space<vmem>>
    %dma_start3A_58 = tpu.memref_squeeze %dma_start3A_57 : memref<1x128xi32, #tpu.memory_space<vmem>> -> memref<128xi32, #tpu.memory_space<vmem>>
    %dma_start3A_59 = tpu.memref_slice %arg4[%mul3A_47] : memref<655360xi32, #tpu.memory_space<hbm>> -> memref<128xi32, #tpu.memory_space<hbm>>
    tpu.enqueue_dma source(%dma_start3A_59 : memref<128xi32, #tpu.memory_space<hbm>>) target(%dma_start3A_58 : memref<128xi32, #tpu.memory_space<vmem>>) target_semaphore(%dma_start3A_55 : memref<!tpu.dma_semaphore, #tpu.memory_space<semaphore_mem>>)
    %add3A_60 = arith.constant 1 : i32
    %add3A_61 = arith.addi %mul3A_11, %add3A_60 : i32
    %mul3A_62 = arith.constant 128 : i32
    %mul3A_63 = arith.muli %add3A_61, %mul3A_62 : i32
    %add3A_64 = arith.constant 327680 : i32
    %add3A_65 = arith.addi %add3A_64, %mul3A_63 : i32
    %dma_start3A_66 = arith.constant 1 : i32
    %dma_start3A_67 = arith.constant 1 : i32
    %dma_start3A_68 = arith.constant 0 : i32
    %dma_start3A_69 = tpu.memref_slice %arg9[%dma_start3A_66, %dma_start3A_68] : memref<4x128xi32, #tpu.memory_space<vmem>> -> memref<1x128xi32, #tpu.memory_space<vmem>>
    %dma_start3A_70 = tpu.memref_squeeze %dma_start3A_69 : memref<1x128xi32, #tpu.memory_space<vmem>> -> memref<128xi32, #tpu.memory_space<vmem>>
    %dma_start3A_71 = tpu.memref_slice %arg4[%add3A_65] : memref<655360xi32, #tpu.memory_space<hbm>> -> memref<128xi32, #tpu.memory_space<hbm>>
    %dma_start3A_72 = tpu.memref_slice %arg13[%dma_start3A_67] : memref<4x!tpu.dma_semaphore, #tpu.memory_space<semaphore_mem>> -> memref<1x!tpu.dma_semaphore, #tpu.memory_space<semaphore_mem>>
    %dma_start3A_73 = tpu.memref_squeeze %dma_start3A_72 : memref<1x!tpu.dma_semaphore, #tpu.memory_space<semaphore_mem>> -> memref<!tpu.dma_semaphore, #tpu.memory_space<semaphore_mem>>
    %dma_start3A_74 = arith.constant 0 : i32
    %dma_start3A_75 = tpu.memref_slice %arg9[%dma_start3A_66, %dma_start3A_74] : memref<4x128xi32, #tpu.memory_space<vmem>> -> memref<1x128xi32, #tpu.memory_space<vmem>>
    %dma_start3A_76 = tpu.memref_squeeze %dma_start3A_75 : memref<1x128xi32, #tpu.memory_space<vmem>> -> memref<128xi32, #tpu.memory_space<vmem>>
    %dma_start3A_77 = tpu.memref_slice %arg4[%add3A_65] : memref<655360xi32, #tpu.memory_space<hbm>> -> memref<128xi32, #tpu.memory_space<hbm>>
    tpu.enqueue_dma source(%dma_start3A_77 : memref<128xi32, #tpu.memory_space<hbm>>) target(%dma_start3A_76 : memref<128xi32, #tpu.memory_space<vmem>>) target_semaphore(%dma_start3A_73 : memref<!tpu.dma_semaphore, #tpu.memory_space<semaphore_mem>>)
    %scan3A = arith.constant 0 : i32
    %scan3A_78 = arith.constant 40 : i32
    %scan3A_79 = arith.addi %scan3A, %scan3A_78 : i32
    %scan3A_80 = arith.constant 1 : i32
    scf.for %scan3A_152 = %scan3A to %scan3A_79 step %scan3A_80  : i32 {
      %mul3A_153 = arith.constant 1 : i32
      %mul3A_154 = arith.muli %scan3A_152, %mul3A_153 : i32
      %add3A_155 = arith.constant 0 : i32
      %add3A_156 = arith.addi %add3A_155, %mul3A_154 : i32
      %mul3A_157 = arith.constant 4 : i32
      %mul3A_158 = arith.muli %add3A_156, %mul3A_157 : i32
      %add3A_159 = arith.constant 0 : i32
      %add3A_160 = arith.addi %mul3A_158, %add3A_159 : i32
      %gt3A = arith.constant 0 : i32
      %gt3A_161 = arith.cmpi sgt, %add3A_156, %gt3A : i32
      %convert_element_type3A_162 = arith.extui %gt3A_161 : i1 to i32
      %cond3A_163 = arith.constant 0 : i32
      %cond3A_164 = arith.cmpi ne, %convert_element_type3A_162, %cond3A_163 : i32
      scf.if %cond3A_164 {
        %dma_wait3A_572 = arith.constant 0 : i32
        %dma_wait3A_573 = arith.constant 2 : i32
        %dma_wait3A_574 = arith.constant 0 : i32
        %dma_wait3A_575 = arith.constant 0 : i32
        %dma_wait3A_576 = arith.constant 0 : i32
        %dma_wait3A_577 = tpu.memref_slice %arg10[%dma_wait3A_572, %dma_wait3A_575, %dma_wait3A_576] : memref<2x128x64xf32, #tpu.memory_space<vmem>> -> memref<1x128x64xf32, #tpu.memory_space<vmem>>
        %dma_wait3A_578 = tpu.memref_squeeze %dma_wait3A_577 : memref<1x128x64xf32, #tpu.memory_space<vmem>> -> memref<128x64xf32, #tpu.memory_space<vmem>>
        %dma_wait3A_579 = arith.constant 0 : i32
        %dma_wait3A_580 = tpu.memref_slice %arg9[%dma_wait3A_573, %dma_wait3A_579] : memref<4x128xi32, #tpu.memory_space<vmem>> -> memref<1x128xi32, #tpu.memory_space<vmem>>
        %dma_wait3A_581 = tpu.memref_squeeze %dma_wait3A_580 : memref<1x128xi32, #tpu.memory_space<vmem>> -> memref<128xi32, #tpu.memory_space<vmem>>
        %dma_wait3A_582 = arith.constant 0 : i32
        %dma_wait3A_583 = arith.constant 0 : i32
        %dma_wait3A_584 = tpu.memref_slice %arg12[%dma_wait3A_582, %dma_wait3A_583] : memref<10240x64xf32, #tpu.memory_space<vmem_shared>> -> memref<10240x64xf32, #tpu.memory_space<vmem_shared>>
        %dma_wait3A_585 = tpu.memref_slice %arg15[%dma_wait3A_574] : memref<2x!tpu.dma_semaphore, #tpu.memory_space<semaphore_mem>> -> memref<1x!tpu.dma_semaphore, #tpu.memory_space<semaphore_mem>>
        %dma_wait3A_586 = tpu.memref_squeeze %dma_wait3A_585 : memref<1x!tpu.dma_semaphore, #tpu.memory_space<semaphore_mem>> -> memref<!tpu.dma_semaphore, #tpu.memory_space<semaphore_mem>>
        tpu.wait_indirect_dma semaphore(%dma_wait3A_586 : memref<!tpu.dma_semaphore, #tpu.memory_space<semaphore_mem>>) src(%dma_wait3A_578 : memref<128x64xf32, #tpu.memory_space<vmem>>) dst(%dma_wait3A_584 : memref<10240x64xf32, #tpu.memory_space<vmem_shared>>)
      } else {
      }
      %add3A_165 = arith.addi %mul3A_11, %add3A_160 : i32
      %mul3A_166 = arith.constant 128 : i32
      %mul3A_167 = arith.muli %add3A_165, %mul3A_166 : i32
      %dma_wait3A_168 = arith.constant 0 : i32
      %dma_wait3A_169 = arith.constant 0 : i32
      %dma_wait3A_170 = arith.constant 0 : i32
      %dma_wait3A_171 = tpu.memref_slice %arg8[%dma_wait3A_168, %dma_wait3A_170] : memref<4x128xi32, #tpu.memory_space<vmem>> -> memref<1x128xi32, #tpu.memory_space<vmem>>
      %dma_wait3A_172 = tpu.memref_squeeze %dma_wait3A_171 : memref<1x128xi32, #tpu.memory_space<vmem>> -> memref<128xi32, #tpu.memory_space<vmem>>
      %dma_wait3A_173 = tpu.memref_slice %arg4[%mul3A_167] : memref<655360xi32, #tpu.memory_space<hbm>> -> memref<128xi32, #tpu.memory_space<hbm>>
      %dma_wait3A_174 = tpu.memref_slice %arg13[%dma_wait3A_169] : memref<4x!tpu.dma_semaphore, #tpu.memory_space<semaphore_mem>> -> memref<1x!tpu.dma_semaphore, #tpu.memory_space<semaphore_mem>>
      %dma_wait3A_175 = tpu.memref_squeeze %dma_wait3A_174 : memref<1x!tpu.dma_semaphore, #tpu.memory_space<semaphore_mem>> -> memref<!tpu.dma_semaphore, #tpu.memory_space<semaphore_mem>>
      %dma_wait3A_176 = arith.constant 0 : i32
      %dma_wait3A_177 = tpu.memref_slice %arg8[%dma_wait3A_168, %dma_wait3A_176] : memref<4x128xi32, #tpu.memory_space<vmem>> -> memref<1x128xi32, #tpu.memory_space<vmem>>
      %dma_wait3A_178 = tpu.memref_squeeze %dma_wait3A_177 : memref<1x128xi32, #tpu.memory_space<vmem>> -> memref<128xi32, #tpu.memory_space<vmem>>
      %dma_wait3A_179 = tpu.memref_slice %arg4[%mul3A_167] : memref<655360xi32, #tpu.memory_space<hbm>> -> memref<128xi32, #tpu.memory_space<hbm>>
      tpu.wait_dma2 semaphore(%dma_wait3A_175 : memref<!tpu.dma_semaphore, #tpu.memory_space<semaphore_mem>>) src(%dma_wait3A_179 : memref<128xi32, #tpu.memory_space<hbm>>) dst(%dma_wait3A_178 : memref<128xi32, #tpu.memory_space<vmem>>)
      %add3A_180 = arith.addi %mul3A_11, %add3A_160 : i32
      %mul3A_181 = arith.constant 128 : i32
      %mul3A_182 = arith.muli %add3A_180, %mul3A_181 : i32
      %add3A_183 = arith.constant 327680 : i32
      %add3A_184 = arith.addi %add3A_183, %mul3A_182 : i32
      %dma_wait3A_185 = arith.constant 0 : i32
      %dma_wait3A_186 = arith.constant 0 : i32
      %dma_wait3A_187 = arith.constant 0 : i32
      %dma_wait3A_188 = tpu.memref_slice %arg9[%dma_wait3A_185, %dma_wait3A_187] : memref<4x128xi32, #tpu.memory_space<vmem>> -> memref<1x128xi32, #tpu.memory_space<vmem>>
      %dma_wait3A_189 = tpu.memref_squeeze %dma_wait3A_188 : memref<1x128xi32, #tpu.memory_space<vmem>> -> memref<128xi32, #tpu.memory_space<vmem>>
      %dma_wait3A_190 = tpu.memref_slice %arg4[%add3A_184] : memref<655360xi32, #tpu.memory_space<hbm>> -> memref<128xi32, #tpu.memory_space<hbm>>
      %dma_wait3A_191 = tpu.memref_slice %arg13[%dma_wait3A_186] : memref<4x!tpu.dma_semaphore, #tpu.memory_space<semaphore_mem>> -> memref<1x!tpu.dma_semaphore, #tpu.memory_space<semaphore_mem>>
      %dma_wait3A_192 = tpu.memref_squeeze %dma_wait3A_191 : memref<1x!tpu.dma_semaphore, #tpu.memory_space<semaphore_mem>> -> memref<!tpu.dma_semaphore, #tpu.memory_space<semaphore_mem>>
      %dma_wait3A_193 = arith.constant 0 : i32
      %dma_wait3A_194 = tpu.memref_slice %arg9[%dma_wait3A_185, %dma_wait3A_193] : memref<4x128xi32, #tpu.memory_space<vmem>> -> memref<1x128xi32, #tpu.memory_space<vmem>>
      %dma_wait3A_195 = tpu.memref_squeeze %dma_wait3A_194 : memref<1x128xi32, #tpu.memory_space<vmem>> -> memref<128xi32, #tpu.memory_space<vmem>>
      %dma_wait3A_196 = tpu.memref_slice %arg4[%add3A_184] : memref<655360xi32, #tpu.memory_space<hbm>> -> memref<128xi32, #tpu.memory_space<hbm>>
      tpu.wait_dma2 semaphore(%dma_wait3A_192 : memref<!tpu.dma_semaphore, #tpu.memory_space<semaphore_mem>>) src(%dma_wait3A_196 : memref<128xi32, #tpu.memory_space<hbm>>) dst(%dma_wait3A_195 : memref<128xi32, #tpu.memory_space<vmem>>)
      %dma_start3A_197 = arith.constant 0 : i32
      %dma_start3A_198 = arith.constant 0 : i32
      %dma_start3A_199 = arith.constant 0 : i32
      %dma_start3A_200 = arith.constant 0 : i32
      %dma_start3A_201 = arith.constant 0 : i32
      %dma_start3A_202 = tpu.memref_slice %arg10[%dma_start3A_198, %dma_start3A_200, %dma_start3A_201] : memref<2x128x64xf32, #tpu.memory_space<vmem>> -> memref<1x128x64xf32, #tpu.memory_space<vmem>>
      %dma_start3A_203 = tpu.memref_squeeze %dma_start3A_202 : memref<1x128x64xf32, #tpu.memory_space<vmem>> -> memref<128x64xf32, #tpu.memory_space<vmem>>
      %dma_start3A_204 = arith.constant 0 : i32
      %dma_start3A_205 = tpu.memref_slice %arg8[%dma_start3A_197, %dma_start3A_204] : memref<4x128xi32, #tpu.memory_space<vmem>> -> memref<1x128xi32, #tpu.memory_space<vmem>>
      %dma_start3A_206 = tpu.memref_squeeze %dma_start3A_205 : memref<1x128xi32, #tpu.memory_space<vmem>> -> memref<128xi32, #tpu.memory_space<vmem>>
      %dma_start3A_207 = arith.constant 0 : i32
      %dma_start3A_208 = arith.constant 0 : i32
      %dma_start3A_209 = tpu.memref_slice %arg11[%dma_start3A_207, %dma_start3A_208] : memref<10240x64xf32, #tpu.memory_space<vmem_shared>> -> memref<10240x64xf32, #tpu.memory_space<vmem_shared>>
      %dma_start3A_210 = tpu.memref_slice %arg14[%dma_start3A_199] : memref<2x!tpu.dma_semaphore, #tpu.memory_space<semaphore_mem>> -> memref<1x!tpu.dma_semaphore, #tpu.memory_space<semaphore_mem>>
      %dma_start3A_211 = tpu.memref_squeeze %dma_start3A_210 : memref<1x!tpu.dma_semaphore, #tpu.memory_space<semaphore_mem>> -> memref<!tpu.dma_semaphore, #tpu.memory_space<semaphore_mem>>
      tpu.enqueue_indirect_dma source(%dma_start3A_209 : memref<10240x64xf32, #tpu.memory_space<vmem_shared>>) target(%dma_start3A_203 : memref<128x64xf32, #tpu.memory_space<vmem>>) offsets(%dma_start3A_206 : memref<128xi32, #tpu.memory_space<vmem>>) semaphore(%dma_start3A_211 : memref<!tpu.dma_semaphore, #tpu.memory_space<semaphore_mem>>)
      %add3A_212 = arith.constant 2 : i32
      %add3A_213 = arith.addi %add3A_160, %add3A_212 : i32
      %add3A_214 = arith.addi %mul3A_11, %add3A_213 : i32
      %mul3A_215 = arith.constant 128 : i32
      %mul3A_216 = arith.muli %add3A_214, %mul3A_215 : i32
      %dma_start3A_217 = arith.constant 2 : i32
      %dma_start3A_218 = arith.constant 2 : i32
      %dma_start3A_219 = arith.constant 0 : i32
      %dma_start3A_220 = tpu.memref_slice %arg8[%dma_start3A_217, %dma_start3A_219] : memref<4x128xi32, #tpu.memory_space<vmem>> -> memref<1x128xi32, #tpu.memory_space<vmem>>
      %dma_start3A_221 = tpu.memref_squeeze %dma_start3A_220 : memref<1x128xi32, #tpu.memory_space<vmem>> -> memref<128xi32, #tpu.memory_space<vmem>>
      %dma_start3A_222 = tpu.memref_slice %arg4[%mul3A_216] : memref<655360xi32, #tpu.memory_space<hbm>> -> memref<128xi32, #tpu.memory_space<hbm>>
      %dma_start3A_223 = tpu.memref_slice %arg13[%dma_start3A_218] : memref<4x!tpu.dma_semaphore, #tpu.memory_space<semaphore_mem>> -> memref<1x!tpu.dma_semaphore, #tpu.memory_space<semaphore_mem>>
      %dma_start3A_224 = tpu.memref_squeeze %dma_start3A_223 : memref<1x!tpu.dma_semaphore, #tpu.memory_space<semaphore_mem>> -> memref<!tpu.dma_semaphore, #tpu.memory_space<semaphore_mem>>
      %dma_start3A_225 = arith.constant 0 : i32
      %dma_start3A_226 = tpu.memref_slice %arg8[%dma_start3A_217, %dma_start3A_225] : memref<4x128xi32, #tpu.memory_space<vmem>> -> memref<1x128xi32, #tpu.memory_space<vmem>>
      %dma_start3A_227 = tpu.memref_squeeze %dma_start3A_226 : memref<1x128xi32, #tpu.memory_space<vmem>> -> memref<128xi32, #tpu.memory_space<vmem>>
      %dma_start3A_228 = tpu.memref_slice %arg4[%mul3A_216] : memref<655360xi32, #tpu.memory_space<hbm>> -> memref<128xi32, #tpu.memory_space<hbm>>
      tpu.enqueue_dma source(%dma_start3A_228 : memref<128xi32, #tpu.memory_space<hbm>>) target(%dma_start3A_227 : memref<128xi32, #tpu.memory_space<vmem>>) target_semaphore(%dma_start3A_224 : memref<!tpu.dma_semaphore, #tpu.memory_space<semaphore_mem>>)
      %add3A_229 = arith.addi %mul3A_11, %add3A_213 : i32
      %mul3A_230 = arith.constant 128 : i32
      %mul3A_231 = arith.muli %add3A_229, %mul3A_230 : i32
      %add3A_232 = arith.constant 327680 : i32
      %add3A_233 = arith.addi %add3A_232, %mul3A_231 : i32
      %dma_start3A_234 = arith.constant 2 : i32
      %dma_start3A_235 = arith.constant 2 : i32
      %dma_start3A_236 = arith.constant 0 : i32
      %dma_start3A_237 = tpu.memref_slice %arg9[%dma_start3A_234, %dma_start3A_236] : memref<4x128xi32, #tpu.memory_space<vmem>> -> memref<1x128xi32, #tpu.memory_space<vmem>>
      %dma_start3A_238 = tpu.memref_squeeze %dma_start3A_237 : memref<1x128xi32, #tpu.memory_space<vmem>> -> memref<128xi32, #tpu.memory_space<vmem>>
      %dma_start3A_239 = tpu.memref_slice %arg4[%add3A_233] : memref<655360xi32, #tpu.memory_space<hbm>> -> memref<128xi32, #tpu.memory_space<hbm>>
      %dma_start3A_240 = tpu.memref_slice %arg13[%dma_start3A_235] : memref<4x!tpu.dma_semaphore, #tpu.memory_space<semaphore_mem>> -> memref<1x!tpu.dma_semaphore, #tpu.memory_space<semaphore_mem>>
      %dma_start3A_241 = tpu.memref_squeeze %dma_start3A_240 : memref<1x!tpu.dma_semaphore, #tpu.memory_space<semaphore_mem>> -> memref<!tpu.dma_semaphore, #tpu.memory_space<semaphore_mem>>
      %dma_start3A_242 = arith.constant 0 : i32
      %dma_start3A_243 = tpu.memref_slice %arg9[%dma_start3A_234, %dma_start3A_242] : memref<4x128xi32, #tpu.memory_space<vmem>> -> memref<1x128xi32, #tpu.memory_space<vmem>>
      %dma_start3A_244 = tpu.memref_squeeze %dma_start3A_243 : memref<1x128xi32, #tpu.memory_space<vmem>> -> memref<128xi32, #tpu.memory_space<vmem>>
      %dma_start3A_245 = tpu.memref_slice %arg4[%add3A_233] : memref<655360xi32, #tpu.memory_space<hbm>> -> memref<128xi32, #tpu.memory_space<hbm>>
      tpu.enqueue_dma source(%dma_start3A_245 : memref<128xi32, #tpu.memory_space<hbm>>) target(%dma_start3A_244 : memref<128xi32, #tpu.memory_space<vmem>>) target_semaphore(%dma_start3A_241 : memref<!tpu.dma_semaphore, #tpu.memory_space<semaphore_mem>>)
      %gt3A_246 = arith.constant 0 : i32
      %gt3A_247 = arith.cmpi sgt, %add3A_156, %gt3A_246 : i32
      %convert_element_type3A_248 = arith.extui %gt3A_247 : i1 to i32
      %cond3A_249 = arith.constant 0 : i32
      %cond3A_250 = arith.cmpi ne, %convert_element_type3A_248, %cond3A_249 : i32
      scf.if %cond3A_250 {
        %dma_wait3A_572 = arith.constant 3 : i32
        %dma_wait3A_573 = arith.constant 1 : i32
        %dma_wait3A_574 = arith.constant 1 : i32
        %dma_wait3A_575 = arith.constant 0 : i32
        %dma_wait3A_576 = arith.constant 0 : i32
        %dma_wait3A_577 = tpu.memref_slice %arg10[%dma_wait3A_573, %dma_wait3A_575, %dma_wait3A_576] : memref<2x128x64xf32, #tpu.memory_space<vmem>> -> memref<1x128x64xf32, #tpu.memory_space<vmem>>
        %dma_wait3A_578 = tpu.memref_squeeze %dma_wait3A_577 : memref<1x128x64xf32, #tpu.memory_space<vmem>> -> memref<128x64xf32, #tpu.memory_space<vmem>>
        %dma_wait3A_579 = arith.constant 0 : i32
        %dma_wait3A_580 = tpu.memref_slice %arg8[%dma_wait3A_572, %dma_wait3A_579] : memref<4x128xi32, #tpu.memory_space<vmem>> -> memref<1x128xi32, #tpu.memory_space<vmem>>
        %dma_wait3A_581 = tpu.memref_squeeze %dma_wait3A_580 : memref<1x128xi32, #tpu.memory_space<vmem>> -> memref<128xi32, #tpu.memory_space<vmem>>
        %dma_wait3A_582 = arith.constant 0 : i32
        %dma_wait3A_583 = arith.constant 0 : i32
        %dma_wait3A_584 = tpu.memref_slice %arg11[%dma_wait3A_582, %dma_wait3A_583] : memref<10240x64xf32, #tpu.memory_space<vmem_shared>> -> memref<10240x64xf32, #tpu.memory_space<vmem_shared>>
        %dma_wait3A_585 = tpu.memref_slice %arg14[%dma_wait3A_574] : memref<2x!tpu.dma_semaphore, #tpu.memory_space<semaphore_mem>> -> memref<1x!tpu.dma_semaphore, #tpu.memory_space<semaphore_mem>>
        %dma_wait3A_586 = tpu.memref_squeeze %dma_wait3A_585 : memref<1x!tpu.dma_semaphore, #tpu.memory_space<semaphore_mem>> -> memref<!tpu.dma_semaphore, #tpu.memory_space<semaphore_mem>>
        tpu.wait_indirect_dma semaphore(%dma_wait3A_586 : memref<!tpu.dma_semaphore, #tpu.memory_space<semaphore_mem>>) src(%dma_wait3A_584 : memref<10240x64xf32, #tpu.memory_space<vmem_shared>>) dst(%dma_wait3A_578 : memref<128x64xf32, #tpu.memory_space<vmem>>)
        %dma_start3A_587 = arith.constant 1 : i32
        %dma_start3A_588 = arith.constant 3 : i32
        %dma_start3A_589 = arith.constant 1 : i32
        %dma_start3A_590 = arith.constant 0 : i32
        %dma_start3A_591 = arith.constant 0 : i32
        %dma_start3A_592 = tpu.memref_slice %arg10[%dma_start3A_587, %dma_start3A_590, %dma_start3A_591] : memref<2x128x64xf32, #tpu.memory_space<vmem>> -> memref<1x128x64xf32, #tpu.memory_space<vmem>>
        %dma_start3A_593 = tpu.memref_squeeze %dma_start3A_592 : memref<1x128x64xf32, #tpu.memory_space<vmem>> -> memref<128x64xf32, #tpu.memory_space<vmem>>
        %dma_start3A_594 = arith.constant 0 : i32
        %dma_start3A_595 = tpu.memref_slice %arg9[%dma_start3A_588, %dma_start3A_594] : memref<4x128xi32, #tpu.memory_space<vmem>> -> memref<1x128xi32, #tpu.memory_space<vmem>>
        %dma_start3A_596 = tpu.memref_squeeze %dma_start3A_595 : memref<1x128xi32, #tpu.memory_space<vmem>> -> memref<128xi32, #tpu.memory_space<vmem>>
        %dma_start3A_597 = arith.constant 0 : i32
        %dma_start3A_598 = arith.constant 0 : i32
        %dma_start3A_599 = tpu.memref_slice %arg12[%dma_start3A_597, %dma_start3A_598] : memref<10240x64xf32, #tpu.memory_space<vmem_shared>> -> memref<10240x64xf32, #tpu.memory_space<vmem_shared>>
        %dma_start3A_600 = tpu.memref_slice %arg15[%dma_start3A_589] : memref<2x!tpu.dma_semaphore, #tpu.memory_space<semaphore_mem>> -> memref<1x!tpu.dma_semaphore, #tpu.memory_space<semaphore_mem>>
        %dma_start3A_601 = tpu.memref_squeeze %dma_start3A_600 : memref<1x!tpu.dma_semaphore, #tpu.memory_space<semaphore_mem>> -> memref<!tpu.dma_semaphore, #tpu.memory_space<semaphore_mem>>
        tpu.enqueue_indirect_dma source(%dma_start3A_593 : memref<128x64xf32, #tpu.memory_space<vmem>>) target(%dma_start3A_599 : memref<10240x64xf32, #tpu.memory_space<vmem_shared>>) offsets(%dma_start3A_596 : memref<128xi32, #tpu.memory_space<vmem>>) semaphore(%dma_start3A_601 : memref<!tpu.dma_semaphore, #tpu.memory_space<semaphore_mem>>) {add = true}
      } else {
      }
      %mul3A_251 = arith.constant 4 : i32
      %mul3A_252 = arith.muli %add3A_156, %mul3A_251 : i32
      %add3A_253 = arith.constant 1 : i32
      %add3A_254 = arith.addi %mul3A_252, %add3A_253 : i32
      %gt3A_255 = arith.constant 0 : i32
      %gt3A_256 = arith.cmpi sgt, %add3A_156, %gt3A_255 : i32
      %convert_element_type3A_257 = arith.extui %gt3A_256 : i1 to i32
      %cond3A_258 = arith.constant 0 : i32
      %cond3A_259 = arith.cmpi ne, %convert_element_type3A_257, %cond3A_258 : i32
      scf.if %cond3A_259 {
        %dma_wait3A_572 = arith.constant 1 : i32
        %dma_wait3A_573 = arith.constant 3 : i32
        %dma_wait3A_574 = arith.constant 1 : i32
        %dma_wait3A_575 = arith.constant 0 : i32
        %dma_wait3A_576 = arith.constant 0 : i32
        %dma_wait3A_577 = tpu.memref_slice %arg10[%dma_wait3A_572, %dma_wait3A_575, %dma_wait3A_576] : memref<2x128x64xf32, #tpu.memory_space<vmem>> -> memref<1x128x64xf32, #tpu.memory_space<vmem>>
        %dma_wait3A_578 = tpu.memref_squeeze %dma_wait3A_577 : memref<1x128x64xf32, #tpu.memory_space<vmem>> -> memref<128x64xf32, #tpu.memory_space<vmem>>
        %dma_wait3A_579 = arith.constant 0 : i32
        %dma_wait3A_580 = tpu.memref_slice %arg9[%dma_wait3A_573, %dma_wait3A_579] : memref<4x128xi32, #tpu.memory_space<vmem>> -> memref<1x128xi32, #tpu.memory_space<vmem>>
        %dma_wait3A_581 = tpu.memref_squeeze %dma_wait3A_580 : memref<1x128xi32, #tpu.memory_space<vmem>> -> memref<128xi32, #tpu.memory_space<vmem>>
        %dma_wait3A_582 = arith.constant 0 : i32
        %dma_wait3A_583 = arith.constant 0 : i32
        %dma_wait3A_584 = tpu.memref_slice %arg12[%dma_wait3A_582, %dma_wait3A_583] : memref<10240x64xf32, #tpu.memory_space<vmem_shared>> -> memref<10240x64xf32, #tpu.memory_space<vmem_shared>>
        %dma_wait3A_585 = tpu.memref_slice %arg15[%dma_wait3A_574] : memref<2x!tpu.dma_semaphore, #tpu.memory_space<semaphore_mem>> -> memref<1x!tpu.dma_semaphore, #tpu.memory_space<semaphore_mem>>
        %dma_wait3A_586 = tpu.memref_squeeze %dma_wait3A_585 : memref<1x!tpu.dma_semaphore, #tpu.memory_space<semaphore_mem>> -> memref<!tpu.dma_semaphore, #tpu.memory_space<semaphore_mem>>
        tpu.wait_indirect_dma semaphore(%dma_wait3A_586 : memref<!tpu.dma_semaphore, #tpu.memory_space<semaphore_mem>>) src(%dma_wait3A_578 : memref<128x64xf32, #tpu.memory_space<vmem>>) dst(%dma_wait3A_584 : memref<10240x64xf32, #tpu.memory_space<vmem_shared>>)
      } else {
      }
      %add3A_260 = arith.addi %mul3A_11, %add3A_254 : i32
      %mul3A_261 = arith.constant 128 : i32
      %mul3A_262 = arith.muli %add3A_260, %mul3A_261 : i32
      %dma_wait3A_263 = arith.constant 1 : i32
      %dma_wait3A_264 = arith.constant 1 : i32
      %dma_wait3A_265 = arith.constant 0 : i32
      %dma_wait3A_266 = tpu.memref_slice %arg8[%dma_wait3A_263, %dma_wait3A_265] : memref<4x128xi32, #tpu.memory_space<vmem>> -> memref<1x128xi32, #tpu.memory_space<vmem>>
      %dma_wait3A_267 = tpu.memref_squeeze %dma_wait3A_266 : memref<1x128xi32, #tpu.memory_space<vmem>> -> memref<128xi32, #tpu.memory_space<vmem>>
      %dma_wait3A_268 = tpu.memref_slice %arg4[%mul3A_262] : memref<655360xi32, #tpu.memory_space<hbm>> -> memref<128xi32, #tpu.memory_space<hbm>>
      %dma_wait3A_269 = tpu.memref_slice %arg13[%dma_wait3A_264] : memref<4x!tpu.dma_semaphore, #tpu.memory_space<semaphore_mem>> -> memref<1x!tpu.dma_semaphore, #tpu.memory_space<semaphore_mem>>
      %dma_wait3A_270 = tpu.memref_squeeze %dma_wait3A_269 : memref<1x!tpu.dma_semaphore, #tpu.memory_space<semaphore_mem>> -> memref<!tpu.dma_semaphore, #tpu.memory_space<semaphore_mem>>
      %dma_wait3A_271 = arith.constant 0 : i32
      %dma_wait3A_272 = tpu.memref_slice %arg8[%dma_wait3A_263, %dma_wait3A_271] : memref<4x128xi32, #tpu.memory_space<vmem>> -> memref<1x128xi32, #tpu.memory_space<vmem>>
      %dma_wait3A_273 = tpu.memref_squeeze %dma_wait3A_272 : memref<1x128xi32, #tpu.memory_space<vmem>> -> memref<128xi32, #tpu.memory_space<vmem>>
      %dma_wait3A_274 = tpu.memref_slice %arg4[%mul3A_262] : memref<655360xi32, #tpu.memory_space<hbm>> -> memref<128xi32, #tpu.memory_space<hbm>>
      tpu.wait_dma2 semaphore(%dma_wait3A_270 : memref<!tpu.dma_semaphore, #tpu.memory_space<semaphore_mem>>) src(%dma_wait3A_274 : memref<128xi32, #tpu.memory_space<hbm>>) dst(%dma_wait3A_273 : memref<128xi32, #tpu.memory_space<vmem>>)
      %add3A_275 = arith.addi %mul3A_11, %add3A_254 : i32
      %mul3A_276 = arith.constant 128 : i32
      %mul3A_277 = arith.muli %add3A_275, %mul3A_276 : i32
      %add3A_278 = arith.constant 327680 : i32
      %add3A_279 = arith.addi %add3A_278, %mul3A_277 : i32
      %dma_wait3A_280 = arith.constant 1 : i32
      %dma_wait3A_281 = arith.constant 1 : i32
      %dma_wait3A_282 = arith.constant 0 : i32
      %dma_wait3A_283 = tpu.memref_slice %arg9[%dma_wait3A_280, %dma_wait3A_282] : memref<4x128xi32, #tpu.memory_space<vmem>> -> memref<1x128xi32, #tpu.memory_space<vmem>>
      %dma_wait3A_284 = tpu.memref_squeeze %dma_wait3A_283 : memref<1x128xi32, #tpu.memory_space<vmem>> -> memref<128xi32, #tpu.memory_space<vmem>>
      %dma_wait3A_285 = tpu.memref_slice %arg4[%add3A_279] : memref<655360xi32, #tpu.memory_space<hbm>> -> memref<128xi32, #tpu.memory_space<hbm>>
      %dma_wait3A_286 = tpu.memref_slice %arg13[%dma_wait3A_281] : memref<4x!tpu.dma_semaphore, #tpu.memory_space<semaphore_mem>> -> memref<1x!tpu.dma_semaphore, #tpu.memory_space<semaphore_mem>>
      %dma_wait3A_287 = tpu.memref_squeeze %dma_wait3A_286 : memref<1x!tpu.dma_semaphore, #tpu.memory_space<semaphore_mem>> -> memref<!tpu.dma_semaphore, #tpu.memory_space<semaphore_mem>>
      %dma_wait3A_288 = arith.constant 0 : i32
      %dma_wait3A_289 = tpu.memref_slice %arg9[%dma_wait3A_280, %dma_wait3A_288] : memref<4x128xi32, #tpu.memory_space<vmem>> -> memref<1x128xi32, #tpu.memory_space<vmem>>
      %dma_wait3A_290 = tpu.memref_squeeze %dma_wait3A_289 : memref<1x128xi32, #tpu.memory_space<vmem>> -> memref<128xi32, #tpu.memory_space<vmem>>
      %dma_wait3A_291 = tpu.memref_slice %arg4[%add3A_279] : memref<655360xi32, #tpu.memory_space<hbm>> -> memref<128xi32, #tpu.memory_space<hbm>>
      tpu.wait_dma2 semaphore(%dma_wait3A_287 : memref<!tpu.dma_semaphore, #tpu.memory_space<semaphore_mem>>) src(%dma_wait3A_291 : memref<128xi32, #tpu.memory_space<hbm>>) dst(%dma_wait3A_290 : memref<128xi32, #tpu.memory_space<vmem>>)
      %dma_start3A_292 = arith.constant 1 : i32
      %dma_start3A_293 = arith.constant 1 : i32
      %dma_start3A_294 = arith.constant 1 : i32
      %dma_start3A_295 = arith.constant 0 : i32
      %dma_start3A_296 = arith.constant 0 : i32
      %dma_start3A_297 = tpu.memref_slice %arg10[%dma_start3A_293, %dma_start3A_295, %dma_start3A_296] : memref<2x128x64xf32, #tpu.memory_space<vmem>> -> memref<1x128x64xf32, #tpu.memory_space<vmem>>
      %dma_start3A_298 = tpu.memref_squeeze %dma_start3A_297 : memref<1x128x64xf32, #tpu.memory_space<vmem>> -> memref<128x64xf32, #tpu.memory_space<vmem>>
      %dma_start3A_299 = arith.constant 0 : i32
      %dma_start3A_300 = tpu.memref_slice %arg8[%dma_start3A_292, %dma_start3A_299] : memref<4x128xi32, #tpu.memory_space<vmem>> -> memref<1x128xi32, #tpu.memory_space<vmem>>
      %dma_start3A_301 = tpu.memref_squeeze %dma_start3A_300 : memref<1x128xi32, #tpu.memory_space<vmem>> -> memref<128xi32, #tpu.memory_space<vmem>>
      %dma_start3A_302 = arith.constant 0 : i32
      %dma_start3A_303 = arith.constant 0 : i32
      %dma_start3A_304 = tpu.memref_slice %arg11[%dma_start3A_302, %dma_start3A_303] : memref<10240x64xf32, #tpu.memory_space<vmem_shared>> -> memref<10240x64xf32, #tpu.memory_space<vmem_shared>>
      %dma_start3A_305 = tpu.memref_slice %arg14[%dma_start3A_294] : memref<2x!tpu.dma_semaphore, #tpu.memory_space<semaphore_mem>> -> memref<1x!tpu.dma_semaphore, #tpu.memory_space<semaphore_mem>>
      %dma_start3A_306 = tpu.memref_squeeze %dma_start3A_305 : memref<1x!tpu.dma_semaphore, #tpu.memory_space<semaphore_mem>> -> memref<!tpu.dma_semaphore, #tpu.memory_space<semaphore_mem>>
      tpu.enqueue_indirect_dma source(%dma_start3A_304 : memref<10240x64xf32, #tpu.memory_space<vmem_shared>>) target(%dma_start3A_298 : memref<128x64xf32, #tpu.memory_space<vmem>>) offsets(%dma_start3A_301 : memref<128xi32, #tpu.memory_space<vmem>>) semaphore(%dma_start3A_306 : memref<!tpu.dma_semaphore, #tpu.memory_space<semaphore_mem>>)
      %add3A_307 = arith.constant 2 : i32
      %add3A_308 = arith.addi %add3A_254, %add3A_307 : i32
      %add3A_309 = arith.addi %mul3A_11, %add3A_308 : i32
      %mul3A_310 = arith.constant 128 : i32
      %mul3A_311 = arith.muli %add3A_309, %mul3A_310 : i32
      %dma_start3A_312 = arith.constant 3 : i32
      %dma_start3A_313 = arith.constant 3 : i32
      %dma_start3A_314 = arith.constant 0 : i32
      %dma_start3A_315 = tpu.memref_slice %arg8[%dma_start3A_312, %dma_start3A_314] : memref<4x128xi32, #tpu.memory_space<vmem>> -> memref<1x128xi32, #tpu.memory_space<vmem>>
      %dma_start3A_316 = tpu.memref_squeeze %dma_start3A_315 : memref<1x128xi32, #tpu.memory_space<vmem>> -> memref<128xi32, #tpu.memory_space<vmem>>
      %dma_start3A_317 = tpu.memref_slice %arg4[%mul3A_311] : memref<655360xi32, #tpu.memory_space<hbm>> -> memref<128xi32, #tpu.memory_space<hbm>>
      %dma_start3A_318 = tpu.memref_slice %arg13[%dma_start3A_313] : memref<4x!tpu.dma_semaphore, #tpu.memory_space<semaphore_mem>> -> memref<1x!tpu.dma_semaphore, #tpu.memory_space<semaphore_mem>>
      %dma_start3A_319 = tpu.memref_squeeze %dma_start3A_318 : memref<1x!tpu.dma_semaphore, #tpu.memory_space<semaphore_mem>> -> memref<!tpu.dma_semaphore, #tpu.memory_space<semaphore_mem>>
      %dma_start3A_320 = arith.constant 0 : i32
      %dma_start3A_321 = tpu.memref_slice %arg8[%dma_start3A_312, %dma_start3A_320] : memref<4x128xi32, #tpu.memory_space<vmem>> -> memref<1x128xi32, #tpu.memory_space<vmem>>
      %dma_start3A_322 = tpu.memref_squeeze %dma_start3A_321 : memref<1x128xi32, #tpu.memory_space<vmem>> -> memref<128xi32, #tpu.memory_space<vmem>>
      %dma_start3A_323 = tpu.memref_slice %arg4[%mul3A_311] : memref<655360xi32, #tpu.memory_space<hbm>> -> memref<128xi32, #tpu.memory_space<hbm>>
      tpu.enqueue_dma source(%dma_start3A_323 : memref<128xi32, #tpu.memory_space<hbm>>) target(%dma_start3A_322 : memref<128xi32, #tpu.memory_space<vmem>>) target_semaphore(%dma_start3A_319 : memref<!tpu.dma_semaphore, #tpu.memory_space<semaphore_mem>>)
      %add3A_324 = arith.addi %mul3A_11, %add3A_308 : i32
      %mul3A_325 = arith.constant 128 : i32
      %mul3A_326 = arith.muli %add3A_324, %mul3A_325 : i32
      %add3A_327 = arith.constant 327680 : i32
      %add3A_328 = arith.addi %add3A_327, %mul3A_326 : i32
      %dma_start3A_329 = arith.constant 3 : i32
      %dma_start3A_330 = arith.constant 3 : i32
      %dma_start3A_331 = arith.constant 0 : i32
      %dma_start3A_332 = tpu.memref_slice %arg9[%dma_start3A_329, %dma_start3A_331] : memref<4x128xi32, #tpu.memory_space<vmem>> -> memref<1x128xi32, #tpu.memory_space<vmem>>
      %dma_start3A_333 = tpu.memref_squeeze %dma_start3A_332 : memref<1x128xi32, #tpu.memory_space<vmem>> -> memref<128xi32, #tpu.memory_space<vmem>>
      %dma_start3A_334 = tpu.memref_slice %arg4[%add3A_328] : memref<655360xi32, #tpu.memory_space<hbm>> -> memref<128xi32, #tpu.memory_space<hbm>>
      %dma_start3A_335 = tpu.memref_slice %arg13[%dma_start3A_330] : memref<4x!tpu.dma_semaphore, #tpu.memory_space<semaphore_mem>> -> memref<1x!tpu.dma_semaphore, #tpu.memory_space<semaphore_mem>>
      %dma_start3A_336 = tpu.memref_squeeze %dma_start3A_335 : memref<1x!tpu.dma_semaphore, #tpu.memory_space<semaphore_mem>> -> memref<!tpu.dma_semaphore, #tpu.memory_space<semaphore_mem>>
      %dma_start3A_337 = arith.constant 0 : i32
      %dma_start3A_338 = tpu.memref_slice %arg9[%dma_start3A_329, %dma_start3A_337] : memref<4x128xi32, #tpu.memory_space<vmem>> -> memref<1x128xi32, #tpu.memory_space<vmem>>
      %dma_start3A_339 = tpu.memref_squeeze %dma_start3A_338 : memref<1x128xi32, #tpu.memory_space<vmem>> -> memref<128xi32, #tpu.memory_space<vmem>>
      %dma_start3A_340 = tpu.memref_slice %arg4[%add3A_328] : memref<655360xi32, #tpu.memory_space<hbm>> -> memref<128xi32, #tpu.memory_space<hbm>>
      tpu.enqueue_dma source(%dma_start3A_340 : memref<128xi32, #tpu.memory_space<hbm>>) target(%dma_start3A_339 : memref<128xi32, #tpu.memory_space<vmem>>) target_semaphore(%dma_start3A_336 : memref<!tpu.dma_semaphore, #tpu.memory_space<semaphore_mem>>)
      %dma_wait3A_341 = arith.constant 0 : i32
      %dma_wait3A_342 = arith.constant 0 : i32
      %dma_wait3A_343 = arith.constant 0 : i32
      %dma_wait3A_344 = arith.constant 0 : i32
      %dma_wait3A_345 = arith.constant 0 : i32
      %dma_wait3A_346 = tpu.memref_slice %arg10[%dma_wait3A_342, %dma_wait3A_344, %dma_wait3A_345] : memref<2x128x64xf32, #tpu.memory_space<vmem>> -> memref<1x128x64xf32, #tpu.memory_space<vmem>>
      %dma_wait3A_347 = tpu.memref_squeeze %dma_wait3A_346 : memref<1x128x64xf32, #tpu.memory_space<vmem>> -> memref<128x64xf32, #tpu.memory_space<vmem>>
      %dma_wait3A_348 = arith.constant 0 : i32
      %dma_wait3A_349 = tpu.memref_slice %arg8[%dma_wait3A_341, %dma_wait3A_348] : memref<4x128xi32, #tpu.memory_space<vmem>> -> memref<1x128xi32, #tpu.memory_space<vmem>>
      %dma_wait3A_350 = tpu.memref_squeeze %dma_wait3A_349 : memref<1x128xi32, #tpu.memory_space<vmem>> -> memref<128xi32, #tpu.memory_space<vmem>>
      %dma_wait3A_351 = arith.constant 0 : i32
      %dma_wait3A_352 = arith.constant 0 : i32
      %dma_wait3A_353 = tpu.memref_slice %arg11[%dma_wait3A_351, %dma_wait3A_352] : memref<10240x64xf32, #tpu.memory_space<vmem_shared>> -> memref<10240x64xf32, #tpu.memory_space<vmem_shared>>
      %dma_wait3A_354 = tpu.memref_slice %arg14[%dma_wait3A_343] : memref<2x!tpu.dma_semaphore, #tpu.memory_space<semaphore_mem>> -> memref<1x!tpu.dma_semaphore, #tpu.memory_space<semaphore_mem>>
      %dma_wait3A_355 = tpu.memref_squeeze %dma_wait3A_354 : memref<1x!tpu.dma_semaphore, #tpu.memory_space<semaphore_mem>> -> memref<!tpu.dma_semaphore, #tpu.memory_space<semaphore_mem>>
      tpu.wait_indirect_dma semaphore(%dma_wait3A_355 : memref<!tpu.dma_semaphore, #tpu.memory_space<semaphore_mem>>) src(%dma_wait3A_353 : memref<10240x64xf32, #tpu.memory_space<vmem_shared>>) dst(%dma_wait3A_347 : memref<128x64xf32, #tpu.memory_space<vmem>>)
      %dma_start3A_356 = arith.constant 0 : i32
      %dma_start3A_357 = arith.constant 0 : i32
      %dma_start3A_358 = arith.constant 0 : i32
      %dma_start3A_359 = arith.constant 0 : i32
      %dma_start3A_360 = arith.constant 0 : i32
      %dma_start3A_361 = tpu.memref_slice %arg10[%dma_start3A_356, %dma_start3A_359, %dma_start3A_360] : memref<2x128x64xf32, #tpu.memory_space<vmem>> -> memref<1x128x64xf32, #tpu.memory_space<vmem>>
      %dma_start3A_362 = tpu.memref_squeeze %dma_start3A_361 : memref<1x128x64xf32, #tpu.memory_space<vmem>> -> memref<128x64xf32, #tpu.memory_space<vmem>>
      %dma_start3A_363 = arith.constant 0 : i32
      %dma_start3A_364 = tpu.memref_slice %arg9[%dma_start3A_357, %dma_start3A_363] : memref<4x128xi32, #tpu.memory_space<vmem>> -> memref<1x128xi32, #tpu.memory_space<vmem>>
      %dma_start3A_365 = tpu.memref_squeeze %dma_start3A_364 : memref<1x128xi32, #tpu.memory_space<vmem>> -> memref<128xi32, #tpu.memory_space<vmem>>
      %dma_start3A_366 = arith.constant 0 : i32
      %dma_start3A_367 = arith.constant 0 : i32
      %dma_start3A_368 = tpu.memref_slice %arg12[%dma_start3A_366, %dma_start3A_367] : memref<10240x64xf32, #tpu.memory_space<vmem_shared>> -> memref<10240x64xf32, #tpu.memory_space<vmem_shared>>
      %dma_start3A_369 = tpu.memref_slice %arg15[%dma_start3A_358] : memref<2x!tpu.dma_semaphore, #tpu.memory_space<semaphore_mem>> -> memref<1x!tpu.dma_semaphore, #tpu.memory_space<semaphore_mem>>
      %dma_start3A_370 = tpu.memref_squeeze %dma_start3A_369 : memref<1x!tpu.dma_semaphore, #tpu.memory_space<semaphore_mem>> -> memref<!tpu.dma_semaphore, #tpu.memory_space<semaphore_mem>>
      tpu.enqueue_indirect_dma source(%dma_start3A_362 : memref<128x64xf32, #tpu.memory_space<vmem>>) target(%dma_start3A_368 : memref<10240x64xf32, #tpu.memory_space<vmem_shared>>) offsets(%dma_start3A_365 : memref<128xi32, #tpu.memory_space<vmem>>) semaphore(%dma_start3A_370 : memref<!tpu.dma_semaphore, #tpu.memory_space<semaphore_mem>>) {add = true}
      %mul3A_371 = arith.constant 4 : i32
      %mul3A_372 = arith.muli %add3A_156, %mul3A_371 : i32
      %add3A_373 = arith.constant 2 : i32
      %add3A_374 = arith.addi %mul3A_372, %add3A_373 : i32
      %dma_wait3A_375 = arith.constant 0 : i32
      %dma_wait3A_376 = arith.constant 0 : i32
      %dma_wait3A_377 = arith.constant 0 : i32
      %dma_wait3A_378 = arith.constant 0 : i32
      %dma_wait3A_379 = arith.constant 0 : i32
      %dma_wait3A_380 = tpu.memref_slice %arg10[%dma_wait3A_375, %dma_wait3A_378, %dma_wait3A_379] : memref<2x128x64xf32, #tpu.memory_space<vmem>> -> memref<1x128x64xf32, #tpu.memory_space<vmem>>
      %dma_wait3A_381 = tpu.memref_squeeze %dma_wait3A_380 : memref<1x128x64xf32, #tpu.memory_space<vmem>> -> memref<128x64xf32, #tpu.memory_space<vmem>>
      %dma_wait3A_382 = arith.constant 0 : i32
      %dma_wait3A_383 = tpu.memref_slice %arg9[%dma_wait3A_376, %dma_wait3A_382] : memref<4x128xi32, #tpu.memory_space<vmem>> -> memref<1x128xi32, #tpu.memory_space<vmem>>
      %dma_wait3A_384 = tpu.memref_squeeze %dma_wait3A_383 : memref<1x128xi32, #tpu.memory_space<vmem>> -> memref<128xi32, #tpu.memory_space<vmem>>
      %dma_wait3A_385 = arith.constant 0 : i32
      %dma_wait3A_386 = arith.constant 0 : i32
      %dma_wait3A_387 = tpu.memref_slice %arg12[%dma_wait3A_385, %dma_wait3A_386] : memref<10240x64xf32, #tpu.memory_space<vmem_shared>> -> memref<10240x64xf32, #tpu.memory_space<vmem_shared>>
      %dma_wait3A_388 = tpu.memref_slice %arg15[%dma_wait3A_377] : memref<2x!tpu.dma_semaphore, #tpu.memory_space<semaphore_mem>> -> memref<1x!tpu.dma_semaphore, #tpu.memory_space<semaphore_mem>>
      %dma_wait3A_389 = tpu.memref_squeeze %dma_wait3A_388 : memref<1x!tpu.dma_semaphore, #tpu.memory_space<semaphore_mem>> -> memref<!tpu.dma_semaphore, #tpu.memory_space<semaphore_mem>>
      tpu.wait_indirect_dma semaphore(%dma_wait3A_389 : memref<!tpu.dma_semaphore, #tpu.memory_space<semaphore_mem>>) src(%dma_wait3A_381 : memref<128x64xf32, #tpu.memory_space<vmem>>) dst(%dma_wait3A_387 : memref<10240x64xf32, #tpu.memory_space<vmem_shared>>)
      %add3A_390 = arith.addi %mul3A_11, %add3A_374 : i32
      %mul3A_391 = arith.constant 128 : i32
      %mul3A_392 = arith.muli %add3A_390, %mul3A_391 : i32
      %dma_wait3A_393 = arith.constant 2 : i32
      %dma_wait3A_394 = arith.constant 2 : i32
      %dma_wait3A_395 = arith.constant 0 : i32
      %dma_wait3A_396 = tpu.memref_slice %arg8[%dma_wait3A_393, %dma_wait3A_395] : memref<4x128xi32, #tpu.memory_space<vmem>> -> memref<1x128xi32, #tpu.memory_space<vmem>>
      %dma_wait3A_397 = tpu.memref_squeeze %dma_wait3A_396 : memref<1x128xi32, #tpu.memory_space<vmem>> -> memref<128xi32, #tpu.memory_space<vmem>>
      %dma_wait3A_398 = tpu.memref_slice %arg4[%mul3A_392] : memref<655360xi32, #tpu.memory_space<hbm>> -> memref<128xi32, #tpu.memory_space<hbm>>
      %dma_wait3A_399 = tpu.memref_slice %arg13[%dma_wait3A_394] : memref<4x!tpu.dma_semaphore, #tpu.memory_space<semaphore_mem>> -> memref<1x!tpu.dma_semaphore, #tpu.memory_space<semaphore_mem>>
      %dma_wait3A_400 = tpu.memref_squeeze %dma_wait3A_399 : memref<1x!tpu.dma_semaphore, #tpu.memory_space<semaphore_mem>> -> memref<!tpu.dma_semaphore, #tpu.memory_space<semaphore_mem>>
      %dma_wait3A_401 = arith.constant 0 : i32
      %dma_wait3A_402 = tpu.memref_slice %arg8[%dma_wait3A_393, %dma_wait3A_401] : memref<4x128xi32, #tpu.memory_space<vmem>> -> memref<1x128xi32, #tpu.memory_space<vmem>>
      %dma_wait3A_403 = tpu.memref_squeeze %dma_wait3A_402 : memref<1x128xi32, #tpu.memory_space<vmem>> -> memref<128xi32, #tpu.memory_space<vmem>>
      %dma_wait3A_404 = tpu.memref_slice %arg4[%mul3A_392] : memref<655360xi32, #tpu.memory_space<hbm>> -> memref<128xi32, #tpu.memory_space<hbm>>
      tpu.wait_dma2 semaphore(%dma_wait3A_400 : memref<!tpu.dma_semaphore, #tpu.memory_space<semaphore_mem>>) src(%dma_wait3A_404 : memref<128xi32, #tpu.memory_space<hbm>>) dst(%dma_wait3A_403 : memref<128xi32, #tpu.memory_space<vmem>>)
      %add3A_405 = arith.addi %mul3A_11, %add3A_374 : i32
      %mul3A_406 = arith.constant 128 : i32
      %mul3A_407 = arith.muli %add3A_405, %mul3A_406 : i32
      %add3A_408 = arith.constant 327680 : i32
      %add3A_409 = arith.addi %add3A_408, %mul3A_407 : i32
      %dma_wait3A_410 = arith.constant 2 : i32
      %dma_wait3A_411 = arith.constant 2 : i32
      %dma_wait3A_412 = arith.constant 0 : i32
      %dma_wait3A_413 = tpu.memref_slice %arg9[%dma_wait3A_410, %dma_wait3A_412] : memref<4x128xi32, #tpu.memory_space<vmem>> -> memref<1x128xi32, #tpu.memory_space<vmem>>
      %dma_wait3A_414 = tpu.memref_squeeze %dma_wait3A_413 : memref<1x128xi32, #tpu.memory_space<vmem>> -> memref<128xi32, #tpu.memory_space<vmem>>
      %dma_wait3A_415 = tpu.memref_slice %arg4[%add3A_409] : memref<655360xi32, #tpu.memory_space<hbm>> -> memref<128xi32, #tpu.memory_space<hbm>>
      %dma_wait3A_416 = tpu.memref_slice %arg13[%dma_wait3A_411] : memref<4x!tpu.dma_semaphore, #tpu.memory_space<semaphore_mem>> -> memref<1x!tpu.dma_semaphore, #tpu.memory_space<semaphore_mem>>
      %dma_wait3A_417 = tpu.memref_squeeze %dma_wait3A_416 : memref<1x!tpu.dma_semaphore, #tpu.memory_space<semaphore_mem>> -> memref<!tpu.dma_semaphore, #tpu.memory_space<semaphore_mem>>
      %dma_wait3A_418 = arith.constant 0 : i32
      %dma_wait3A_419 = tpu.memref_slice %arg9[%dma_wait3A_410, %dma_wait3A_418] : memref<4x128xi32, #tpu.memory_space<vmem>> -> memref<1x128xi32, #tpu.memory_space<vmem>>
      %dma_wait3A_420 = tpu.memref_squeeze %dma_wait3A_419 : memref<1x128xi32, #tpu.memory_space<vmem>> -> memref<128xi32, #tpu.memory_space<vmem>>
      %dma_wait3A_421 = tpu.memref_slice %arg4[%add3A_409] : memref<655360xi32, #tpu.memory_space<hbm>> -> memref<128xi32, #tpu.memory_space<hbm>>
      tpu.wait_dma2 semaphore(%dma_wait3A_417 : memref<!tpu.dma_semaphore, #tpu.memory_space<semaphore_mem>>) src(%dma_wait3A_421 : memref<128xi32, #tpu.memory_space<hbm>>) dst(%dma_wait3A_420 : memref<128xi32, #tpu.memory_space<vmem>>)
      %dma_start3A_422 = arith.constant 2 : i32
      %dma_start3A_423 = arith.constant 0 : i32
      %dma_start3A_424 = arith.constant 0 : i32
      %dma_start3A_425 = arith.constant 0 : i32
      %dma_start3A_426 = arith.constant 0 : i32
      %dma_start3A_427 = tpu.memref_slice %arg10[%dma_start3A_423, %dma_start3A_425, %dma_start3A_426] : memref<2x128x64xf32, #tpu.memory_space<vmem>> -> memref<1x128x64xf32, #tpu.memory_space<vmem>>
      %dma_start3A_428 = tpu.memref_squeeze %dma_start3A_427 : memref<1x128x64xf32, #tpu.memory_space<vmem>> -> memref<128x64xf32, #tpu.memory_space<vmem>>
      %dma_start3A_429 = arith.constant 0 : i32
      %dma_start3A_430 = tpu.memref_slice %arg8[%dma_start3A_422, %dma_start3A_429] : memref<4x128xi32, #tpu.memory_space<vmem>> -> memref<1x128xi32, #tpu.memory_space<vmem>>
      %dma_start3A_431 = tpu.memref_squeeze %dma_start3A_430 : memref<1x128xi32, #tpu.memory_space<vmem>> -> memref<128xi32, #tpu.memory_space<vmem>>
      %dma_start3A_432 = arith.constant 0 : i32
      %dma_start3A_433 = arith.constant 0 : i32
      %dma_start3A_434 = tpu.memref_slice %arg11[%dma_start3A_432, %dma_start3A_433] : memref<10240x64xf32, #tpu.memory_space<vmem_shared>> -> memref<10240x64xf32, #tpu.memory_space<vmem_shared>>
      %dma_start3A_435 = tpu.memref_slice %arg14[%dma_start3A_424] : memref<2x!tpu.dma_semaphore, #tpu.memory_space<semaphore_mem>> -> memref<1x!tpu.dma_semaphore, #tpu.memory_space<semaphore_mem>>
      %dma_start3A_436 = tpu.memref_squeeze %dma_start3A_435 : memref<1x!tpu.dma_semaphore, #tpu.memory_space<semaphore_mem>> -> memref<!tpu.dma_semaphore, #tpu.memory_space<semaphore_mem>>
      tpu.enqueue_indirect_dma source(%dma_start3A_434 : memref<10240x64xf32, #tpu.memory_space<vmem_shared>>) target(%dma_start3A_428 : memref<128x64xf32, #tpu.memory_space<vmem>>) offsets(%dma_start3A_431 : memref<128xi32, #tpu.memory_space<vmem>>) semaphore(%dma_start3A_436 : memref<!tpu.dma_semaphore, #tpu.memory_space<semaphore_mem>>)
      %lt3A = arith.constant 39 : i32
      %lt3A_437 = arith.cmpi slt, %add3A_156, %lt3A : i32
      %convert_element_type3A_438 = arith.extui %lt3A_437 : i1 to i32
      %cond3A_439 = arith.constant 0 : i32
      %cond3A_440 = arith.cmpi ne, %convert_element_type3A_438, %cond3A_439 : i32
      scf.if %cond3A_440 {
        %add3A_572 = arith.constant 2 : i32
        %add3A_573 = arith.addi %add3A_374, %add3A_572 : i32
        %add3A_574 = arith.addi %mul3A_11, %add3A_573 : i32
        %mul3A_575 = arith.constant 128 : i32
        %mul3A_576 = arith.muli %add3A_574, %mul3A_575 : i32
        %dma_start3A_577 = arith.constant 0 : i32
        %dma_start3A_578 = arith.constant 0 : i32
        %dma_start3A_579 = arith.constant 0 : i32
        %dma_start3A_580 = tpu.memref_slice %arg8[%dma_start3A_577, %dma_start3A_579] : memref<4x128xi32, #tpu.memory_space<vmem>> -> memref<1x128xi32, #tpu.memory_space<vmem>>
        %dma_start3A_581 = tpu.memref_squeeze %dma_start3A_580 : memref<1x128xi32, #tpu.memory_space<vmem>> -> memref<128xi32, #tpu.memory_space<vmem>>
        %dma_start3A_582 = tpu.memref_slice %arg4[%mul3A_576] : memref<655360xi32, #tpu.memory_space<hbm>> -> memref<128xi32, #tpu.memory_space<hbm>>
        %dma_start3A_583 = tpu.memref_slice %arg13[%dma_start3A_578] : memref<4x!tpu.dma_semaphore, #tpu.memory_space<semaphore_mem>> -> memref<1x!tpu.dma_semaphore, #tpu.memory_space<semaphore_mem>>
        %dma_start3A_584 = tpu.memref_squeeze %dma_start3A_583 : memref<1x!tpu.dma_semaphore, #tpu.memory_space<semaphore_mem>> -> memref<!tpu.dma_semaphore, #tpu.memory_space<semaphore_mem>>
        %dma_start3A_585 = arith.constant 0 : i32
        %dma_start3A_586 = tpu.memref_slice %arg8[%dma_start3A_577, %dma_start3A_585] : memref<4x128xi32, #tpu.memory_space<vmem>> -> memref<1x128xi32, #tpu.memory_space<vmem>>
        %dma_start3A_587 = tpu.memref_squeeze %dma_start3A_586 : memref<1x128xi32, #tpu.memory_space<vmem>> -> memref<128xi32, #tpu.memory_space<vmem>>
        %dma_start3A_588 = tpu.memref_slice %arg4[%mul3A_576] : memref<655360xi32, #tpu.memory_space<hbm>> -> memref<128xi32, #tpu.memory_space<hbm>>
        tpu.enqueue_dma source(%dma_start3A_588 : memref<128xi32, #tpu.memory_space<hbm>>) target(%dma_start3A_587 : memref<128xi32, #tpu.memory_space<vmem>>) target_semaphore(%dma_start3A_584 : memref<!tpu.dma_semaphore, #tpu.memory_space<semaphore_mem>>)
        %add3A_589 = arith.addi %mul3A_11, %add3A_573 : i32
        %mul3A_590 = arith.constant 128 : i32
        %mul3A_591 = arith.muli %add3A_589, %mul3A_590 : i32
        %add3A_592 = arith.constant 327680 : i32
        %add3A_593 = arith.addi %add3A_592, %mul3A_591 : i32
        %dma_start3A_594 = arith.constant 0 : i32
        %dma_start3A_595 = arith.constant 0 : i32
        %dma_start3A_596 = arith.constant 0 : i32
        %dma_start3A_597 = tpu.memref_slice %arg9[%dma_start3A_594, %dma_start3A_596] : memref<4x128xi32, #tpu.memory_space<vmem>> -> memref<1x128xi32, #tpu.memory_space<vmem>>
        %dma_start3A_598 = tpu.memref_squeeze %dma_start3A_597 : memref<1x128xi32, #tpu.memory_space<vmem>> -> memref<128xi32, #tpu.memory_space<vmem>>
        %dma_start3A_599 = tpu.memref_slice %arg4[%add3A_593] : memref<655360xi32, #tpu.memory_space<hbm>> -> memref<128xi32, #tpu.memory_space<hbm>>
        %dma_start3A_600 = tpu.memref_slice %arg13[%dma_start3A_595] : memref<4x!tpu.dma_semaphore, #tpu.memory_space<semaphore_mem>> -> memref<1x!tpu.dma_semaphore, #tpu.memory_space<semaphore_mem>>
        %dma_start3A_601 = tpu.memref_squeeze %dma_start3A_600 : memref<1x!tpu.dma_semaphore, #tpu.memory_space<semaphore_mem>> -> memref<!tpu.dma_semaphore, #tpu.memory_space<semaphore_mem>>
        %dma_start3A_602 = arith.constant 0 : i32
        %dma_start3A_603 = tpu.memref_slice %arg9[%dma_start3A_594, %dma_start3A_602] : memref<4x128xi32, #tpu.memory_space<vmem>> -> memref<1x128xi32, #tpu.memory_space<vmem>>
        %dma_start3A_604 = tpu.memref_squeeze %dma_start3A_603 : memref<1x128xi32, #tpu.memory_space<vmem>> -> memref<128xi32, #tpu.memory_space<vmem>>
        %dma_start3A_605 = tpu.memref_slice %arg4[%add3A_593] : memref<655360xi32, #tpu.memory_space<hbm>> -> memref<128xi32, #tpu.memory_space<hbm>>
        tpu.enqueue_dma source(%dma_start3A_605 : memref<128xi32, #tpu.memory_space<hbm>>) target(%dma_start3A_604 : memref<128xi32, #tpu.memory_space<vmem>>) target_semaphore(%dma_start3A_601 : memref<!tpu.dma_semaphore, #tpu.memory_space<semaphore_mem>>)
      } else {
      }
      %dma_wait3A_441 = arith.constant 1 : i32
      %dma_wait3A_442 = arith.constant 1 : i32
      %dma_wait3A_443 = arith.constant 1 : i32
      %dma_wait3A_444 = arith.constant 0 : i32
      %dma_wait3A_445 = arith.constant 0 : i32
      %dma_wait3A_446 = tpu.memref_slice %arg10[%dma_wait3A_442, %dma_wait3A_444, %dma_wait3A_445] : memref<2x128x64xf32, #tpu.memory_space<vmem>> -> memref<1x128x64xf32, #tpu.memory_space<vmem>>
      %dma_wait3A_447 = tpu.memref_squeeze %dma_wait3A_446 : memref<1x128x64xf32, #tpu.memory_space<vmem>> -> memref<128x64xf32, #tpu.memory_space<vmem>>
      %dma_wait3A_448 = arith.constant 0 : i32
      %dma_wait3A_449 = tpu.memref_slice %arg8[%dma_wait3A_441, %dma_wait3A_448] : memref<4x128xi32, #tpu.memory_space<vmem>> -> memref<1x128xi32, #tpu.memory_space<vmem>>
      %dma_wait3A_450 = tpu.memref_squeeze %dma_wait3A_449 : memref<1x128xi32, #tpu.memory_space<vmem>> -> memref<128xi32, #tpu.memory_space<vmem>>
      %dma_wait3A_451 = arith.constant 0 : i32
      %dma_wait3A_452 = arith.constant 0 : i32
      %dma_wait3A_453 = tpu.memref_slice %arg11[%dma_wait3A_451, %dma_wait3A_452] : memref<10240x64xf32, #tpu.memory_space<vmem_shared>> -> memref<10240x64xf32, #tpu.memory_space<vmem_shared>>
      %dma_wait3A_454 = tpu.memref_slice %arg14[%dma_wait3A_443] : memref<2x!tpu.dma_semaphore, #tpu.memory_space<semaphore_mem>> -> memref<1x!tpu.dma_semaphore, #tpu.memory_space<semaphore_mem>>
      %dma_wait3A_455 = tpu.memref_squeeze %dma_wait3A_454 : memref<1x!tpu.dma_semaphore, #tpu.memory_space<semaphore_mem>> -> memref<!tpu.dma_semaphore, #tpu.memory_space<semaphore_mem>>
      tpu.wait_indirect_dma semaphore(%dma_wait3A_455 : memref<!tpu.dma_semaphore, #tpu.memory_space<semaphore_mem>>) src(%dma_wait3A_453 : memref<10240x64xf32, #tpu.memory_space<vmem_shared>>) dst(%dma_wait3A_447 : memref<128x64xf32, #tpu.memory_space<vmem>>)
      %dma_start3A_456 = arith.constant 1 : i32
      %dma_start3A_457 = arith.constant 1 : i32
      %dma_start3A_458 = arith.constant 1 : i32
      %dma_start3A_459 = arith.constant 0 : i32
      %dma_start3A_460 = arith.constant 0 : i32
      %dma_start3A_461 = tpu.memref_slice %arg10[%dma_start3A_456, %dma_start3A_459, %dma_start3A_460] : memref<2x128x64xf32, #tpu.memory_space<vmem>> -> memref<1x128x64xf32, #tpu.memory_space<vmem>>
      %dma_start3A_462 = tpu.memref_squeeze %dma_start3A_461 : memref<1x128x64xf32, #tpu.memory_space<vmem>> -> memref<128x64xf32, #tpu.memory_space<vmem>>
      %dma_start3A_463 = arith.constant 0 : i32
      %dma_start3A_464 = tpu.memref_slice %arg9[%dma_start3A_457, %dma_start3A_463] : memref<4x128xi32, #tpu.memory_space<vmem>> -> memref<1x128xi32, #tpu.memory_space<vmem>>
      %dma_start3A_465 = tpu.memref_squeeze %dma_start3A_464 : memref<1x128xi32, #tpu.memory_space<vmem>> -> memref<128xi32, #tpu.memory_space<vmem>>
      %dma_start3A_466 = arith.constant 0 : i32
      %dma_start3A_467 = arith.constant 0 : i32
      %dma_start3A_468 = tpu.memref_slice %arg12[%dma_start3A_466, %dma_start3A_467] : memref<10240x64xf32, #tpu.memory_space<vmem_shared>> -> memref<10240x64xf32, #tpu.memory_space<vmem_shared>>
      %dma_start3A_469 = tpu.memref_slice %arg15[%dma_start3A_458] : memref<2x!tpu.dma_semaphore, #tpu.memory_space<semaphore_mem>> -> memref<1x!tpu.dma_semaphore, #tpu.memory_space<semaphore_mem>>
      %dma_start3A_470 = tpu.memref_squeeze %dma_start3A_469 : memref<1x!tpu.dma_semaphore, #tpu.memory_space<semaphore_mem>> -> memref<!tpu.dma_semaphore, #tpu.memory_space<semaphore_mem>>
      tpu.enqueue_indirect_dma source(%dma_start3A_462 : memref<128x64xf32, #tpu.memory_space<vmem>>) target(%dma_start3A_468 : memref<10240x64xf32, #tpu.memory_space<vmem_shared>>) offsets(%dma_start3A_465 : memref<128xi32, #tpu.memory_space<vmem>>) semaphore(%dma_start3A_470 : memref<!tpu.dma_semaphore, #tpu.memory_space<semaphore_mem>>) {add = true}
      %mul3A_471 = arith.constant 4 : i32
      %mul3A_472 = arith.muli %add3A_156, %mul3A_471 : i32
      %add3A_473 = arith.constant 3 : i32
      %add3A_474 = arith.addi %mul3A_472, %add3A_473 : i32
      %dma_wait3A_475 = arith.constant 1 : i32
      %dma_wait3A_476 = arith.constant 1 : i32
      %dma_wait3A_477 = arith.constant 1 : i32
      %dma_wait3A_478 = arith.constant 0 : i32
      %dma_wait3A_479 = arith.constant 0 : i32
      %dma_wait3A_480 = tpu.memref_slice %arg10[%dma_wait3A_475, %dma_wait3A_478, %dma_wait3A_479] : memref<2x128x64xf32, #tpu.memory_space<vmem>> -> memref<1x128x64xf32, #tpu.memory_space<vmem>>
      %dma_wait3A_481 = tpu.memref_squeeze %dma_wait3A_480 : memref<1x128x64xf32, #tpu.memory_space<vmem>> -> memref<128x64xf32, #tpu.memory_space<vmem>>
      %dma_wait3A_482 = arith.constant 0 : i32
      %dma_wait3A_483 = tpu.memref_slice %arg9[%dma_wait3A_476, %dma_wait3A_482] : memref<4x128xi32, #tpu.memory_space<vmem>> -> memref<1x128xi32, #tpu.memory_space<vmem>>
      %dma_wait3A_484 = tpu.memref_squeeze %dma_wait3A_483 : memref<1x128xi32, #tpu.memory_space<vmem>> -> memref<128xi32, #tpu.memory_space<vmem>>
      %dma_wait3A_485 = arith.constant 0 : i32
      %dma_wait3A_486 = arith.constant 0 : i32
      %dma_wait3A_487 = tpu.memref_slice %arg12[%dma_wait3A_485, %dma_wait3A_486] : memref<10240x64xf32, #tpu.memory_space<vmem_shared>> -> memref<10240x64xf32, #tpu.memory_space<vmem_shared>>
      %dma_wait3A_488 = tpu.memref_slice %arg15[%dma_wait3A_477] : memref<2x!tpu.dma_semaphore, #tpu.memory_space<semaphore_mem>> -> memref<1x!tpu.dma_semaphore, #tpu.memory_space<semaphore_mem>>
      %dma_wait3A_489 = tpu.memref_squeeze %dma_wait3A_488 : memref<1x!tpu.dma_semaphore, #tpu.memory_space<semaphore_mem>> -> memref<!tpu.dma_semaphore, #tpu.memory_space<semaphore_mem>>
      tpu.wait_indirect_dma semaphore(%dma_wait3A_489 : memref<!tpu.dma_semaphore, #tpu.memory_space<semaphore_mem>>) src(%dma_wait3A_481 : memref<128x64xf32, #tpu.memory_space<vmem>>) dst(%dma_wait3A_487 : memref<10240x64xf32, #tpu.memory_space<vmem_shared>>)
      %add3A_490 = arith.addi %mul3A_11, %add3A_474 : i32
      %mul3A_491 = arith.constant 128 : i32
      %mul3A_492 = arith.muli %add3A_490, %mul3A_491 : i32
      %dma_wait3A_493 = arith.constant 3 : i32
      %dma_wait3A_494 = arith.constant 3 : i32
      %dma_wait3A_495 = arith.constant 0 : i32
      %dma_wait3A_496 = tpu.memref_slice %arg8[%dma_wait3A_493, %dma_wait3A_495] : memref<4x128xi32, #tpu.memory_space<vmem>> -> memref<1x128xi32, #tpu.memory_space<vmem>>
      %dma_wait3A_497 = tpu.memref_squeeze %dma_wait3A_496 : memref<1x128xi32, #tpu.memory_space<vmem>> -> memref<128xi32, #tpu.memory_space<vmem>>
      %dma_wait3A_498 = tpu.memref_slice %arg4[%mul3A_492] : memref<655360xi32, #tpu.memory_space<hbm>> -> memref<128xi32, #tpu.memory_space<hbm>>
      %dma_wait3A_499 = tpu.memref_slice %arg13[%dma_wait3A_494] : memref<4x!tpu.dma_semaphore, #tpu.memory_space<semaphore_mem>> -> memref<1x!tpu.dma_semaphore, #tpu.memory_space<semaphore_mem>>
      %dma_wait3A_500 = tpu.memref_squeeze %dma_wait3A_499 : memref<1x!tpu.dma_semaphore, #tpu.memory_space<semaphore_mem>> -> memref<!tpu.dma_semaphore, #tpu.memory_space<semaphore_mem>>
      %dma_wait3A_501 = arith.constant 0 : i32
      %dma_wait3A_502 = tpu.memref_slice %arg8[%dma_wait3A_493, %dma_wait3A_501] : memref<4x128xi32, #tpu.memory_space<vmem>> -> memref<1x128xi32, #tpu.memory_space<vmem>>
      %dma_wait3A_503 = tpu.memref_squeeze %dma_wait3A_502 : memref<1x128xi32, #tpu.memory_space<vmem>> -> memref<128xi32, #tpu.memory_space<vmem>>
      %dma_wait3A_504 = tpu.memref_slice %arg4[%mul3A_492] : memref<655360xi32, #tpu.memory_space<hbm>> -> memref<128xi32, #tpu.memory_space<hbm>>
      tpu.wait_dma2 semaphore(%dma_wait3A_500 : memref<!tpu.dma_semaphore, #tpu.memory_space<semaphore_mem>>) src(%dma_wait3A_504 : memref<128xi32, #tpu.memory_space<hbm>>) dst(%dma_wait3A_503 : memref<128xi32, #tpu.memory_space<vmem>>)
      %add3A_505 = arith.addi %mul3A_11, %add3A_474 : i32
      %mul3A_506 = arith.constant 128 : i32
      %mul3A_507 = arith.muli %add3A_505, %mul3A_506 : i32
      %add3A_508 = arith.constant 327680 : i32
      %add3A_509 = arith.addi %add3A_508, %mul3A_507 : i32
      %dma_wait3A_510 = arith.constant 3 : i32
      %dma_wait3A_511 = arith.constant 3 : i32
      %dma_wait3A_512 = arith.constant 0 : i32
      %dma_wait3A_513 = tpu.memref_slice %arg9[%dma_wait3A_510, %dma_wait3A_512] : memref<4x128xi32, #tpu.memory_space<vmem>> -> memref<1x128xi32, #tpu.memory_space<vmem>>
      %dma_wait3A_514 = tpu.memref_squeeze %dma_wait3A_513 : memref<1x128xi32, #tpu.memory_space<vmem>> -> memref<128xi32, #tpu.memory_space<vmem>>
      %dma_wait3A_515 = tpu.memref_slice %arg4[%add3A_509] : memref<655360xi32, #tpu.memory_space<hbm>> -> memref<128xi32, #tpu.memory_space<hbm>>
      %dma_wait3A_516 = tpu.memref_slice %arg13[%dma_wait3A_511] : memref<4x!tpu.dma_semaphore, #tpu.memory_space<semaphore_mem>> -> memref<1x!tpu.dma_semaphore, #tpu.memory_space<semaphore_mem>>
      %dma_wait3A_517 = tpu.memref_squeeze %dma_wait3A_516 : memref<1x!tpu.dma_semaphore, #tpu.memory_space<semaphore_mem>> -> memref<!tpu.dma_semaphore, #tpu.memory_space<semaphore_mem>>
      %dma_wait3A_518 = arith.constant 0 : i32
      %dma_wait3A_519 = tpu.memref_slice %arg9[%dma_wait3A_510, %dma_wait3A_518] : memref<4x128xi32, #tpu.memory_space<vmem>> -> memref<1x128xi32, #tpu.memory_space<vmem>>
      %dma_wait3A_520 = tpu.memref_squeeze %dma_wait3A_519 : memref<1x128xi32, #tpu.memory_space<vmem>> -> memref<128xi32, #tpu.memory_space<vmem>>
      %dma_wait3A_521 = tpu.memref_slice %arg4[%add3A_509] : memref<655360xi32, #tpu.memory_space<hbm>> -> memref<128xi32, #tpu.memory_space<hbm>>
      tpu.wait_dma2 semaphore(%dma_wait3A_517 : memref<!tpu.dma_semaphore, #tpu.memory_space<semaphore_mem>>) src(%dma_wait3A_521 : memref<128xi32, #tpu.memory_space<hbm>>) dst(%dma_wait3A_520 : memref<128xi32, #tpu.memory_space<vmem>>)
      %dma_start3A_522 = arith.constant 3 : i32
      %dma_start3A_523 = arith.constant 1 : i32
      %dma_start3A_524 = arith.constant 1 : i32
      %dma_start3A_525 = arith.constant 0 : i32
      %dma_start3A_526 = arith.constant 0 : i32
      %dma_start3A_527 = tpu.memref_slice %arg10[%dma_start3A_523, %dma_start3A_525, %dma_start3A_526] : memref<2x128x64xf32, #tpu.memory_space<vmem>> -> memref<1x128x64xf32, #tpu.memory_space<vmem>>
      %dma_start3A_528 = tpu.memref_squeeze %dma_start3A_527 : memref<1x128x64xf32, #tpu.memory_space<vmem>> -> memref<128x64xf32, #tpu.memory_space<vmem>>
      %dma_start3A_529 = arith.constant 0 : i32
      %dma_start3A_530 = tpu.memref_slice %arg8[%dma_start3A_522, %dma_start3A_529] : memref<4x128xi32, #tpu.memory_space<vmem>> -> memref<1x128xi32, #tpu.memory_space<vmem>>
      %dma_start3A_531 = tpu.memref_squeeze %dma_start3A_530 : memref<1x128xi32, #tpu.memory_space<vmem>> -> memref<128xi32, #tpu.memory_space<vmem>>
      %dma_start3A_532 = arith.constant 0 : i32
      %dma_start3A_533 = arith.constant 0 : i32
      %dma_start3A_534 = tpu.memref_slice %arg11[%dma_start3A_532, %dma_start3A_533] : memref<10240x64xf32, #tpu.memory_space<vmem_shared>> -> memref<10240x64xf32, #tpu.memory_space<vmem_shared>>
      %dma_start3A_535 = tpu.memref_slice %arg14[%dma_start3A_524] : memref<2x!tpu.dma_semaphore, #tpu.memory_space<semaphore_mem>> -> memref<1x!tpu.dma_semaphore, #tpu.memory_space<semaphore_mem>>
      %dma_start3A_536 = tpu.memref_squeeze %dma_start3A_535 : memref<1x!tpu.dma_semaphore, #tpu.memory_space<semaphore_mem>> -> memref<!tpu.dma_semaphore, #tpu.memory_space<semaphore_mem>>
      tpu.enqueue_indirect_dma source(%dma_start3A_534 : memref<10240x64xf32, #tpu.memory_space<vmem_shared>>) target(%dma_start3A_528 : memref<128x64xf32, #tpu.memory_space<vmem>>) offsets(%dma_start3A_531 : memref<128xi32, #tpu.memory_space<vmem>>) semaphore(%dma_start3A_536 : memref<!tpu.dma_semaphore, #tpu.memory_space<semaphore_mem>>)
      %lt3A_537 = arith.constant 39 : i32
      %lt3A_538 = arith.cmpi slt, %add3A_156, %lt3A_537 : i32
      %convert_element_type3A_539 = arith.extui %lt3A_538 : i1 to i32
      %cond3A_540 = arith.constant 0 : i32
      %cond3A_541 = arith.cmpi ne, %convert_element_type3A_539, %cond3A_540 : i32
      scf.if %cond3A_541 {
        %add3A_572 = arith.constant 2 : i32
        %add3A_573 = arith.addi %add3A_474, %add3A_572 : i32
        %add3A_574 = arith.addi %mul3A_11, %add3A_573 : i32
        %mul3A_575 = arith.constant 128 : i32
        %mul3A_576 = arith.muli %add3A_574, %mul3A_575 : i32
        %dma_start3A_577 = arith.constant 1 : i32
        %dma_start3A_578 = arith.constant 1 : i32
        %dma_start3A_579 = arith.constant 0 : i32
        %dma_start3A_580 = tpu.memref_slice %arg8[%dma_start3A_577, %dma_start3A_579] : memref<4x128xi32, #tpu.memory_space<vmem>> -> memref<1x128xi32, #tpu.memory_space<vmem>>
        %dma_start3A_581 = tpu.memref_squeeze %dma_start3A_580 : memref<1x128xi32, #tpu.memory_space<vmem>> -> memref<128xi32, #tpu.memory_space<vmem>>
        %dma_start3A_582 = tpu.memref_slice %arg4[%mul3A_576] : memref<655360xi32, #tpu.memory_space<hbm>> -> memref<128xi32, #tpu.memory_space<hbm>>
        %dma_start3A_583 = tpu.memref_slice %arg13[%dma_start3A_578] : memref<4x!tpu.dma_semaphore, #tpu.memory_space<semaphore_mem>> -> memref<1x!tpu.dma_semaphore, #tpu.memory_space<semaphore_mem>>
        %dma_start3A_584 = tpu.memref_squeeze %dma_start3A_583 : memref<1x!tpu.dma_semaphore, #tpu.memory_space<semaphore_mem>> -> memref<!tpu.dma_semaphore, #tpu.memory_space<semaphore_mem>>
        %dma_start3A_585 = arith.constant 0 : i32
        %dma_start3A_586 = tpu.memref_slice %arg8[%dma_start3A_577, %dma_start3A_585] : memref<4x128xi32, #tpu.memory_space<vmem>> -> memref<1x128xi32, #tpu.memory_space<vmem>>
        %dma_start3A_587 = tpu.memref_squeeze %dma_start3A_586 : memref<1x128xi32, #tpu.memory_space<vmem>> -> memref<128xi32, #tpu.memory_space<vmem>>
        %dma_start3A_588 = tpu.memref_slice %arg4[%mul3A_576] : memref<655360xi32, #tpu.memory_space<hbm>> -> memref<128xi32, #tpu.memory_space<hbm>>
        tpu.enqueue_dma source(%dma_start3A_588 : memref<128xi32, #tpu.memory_space<hbm>>) target(%dma_start3A_587 : memref<128xi32, #tpu.memory_space<vmem>>) target_semaphore(%dma_start3A_584 : memref<!tpu.dma_semaphore, #tpu.memory_space<semaphore_mem>>)
        %add3A_589 = arith.addi %mul3A_11, %add3A_573 : i32
        %mul3A_590 = arith.constant 128 : i32
        %mul3A_591 = arith.muli %add3A_589, %mul3A_590 : i32
        %add3A_592 = arith.constant 327680 : i32
        %add3A_593 = arith.addi %add3A_592, %mul3A_591 : i32
        %dma_start3A_594 = arith.constant 1 : i32
        %dma_start3A_595 = arith.constant 1 : i32
        %dma_start3A_596 = arith.constant 0 : i32
        %dma_start3A_597 = tpu.memref_slice %arg9[%dma_start3A_594, %dma_start3A_596] : memref<4x128xi32, #tpu.memory_space<vmem>> -> memref<1x128xi32, #tpu.memory_space<vmem>>
        %dma_start3A_598 = tpu.memref_squeeze %dma_start3A_597 : memref<1x128xi32, #tpu.memory_space<vmem>> -> memref<128xi32, #tpu.memory_space<vmem>>
        %dma_start3A_599 = tpu.memref_slice %arg4[%add3A_593] : memref<655360xi32, #tpu.memory_space<hbm>> -> memref<128xi32, #tpu.memory_space<hbm>>
        %dma_start3A_600 = tpu.memref_slice %arg13[%dma_start3A_595] : memref<4x!tpu.dma_semaphore, #tpu.memory_space<semaphore_mem>> -> memref<1x!tpu.dma_semaphore, #tpu.memory_space<semaphore_mem>>
        %dma_start3A_601 = tpu.memref_squeeze %dma_start3A_600 : memref<1x!tpu.dma_semaphore, #tpu.memory_space<semaphore_mem>> -> memref<!tpu.dma_semaphore, #tpu.memory_space<semaphore_mem>>
        %dma_start3A_602 = arith.constant 0 : i32
        %dma_start3A_603 = tpu.memref_slice %arg9[%dma_start3A_594, %dma_start3A_602] : memref<4x128xi32, #tpu.memory_space<vmem>> -> memref<1x128xi32, #tpu.memory_space<vmem>>
        %dma_start3A_604 = tpu.memref_squeeze %dma_start3A_603 : memref<1x128xi32, #tpu.memory_space<vmem>> -> memref<128xi32, #tpu.memory_space<vmem>>
        %dma_start3A_605 = tpu.memref_slice %arg4[%add3A_593] : memref<655360xi32, #tpu.memory_space<hbm>> -> memref<128xi32, #tpu.memory_space<hbm>>
        tpu.enqueue_dma source(%dma_start3A_605 : memref<128xi32, #tpu.memory_space<hbm>>) target(%dma_start3A_604 : memref<128xi32, #tpu.memory_space<vmem>>) target_semaphore(%dma_start3A_601 : memref<!tpu.dma_semaphore, #tpu.memory_space<semaphore_mem>>)
      } else {
      }
      %dma_wait3A_542 = arith.constant 2 : i32
      %dma_wait3A_543 = arith.constant 0 : i32
      %dma_wait3A_544 = arith.constant 0 : i32
      %dma_wait3A_545 = arith.constant 0 : i32
      %dma_wait3A_546 = arith.constant 0 : i32
      %dma_wait3A_547 = tpu.memref_slice %arg10[%dma_wait3A_543, %dma_wait3A_545, %dma_wait3A_546] : memref<2x128x64xf32, #tpu.memory_space<vmem>> -> memref<1x128x64xf32, #tpu.memory_space<vmem>>
      %dma_wait3A_548 = tpu.memref_squeeze %dma_wait3A_547 : memref<1x128x64xf32, #tpu.memory_space<vmem>> -> memref<128x64xf32, #tpu.memory_space<vmem>>
      %dma_wait3A_549 = arith.constant 0 : i32
      %dma_wait3A_550 = tpu.memref_slice %arg8[%dma_wait3A_542, %dma_wait3A_549] : memref<4x128xi32, #tpu.memory_space<vmem>> -> memref<1x128xi32, #tpu.memory_space<vmem>>
      %dma_wait3A_551 = tpu.memref_squeeze %dma_wait3A_550 : memref<1x128xi32, #tpu.memory_space<vmem>> -> memref<128xi32, #tpu.memory_space<vmem>>
      %dma_wait3A_552 = arith.constant 0 : i32
      %dma_wait3A_553 = arith.constant 0 : i32
      %dma_wait3A_554 = tpu.memref_slice %arg11[%dma_wait3A_552, %dma_wait3A_553] : memref<10240x64xf32, #tpu.memory_space<vmem_shared>> -> memref<10240x64xf32, #tpu.memory_space<vmem_shared>>
      %dma_wait3A_555 = tpu.memref_slice %arg14[%dma_wait3A_544] : memref<2x!tpu.dma_semaphore, #tpu.memory_space<semaphore_mem>> -> memref<1x!tpu.dma_semaphore, #tpu.memory_space<semaphore_mem>>
      %dma_wait3A_556 = tpu.memref_squeeze %dma_wait3A_555 : memref<1x!tpu.dma_semaphore, #tpu.memory_space<semaphore_mem>> -> memref<!tpu.dma_semaphore, #tpu.memory_space<semaphore_mem>>
      tpu.wait_indirect_dma semaphore(%dma_wait3A_556 : memref<!tpu.dma_semaphore, #tpu.memory_space<semaphore_mem>>) src(%dma_wait3A_554 : memref<10240x64xf32, #tpu.memory_space<vmem_shared>>) dst(%dma_wait3A_548 : memref<128x64xf32, #tpu.memory_space<vmem>>)
      %dma_start3A_557 = arith.constant 0 : i32
      %dma_start3A_558 = arith.constant 2 : i32
      %dma_start3A_559 = arith.constant 0 : i32
      %dma_start3A_560 = arith.constant 0 : i32
      %dma_start3A_561 = arith.constant 0 : i32
      %dma_start3A_562 = tpu.memref_slice %arg10[%dma_start3A_557, %dma_start3A_560, %dma_start3A_561] : memref<2x128x64xf32, #tpu.memory_space<vmem>> -> memref<1x128x64xf32, #tpu.memory_space<vmem>>
      %dma_start3A_563 = tpu.memref_squeeze %dma_start3A_562 : memref<1x128x64xf32, #tpu.memory_space<vmem>> -> memref<128x64xf32, #tpu.memory_space<vmem>>
      %dma_start3A_564 = arith.constant 0 : i32
      %dma_start3A_565 = tpu.memref_slice %arg9[%dma_start3A_558, %dma_start3A_564] : memref<4x128xi32, #tpu.memory_space<vmem>> -> memref<1x128xi32, #tpu.memory_space<vmem>>
      %dma_start3A_566 = tpu.memref_squeeze %dma_start3A_565 : memref<1x128xi32, #tpu.memory_space<vmem>> -> memref<128xi32, #tpu.memory_space<vmem>>
      %dma_start3A_567 = arith.constant 0 : i32
      %dma_start3A_568 = arith.constant 0 : i32
      %dma_start3A_569 = tpu.memref_slice %arg12[%dma_start3A_567, %dma_start3A_568] : memref<10240x64xf32, #tpu.memory_space<vmem_shared>> -> memref<10240x64xf32, #tpu.memory_space<vmem_shared>>
      %dma_start3A_570 = tpu.memref_slice %arg15[%dma_start3A_559] : memref<2x!tpu.dma_semaphore, #tpu.memory_space<semaphore_mem>> -> memref<1x!tpu.dma_semaphore, #tpu.memory_space<semaphore_mem>>
      %dma_start3A_571 = tpu.memref_squeeze %dma_start3A_570 : memref<1x!tpu.dma_semaphore, #tpu.memory_space<semaphore_mem>> -> memref<!tpu.dma_semaphore, #tpu.memory_space<semaphore_mem>>
      tpu.enqueue_indirect_dma source(%dma_start3A_563 : memref<128x64xf32, #tpu.memory_space<vmem>>) target(%dma_start3A_569 : memref<10240x64xf32, #tpu.memory_space<vmem_shared>>) offsets(%dma_start3A_566 : memref<128xi32, #tpu.memory_space<vmem>>) semaphore(%dma_start3A_571 : memref<!tpu.dma_semaphore, #tpu.memory_space<semaphore_mem>>) {add = true}
    }
    %scan3A_81 = arith.constant 40 : i32
    %dma_wait3A = arith.constant 3 : i32
    %dma_wait3A_82 = arith.constant 1 : i32
    %dma_wait3A_83 = arith.constant 1 : i32
    %dma_wait3A_84 = arith.constant 0 : i32
    %dma_wait3A_85 = arith.constant 0 : i32
    %dma_wait3A_86 = tpu.memref_slice %arg10[%dma_wait3A_82, %dma_wait3A_84, %dma_wait3A_85] : memref<2x128x64xf32, #tpu.memory_space<vmem>> -> memref<1x128x64xf32, #tpu.memory_space<vmem>>
    %dma_wait3A_87 = tpu.memref_squeeze %dma_wait3A_86 : memref<1x128x64xf32, #tpu.memory_space<vmem>> -> memref<128x64xf32, #tpu.memory_space<vmem>>
    %dma_wait3A_88 = arith.constant 0 : i32
    %dma_wait3A_89 = tpu.memref_slice %arg8[%dma_wait3A, %dma_wait3A_88] : memref<4x128xi32, #tpu.memory_space<vmem>> -> memref<1x128xi32, #tpu.memory_space<vmem>>
    %dma_wait3A_90 = tpu.memref_squeeze %dma_wait3A_89 : memref<1x128xi32, #tpu.memory_space<vmem>> -> memref<128xi32, #tpu.memory_space<vmem>>
    %dma_wait3A_91 = arith.constant 0 : i32
    %dma_wait3A_92 = arith.constant 0 : i32
    %dma_wait3A_93 = tpu.memref_slice %arg11[%dma_wait3A_91, %dma_wait3A_92] : memref<10240x64xf32, #tpu.memory_space<vmem_shared>> -> memref<10240x64xf32, #tpu.memory_space<vmem_shared>>
    %dma_wait3A_94 = tpu.memref_slice %arg14[%dma_wait3A_83] : memref<2x!tpu.dma_semaphore, #tpu.memory_space<semaphore_mem>> -> memref<1x!tpu.dma_semaphore, #tpu.memory_space<semaphore_mem>>
    %dma_wait3A_95 = tpu.memref_squeeze %dma_wait3A_94 : memref<1x!tpu.dma_semaphore, #tpu.memory_space<semaphore_mem>> -> memref<!tpu.dma_semaphore, #tpu.memory_space<semaphore_mem>>
    tpu.wait_indirect_dma semaphore(%dma_wait3A_95 : memref<!tpu.dma_semaphore, #tpu.memory_space<semaphore_mem>>) src(%dma_wait3A_93 : memref<10240x64xf32, #tpu.memory_space<vmem_shared>>) dst(%dma_wait3A_87 : memref<128x64xf32, #tpu.memory_space<vmem>>)
    %dma_start3A_96 = arith.constant 1 : i32
    %dma_start3A_97 = arith.constant 3 : i32
    %dma_start3A_98 = arith.constant 1 : i32
    %dma_start3A_99 = arith.constant 0 : i32
    %dma_start3A_100 = arith.constant 0 : i32
    %dma_start3A_101 = tpu.memref_slice %arg10[%dma_start3A_96, %dma_start3A_99, %dma_start3A_100] : memref<2x128x64xf32, #tpu.memory_space<vmem>> -> memref<1x128x64xf32, #tpu.memory_space<vmem>>
    %dma_start3A_102 = tpu.memref_squeeze %dma_start3A_101 : memref<1x128x64xf32, #tpu.memory_space<vmem>> -> memref<128x64xf32, #tpu.memory_space<vmem>>
    %dma_start3A_103 = arith.constant 0 : i32
    %dma_start3A_104 = tpu.memref_slice %arg9[%dma_start3A_97, %dma_start3A_103] : memref<4x128xi32, #tpu.memory_space<vmem>> -> memref<1x128xi32, #tpu.memory_space<vmem>>
    %dma_start3A_105 = tpu.memref_squeeze %dma_start3A_104 : memref<1x128xi32, #tpu.memory_space<vmem>> -> memref<128xi32, #tpu.memory_space<vmem>>
    %dma_start3A_106 = arith.constant 0 : i32
    %dma_start3A_107 = arith.constant 0 : i32
    %dma_start3A_108 = tpu.memref_slice %arg12[%dma_start3A_106, %dma_start3A_107] : memref<10240x64xf32, #tpu.memory_space<vmem_shared>> -> memref<10240x64xf32, #tpu.memory_space<vmem_shared>>
    %dma_start3A_109 = tpu.memref_slice %arg15[%dma_start3A_98] : memref<2x!tpu.dma_semaphore, #tpu.memory_space<semaphore_mem>> -> memref<1x!tpu.dma_semaphore, #tpu.memory_space<semaphore_mem>>
    %dma_start3A_110 = tpu.memref_squeeze %dma_start3A_109 : memref<1x!tpu.dma_semaphore, #tpu.memory_space<semaphore_mem>> -> memref<!tpu.dma_semaphore, #tpu.memory_space<semaphore_mem>>
    tpu.enqueue_indirect_dma source(%dma_start3A_102 : memref<128x64xf32, #tpu.memory_space<vmem>>) target(%dma_start3A_108 : memref<10240x64xf32, #tpu.memory_space<vmem_shared>>) offsets(%dma_start3A_105 : memref<128xi32, #tpu.memory_space<vmem>>) semaphore(%dma_start3A_110 : memref<!tpu.dma_semaphore, #tpu.memory_space<semaphore_mem>>) {add = true}
    %dma_wait3A_111 = arith.constant 0 : i32
    %dma_wait3A_112 = arith.constant 2 : i32
    %dma_wait3A_113 = arith.constant 0 : i32
    %dma_wait3A_114 = arith.constant 0 : i32
    %dma_wait3A_115 = arith.constant 0 : i32
    %dma_wait3A_116 = tpu.memref_slice %arg10[%dma_wait3A_111, %dma_wait3A_114, %dma_wait3A_115] : memref<2x128x64xf32, #tpu.memory_space<vmem>> -> memref<1x128x64xf32, #tpu.memory_space<vmem>>
    %dma_wait3A_117 = tpu.memref_squeeze %dma_wait3A_116 : memref<1x128x64xf32, #tpu.memory_space<vmem>> -> memref<128x64xf32, #tpu.memory_space<vmem>>
    %dma_wait3A_118 = arith.constant 0 : i32
    %dma_wait3A_119 = tpu.memref_slice %arg9[%dma_wait3A_112, %dma_wait3A_118] : memref<4x128xi32, #tpu.memory_space<vmem>> -> memref<1x128xi32, #tpu.memory_space<vmem>>
    %dma_wait3A_120 = tpu.memref_squeeze %dma_wait3A_119 : memref<1x128xi32, #tpu.memory_space<vmem>> -> memref<128xi32, #tpu.memory_space<vmem>>
    %dma_wait3A_121 = arith.constant 0 : i32
    %dma_wait3A_122 = arith.constant 0 : i32
    %dma_wait3A_123 = tpu.memref_slice %arg12[%dma_wait3A_121, %dma_wait3A_122] : memref<10240x64xf32, #tpu.memory_space<vmem_shared>> -> memref<10240x64xf32, #tpu.memory_space<vmem_shared>>
    %dma_wait3A_124 = tpu.memref_slice %arg15[%dma_wait3A_113] : memref<2x!tpu.dma_semaphore, #tpu.memory_space<semaphore_mem>> -> memref<1x!tpu.dma_semaphore, #tpu.memory_space<semaphore_mem>>
    %dma_wait3A_125 = tpu.memref_squeeze %dma_wait3A_124 : memref<1x!tpu.dma_semaphore, #tpu.memory_space<semaphore_mem>> -> memref<!tpu.dma_semaphore, #tpu.memory_space<semaphore_mem>>
    tpu.wait_indirect_dma semaphore(%dma_wait3A_125 : memref<!tpu.dma_semaphore, #tpu.memory_space<semaphore_mem>>) src(%dma_wait3A_117 : memref<128x64xf32, #tpu.memory_space<vmem>>) dst(%dma_wait3A_123 : memref<10240x64xf32, #tpu.memory_space<vmem_shared>>)
    %dma_wait3A_126 = arith.constant 1 : i32
    %dma_wait3A_127 = arith.constant 3 : i32
    %dma_wait3A_128 = arith.constant 1 : i32
    %dma_wait3A_129 = arith.constant 0 : i32
    %dma_wait3A_130 = arith.constant 0 : i32
    %dma_wait3A_131 = tpu.memref_slice %arg10[%dma_wait3A_126, %dma_wait3A_129, %dma_wait3A_130] : memref<2x128x64xf32, #tpu.memory_space<vmem>> -> memref<1x128x64xf32, #tpu.memory_space<vmem>>
    %dma_wait3A_132 = tpu.memref_squeeze %dma_wait3A_131 : memref<1x128x64xf32, #tpu.memory_space<vmem>> -> memref<128x64xf32, #tpu.memory_space<vmem>>
    %dma_wait3A_133 = arith.constant 0 : i32
    %dma_wait3A_134 = tpu.memref_slice %arg9[%dma_wait3A_127, %dma_wait3A_133] : memref<4x128xi32, #tpu.memory_space<vmem>> -> memref<1x128xi32, #tpu.memory_space<vmem>>
    %dma_wait3A_135 = tpu.memref_squeeze %dma_wait3A_134 : memref<1x128xi32, #tpu.memory_space<vmem>> -> memref<128xi32, #tpu.memory_space<vmem>>
    %dma_wait3A_136 = arith.constant 0 : i32
    %dma_wait3A_137 = arith.constant 0 : i32
    %dma_wait3A_138 = tpu.memref_slice %arg12[%dma_wait3A_136, %dma_wait3A_137] : memref<10240x64xf32, #tpu.memory_space<vmem_shared>> -> memref<10240x64xf32, #tpu.memory_space<vmem_shared>>
    %dma_wait3A_139 = tpu.memref_slice %arg15[%dma_wait3A_128] : memref<2x!tpu.dma_semaphore, #tpu.memory_space<semaphore_mem>> -> memref<1x!tpu.dma_semaphore, #tpu.memory_space<semaphore_mem>>
    %dma_wait3A_140 = tpu.memref_squeeze %dma_wait3A_139 : memref<1x!tpu.dma_semaphore, #tpu.memory_space<semaphore_mem>> -> memref<!tpu.dma_semaphore, #tpu.memory_space<semaphore_mem>>
    tpu.wait_indirect_dma semaphore(%dma_wait3A_140 : memref<!tpu.dma_semaphore, #tpu.memory_space<semaphore_mem>>) src(%dma_wait3A_132 : memref<128x64xf32, #tpu.memory_space<vmem>>) dst(%dma_wait3A_138 : memref<10240x64xf32, #tpu.memory_space<vmem_shared>>)
    %barrier3A_141 = arith.constant 0 : index
    tpu.barrier barrier_id(%barrier3A_141)
    %eq3A_142 = arith.constant 0 : i32
    %eq3A_143 = arith.cmpi eq, %arg0, %eq3A_142 : i32
    %convert_element_type3A_144 = arith.extui %eq3A_143 : i1 to i32
    %cond3A_145 = arith.constant 0 : i32
    %cond3A_146 = arith.cmpi ne, %convert_element_type3A_144, %cond3A_145 : i32
    scf.if %cond3A_146 {
      %mul3A_152 = arith.constant 640 : i32
      %mul3A_153 = arith.muli %arg1, %mul3A_152 : i32
      %mul3A_154 = arith.constant 640 : i32
      %mul3A_155 = arith.muli %arg1, %mul3A_154 : i32
      "tpu.region"() ({
        %run_scoped3A = tpu.sem_alloc : memref<!tpu.dma_semaphore, #tpu.memory_space<semaphore_mem>>
        %dma_start3A_156 = arith.constant 0 : i32
        %dma_start3A_157 = tpu.memref_slice %arg6[%mul3A_155, %dma_start3A_156] : memref<10240x64xf32, #tpu.memory_space<hbm>> -> memref<640x64xf32, #tpu.memory_space<hbm>>
        %dma_start3A_158 = arith.constant 0 : i32
        %dma_start3A_159 = tpu.memref_slice %arg12[%mul3A_153, %dma_start3A_158] : memref<10240x64xf32, #tpu.memory_space<vmem_shared>> -> memref<640x64xf32, #tpu.memory_space<vmem_shared>>
        tpu.enqueue_dma source(%dma_start3A_159 : memref<640x64xf32, #tpu.memory_space<vmem_shared>>) target(%dma_start3A_157 : memref<640x64xf32, #tpu.memory_space<hbm>>) target_semaphore(%run_scoped3A : memref<!tpu.dma_semaphore, #tpu.memory_space<semaphore_mem>>)
        %dma_wait3A_160 = arith.constant 0 : i32
        %dma_wait3A_161 = tpu.memref_slice %arg6[%mul3A_155, %dma_wait3A_160] : memref<10240x64xf32, #tpu.memory_space<hbm>> -> memref<640x64xf32, #tpu.memory_space<hbm>>
        %dma_wait3A_162 = arith.constant 0 : i32
        %dma_wait3A_163 = tpu.memref_slice %arg12[%mul3A_153, %dma_wait3A_162] : memref<10240x64xf32, #tpu.memory_space<vmem_shared>> -> memref<640x64xf32, #tpu.memory_space<vmem_shared>>
        tpu.wait_dma2 semaphore(%run_scoped3A : memref<!tpu.dma_semaphore, #tpu.memory_space<semaphore_mem>>) src(%dma_wait3A_163 : memref<640x64xf32, #tpu.memory_space<vmem_shared>>) dst(%dma_wait3A_161 : memref<640x64xf32, #tpu.memory_space<hbm>>)
        tpu.yield
      }) : () -> ()
    } else {
    }
    %eq3A_147 = arith.constant 1 : i32
    %eq3A_148 = arith.cmpi eq, %arg0, %eq3A_147 : i32
    %convert_element_type3A_149 = arith.extui %eq3A_148 : i1 to i32
    %cond3A_150 = arith.constant 0 : i32
    %cond3A_151 = arith.cmpi ne, %convert_element_type3A_149, %cond3A_150 : i32
    scf.if %cond3A_151 {
      %mul3A_152 = arith.constant 640 : i32
      %mul3A_153 = arith.muli %arg1, %mul3A_152 : i32
      %mul3A_154 = arith.constant 640 : i32
      %mul3A_155 = arith.muli %arg1, %mul3A_154 : i32
      "tpu.region"() ({
        %run_scoped3A = tpu.sem_alloc : memref<!tpu.dma_semaphore, #tpu.memory_space<semaphore_mem>>
        %dma_start3A_156 = arith.constant 0 : i32
        %dma_start3A_157 = tpu.memref_slice %arg7[%mul3A_155, %dma_start3A_156] : memref<10240x64xf32, #tpu.memory_space<hbm>> -> memref<640x64xf32, #tpu.memory_space<hbm>>
        %dma_start3A_158 = arith.constant 0 : i32
        %dma_start3A_159 = tpu.memref_slice %arg12[%mul3A_153, %dma_start3A_158] : memref<10240x64xf32, #tpu.memory_space<vmem_shared>> -> memref<640x64xf32, #tpu.memory_space<vmem_shared>>
        tpu.enqueue_dma source(%dma_start3A_159 : memref<640x64xf32, #tpu.memory_space<vmem_shared>>) target(%dma_start3A_157 : memref<640x64xf32, #tpu.memory_space<hbm>>) target_semaphore(%run_scoped3A : memref<!tpu.dma_semaphore, #tpu.memory_space<semaphore_mem>>)
        %dma_wait3A_160 = arith.constant 0 : i32
        %dma_wait3A_161 = tpu.memref_slice %arg7[%mul3A_155, %dma_wait3A_160] : memref<10240x64xf32, #tpu.memory_space<hbm>> -> memref<640x64xf32, #tpu.memory_space<hbm>>
        %dma_wait3A_162 = arith.constant 0 : i32
        %dma_wait3A_163 = tpu.memref_slice %arg12[%mul3A_153, %dma_wait3A_162] : memref<10240x64xf32, #tpu.memory_space<vmem_shared>> -> memref<640x64xf32, #tpu.memory_space<vmem_shared>>
        tpu.wait_dma2 semaphore(%run_scoped3A : memref<!tpu.dma_semaphore, #tpu.memory_space<semaphore_mem>>) src(%dma_wait3A_163 : memref<640x64xf32, #tpu.memory_space<vmem_shared>>) dst(%dma_wait3A_161 : memref<640x64xf32, #tpu.memory_space<hbm>>)
        tpu.yield
      }) : () -> ()
    } else {
    }
    return
  }
}

module attributes {stable_mosaic.version = 14 : i64} {
  func.func @_dense0_body(%arg0: i32, %arg1: memref<1024x128xf32, #tpu.memory_space<vmem>>, %arg2: memref<1024x16xf32, #tpu.memory_space<vmem>>, %arg3: memref<1024x1xi32, #tpu.memory_space<vmem>>, %arg4: memref<128x128xf32, #tpu.memory_space<vmem>>, %arg5: memref<16x128xf32, #tpu.memory_space<vmem>>, %arg6: memref<256x128xf32, #tpu.memory_space<vmem>>, %arg7: memref<128x128xf32, #tpu.memory_space<vmem>>, %arg8: memref<16x128xf32, #tpu.memory_space<vmem>>, %arg9: memref<256x128xf32, #tpu.memory_space<vmem>>, %arg10: memref<1x128xf32, #tpu.memory_space<vmem>>, %arg11: memref<1024x64xf32, #tpu.memory_space<vmem>>, %arg12: memref<1024x64xf32, #tpu.memory_space<vmem>>, %arg13: memref<1024x128xf32, #tpu.memory_space<vmem>>) attributes {dimension_semantics = [#tpu.dimension_semantics<arbitrary>], iteration_bounds = array<i64: 10>, scalar_prefetch = 0 : i64, scratch_operands = 0 : i64, tpu.core_type = #tpu.core_type<tc>, window_params = [{transform_indices = @transform_0, window_bounds = array<i64: 1024, 128>}, {transform_indices = @transform_1, window_bounds = array<i64: 1024, 16>}, {transform_indices = @transform_2, window_bounds = array<i64: 1024, 1>}, {pipeline_mode = #tpu.pipeline_mode<synchronous>, transform_indices = @transform_3, window_bounds = array<i64: 128, 128>}, {pipeline_mode = #tpu.pipeline_mode<synchronous>, transform_indices = @transform_4, window_bounds = array<i64: 16, 128>}, {pipeline_mode = #tpu.pipeline_mode<synchronous>, transform_indices = @transform_5, window_bounds = array<i64: 256, 128>}, {pipeline_mode = #tpu.pipeline_mode<synchronous>, transform_indices = @transform_6, window_bounds = array<i64: 128, 128>}, {pipeline_mode = #tpu.pipeline_mode<synchronous>, transform_indices = @transform_7, window_bounds = array<i64: 16, 128>}, {pipeline_mode = #tpu.pipeline_mode<synchronous>, transform_indices = @transform_8, window_bounds = array<i64: 256, 128>}, {pipeline_mode = #tpu.pipeline_mode<synchronous>, transform_indices = @transform_9, window_bounds = array<i64: 1, 128>}, {transform_indices = @transform_10, window_bounds = array<i64: 1024, 64>}, {transform_indices = @transform_11, window_bounds = array<i64: 1024, 64>}, {transform_indices = @transform_12, window_bounds = array<i64: 1024, 128>}]} {
    %get3A = arith.constant 0 : index
    %get3A_0 = arith.constant 0 : index
    %get3A_1 = vector.load %arg1[%get3A, %get3A_0] : memref<1024x128xf32, #tpu.memory_space<vmem>>, vector<1024x128xf32>
    %get3A_2 = arith.constant 0 : index
    %get3A_3 = arith.constant 0 : index
    %get3A_4 = vector.load %arg2[%get3A_2, %get3A_3] : memref<1024x16xf32, #tpu.memory_space<vmem>>, vector<1024x16xf32>
    %get3A_5 = arith.constant 0 : index
    %get3A_6 = arith.constant 0 : index
    %get3A_7 = vector.load %arg3[%get3A_5, %get3A_6] : memref<1024x1xi32, #tpu.memory_space<vmem>>, vector<1024x1xi32>
    %iota3A = tpu.iota {dimensions = array<i32: 1>} : vector<1x256xi32>
    %eq3A = vector.broadcast %get3A_7 : vector<1024x1xi32> to vector<1024x256xi32>
    %eq3A_8 = vector.broadcast %iota3A : vector<1x256xi32> to vector<1024x256xi32>
    %eq3A_9 = arith.cmpi eq, %eq3A, %eq3A_8 : vector<1024x256xi32>
    %convert_element_type3A = arith.extui %eq3A_9 : vector<1024x256xi1> to vector<1024x256xi32>
    %convert_element_type3A_10 = arith.sitofp %convert_element_type3A : vector<1024x256xi32> to vector<1024x256xf32>
    %get3A_11 = arith.constant 0 : index
    %get3A_12 = arith.constant 0 : index
    %get3A_13 = vector.load %arg4[%get3A_11, %get3A_12] : memref<128x128xf32, #tpu.memory_space<vmem>>, vector<128x128xf32>
    %dot_general3A = arith.constant dense<0.000000e+00> : vector<1024x128xf32>
    %dot_general3A_14 = tpu.matmul %get3A_1, %get3A_13, %dot_general3A {dimension_numbers = #tpu.dot_dimension_numbers<[1], [0], [0], [1], [0, 0, 1, 1], [], []>, transpose_lhs_hint = false} : vector<1024x128xf32>, vector<128x128xf32>, vector<1024x128xf32> -> vector<1024x128xf32>
    %get3A_15 = arith.constant 0 : index
    %get3A_16 = arith.constant 0 : index
    %get3A_17 = vector.load %arg5[%get3A_15, %get3A_16] : memref<16x128xf32, #tpu.memory_space<vmem>>, vector<16x128xf32>
    %dot_general3A_18 = arith.constant dense<0.000000e+00> : vector<1024x128xf32>
    %dot_general3A_19 = tpu.matmul %get3A_4, %get3A_17, %dot_general3A_18 {dimension_numbers = #tpu.dot_dimension_numbers<[1], [0], [0], [1], [0, 0, 1, 1], [], []>, transpose_lhs_hint = false} : vector<1024x16xf32>, vector<16x128xf32>, vector<1024x128xf32> -> vector<1024x128xf32>
    %add3A = arith.addf %dot_general3A_14, %dot_general3A_19 : vector<1024x128xf32>
    %get3A_20 = arith.constant 0 : index
    %get3A_21 = arith.constant 0 : index
    %get3A_22 = vector.load %arg6[%get3A_20, %get3A_21] : memref<256x128xf32, #tpu.memory_space<vmem>>, vector<256x128xf32>
    %dot_general3A_23 = arith.constant dense<0.000000e+00> : vector<1024x128xf32>
    %dot_general3A_24 = tpu.matmul %convert_element_type3A_10, %get3A_22, %dot_general3A_23 {dimension_numbers = #tpu.dot_dimension_numbers<[1], [0], [0], [1], [0, 0, 1, 1], [], []>, transpose_lhs_hint = false} : vector<1024x256xf32>, vector<256x128xf32>, vector<1024x128xf32> -> vector<1024x128xf32>
    %add3A_25 = arith.addf %add3A, %dot_general3A_24 : vector<1024x128xf32>
    %slice3A = vector.extract_strided_slice %add3A_25 {offsets = [0, 0], sizes = [1024, 64], strides = [1, 1]} : vector<1024x128xf32> to vector<1024x64xf32>
    %swap3A = arith.constant 0 : index
    %swap3A_26 = arith.constant 0 : index
    %swap3A_27 = vector.load %arg11[%swap3A, %swap3A_26] : memref<1024x64xf32, #tpu.memory_space<vmem>>, vector<1024x64xf32>
    tpu.vector_store %arg11[%swap3A, %swap3A_26], %slice3A {strides = array<i32>} : memref<1024x64xf32, #tpu.memory_space<vmem>>, vector<1024x64xf32>,
    %slice3A_28 = vector.extract_strided_slice %add3A_25 {offsets = [0, 64], sizes = [1024, 64], strides = [1, 1]} : vector<1024x128xf32> to vector<1024x64xf32>
    %swap3A_29 = arith.constant 0 : index
    %swap3A_30 = arith.constant 0 : index
    %swap3A_31 = vector.load %arg12[%swap3A_29, %swap3A_30] : memref<1024x64xf32, #tpu.memory_space<vmem>>, vector<1024x64xf32>
    tpu.vector_store %arg12[%swap3A_29, %swap3A_30], %slice3A_28 {strides = array<i32>} : memref<1024x64xf32, #tpu.memory_space<vmem>>, vector<1024x64xf32>,
    %get3A_32 = arith.constant 0 : index
    %get3A_33 = arith.constant 0 : index
    %get3A_34 = vector.load %arg7[%get3A_32, %get3A_33] : memref<128x128xf32, #tpu.memory_space<vmem>>, vector<128x128xf32>
    %dot_general3A_35 = arith.constant dense<0.000000e+00> : vector<1024x128xf32>
    %dot_general3A_36 = tpu.matmul %get3A_1, %get3A_34, %dot_general3A_35 {dimension_numbers = #tpu.dot_dimension_numbers<[1], [0], [0], [1], [0, 0, 1, 1], [], []>, transpose_lhs_hint = false} : vector<1024x128xf32>, vector<128x128xf32>, vector<1024x128xf32> -> vector<1024x128xf32>
    %get3A_37 = arith.constant 0 : index
    %get3A_38 = arith.constant 0 : index
    %get3A_39 = vector.load %arg8[%get3A_37, %get3A_38] : memref<16x128xf32, #tpu.memory_space<vmem>>, vector<16x128xf32>
    %dot_general3A_40 = arith.constant dense<0.000000e+00> : vector<1024x128xf32>
    %dot_general3A_41 = tpu.matmul %get3A_4, %get3A_39, %dot_general3A_40 {dimension_numbers = #tpu.dot_dimension_numbers<[1], [0], [0], [1], [0, 0, 1, 1], [], []>, transpose_lhs_hint = false} : vector<1024x16xf32>, vector<16x128xf32>, vector<1024x128xf32> -> vector<1024x128xf32>
    %add3A_42 = arith.addf %dot_general3A_36, %dot_general3A_41 : vector<1024x128xf32>
    %get3A_43 = arith.constant 0 : index
    %get3A_44 = arith.constant 0 : index
    %get3A_45 = vector.load %arg9[%get3A_43, %get3A_44] : memref<256x128xf32, #tpu.memory_space<vmem>>, vector<256x128xf32>
    %dot_general3A_46 = arith.constant dense<0.000000e+00> : vector<1024x128xf32>
    %dot_general3A_47 = tpu.matmul %convert_element_type3A_10, %get3A_45, %dot_general3A_46 {dimension_numbers = #tpu.dot_dimension_numbers<[1], [0], [0], [1], [0, 0, 1, 1], [], []>, transpose_lhs_hint = false} : vector<1024x256xf32>, vector<256x128xf32>, vector<1024x128xf32> -> vector<1024x128xf32>
    %add3A_48 = arith.addf %add3A_42, %dot_general3A_47 : vector<1024x128xf32>
    %get3A_49 = arith.constant 0 : index
    %get3A_50 = arith.constant 0 : index
    %get3A_51 = vector.load %arg10[%get3A_49, %get3A_50] : memref<1x128xf32, #tpu.memory_space<vmem>>, vector<1x128xf32>
    %add3A_52 = vector.broadcast %get3A_51 : vector<1x128xf32> to vector<1024x128xf32>
    %add3A_53 = arith.addf %add3A_48, %add3A_52 : vector<1024x128xf32>
    %swap3A_54 = arith.constant 0 : index
    %swap3A_55 = arith.constant 0 : index
    %swap3A_56 = vector.load %arg13[%swap3A_54, %swap3A_55] : memref<1024x128xf32, #tpu.memory_space<vmem>>, vector<1024x128xf32>
    tpu.vector_store %arg13[%swap3A_54, %swap3A_55], %add3A_53 {strides = array<i32>} : memref<1024x128xf32, #tpu.memory_space<vmem>>, vector<1024x128xf32>,
    return
  }
  func.func @transform_0(%arg0: i32) -> (i32, i32) {
    %c0_i32 = arith.constant 0 : i32
    %c0_i32_0 = arith.constant 0 : i32
    return %arg0, %c0_i32 : i32, i32
  }
  func.func @transform_1(%arg0: i32) -> (i32, i32) {
    %c0_i32 = arith.constant 0 : i32
    %c0_i32_0 = arith.constant 0 : i32
    return %arg0, %c0_i32 : i32, i32
  }
  func.func @transform_2(%arg0: i32) -> (i32, i32) {
    %c0_i32 = arith.constant 0 : i32
    %c0_i32_0 = arith.constant 0 : i32
    return %arg0, %c0_i32 : i32, i32
  }
  func.func @transform_3(%arg0: i32) -> (i32, i32) {
    %c0_i32 = arith.constant 0 : i32
    %c0_i32_0 = arith.constant 0 : i32
    %c0_i32_1 = arith.constant 0 : i32
    return %c0_i32, %c0_i32_0 : i32, i32
  }
  func.func @transform_4(%arg0: i32) -> (i32, i32) {
    %c0_i32 = arith.constant 0 : i32
    %c0_i32_0 = arith.constant 0 : i32
    %c0_i32_1 = arith.constant 0 : i32
    return %c0_i32, %c0_i32_0 : i32, i32
  }
  func.func @transform_5(%arg0: i32) -> (i32, i32) {
    %c0_i32 = arith.constant 0 : i32
    %c0_i32_0 = arith.constant 0 : i32
    %c0_i32_1 = arith.constant 0 : i32
    return %c0_i32, %c0_i32_0 : i32, i32
  }
  func.func @transform_6(%arg0: i32) -> (i32, i32) {
    %c0_i32 = arith.constant 0 : i32
    %c0_i32_0 = arith.constant 0 : i32
    %c0_i32_1 = arith.constant 0 : i32
    return %c0_i32, %c0_i32_0 : i32, i32
  }
  func.func @transform_7(%arg0: i32) -> (i32, i32) {
    %c0_i32 = arith.constant 0 : i32
    %c0_i32_0 = arith.constant 0 : i32
    %c0_i32_1 = arith.constant 0 : i32
    return %c0_i32, %c0_i32_0 : i32, i32
  }
  func.func @transform_8(%arg0: i32) -> (i32, i32) {
    %c0_i32 = arith.constant 0 : i32
    %c0_i32_0 = arith.constant 0 : i32
    %c0_i32_1 = arith.constant 0 : i32
    return %c0_i32, %c0_i32_0 : i32, i32
  }
  func.func @transform_9(%arg0: i32) -> (i32, i32) {
    %c0_i32 = arith.constant 0 : i32
    %c0_i32_0 = arith.constant 0 : i32
    %c0_i32_1 = arith.constant 0 : i32
    return %c0_i32, %c0_i32_0 : i32, i32
  }
  func.func @transform_10(%arg0: i32) -> (i32, i32) {
    %c0_i32 = arith.constant 0 : i32
    %c0_i32_0 = arith.constant 0 : i32
    return %arg0, %c0_i32 : i32, i32
  }
  func.func @transform_11(%arg0: i32) -> (i32, i32) {
    %c0_i32 = arith.constant 0 : i32
    %c0_i32_0 = arith.constant 0 : i32
    return %arg0, %c0_i32 : i32, i32
  }
  func.func @transform_12(%arg0: i32) -> (i32, i32) {
    %c0_i32 = arith.constant 0 : i32
    %c0_i32_0 = arith.constant 0 : i32
    return %arg0, %c0_i32 : i32, i32
  }
}

module attributes {stable_mosaic.version = 14 : i64} {
  func.func @_densemid_body(%arg0: i32, %arg1: memref<1024x64xf32, #tpu.memory_space<vmem>>, %arg2: memref<1024x64xf32, #tpu.memory_space<vmem>>, %arg3: memref<1024x128xf32, #tpu.memory_space<vmem>>, %arg4: memref<128x128xf32, #tpu.memory_space<vmem>>, %arg5: memref<128x128xf32, #tpu.memory_space<vmem>>, %arg6: memref<1x128xf32, #tpu.memory_space<vmem>>, %arg7: memref<1024x64xf32, #tpu.memory_space<vmem>>, %arg8: memref<1024x64xf32, #tpu.memory_space<vmem>>, %arg9: memref<1024x128xf32, #tpu.memory_space<vmem>>) attributes {dimension_semantics = [#tpu.dimension_semantics<arbitrary>], iteration_bounds = array<i64: 10>, scalar_prefetch = 0 : i64, scratch_operands = 0 : i64, tpu.core_type = #tpu.core_type<tc>, window_params = [{transform_indices = @transform_0, window_bounds = array<i64: 1024, 64>}, {transform_indices = @transform_1, window_bounds = array<i64: 1024, 64>}, {transform_indices = @transform_2, window_bounds = array<i64: 1024, 128>}, {pipeline_mode = #tpu.pipeline_mode<synchronous>, transform_indices = @transform_3, window_bounds = array<i64: 128, 128>}, {pipeline_mode = #tpu.pipeline_mode<synchronous>, transform_indices = @transform_4, window_bounds = array<i64: 128, 128>}, {pipeline_mode = #tpu.pipeline_mode<synchronous>, transform_indices = @transform_5, window_bounds = array<i64: 1, 128>}, {transform_indices = @transform_6, window_bounds = array<i64: 1024, 64>}, {transform_indices = @transform_7, window_bounds = array<i64: 1024, 64>}, {transform_indices = @transform_8, window_bounds = array<i64: 1024, 128>}]} {
    %get3A = arith.constant 0 : index
    %get3A_0 = arith.constant 0 : index
    %get3A_1 = vector.load %arg1[%get3A, %get3A_0] : memref<1024x64xf32, #tpu.memory_space<vmem>>, vector<1024x64xf32>
    %get3A_2 = arith.constant 0 : index
    %get3A_3 = arith.constant 0 : index
    %get3A_4 = vector.load %arg2[%get3A_2, %get3A_3] : memref<1024x64xf32, #tpu.memory_space<vmem>>, vector<1024x64xf32>
    %concatenate3A = tpu.concatenate %get3A_1, %get3A_4 in 1 : vector<1024x64xf32>, vector<1024x64xf32> -> vector<1024x128xf32>
    %get3A_5 = arith.constant 0 : index
    %get3A_6 = arith.constant 0 : index
    %get3A_7 = vector.load %arg3[%get3A_5, %get3A_6] : memref<1024x128xf32, #tpu.memory_space<vmem>>, vector<1024x128xf32>
    %add3A = arith.addf %concatenate3A, %get3A_7 : vector<1024x128xf32>
    %max3A = arith.constant 0.000000e+00 : f32
    %max3A_8 = vector.broadcast %max3A : f32 to vector<1024x128xf32>
    %max3A_9 = arith.maximumf %add3A, %max3A_8 : vector<1024x128xf32>
    %get3A_10 = arith.constant 0 : index
    %get3A_11 = arith.constant 0 : index
    %get3A_12 = vector.load %arg4[%get3A_10, %get3A_11] : memref<128x128xf32, #tpu.memory_space<vmem>>, vector<128x128xf32>
    %dot_general3A = arith.constant dense<0.000000e+00> : vector<1024x128xf32>
    %dot_general3A_13 = tpu.matmul %max3A_9, %get3A_12, %dot_general3A {dimension_numbers = #tpu.dot_dimension_numbers<[1], [0], [0], [1], [0, 0, 1, 1], [], []>, transpose_lhs_hint = false} : vector<1024x128xf32>, vector<128x128xf32>, vector<1024x128xf32> -> vector<1024x128xf32>
    %slice3A = vector.extract_strided_slice %dot_general3A_13 {offsets = [0, 0], sizes = [1024, 64], strides = [1, 1]} : vector<1024x128xf32> to vector<1024x64xf32>
    %swap3A = arith.constant 0 : index
    %swap3A_14 = arith.constant 0 : index
    %swap3A_15 = vector.load %arg7[%swap3A, %swap3A_14] : memref<1024x64xf32, #tpu.memory_space<vmem>>, vector<1024x64xf32>
    tpu.vector_store %arg7[%swap3A, %swap3A_14], %slice3A {strides = array<i32>} : memref<1024x64xf32, #tpu.memory_space<vmem>>, vector<1024x64xf32>,
    %slice3A_16 = vector.extract_strided_slice %dot_general3A_13 {offsets = [0, 64], sizes = [1024, 64], strides = [1, 1]} : vector<1024x128xf32> to vector<1024x64xf32>
    %swap3A_17 = arith.constant 0 : index
    %swap3A_18 = arith.constant 0 : index
    %swap3A_19 = vector.load %arg8[%swap3A_17, %swap3A_18] : memref<1024x64xf32, #tpu.memory_space<vmem>>, vector<1024x64xf32>
    tpu.vector_store %arg8[%swap3A_17, %swap3A_18], %slice3A_16 {strides = array<i32>} : memref<1024x64xf32, #tpu.memory_space<vmem>>, vector<1024x64xf32>,
    %get3A_20 = arith.constant 0 : index
    %get3A_21 = arith.constant 0 : index
    %get3A_22 = vector.load %arg5[%get3A_20, %get3A_21] : memref<128x128xf32, #tpu.memory_space<vmem>>, vector<128x128xf32>
    %dot_general3A_23 = arith.constant dense<0.000000e+00> : vector<1024x128xf32>
    %dot_general3A_24 = tpu.matmul %max3A_9, %get3A_22, %dot_general3A_23 {dimension_numbers = #tpu.dot_dimension_numbers<[1], [0], [0], [1], [0, 0, 1, 1], [], []>, transpose_lhs_hint = false} : vector<1024x128xf32>, vector<128x128xf32>, vector<1024x128xf32> -> vector<1024x128xf32>
    %get3A_25 = arith.constant 0 : index
    %get3A_26 = arith.constant 0 : index
    %get3A_27 = vector.load %arg6[%get3A_25, %get3A_26] : memref<1x128xf32, #tpu.memory_space<vmem>>, vector<1x128xf32>
    %add3A_28 = vector.broadcast %get3A_27 : vector<1x128xf32> to vector<1024x128xf32>
    %add3A_29 = arith.addf %dot_general3A_24, %add3A_28 : vector<1024x128xf32>
    %swap3A_30 = arith.constant 0 : index
    %swap3A_31 = arith.constant 0 : index
    %swap3A_32 = vector.load %arg9[%swap3A_30, %swap3A_31] : memref<1024x128xf32, #tpu.memory_space<vmem>>, vector<1024x128xf32>
    tpu.vector_store %arg9[%swap3A_30, %swap3A_31], %add3A_29 {strides = array<i32>} : memref<1024x128xf32, #tpu.memory_space<vmem>>, vector<1024x128xf32>,
    return
  }
  func.func @transform_0(%arg0: i32) -> (i32, i32) {
    %c0_i32 = arith.constant 0 : i32
    %c0_i32_0 = arith.constant 0 : i32
    return %arg0, %c0_i32 : i32, i32
  }
  func.func @transform_1(%arg0: i32) -> (i32, i32) {
    %c0_i32 = arith.constant 0 : i32
    %c0_i32_0 = arith.constant 0 : i32
    return %arg0, %c0_i32 : i32, i32
  }
  func.func @transform_2(%arg0: i32) -> (i32, i32) {
    %c0_i32 = arith.constant 0 : i32
    %c0_i32_0 = arith.constant 0 : i32
    return %arg0, %c0_i32 : i32, i32
  }
  func.func @transform_3(%arg0: i32) -> (i32, i32) {
    %c0_i32 = arith.constant 0 : i32
    %c0_i32_0 = arith.constant 0 : i32
    %c0_i32_1 = arith.constant 0 : i32
    return %c0_i32, %c0_i32_0 : i32, i32
  }
  func.func @transform_4(%arg0: i32) -> (i32, i32) {
    %c0_i32 = arith.constant 0 : i32
    %c0_i32_0 = arith.constant 0 : i32
    %c0_i32_1 = arith.constant 0 : i32
    return %c0_i32, %c0_i32_0 : i32, i32
  }
  func.func @transform_5(%arg0: i32) -> (i32, i32) {
    %c0_i32 = arith.constant 0 : i32
    %c0_i32_0 = arith.constant 0 : i32
    %c0_i32_1 = arith.constant 0 : i32
    return %c0_i32, %c0_i32_0 : i32, i32
  }
  func.func @transform_6(%arg0: i32) -> (i32, i32) {
    %c0_i32 = arith.constant 0 : i32
    %c0_i32_0 = arith.constant 0 : i32
    return %arg0, %c0_i32 : i32, i32
  }
  func.func @transform_7(%arg0: i32) -> (i32, i32) {
    %c0_i32 = arith.constant 0 : i32
    %c0_i32_0 = arith.constant 0 : i32
    return %arg0, %c0_i32 : i32, i32
  }
  func.func @transform_8(%arg0: i32) -> (i32, i32) {
    %c0_i32 = arith.constant 0 : i32
    %c0_i32_0 = arith.constant 0 : i32
    return %arg0, %c0_i32 : i32, i32
  }
}

module attributes {stable_mosaic.version = 14 : i64} {
  func.func @_final_body(%arg0: i32, %arg1: memref<1024x64xf32, #tpu.memory_space<vmem>>, %arg2: memref<1024x64xf32, #tpu.memory_space<vmem>>, %arg3: memref<1024x128xf32, #tpu.memory_space<vmem>>, %arg4: memref<1024x1xi32, #tpu.memory_space<vmem>>, %arg5: memref<128x128xf32, #tpu.memory_space<vmem>>, %arg6: memref<1x128xf32, #tpu.memory_space<vmem>>, %arg7: memref<128x64xf32, #tpu.memory_space<vmem>>, %arg8: memref<1x64xf32, #tpu.memory_space<vmem>>, %arg9: memref<64x128xf32, #tpu.memory_space<vmem>>, %arg10: memref<1x128xf32, #tpu.memory_space<vmem>>, %arg11: memref<64x128xf32, #tpu.memory_space<vmem>>, %arg12: memref<64x128xf32, #tpu.memory_space<vmem>>) attributes {dimension_semantics = [#tpu.dimension_semantics<arbitrary>], iteration_bounds = array<i64: 10>, scalar_prefetch = 0 : i64, scratch_operands = 1 : i64, tpu.core_type = #tpu.core_type<tc>, window_params = [{transform_indices = @transform_0, window_bounds = array<i64: 1024, 64>}, {transform_indices = @transform_1, window_bounds = array<i64: 1024, 64>}, {transform_indices = @transform_2, window_bounds = array<i64: 1024, 128>}, {transform_indices = @transform_3, window_bounds = array<i64: 1024, 1>}, {pipeline_mode = #tpu.pipeline_mode<synchronous>, transform_indices = @transform_4, window_bounds = array<i64: 128, 128>}, {pipeline_mode = #tpu.pipeline_mode<synchronous>, transform_indices = @transform_5, window_bounds = array<i64: 1, 128>}, {pipeline_mode = #tpu.pipeline_mode<synchronous>, transform_indices = @transform_6, window_bounds = array<i64: 128, 64>}, {pipeline_mode = #tpu.pipeline_mode<synchronous>, transform_indices = @transform_7, window_bounds = array<i64: 1, 64>}, {pipeline_mode = #tpu.pipeline_mode<synchronous>, transform_indices = @transform_8, window_bounds = array<i64: 64, 128>}, {pipeline_mode = #tpu.pipeline_mode<synchronous>, transform_indices = @transform_9, window_bounds = array<i64: 1, 128>}, {pipeline_mode = #tpu.pipeline_mode<synchronous>, transform_indices = @transform_10, window_bounds = array<i64: 64, 128>}]} {
    %eq3A = arith.constant 0 : i32
    %eq3A_0 = arith.cmpi eq, %arg0, %eq3A : i32
    %convert_element_type3A = arith.extui %eq3A_0 : i1 to i32
    %cond3A = arith.constant 0 : i32
    %cond3A_1 = arith.cmpi ne, %convert_element_type3A, %cond3A : i32
    scf.if %cond3A_1 {
      %broadcast_in_dim3A = arith.constant 0xFF800000 : f32
      %broadcast_in_dim3A_39 = vector.broadcast %broadcast_in_dim3A : f32 to vector<64x128xf32>
      %swap3A = arith.constant 0 : index
      %swap3A_40 = arith.constant 0 : index
      %swap3A_41 = vector.load %arg12[%swap3A, %swap3A_40] : memref<64x128xf32, #tpu.memory_space<vmem>>, vector<64x128xf32>
      tpu.vector_store %arg12[%swap3A, %swap3A_40], %broadcast_in_dim3A_39 {strides = array<i32>} : memref<64x128xf32, #tpu.memory_space<vmem>>, vector<64x128xf32>,
    } else {
    }
    %get3A = arith.constant 0 : index
    %get3A_2 = arith.constant 0 : index
    %get3A_3 = vector.load %arg1[%get3A, %get3A_2] : memref<1024x64xf32, #tpu.memory_space<vmem>>, vector<1024x64xf32>
    %get3A_4 = arith.constant 0 : index
    %get3A_5 = arith.constant 0 : index
    %get3A_6 = vector.load %arg2[%get3A_4, %get3A_5] : memref<1024x64xf32, #tpu.memory_space<vmem>>, vector<1024x64xf32>
    %concatenate3A = tpu.concatenate %get3A_3, %get3A_6 in 1 : vector<1024x64xf32>, vector<1024x64xf32> -> vector<1024x128xf32>
    %get3A_7 = arith.constant 0 : index
    %get3A_8 = arith.constant 0 : index
    %get3A_9 = vector.load %arg3[%get3A_7, %get3A_8] : memref<1024x128xf32, #tpu.memory_space<vmem>>, vector<1024x128xf32>
    %add3A = arith.addf %concatenate3A, %get3A_9 : vector<1024x128xf32>
    %max3A = arith.constant 0.000000e+00 : f32
    %max3A_10 = vector.broadcast %max3A : f32 to vector<1024x128xf32>
    %max3A_11 = arith.maximumf %add3A, %max3A_10 : vector<1024x128xf32>
    %get3A_12 = arith.constant 0 : index
    %get3A_13 = arith.constant 0 : index
    %get3A_14 = vector.load %arg4[%get3A_12, %get3A_13] : memref<1024x1xi32, #tpu.memory_space<vmem>>, vector<1024x1xi32>
    %reduce_min3A = vector.shape_cast %get3A_14 : vector<1024x1xi32> to vector<1x1024x1xi32>
    %reduce_min3A_15 = arith.constant dense<2147483647> : vector<1xi32>
    %reduce_min3A_16 = vector.multi_reduction <minsi>, %reduce_min3A, %reduce_min3A_15 [1, 2] : vector<1x1024x1xi32> to vector<1xi32>
    %reduce_min3A_17 = vector.shape_cast %reduce_min3A_16 : vector<1xi32> to vector<1x1x1xi32>
    %reduce_min3A_18 = vector.extract %reduce_min3A_17[0, 0, 0] : i32 from vector<1x1x1xi32>
    %reduce_max3A = vector.shape_cast %get3A_14 : vector<1024x1xi32> to vector<1x1024x1xi32>
    %reduce_max3A_19 = arith.constant dense<-2147483648> : vector<1xi32>
    %reduce_max3A_20 = vector.multi_reduction <maxsi>, %reduce_max3A, %reduce_max3A_19 [1, 2] : vector<1x1024x1xi32> to vector<1xi32>
    %reduce_max3A_21 = vector.shape_cast %reduce_max3A_20 : vector<1xi32> to vector<1x1x1xi32>
    %reduce_max3A_22 = vector.extract %reduce_max3A_21[0, 0, 0] : i32 from vector<1x1x1xi32>
    %min3A = arith.constant 63 : i32
    %min3A_23 = arith.minsi %reduce_max3A_22, %min3A : i32
    %add3A_24 = arith.constant 1 : i32
    %add3A_25 = arith.addi %min3A_23, %add3A_24 : i32
    %while3A = arith.constant 0 : i32
    %while3A_26 = arith.subi %add3A_25, %reduce_min3A_18 : i32
    %while3A_27 = arith.addi %reduce_min3A_18, %while3A_26 : i32
    %while3A_28 = arith.constant 1 : i32
    %while3A_29 = arith.divsi %while3A_26, %while3A_28 : i32
    %while3A_30 = arith.muli %while3A_29, %while3A_28 : i32
    %while3A_31 = arith.addi %reduce_min3A_18, %while3A_30 : i32
    %while3A_32 = arith.constant 1 : i32
    scf.for %while3A_39 = %reduce_min3A_18 to %while3A_31 step %while3A_32  : i32 {
      %eq3A_40 = vector.broadcast %while3A_39 : i32 to vector<1024x1xi32>
      %eq3A_41 = arith.cmpi eq, %get3A_14, %eq3A_40 : vector<1024x1xi32>
      %jit3A = arith.constant 0xFF800000 : f32
      %broadcast_in_dim3A = vector.shape_cast %eq3A_41 : vector<1024x1xi1> to vector<1024x1xi1>
      %broadcast_in_dim3A_42 = vector.broadcast %broadcast_in_dim3A : vector<1024x1xi1> to vector<1024x128xi1>
      %broadcast_in_dim3A_43 = vector.broadcast %jit3A : f32 to vector<1024x128xf32>
      %select_n3A = arith.select %broadcast_in_dim3A_42, %max3A_11, %broadcast_in_dim3A_43 : vector<1024x128xi1>, vector<1024x128xf32>
      %reduce_max3A_44 = arith.constant dense<0xFF800000> : vector<128xf32>
      %reduce_max3A_45 = vector.multi_reduction <maximumf>, %select_n3A, %reduce_max3A_44 [0] : vector<1024x128xf32> to vector<128xf32>
      %broadcast_in_dim3A_46 = vector.shape_cast %reduce_max3A_45 : vector<128xf32> to vector<1x128xf32>
      %get3A_47 = arith.index_cast %while3A_39 : i32 to index
      %get3A_48 = arith.constant 0 : index
      %get3A_49 = vector.load %arg12[%get3A_47, %get3A_48] : memref<64x128xf32, #tpu.memory_space<vmem>>, vector<1x128xf32>
      %max3A_50 = arith.maximumf %get3A_49, %broadcast_in_dim3A_46 : vector<1x128xf32>
      %swap3A = arith.index_cast %while3A_39 : i32 to index
      %swap3A_51 = arith.constant 0 : index
      %swap3A_52 = vector.load %arg12[%swap3A, %swap3A_51] : memref<64x128xf32, #tpu.memory_space<vmem>>, vector<1x128xf32>
      tpu.vector_store %arg12[%swap3A, %swap3A_51], %max3A_50 {strides = array<i32>} : memref<64x128xf32, #tpu.memory_space<vmem>>, vector<1x128xf32>,
    }
    %while3A_33 = arith.constant 1 : i32
    scf.for %while3A_39 = %while3A_31 to %while3A_27 step %while3A_33  : i32 {
      %eq3A_40 = vector.broadcast %while3A_39 : i32 to vector<1024x1xi32>
      %eq3A_41 = arith.cmpi eq, %get3A_14, %eq3A_40 : vector<1024x1xi32>
      %jit3A = arith.constant 0xFF800000 : f32
      %broadcast_in_dim3A = vector.shape_cast %eq3A_41 : vector<1024x1xi1> to vector<1024x1xi1>
      %broadcast_in_dim3A_42 = vector.broadcast %broadcast_in_dim3A : vector<1024x1xi1> to vector<1024x128xi1>
      %broadcast_in_dim3A_43 = vector.broadcast %jit3A : f32 to vector<1024x128xf32>
      %select_n3A = arith.select %broadcast_in_dim3A_42, %max3A_11, %broadcast_in_dim3A_43 : vector<1024x128xi1>, vector<1024x128xf32>
      %reduce_max3A_44 = arith.constant dense<0xFF800000> : vector<128xf32>
      %reduce_max3A_45 = vector.multi_reduction <maximumf>, %select_n3A, %reduce_max3A_44 [0] : vector<1024x128xf32> to vector<128xf32>
      %broadcast_in_dim3A_46 = vector.shape_cast %reduce_max3A_45 : vector<128xf32> to vector<1x128xf32>
      %get3A_47 = arith.index_cast %while3A_39 : i32 to index
      %get3A_48 = arith.constant 0 : index
      %get3A_49 = vector.load %arg12[%get3A_47, %get3A_48] : memref<64x128xf32, #tpu.memory_space<vmem>>, vector<1x128xf32>
      %max3A_50 = arith.maximumf %get3A_49, %broadcast_in_dim3A_46 : vector<1x128xf32>
      %swap3A = arith.index_cast %while3A_39 : i32 to index
      %swap3A_51 = arith.constant 0 : index
      %swap3A_52 = vector.load %arg12[%swap3A, %swap3A_51] : memref<64x128xf32, #tpu.memory_space<vmem>>, vector<1x128xf32>
      tpu.vector_store %arg12[%swap3A, %swap3A_51], %max3A_50 {strides = array<i32>} : memref<64x128xf32, #tpu.memory_space<vmem>>, vector<1x128xf32>,
    }
    %eq3A_34 = arith.constant 9 : i32
    %eq3A_35 = arith.cmpi eq, %arg0, %eq3A_34 : i32
    %convert_element_type3A_36 = arith.extui %eq3A_35 : i1 to i32
    %cond3A_37 = arith.constant 0 : i32
    %cond3A_38 = arith.cmpi ne, %convert_element_type3A_36, %cond3A_37 : i32
    scf.if %cond3A_38 {
      %get3A_39 = arith.constant 0 : index
      %get3A_40 = arith.constant 0 : index
      %get3A_41 = vector.load %arg12[%get3A_39, %get3A_40] : memref<64x128xf32, #tpu.memory_space<vmem>>, vector<64x128xf32>
      %get3A_42 = arith.constant 0 : index
      %get3A_43 = arith.constant 0 : index
      %get3A_44 = vector.load %arg5[%get3A_42, %get3A_43] : memref<128x128xf32, #tpu.memory_space<vmem>>, vector<128x128xf32>
      %dot_general3A = arith.constant dense<0.000000e+00> : vector<64x128xf32>
      %dot_general3A_45 = tpu.matmul %get3A_41, %get3A_44, %dot_general3A {dimension_numbers = #tpu.dot_dimension_numbers<[1], [0], [0], [1], [0, 0, 1, 1], [], []>, transpose_lhs_hint = false} : vector<64x128xf32>, vector<128x128xf32>, vector<64x128xf32> -> vector<64x128xf32>
      %get3A_46 = arith.constant 0 : index
      %get3A_47 = arith.constant 0 : index
      %get3A_48 = vector.load %arg6[%get3A_46, %get3A_47] : memref<1x128xf32, #tpu.memory_space<vmem>>, vector<1x128xf32>
      %add3A_49 = vector.broadcast %get3A_48 : vector<1x128xf32> to vector<64x128xf32>
      %add3A_50 = arith.addf %dot_general3A_45, %add3A_49 : vector<64x128xf32>
      %max3A_51 = arith.constant 0.000000e+00 : f32
      %max3A_52 = vector.broadcast %max3A_51 : f32 to vector<64x128xf32>
      %max3A_53 = arith.maximumf %add3A_50, %max3A_52 : vector<64x128xf32>
      %get3A_54 = arith.constant 0 : index
      %get3A_55 = arith.constant 0 : index
      %get3A_56 = vector.load %arg7[%get3A_54, %get3A_55] : memref<128x64xf32, #tpu.memory_space<vmem>>, vector<128x64xf32>
      %dot_general3A_57 = arith.constant dense<0.000000e+00> : vector<64x64xf32>
      %dot_general3A_58 = tpu.matmul %max3A_53, %get3A_56, %dot_general3A_57 {dimension_numbers = #tpu.dot_dimension_numbers<[1], [0], [0], [1], [0, 0, 1, 1], [], []>, transpose_lhs_hint = false} : vector<64x128xf32>, vector<128x64xf32>, vector<64x64xf32> -> vector<64x64xf32>
      %get3A_59 = arith.constant 0 : index
      %get3A_60 = arith.constant 0 : index
      %get3A_61 = vector.load %arg8[%get3A_59, %get3A_60] : memref<1x64xf32, #tpu.memory_space<vmem>>, vector<1x64xf32>
      %add3A_62 = vector.broadcast %get3A_61 : vector<1x64xf32> to vector<64x64xf32>
      %add3A_63 = arith.addf %dot_general3A_58, %add3A_62 : vector<64x64xf32>
      %max3A_64 = arith.constant 0.000000e+00 : f32
      %max3A_65 = vector.broadcast %max3A_64 : f32 to vector<64x64xf32>
      %max3A_66 = arith.maximumf %add3A_63, %max3A_65 : vector<64x64xf32>
      %get3A_67 = arith.constant 0 : index
      %get3A_68 = arith.constant 0 : index
      %get3A_69 = vector.load %arg9[%get3A_67, %get3A_68] : memref<64x128xf32, #tpu.memory_space<vmem>>, vector<64x128xf32>
      %dot_general3A_70 = arith.constant dense<0.000000e+00> : vector<64x128xf32>
      %dot_general3A_71 = tpu.matmul %max3A_66, %get3A_69, %dot_general3A_70 {dimension_numbers = #tpu.dot_dimension_numbers<[1], [0], [0], [1], [0, 0, 1, 1], [], []>, transpose_lhs_hint = false} : vector<64x64xf32>, vector<64x128xf32>, vector<64x128xf32> -> vector<64x128xf32>
      %get3A_72 = arith.constant 0 : index
      %get3A_73 = arith.constant 0 : index
      %get3A_74 = vector.load %arg10[%get3A_72, %get3A_73] : memref<1x128xf32, #tpu.memory_space<vmem>>, vector<1x128xf32>
      %add3A_75 = vector.broadcast %get3A_74 : vector<1x128xf32> to vector<64x128xf32>
      %add3A_76 = arith.addf %dot_general3A_71, %add3A_75 : vector<64x128xf32>
      %swap3A = arith.constant 0 : index
      %swap3A_77 = arith.constant 0 : index
      %swap3A_78 = vector.load %arg11[%swap3A, %swap3A_77] : memref<64x128xf32, #tpu.memory_space<vmem>>, vector<64x128xf32>
      tpu.vector_store %arg11[%swap3A, %swap3A_77], %add3A_76 {strides = array<i32>} : memref<64x128xf32, #tpu.memory_space<vmem>>, vector<64x128xf32>,
    } else {
    }
    return
  }
  func.func @transform_0(%arg0: i32) -> (i32, i32) {
    %c0_i32 = arith.constant 0 : i32
    %c0_i32_0 = arith.constant 0 : i32
    return %arg0, %c0_i32 : i32, i32
  }
  func.func @transform_1(%arg0: i32) -> (i32, i32) {
    %c0_i32 = arith.constant 0 : i32
    %c0_i32_0 = arith.constant 0 : i32
    return %arg0, %c0_i32 : i32, i32
  }
  func.func @transform_2(%arg0: i32) -> (i32, i32) {
    %c0_i32 = arith.constant 0 : i32
    %c0_i32_0 = arith.constant 0 : i32
    return %arg0, %c0_i32 : i32, i32
  }
  func.func @transform_3(%arg0: i32) -> (i32, i32) {
    %c0_i32 = arith.constant 0 : i32
    %c0_i32_0 = arith.constant 0 : i32
    return %arg0, %c0_i32 : i32, i32
  }
  func.func @transform_4(%arg0: i32) -> (i32, i32) {
    %c0_i32 = arith.constant 0 : i32
    %c0_i32_0 = arith.constant 0 : i32
    %c0_i32_1 = arith.constant 0 : i32
    return %c0_i32, %c0_i32_0 : i32, i32
  }
  func.func @transform_5(%arg0: i32) -> (i32, i32) {
    %c0_i32 = arith.constant 0 : i32
    %c0_i32_0 = arith.constant 0 : i32
    %c0_i32_1 = arith.constant 0 : i32
    return %c0_i32, %c0_i32_0 : i32, i32
  }
  func.func @transform_6(%arg0: i32) -> (i32, i32) {
    %c0_i32 = arith.constant 0 : i32
    %c0_i32_0 = arith.constant 0 : i32
    %c0_i32_1 = arith.constant 0 : i32
    return %c0_i32, %c0_i32_0 : i32, i32
  }
  func.func @transform_7(%arg0: i32) -> (i32, i32) {
    %c0_i32 = arith.constant 0 : i32
    %c0_i32_0 = arith.constant 0 : i32
    %c0_i32_1 = arith.constant 0 : i32
    return %c0_i32, %c0_i32_0 : i32, i32
  }
  func.func @transform_8(%arg0: i32) -> (i32, i32) {
    %c0_i32 = arith.constant 0 : i32
    %c0_i32_0 = arith.constant 0 : i32
    %c0_i32_1 = arith.constant 0 : i32
    return %c0_i32, %c0_i32_0 : i32, i32
  }
  func.func @transform_9(%arg0: i32) -> (i32, i32) {
    %c0_i32 = arith.constant 0 : i32
    %c0_i32_0 = arith.constant 0 : i32
    %c0_i32_1 = arith.constant 0 : i32
    return %c0_i32, %c0_i32_0 : i32, i32
  }
  func.func @transform_10(%arg0: i32) -> (i32, i32) {
    %c0_i32 = arith.constant 0 : i32
    %c0_i32_0 = arith.constant 0 : i32
    %c0_i32_1 = arith.constant 0 : i32
    return %c0_i32, %c0_i32_0 : i32, i32
  }
}

</mosaic_0001>

<sc_bundles>
// kernel: kernel.10.cloned.1.call-start
scs
__scs_entry_jumppad:
0x0: {  	(pc) =	sbr.rel $0x88, $3  }
0x1: {  	(tag) =	ssettag $0x0;
	lr =	simm.s32 $0x1  }
0x2: {  	[smem:$0x3F8B] =	sst lr;
	_ =	strace $0xD0000000  }
0x3: {  	_ = 	snop  }
0x4: {  	_ = 	snop  }
0x5: {  	_ = 	snop  }
0x6: {  	_ = 	snop  }
0x7: {  	_ = 	snop  }
__scs_overlays_trampoline_lowered:
0x8: {  	[smem:$0x3F9A] =	sst s0  }
0x9: {  	[smem:$0x3F9B] =	sst s1  }
0xa: {  	[smem:$0x3F9C] =	sst s2  }
0xb: {  	[smem:$0x3F9D] =	sst s3  }
0xc: {  	[smem:$0x3F9E] =	sst s4  }
0xd: {  	[smem:$0x3F9F] =	sst s5  }
0xe: {  	[smem:$0x3FA0] =	sst s6  }
0xf: {  	[smem:$0x3FA1] =	sst s7  }
0x10: {  	[smem:$0x3FA2] =	sst s8  }
0x11: {  	[smem:$0x3FA3] =	sst s9;
	s0 =	simm.s32 @!p0 $0x0  }
0x12: {  	s1 =	sld [smem:$0x3F89];
	s0 =	simm.s32 @p0 $0x1  }
0x13: {  	[smem:$0x3FA4] =	sst s0;
	s0 =	simm.s32 @!p1 $0x0  }
0x14: {  	s2 =	sld [smem:$0x3F88];
	s0 =	simm.s32 @p1 $0x1  }
0x15: {  	[smem:$0x3FA5] =	sst s0;
	s0 =	simm.s32 @!p2 $0x0  }
0x16: {  	s3 =	sld [smem:$0x3FDB];
	s0 =	simm.s32 @p2 $0x1  }
0x17: {  	s4 =	simm.s32 $0x1BF5;
	[smem:$0x3FA7] =	sst s0  }
0x18: {  	s0 =	sld [smem:$0x3F8A];
	_ =	swait.ge [sflag:s4], $0x0  }
0x19: {  	s7 =	sld [smem:$0x3F8B]  }
0x1a: {  	s8 =	sadd.s32 $0xFFFFE003, lr  }
0x1b: {  	s9 =	sadd.s32 $0xFFFFFEF7, lr;
	s5 =	simm.s32 $0xFFFFFFFF;
	p2 =	slt.u32 s8, $0xFFFFF086  }
0x1c: {  	p1 =	slt.u32 s9, $0xF7A;
	s5 =	simm.s32 @!p2 $0x0  }
0x1d: {  	s5 =	simm.s32 @p1 $0x1;
	p0 =	seq.s32 s7, s2  }
0x1e: {  	s7 =	smul.u32 @!p0 $0xF7A, s2;
	p2 =	seq.s32 @!p0 s5, $0x0  }
0x1f: {  	s9 =	smul.u32 $0xF7A, s1;
	s8 =	simm.s32 @!p0 $0x1BF5;
	p2 =	por !p2, p0  }
0x20: {  	[sflag:s8] =	ssyncset.s32 @!p0 $0xFFFFF086;
	s6 =	sadd.s32 @!p0 s3, s7;
	s7 =	simm.s32 @!p0 $0x108  }
0x21: {  	s3 =	sadd.s32 s3, s9;
	s6 =	sadd.s32 @!p0 $0x88, s6;
	s7 =	simm.s32 @p2 $0x1082  }
0x22: {  	[simem:s7], [sflag:s8] =	dma.local @!p0 [hbm:s6], $0xF7A  }
0x23: {  	s9 =	sor.u32 $0xD0000000, s2;
	s6 =	simm.s32 $0x108;
	_ =	swait.ge @!p0 [sflag:s8], $0x0  }
0x24: {  	s3 =	sadd.s32 $0x88, s3;
	s6 =	simm.s32 @!p1 $0x1082;
	[sflag:s4] =	ssyncset.s32 $0xFFFFF086  }
0x25: {  	[simem:s6], [sflag:s4] =	dma.local [hbm:s3], $0xF7A  }
0x26: {  	[smem:$0x3F8B] =	sst s1;
	(tag) =	ssettag s2;
	_ =	strace s9  }
0x27: {  	s1 =	sld [smem:$0x3F9B]  }
0x28: {  	s2 =	sld [smem:$0x3F9C]  }
0x29: {  	s4 =	sld [smem:$0x3F9E]  }
0x2a: {  	p0 =	seq.s32 s5, $0x0;
	s5 =	sld [smem:$0x3F9F]  }
0x2b: {  	s6 =	sld [smem:$0x3FA0]  }
0x2c: {  	s7 =	sld [smem:$0x3FA1]  }
0x2d: {  	s3 =	simm.s32 $0x108;
	s8 =	sld [smem:$0x3FA2]  }
0x2e: {  	s3 =	simm.s32 @!p0 $0x1082;
	s9 =	sld [smem:$0x3FA3]  }
0x2f: {  	lr =	sadd.s32 s0, s3;
	s0 =	sld [smem:$0x3F9A]  }
0x30: {  	s3 =	sld [smem:$0x3F9D]  }
0x31: {  	[smem:$0x3FA6] =	sst s10  }
0x32: {  	s10 =	sld [smem:$0x3FA4];
	_ =	sdelay $0x3  }
0x33: {  	p0 =	seq.s32 s10, $0x1;
	s10 =	sld [smem:$0x3FA6];
	_ =	sdelay $0x3  }
0x34: {  	[smem:$0x3FA6] =	sst s10  }
0x35: {  	s10 =	sld [smem:$0x3FA5];
	_ =	sdelay $0x3  }
0x36: {  	p1 =	seq.s32 s10, $0x1;
	s10 =	sld [smem:$0x3FA6];
	_ =	sdelay $0x3  }
0x37: {  	[smem:$0x3FA6] =	sst s10  }
0x38: {  	s10 =	sld [smem:$0x3FA7]  }
0x39: {  	_ = 	snop;
	(pc) =	sbr.ind lr, $3  }
0x3a: {  	_ = 	snop  }
0x3b: {  	_ = 	snop  }
0x3c: {  	p2 =	seq.s32 s10, $0x1;
	s10 =	sld [smem:$0x3FA6]  }
0x3d: {  	_ =	shalt  }
0x3e: {  	_ =	shalt  }
0x3f: {  	_ =	shalt  }
0x40: {  	_ =	shalt  }
0x41: {  	_ =	shalt  }
0x42: {  	_ =	shalt  }
0x43: {  	_ =	shalt  }
0x44: {  	_ =	shalt  }
0x45: {  	_ =	shalt  }
0x46: {  	_ =	shalt  }
0x47: {  	_ =	shalt  }
0x48: {  	_ =	shalt  }
0x49: {  	_ =	shalt  }
0x4a: {  	_ =	shalt  }
0x4b: {  	_ =	shalt  }
0x4c: {  	_ =	shalt  }
0x4d: {  	_ =	shalt  }
0x4e: {  	_ =	shalt  }
0x4f: {  	_ =	shalt  }
0x50: {  	_ =	shalt  }
0x51: {  	_ =	shalt  }
0x52: {  	_ =	shalt  }
0x53: {  	_ =	shalt  }
0x54: {  	_ =	shalt  }
0x55: {  	_ =	shalt  }
0x56: {  	_ =	shalt  }
0x57: {  	_ =	shalt  }
0x58: {  	_ =	shalt  }
0x59: {  	_ =	shalt  }
0x5a: {  	_ =	shalt  }
0x5b: {  	_ =	shalt  }
0x5c: {  	_ =	shalt  }
0x5d: {  	_ =	shalt  }
0x5e: {  	_ =	shalt  }
0x5f: {  	_ =	shalt  }
0x60: {  	_ =	shalt  }
0x61: {  	_ =	shalt  }
0x62: {  	_ =	shalt  }
0x63: {  	_ =	shalt  }
0x64: {  	_ =	shalt  }
0x65: {  	_ =	shalt  }
0x66: {  	_ =	shalt  }
0x67: {  	_ =	shalt  }
0x68: {  	_ =	shalt  }
0x69: {  	_ =	shalt  }
0x6a: {  	_ =	shalt  }
0x6b: {  	_ =	shalt  }
0x6c: {  	_ =	shalt  }
0x6d: {  	_ =	shalt  }
0x6e: {  	_ =	shalt  }
0x6f: {  	_ =	shalt  }
0x70: {  	_ =	shalt  }
0x71: {  	_ =	shalt  }
0x72: {  	_ =	shalt  }
0x73: {  	_ =	shalt  }
0x74: {  	_ =	shalt  }
0x75: {  	_ =	shalt  }
0x76: {  	_ =	shalt  }
0x77: {  	_ =	shalt  }
0x78: {  	_ =	shalt  }
0x79: {  	_ =	shalt  }
0x7a: {  	_ =	shalt  }
0x7b: {  	_ =	shalt  }
0x7c: {  	_ =	shalt  }
0x7d: {  	_ =	shalt  }
0x7e: {  	_ =	shalt  }
0x7f: {  	_ =	shalt  }
0x80: {  	_ =	shalt  }
0x81: {  	_ =	shalt  }
0x82: {  	_ =	shalt  }
0x83: {  	_ =	shalt  }
0x84: {  	_ =	shalt  }
0x85: {  	_ =	shalt  }
0x86: {  	_ =	shalt  }
0x87: {  	_ =	shalt  }
.Lfunc_end0:
.L_simem_size_0:
called_computation_lowered:
.L_overlay_start_0:
0x88: {  	s2 =	sld [smem:$0x3FD9]  }
0x89: {  	s3 =	sld [smem:$0x3FFE];
	_ =	sdelay $0x1  }
0x8a: {  	s1 =	srdreg.scid  }
0x8b: {  	s0 =	sand.u32 $0x1, s1  }
0x8c: {  	s16 =	sshll.u32 s0, $0xA;
	s2 =	sadd.s32 s3, s2  }
0x8d: {  	s2 =	sadd.s32 s2, s16  }
0x8e: {  	[smem:$0x3FB2] =	sst s2  }
0x8f: {  	_ = 	snop  }
0x90: {  	(tm) =	ssettm $0x1  }
0x91: {  	s17 =	sld [smem:$0x3FFB];
	_ =	sdelay $0x3  }
0x92: {  	_ =	strace s17  }
0x93: {  	s2 =	sld [smem:$0x3FFC];
	_ =	sdelay $0x3  }
0x94: {  	_ =	strace s2  }
0x95: {  	s2 =	sld [smem:$0x3FFD];
	_ =	sdelay $0x3  }
0x96: {  	_ =	strace s2  }
0x97: {  	_ =	strace $0x8FFFFFFF  }
0x98: {  	s18 =	sld [smem:$0x3FDB];
	_ =	sdelay $0x1  }
0x99: {  	s19 =	simm.s32 $_scs_section_size  }
0x9a: {  	s4 =	simm.s32 $_size__tile_overlayer_lowered;
	s5 =	simm.s32 $_tile_overlayer_lowered  }
0x9b: {  	s22 =	simm.s32 $0x1BFF;
	s21 =	sshll.u32 s5, $0x1;
	s2 =	sadd.s32 s19, s18  }
0x9c: {  	s6 =	simm.s32 $0x0;
	s20 =	sshll.u32 s4, $0x1;
	s4 =	sadd.s32 s21, s2  }
0x9d: {  	[timem:s6], [sflag:s22] =	dma.local [hbm:s4], s20  }
0x9e: {  	_ =	swait.ge [sflag:s22], s20  }
0x9f: {  	s3 =	ssub.s32 $0x0, s20;
	[sflag:s22] =	ssyncset.done $0x0  }
0xa0: {  	[sflag:s22] =	ssyncadd.s32 s3;
	_ =	sdelay $0x1  }
0xa1: {  	s23 =	simm.s32 $0x1B8B  }
0xa2: {  	_ =	swait.ge [sflag:s23], $0x1  }
0xa3: {  	[sflag:s23] =	ssyncset.done $0x0  }
0xa4: {  	s25 =	simm.s32 $0x1B8E;
	s24 =	sld [smem:$0x3FFE];
	[sflag:s23] =	ssyncadd.s32 $0xFFFFFFFF  }
0xa5: {  	s26 =	simm.s32 $execute0_lowered;
	[smem:$0x3FD2] =	sst s25  }
0xa6: {  	s4 =	sshll.u32 s26, $0x1;
	_ =	strace $0x80000046;
	[dreg:$0x1] =	wrdreg $0xFFFFFFFF  }
0xa7: {  	s28 =	simm.s32 $_size_execute0_lowered;
	s2 =	sadd.s32 s2, s4;
	[dreg:$0x0] =	wrdreg $0x0  }
0xa8: {  	s4 =	sshll.u32 s28, $0x1;
	[dreg:$0x2] =	wrdreg s2  }
0xa9: {  	[dreg:$0x3] =	wrdreg s4  }
0xaa: {  	[dreg:$0x4] =	wrdreg $0xC0  }
0xab: {  	_ =	task [dreg:s6], $0x5FFFF  }
0xac: {  	[dreg:$0x1] =	wrdreg $0xFFFFFFFF  }
0xad: {  	[dreg:$0x0] =	wrdreg $0x60  }
0xae: {  	[dreg:$0x2] =	wrdreg s24  }
0xaf: {  	[dreg:$0x3] =	wrdreg $0x9  }
0xb0: {  	_ =	task.clear_ibuf [dreg:s6], $0x4FFFF;
	_ =	strace $0x90000046  }
0xb1: {  	s29 =	simm.s32 $0x9;
	_ =	strace $0x80000048  }
0xb2: {  	_ =	swait.ge [sflag:s29], $0x1  }
0xb3: {  	[sflag:s29] =	ssyncadd.s32 $0xFFFFFFFF  }
0xb4: {  	_ =	strace $0x90000048  }
0xb5: {  	_ =	sfence  }
0xb6: {  	s30 =	sld [smem:$0x0];
	_ =	sdelay $0x2  }
0xb7: {  	s31 =	sshll.u32 s1, $0xD;
	s1 =	sshrl.u32 s1, $0x2  }
0xb8: {  	s3 =	sand.u32 $0x4000, s31;
	s1 =	sadd.s32 s1, s30  }
0xb9: {  	s0 =	sor.u32 s3, s0;
	s1 =	sshll.u32 s1, $0x11  }
0xba: {  	s0 =	sor.u32 s1, s0  }
0xbb: {  	s0 =	sadd.s32 $0x8F2B, s0  }
0xbc: {  	[sflag:s0] =	ssyncadd.remote.s32 $0x1  }
0xbd: {  	_ =	sfence.sel $0xFFFF  }
0xbe: {  	[dreg:$0x0] =	wrdreg $0xFFFFFFFF;
	(pc) =	sbr.abs _section_cstart, $3  }
0xbf: {  	[dreg:$0x1] =	wrdreg $0xFFFFFFFF  }
0xc0: {  	_ =	task.clear_ibuf [dreg:s6], $0x2FFFF;
	_ =	strace $0x9FFFFFFF  }
0xc1: {  	(tm) =	ssettm $0x7FFFFFFF  }
tec
execute0_lowered:
.L_overlay_start_1:
0x0: {  	(tag) =	ssettag $0x1  }
0x1: {  	s1 =	srdreg.scid;
	s0 =	stileid.u32  }
0x2: {  	s14 =	sand.u32 $0x1, s1;
	s28 =	sshll.u32 s0, $0x1  }
0x3: {  	s8 =	sor.u32 s14, s28  }
0x4: {  	s9 =	rddreg [dreg:$0x0];
	s13 =	smul.u32 $0x140, s8  }
0x5: {  	s2 =	simm.s32 $0x0;
	s1 =	rddreg [dreg:$0x1]  }
0x6: {  	[smem:$0x7FF] =	sst s2;
	s15 =	sadd.s32 $0x5600, s9;
	s3 =	sshrl.u32 s13, $0x3  }
0x7: {  	_ =	strace $0x80000047;
	s4 =	sadd.s32 s15, s3;
	s3 =	simm.s32 $0x2  }
0x8: {  	[tilespmem:s2], [sflag:$0x2] =	stream.linear.gather [hbm4b:s4+s2], $0x50, $0x38;
	[tilespmem:$0x550] =	vst v63  }
0x9: {  	_ =	swait.ge [sflag:s3], $0x50  }
0xa: {  	s6 =	simm.s32 $0x50;
	[sflag:s3] =	ssyncset.done $0x0  }
0xb: {  	s7 =	simm.s32 $0x1;
	s5 =	sadd.s32 $0x105600, s9;
	[sflag:s3] =	ssyncadd.s32 $0xFFFFFFB0  }
0xc: {  	[tilespmem:s6], [sflag:$0x1] =	stream.indirect.gather [hbm4b:s5+s6], $0x10, s2, s6, $0xb8;
	[tilespmem:$0x550] =	vst v63  }
0xd: {  	s8 =	smul.u32 $0x280, s8;
	_ =	swait.ge [sflag:s7], $0x500  }
0xe: {  	s16 =	sadd.s32 $0x5C00, s9;
	[sflag:s7] =	ssyncset.done $0x0  }
0xf: {  	s8 =	sadd.s32 s16, s8;
	[sflag:s7] =	ssyncadd.s32 $0xFFFFFB00  }
0x10: {  	[hbm4b:s8+s2] =	stream.linear.scatter [tilespmem:s6], [sflag:$0x2], $0x500, $0x38;
	[tilespmem:$0x550] =	vst v63  }
0x11: {  	s10 =	sadd.s32 $0x50, s13;
	_ =	swait.ge [sflag:s3], $0x500  }
0x12: {  	s29 =	sshrl.u32 s10, $0x3;
	[sflag:s3] =	ssyncset.done $0x0  }
0x13: {  	s9 =	sadd.s32 s15, s29;
	[sflag:s3] =	ssyncadd.s32 $0xFFFFFB00  }
0x14: {  	[tilespmem:s2], [sflag:$0x2] =	stream.linear.gather [hbm4b:s9+s2], $0x50, $0x38;
	[tilespmem:$0x550] =	vst v63  }
0x15: {  	_ =	swait.ge [sflag:s3], $0x50  }
0x16: {  	[sflag:s3] =	ssyncset.done $0x0  }
0x17: {  	[sflag:s3] =	ssyncadd.s32 $0xFFFFFFB0  }
0x18: {  	[tilespmem:s6], [sflag:$0x1] =	stream.indirect.gather [hbm4b:s5+s6], $0x10, s2, s6, $0xb8;
	[tilespmem:$0x550] =	vst v63  }
0x19: {  	_ =	swait.ge [sflag:s7], $0x500  }
0x1a: {  	s10 =	sshll.u32 s10, $0x1;
	[sflag:s7] =	ssyncset.done $0x0  }
0x1b: {  	s10 =	sadd.s32 s16, s10;
	[sflag:s7] =	ssyncadd.s32 $0xFFFFFB00  }
0x1c: {  	[hbm4b:s10+s2] =	stream.linear.scatter [tilespmem:s6], [sflag:$0x2], $0x500, $0x38;
	[tilespmem:$0x550] =	vst v63  }
0x1d: {  	s12 =	sadd.s32 $0xA0, s13;
	_ =	swait.ge [sflag:s3], $0x500  }
0x1e: {  	s11 =	sshrl.u32 s12, $0x3;
	[sflag:s3] =	ssyncset.done $0x0  }
0x1f: {  	s11 =	sadd.s32 s15, s11;
	[sflag:s3] =	ssyncadd.s32 $0xFFFFFB00  }
0x20: {  	[tilespmem:s2], [sflag:$0x2] =	stream.linear.gather [hbm4b:s11+s2], $0x50, $0x38;
	[tilespmem:$0x550] =	vst v63  }
0x21: {  	_ =	swait.ge [sflag:s3], $0x50  }
0x22: {  	[sflag:s3] =	ssyncset.done $0x0  }
0x23: {  	[sflag:s3] =	ssyncadd.s32 $0xFFFFFFB0  }
0x24: {  	[tilespmem:s6], [sflag:$0x1] =	stream.indirect.gather [hbm4b:s5+s6], $0x10, s2, s6, $0xb8;
	[tilespmem:$0x550] =	vst v63  }
0x25: {  	_ =	swait.ge [sflag:s7], $0x500  }
0x26: {  	s12 =	sshll.u32 s12, $0x1;
	[sflag:s7] =	ssyncset.done $0x0  }
0x27: {  	s12 =	sadd.s32 s16, s12;
	[sflag:s7] =	ssyncadd.s32 $0xFFFFFB00  }
0x28: {  	[hbm4b:s12+s2] =	stream.linear.scatter [tilespmem:s6], [sflag:$0x2], $0x500, $0x38;
	[tilespmem:$0x550] =	vst v63  }
0x29: {  	s17 =	sadd.s32 $0xF0, s13;
	_ =	swait.ge [sflag:s3], $0x500  }
0x2a: {  	s13 =	sshrl.u32 s17, $0x3;
	[sflag:s3] =	ssyncset.done $0x0  }
0x2b: {  	s14 =	ssub.s32 $0x2, s14;
	s13 =	sadd.s32 s15, s13;
	[sflag:s3] =	ssyncadd.s32 $0xFFFFFB00  }
0x2c: {  	[tilespmem:s2], [sflag:$0x2] =	stream.linear.gather [hbm4b:s13+s2], $0x50, $0x38;
	[tilespmem:$0x550] =	vst v63  }
0x2d: {  	s30 =	sshrl.u32 s14, $0x1;
	_ =	swait.ge [sflag:s3], $0x50  }
0x2e: {  	s15 =	ssub.s32 s14, s30;
	[sflag:s3] =	ssyncset.done $0x0  }
0x2f: {  	s15 =	smax.u32 s15, $0x1;
	[sflag:s3] =	ssyncadd.s32 $0xFFFFFFB0  }
0x30: {  	[tilespmem:s6], [sflag:$0x1] =	stream.indirect.gather [hbm4b:s5+s6], $0x10, s2, s6, $0xb8;
	[tilespmem:$0x550] =	vst v63  }
0x31: {  	p0 =	sne.s32 s15, $0x1;
	_ =	swait.ge [sflag:s7], $0x500  }
.Ltmp0:
0x32: {  	s31 =	sshll.u32 s17, $0x1;
	[sflag:s7] =	ssyncset.done $0x0;
	(pc) =	sbr.rel @!p0 .LBB2_2-.Ltmp0, $4  }
0x33: {  	s14 =	sadd.s32 s16, s31;
	[sflag:s7] =	ssyncadd.s32 $0xFFFFFB00  }
0x34: {  	[hbm4b:s14+s2] =	stream.linear.scatter [tilespmem:s6], [sflag:$0x2], $0x500, $0x38;
	[tilespmem:$0x550] =	vst v63  }
0x35: {  	_ =	swait.ge [sflag:s3], $0x500  }
0x36: {  	s15 =	sadd.s32 $0xFFFFFFFF, s15;
	[sflag:s3] =	ssyncset.done $0x0  }
.LBB2_1:
0x37: {  	p0 =	sne.s32 s15, $0x1;
	s15 =	sadd.s32 $0xFFFFFFFF, s15;
	[sflag:s3] =	ssyncadd.s32 $0xFFFFFB00  }
0x38: {  	[tilespmem:s2], [sflag:$0x2] =	stream.linear.gather [hbm4b:s4+s2], $0x50, $0x38;
	[tilespmem:$0x550] =	vst v63  }
0x39: {  	_ =	swait.ge [sflag:s3], $0x50  }
0x3a: {  	[sflag:s3] =	ssyncset.done $0x0  }
0x3b: {  	[sflag:s3] =	ssyncadd.s32 $0xFFFFFFB0  }
0x3c: {  	[tilespmem:s6], [sflag:$0x1] =	stream.indirect.gather [hbm4b:s5+s6], $0x10, s2, s6, $0xb8;
	[tilespmem:$0x550] =	vst v63  }
0x3d: {  	_ =	swait.ge [sflag:s7], $0x500  }
0x3e: {  	[sflag:s7] =	ssyncset.done $0x0  }
0x3f: {  	[sflag:s7] =	ssyncadd.s32 $0xFFFFFB00  }
0x40: {  	[hbm4b:s8+s2] =	stream.linear.scatter [tilespmem:s6], [sflag:$0x2], $0x500, $0x38;
	[tilespmem:$0x550] =	vst v63  }
0x41: {  	_ =	swait.ge [sflag:s3], $0x500  }
0x42: {  	[sflag:s3] =	ssyncset.done $0x0  }
0x43: {  	[sflag:s3] =	ssyncadd.s32 $0xFFFFFB00  }
0x44: {  	[tilespmem:s2], [sflag:$0x2] =	stream.linear.gather [hbm4b:s9+s2], $0x50, $0x38;
	[tilespmem:$0x550] =	vst v63  }
0x45: {  	_ =	swait.ge [sflag:s3], $0x50  }
0x46: {  	[sflag:s3] =	ssyncset.done $0x0  }
0x47: {  	[sflag:s3] =	ssyncadd.s32 $0xFFFFFFB0  }
0x48: {  	[tilespmem:s6], [sflag:$0x1] =	stream.indirect.gather [hbm4b:s5+s6], $0x10, s2, s6, $0xb8;
	[tilespmem:$0x550] =	vst v63  }
0x49: {  	_ =	swait.ge [sflag:s7], $0x500  }
0x4a: {  	[sflag:s7] =	ssyncset.done $0x0  }
0x4b: {  	[sflag:s7] =	ssyncadd.s32 $0xFFFFFB00  }
0x4c: {  	[hbm4b:s10+s2] =	stream.linear.scatter [tilespmem:s6], [sflag:$0x2], $0x500, $0x38;
	[tilespmem:$0x550] =	vst v63  }
0x4d: {  	_ =	swait.ge [sflag:s3], $0x500  }
0x4e: {  	[sflag:s3] =	ssyncset.done $0x0  }
0x4f: {  	[sflag:s3] =	ssyncadd.s32 $0xFFFFFB00  }
0x50: {  	[tilespmem:s2], [sflag:$0x2] =	stream.linear.gather [hbm4b:s11+s2], $0x50, $0x38;
	[tilespmem:$0x550] =	vst v63  }
0x51: {  	_ =	swait.ge [sflag:s3], $0x50  }
0x52: {  	[sflag:s3] =	ssyncset.done $0x0  }
0x53: {  	[sflag:s3] =	ssyncadd.s32 $0xFFFFFFB0  }
0x54: {  	[tilespmem:s6], [sflag:$0x1] =	stream.indirect.gather [hbm4b:s5+s6], $0x10, s2, s6, $0xb8;
	[tilespmem:$0x550] =	vst v63  }
0x55: {  	_ =	swait.ge [sflag:s7], $0x500  }
0x56: {  	[sflag:s7] =	ssyncset.done $0x0  }
0x57: {  	[sflag:s7] =	ssyncadd.s32 $0xFFFFFB00  }
0x58: {  	[hbm4b:s12+s2] =	stream.linear.scatter [tilespmem:s6], [sflag:$0x2], $0x500, $0x38;
	[tilespmem:$0x550] =	vst v63  }
0x59: {  	_ =	swait.ge [sflag:s3], $0x500  }
0x5a: {  	[sflag:s3] =	ssyncset.done $0x0  }
0x5b: {  	[sflag:s3] =	ssyncadd.s32 $0xFFFFFB00  }
0x5c: {  	[tilespmem:s2], [sflag:$0x2] =	stream.linear.gather [hbm4b:s13+s2], $0x50, $0x38;
	[tilespmem:$0x550] =	vst v63  }
0x5d: {  	_ =	swait.ge [sflag:s3], $0x50  }
0x5e: {  	[sflag:s3] =	ssyncset.done $0x0  }
0x5f: {  	[sflag:s3] =	ssyncadd.s32 $0xFFFFFFB0  }
0x60: {  	[tilespmem:s6], [sflag:$0x1] =	stream.indirect.gather [hbm4b:s5+s6], $0x10, s2, s6, $0xb8;
	[tilespmem:$0x550] =	vst v63  }
0x61: {  	_ =	swait.ge [sflag:s7], $0x500  }
.Ltmp1:
0x62: {  	[sflag:s7] =	ssyncset.done $0x0;
	(pc) =	sbr.rel @p0 .LBB2_1-.Ltmp1, $4  }
0x63: {  	[sflag:s7] =	ssyncadd.s32 $0xFFFFFB00  }
0x64: {  	[hbm4b:s14+s2] =	stream.linear.scatter [tilespmem:s6], [sflag:$0x2], $0x500, $0x38;
	[tilespmem:$0x550] =	vst v63  }
0x65: {  	_ =	swait.ge [sflag:s3], $0x500  }
0x66: {  	[sflag:s3] =	ssyncset.done $0x0  }
.LBB2_2:
0x67: {  	[sflag:s3] =	ssyncadd.s32 $0xFFFFFB00  }
0x68: {  	_ =	sfence.sel $0x180000  }
0x69: {  	[bflag:$0x0] =	sbarrier.arrive $0xFFFF  }
0x6a: {  	p0 =	sne.s32 s0, $0x0;
	_ =	strace $0x90000047  }
0x6b: {  	s0 =	sadd.s32 @!p0 $0x100000, s1;
	[bflag:$0x2] =	sbarrier.arrive $0xFFFF  }
0x6c: {  	[sflag:s0] =	ssyncadd.tile.s32 @!p0 $0x1;
	_ =	shalt  }
.Lfunc_end2:
_tile_overlayer_lowered:
.L_overlay_start_2:
0x6d: {  	(tag) =	ssettag $0x2  }
0x6e: {  	s0 =	rddreg [dreg:$0x0];
	s2 =	stileid.u32  }
0x6f: {  	s1 =	rddreg [dreg:$0x1];
	p0 =	sne.s32 s2, $0x0  }
0x70: {  	s3 =	rddreg [dreg:$0x2];
	[bflag:$0x3] =	sbarrier.arrive $0xFFFF;
	s2 =	simm.s32 @!p0 $0x1C02  }
0x71: {  	[timem:s3], [sflag:s2] =	dma.local @!p0 [hbm:s0], s1  }
0x72: {  	s0 =	simm.s32 @!p0 $0x2  }
0x73: {  	_ =	swait.ge @!p0 [sflag:s0], s1  }
0x74: {  	s1 =	ssub.s32 @!p0 $0x0, s1;
	[sflag:s0] =	ssyncset.done @!p0 $0x0  }
0x75: {  	[sflag:s0] =	ssyncadd.s32 @!p0 s1  }
0x76: {  	[bflag:$0x3] =	sbarrier.arrive $0xFFFF  }
0x77: {  	_ =	shalt  }

// kernel: kernel.13.cloned.1.call-start
scs
__scs_entry_jumppad:
0x0: {  	(pc) =	sbr.rel $0x88, $3  }
0x1: {  	(tag) =	ssettag $0x0;
	lr =	simm.s32 $0x1  }
0x2: {  	[smem:$0x3F8B] =	sst lr;
	_ =	strace $0xD0000000  }
0x3: {  	_ = 	snop  }
0x4: {  	_ = 	snop  }
0x5: {  	_ = 	snop  }
0x6: {  	_ = 	snop  }
0x7: {  	_ = 	snop  }
__scs_overlays_trampoline_lowered:
0x8: {  	[smem:$0x3F9A] =	sst s0  }
0x9: {  	[smem:$0x3F9B] =	sst s1  }
0xa: {  	[smem:$0x3F9C] =	sst s2  }
0xb: {  	[smem:$0x3F9D] =	sst s3  }
0xc: {  	[smem:$0x3F9E] =	sst s4  }
0xd: {  	[smem:$0x3F9F] =	sst s5  }
0xe: {  	[smem:$0x3FA0] =	sst s6  }
0xf: {  	[smem:$0x3FA1] =	sst s7  }
0x10: {  	[smem:$0x3FA2] =	sst s8  }
0x11: {  	[smem:$0x3FA3] =	sst s9;
	s0 =	simm.s32 @!p0 $0x0  }
0x12: {  	s1 =	sld [smem:$0x3F89];
	s0 =	simm.s32 @p0 $0x1  }
0x13: {  	[smem:$0x3FA4] =	sst s0;
	s0 =	simm.s32 @!p1 $0x0  }
0x14: {  	s2 =	sld [smem:$0x3F88];
	s0 =	simm.s32 @p1 $0x1  }
0x15: {  	[smem:$0x3FA5] =	sst s0;
	s0 =	simm.s32 @!p2 $0x0  }
0x16: {  	s3 =	sld [smem:$0x3FDB];
	s0 =	simm.s32 @p2 $0x1  }
0x17: {  	s4 =	simm.s32 $0x1BF5;
	[smem:$0x3FA7] =	sst s0  }
0x18: {  	s0 =	sld [smem:$0x3F8A];
	_ =	swait.ge [sflag:s4], $0x0  }
0x19: {  	s7 =	sld [smem:$0x3F8B]  }
0x1a: {  	s8 =	sadd.s32 $0xFFFFE003, lr  }
0x1b: {  	s9 =	sadd.s32 $0xFFFFFEF7, lr;
	s5 =	simm.s32 $0xFFFFFFFF;
	p2 =	slt.u32 s8, $0xFFFFF086  }
0x1c: {  	p1 =	slt.u32 s9, $0xF7A;
	s5 =	simm.s32 @!p2 $0x0  }
0x1d: {  	s5 =	simm.s32 @p1 $0x1;
	p0 =	seq.s32 s7, s2  }
0x1e: {  	s7 =	smul.u32 @!p0 $0xF7A, s2;
	p2 =	seq.s32 @!p0 s5, $0x0  }
0x1f: {  	s9 =	smul.u32 $0xF7A, s1;
	s8 =	simm.s32 @!p0 $0x1BF5;
	p2 =	por !p2, p0  }
0x20: {  	[sflag:s8] =	ssyncset.s32 @!p0 $0xFFFFF086;
	s6 =	sadd.s32 @!p0 s3, s7;
	s7 =	simm.s32 @!p0 $0x108  }
0x21: {  	s3 =	sadd.s32 s3, s9;
	s6 =	sadd.s32 @!p0 $0x88, s6;
	s7 =	simm.s32 @p2 $0x1082  }
0x22: {  	[simem:s7], [sflag:s8] =	dma.local @!p0 [hbm:s6], $0xF7A  }
0x23: {  	s9 =	sor.u32 $0xD0000000, s2;
	s6 =	simm.s32 $0x108;
	_ =	swait.ge @!p0 [sflag:s8], $0x0  }
0x24: {  	s3 =	sadd.s32 $0x88, s3;
	s6 =	simm.s32 @!p1 $0x1082;
	[sflag:s4] =	ssyncset.s32 $0xFFFFF086  }
0x25: {  	[simem:s6], [sflag:s4] =	dma.local [hbm:s3], $0xF7A  }
0x26: {  	[smem:$0x3F8B] =	sst s1;
	(tag) =	ssettag s2;
	_ =	strace s9  }
0x27: {  	s1 =	sld [smem:$0x3F9B]  }
0x28: {  	s2 =	sld [smem:$0x3F9C]  }
0x29: {  	s4 =	sld [smem:$0x3F9E]  }
0x2a: {  	p0 =	seq.s32 s5, $0x0;
	s5 =	sld [smem:$0x3F9F]  }
0x2b: {  	s6 =	sld [smem:$0x3FA0]  }
0x2c: {  	s7 =	sld [smem:$0x3FA1]  }
0x2d: {  	s3 =	simm.s32 $0x108;
	s8 =	sld [smem:$0x3FA2]  }
0x2e: {  	s3 =	simm.s32 @!p0 $0x1082;
	s9 =	sld [smem:$0x3FA3]  }
0x2f: {  	lr =	sadd.s32 s0, s3;
	s0 =	sld [smem:$0x3F9A]  }
0x30: {  	s3 =	sld [smem:$0x3F9D]  }
0x31: {  	[smem:$0x3FA6] =	sst s10  }
0x32: {  	s10 =	sld [smem:$0x3FA4];
	_ =	sdelay $0x3  }
0x33: {  	p0 =	seq.s32 s10, $0x1;
	s10 =	sld [smem:$0x3FA6];
	_ =	sdelay $0x3  }
0x34: {  	[smem:$0x3FA6] =	sst s10  }
0x35: {  	s10 =	sld [smem:$0x3FA5];
	_ =	sdelay $0x3  }
0x36: {  	p1 =	seq.s32 s10, $0x1;
	s10 =	sld [smem:$0x3FA6];
	_ =	sdelay $0x3  }
0x37: {  	[smem:$0x3FA6] =	sst s10  }
0x38: {  	s10 =	sld [smem:$0x3FA7]  }
0x39: {  	_ = 	snop;
	(pc) =	sbr.ind lr, $3  }
0x3a: {  	_ = 	snop  }
0x3b: {  	_ = 	snop  }
0x3c: {  	p2 =	seq.s32 s10, $0x1;
	s10 =	sld [smem:$0x3FA6]  }
0x3d: {  	_ =	shalt  }
0x3e: {  	_ =	shalt  }
0x3f: {  	_ =	shalt  }
0x40: {  	_ =	shalt  }
0x41: {  	_ =	shalt  }
0x42: {  	_ =	shalt  }
0x43: {  	_ =	shalt  }
0x44: {  	_ =	shalt  }
0x45: {  	_ =	shalt  }
0x46: {  	_ =	shalt  }
0x47: {  	_ =	shalt  }
0x48: {  	_ =	shalt  }
0x49: {  	_ =	shalt  }
0x4a: {  	_ =	shalt  }
0x4b: {  	_ =	shalt  }
0x4c: {  	_ =	shalt  }
0x4d: {  	_ =	shalt  }
0x4e: {  	_ =	shalt  }
0x4f: {  	_ =	shalt  }
0x50: {  	_ =	shalt  }
0x51: {  	_ =	shalt  }
0x52: {  	_ =	shalt  }
0x53: {  	_ =	shalt  }
0x54: {  	_ =	shalt  }
0x55: {  	_ =	shalt  }
0x56: {  	_ =	shalt  }
0x57: {  	_ =	shalt  }
0x58: {  	_ =	shalt  }
0x59: {  	_ =	shalt  }
0x5a: {  	_ =	shalt  }
0x5b: {  	_ =	shalt  }
0x5c: {  	_ =	shalt  }
0x5d: {  	_ =	shalt  }
0x5e: {  	_ =	shalt  }
0x5f: {  	_ =	shalt  }
0x60: {  	_ =	shalt  }
0x61: {  	_ =	shalt  }
0x62: {  	_ =	shalt  }
0x63: {  	_ =	shalt  }
0x64: {  	_ =	shalt  }
0x65: {  	_ =	shalt  }
0x66: {  	_ =	shalt  }
0x67: {  	_ =	shalt  }
0x68: {  	_ =	shalt  }
0x69: {  	_ =	shalt  }
0x6a: {  	_ =	shalt  }
0x6b: {  	_ =	shalt  }
0x6c: {  	_ =	shalt  }
0x6d: {  	_ =	shalt  }
0x6e: {  	_ =	shalt  }
0x6f: {  	_ =	shalt  }
0x70: {  	_ =	shalt  }
0x71: {  	_ =	shalt  }
0x72: {  	_ =	shalt  }
0x73: {  	_ =	shalt  }
0x74: {  	_ =	shalt  }
0x75: {  	_ =	shalt  }
0x76: {  	_ =	shalt  }
0x77: {  	_ =	shalt  }
0x78: {  	_ =	shalt  }
0x79: {  	_ =	shalt  }
0x7a: {  	_ =	shalt  }
0x7b: {  	_ =	shalt  }
0x7c: {  	_ =	shalt  }
0x7d: {  	_ =	shalt  }
0x7e: {  	_ =	shalt  }
0x7f: {  	_ =	shalt  }
0x80: {  	_ =	shalt  }
0x81: {  	_ =	shalt  }
0x82: {  	_ =	shalt  }
0x83: {  	_ =	shalt  }
0x84: {  	_ =	shalt  }
0x85: {  	_ =	shalt  }
0x86: {  	_ =	shalt  }
0x87: {  	_ =	shalt  }
.Lfunc_end0:
.L_simem_size_0:
called_computation.1_lowered:
.L_overlay_start_0:
0x88: {  	s2 =	sld [smem:$0x3FD9]  }
0x89: {  	s3 =	sld [smem:$0x3FFE];
	_ =	sdelay $0x1  }
0x8a: {  	s1 =	srdreg.scid  }
0x8b: {  	s0 =	sand.u32 $0x1, s1  }
0x8c: {  	s16 =	sshll.u32 s0, $0xA;
	s2 =	sadd.s32 s3, s2  }
0x8d: {  	s2 =	sadd.s32 s2, s16  }
0x8e: {  	[smem:$0x3FB2] =	sst s2  }
0x8f: {  	_ = 	snop  }
0x90: {  	(tm) =	ssettm $0x1  }
0x91: {  	s17 =	sld [smem:$0x3FFB];
	_ =	sdelay $0x3  }
0x92: {  	_ =	strace s17  }
0x93: {  	s2 =	sld [smem:$0x3FFC];
	_ =	sdelay $0x3  }
0x94: {  	_ =	strace s2  }
0x95: {  	s2 =	sld [smem:$0x3FFD];
	_ =	sdelay $0x3  }
0x96: {  	_ =	strace s2  }
0x97: {  	_ =	strace $0x8FFFFFFF  }
0x98: {  	s18 =	sld [smem:$0x3FDB];
	_ =	sdelay $0x1  }
0x99: {  	s19 =	simm.s32 $_scs_section_size  }
0x9a: {  	s4 =	simm.s32 $_size__tile_overlayer_lowered;
	s5 =	simm.s32 $_tile_overlayer_lowered  }
0x9b: {  	s22 =	simm.s32 $0x1BFF;
	s21 =	sshll.u32 s5, $0x1;
	s2 =	sadd.s32 s19, s18  }
0x9c: {  	s6 =	simm.s32 $0x0;
	s20 =	sshll.u32 s4, $0x1;
	s4 =	sadd.s32 s21, s2  }
0x9d: {  	[timem:s6], [sflag:s22] =	dma.local [hbm:s4], s20  }
0x9e: {  	_ =	swait.ge [sflag:s22], s20  }
0x9f: {  	s3 =	ssub.s32 $0x0, s20;
	[sflag:s22] =	ssyncset.done $0x0  }
0xa0: {  	[sflag:s22] =	ssyncadd.s32 s3;
	_ =	sdelay $0x1  }
0xa1: {  	s23 =	simm.s32 $0x1B8B  }
0xa2: {  	_ =	swait.ge [sflag:s23], $0x1  }
0xa3: {  	[sflag:s23] =	ssyncset.done $0x0  }
0xa4: {  	s25 =	simm.s32 $0x1B8E;
	s24 =	sld [smem:$0x3FFE];
	[sflag:s23] =	ssyncadd.s32 $0xFFFFFFFF  }
0xa5: {  	s26 =	simm.s32 $execute0_lowered;
	[smem:$0x3FD2] =	sst s25  }
0xa6: {  	s4 =	sshll.u32 s26, $0x1;
	_ =	strace $0x80000049;
	[dreg:$0x1] =	wrdreg $0xFFFFFFFF  }
0xa7: {  	s28 =	simm.s32 $_size_execute0_lowered;
	s2 =	sadd.s32 s2, s4;
	[dreg:$0x0] =	wrdreg $0x0  }
0xa8: {  	s4 =	sshll.u32 s28, $0x1;
	[dreg:$0x2] =	wrdreg s2  }
0xa9: {  	[dreg:$0x3] =	wrdreg s4  }
0xaa: {  	[dreg:$0x4] =	wrdreg $0xC0  }
0xab: {  	_ =	task [dreg:s6], $0x5FFFF  }
0xac: {  	[dreg:$0x1] =	wrdreg $0xFFFFFFFF  }
0xad: {  	[dreg:$0x0] =	wrdreg $0x60  }
0xae: {  	[dreg:$0x2] =	wrdreg s24  }
0xaf: {  	[dreg:$0x3] =	wrdreg $0xE4000  }
0xb0: {  	[dreg:$0x4] =	wrdreg $0x44000  }
0xb1: {  	[dreg:$0x5] =	wrdreg $0x9  }
0xb2: {  	_ =	task.clear_ibuf [dreg:s6], $0x6FFFF;
	_ =	strace $0x90000049  }
0xb3: {  	s29 =	simm.s32 $0x9;
	_ =	strace $0x8000004B  }
0xb4: {  	_ =	swait.ge [sflag:s29], $0x1  }
0xb5: {  	[sflag:s29] =	ssyncadd.s32 $0xFFFFFFFF  }
0xb6: {  	_ =	strace $0x9000004B  }
0xb7: {  	_ =	sfence  }
0xb8: {  	s30 =	sld [smem:$0x0];
	_ =	sdelay $0x2  }
0xb9: {  	s31 =	sshll.u32 s1, $0xD;
	s1 =	sshrl.u32 s1, $0x2  }
0xba: {  	s3 =	sand.u32 $0x4000, s31;
	s1 =	sadd.s32 s1, s30  }
0xbb: {  	s0 =	sor.u32 s3, s0;
	s1 =	sshll.u32 s1, $0x11  }
0xbc: {  	s0 =	sor.u32 s1, s0  }
0xbd: {  	s0 =	sadd.s32 $0x8F2B, s0  }
0xbe: {  	[sflag:s0] =	ssyncadd.remote.s32 $0x1  }
0xbf: {  	_ =	sfence.sel $0xFFFF  }
0xc0: {  	[dreg:$0x0] =	wrdreg $0xFFFFFFFF;
	(pc) =	sbr.abs _section_cstart, $3  }
0xc1: {  	[dreg:$0x1] =	wrdreg $0xFFFFFFFF  }
0xc2: {  	_ =	task.clear_ibuf [dreg:s6], $0x2FFFF;
	_ =	strace $0x9FFFFFFF  }
0xc3: {  	(tm) =	ssettm $0x7FFFFFFF  }
tec
execute0_lowered:
.L_overlay_start_1:
0x0: {  	(tag) =	ssettag $0x1  }
0x1: {  	s0 =	rddreg [dreg:$0x0]  }
0x2: {  	s1 =	rddreg [dreg:$0x1]  }
0x3: {  	s3 =	rddreg [dreg:$0x2];
	s4 =	simm.s32 $0x0;
	s16 =	stileid.u32  }
0x4: {  	s5 =	srdreg.scid;
	s28 =	simm.s32 $0x180;
	s29 =	simm.s32 $0x380  }
0x5: {  	s30 =	simm.s32 $0x5;
	s31 =	simm.s32 $0x7;
	[smem:$0x7FF] =	sst s4  }
0x6: {  	s2 =	smul.u32 $0xA000, s16;
	s8 =	sadd.s32 $0x5AC00, s0;
	s9 =	sadd.s32 $0x46C00, s0  }
0x7: {  	s5 =	sand.u32 $0x1, s5;
	s10 =	sadd.s32 $0x32C00, s0;
	s13 =	smul.u32 $0x5000, s16  }
0x8: {  	s14 =	sadd.s32 $0x96C00, s0;
	s18 =	sshll.u32 s16, $0x6;
	s23 =	smul.u32 $0xA00, s16  }
0x9: {  	s16 =	simm.s32 $0x9;
	_ =	strace $0x8000004A;
	s6 =	ssub.s32 $0x2, s5  }
0xa: {  	p0 =	seq.s32 s5, $0x0;
	s5 =	simm.s32 $0x8;
	s11 =	sshrl.u32 s2, $0x3  }
0xb: {  	s12 =	sshrl.u32 s6, $0x1;
	s15 =	sadd.s32 s2, s1;
	s13 =	sshrl.u32 s13, $0x3  }
0xc: {  	s2 =	sadd.s32 s2, s3;
	s9 =	smov.u32 @p0 s8;
	s8 =	simm.s32 $0x4  }
0xd: {  	s7 =	sadd.s32 s11, s0;
	s0 =	sadd.s32 $0x82C00, s0;
	s12 =	ssub.s32 s6, s12  }
0xe: {  	s19 =	sadd.s32 s10, s13;
	s25 =	sadd.s32 s9, s11;
	s26 =	sshrl.u32 s2, $0x3  }
0xf: {  	s2 =	simm.s32 $0x6;
	s9 =	simm.s32 $0x0;
	[dreg:$0x6] =	wrdreg s19  }
0x10: {  	s7 =	sadd.s32 $0x6EC00, s7;
	s20 =	sadd.s32 $0xA000, s19;
	[dreg:$0xb] =	wrdreg s25  }
0x11: {  	s21 =	sadd.s32 $0x10, s19;
	s22 =	sadd.s32 $0xA010, s19;
	[dreg:$0xe] =	wrdreg s26  }
0x12: {  	s24 =	smax.u32 s12, $0x1;
	s0 =	smov.u32 @p0 s14;
	[dreg:$0x4] =	wrdreg s7  }
0x13: {  	s14 =	sadd.s32 s23, s10;
	s10 =	sshrl.u32 s15, $0x3;
	[dreg:$0x7] =	wrdreg s20  }
0x14: {  	s19 =	simm.s32 $0x80;
	s23 =	simm.s32 $0x100;
	[dreg:$0x8] =	wrdreg s21  }
0x15: {  	s25 =	simm.s32 $0x2;
	s26 =	simm.s32 $0x2400;
	[dreg:$0x9] =	wrdreg s22  }
0x16: {  	s7 =	sor.u32 $0x1C09, s18;
	[dreg:$0xa] =	wrdreg s24;
	s0 =	sadd.s32 s0, s11  }
0x17: {  	s18 =	simm.s32 $0x200;
	s20 =	simm.s32 $0x280;
	[dreg:$0xd] =	wrdreg s10  }
0x18: {  	s21 =	simm.s32 $0x1;
	s22 =	simm.s32 $0x400;
	[dreg:$0xc] =	wrdreg s0  }
0x19: {  	s24 =	simm.s32 $0x300;
	s0 =	simm.s32 $0x3;
	[dreg:$0x5] =	wrdreg s7  }
.LBB2_1:
0x1a: {  	s6 =	rddreg [dreg:$0x4]  }
0x1b: {  	[spmem:s10], [sflag:s7] =	dma.local [hbm:s6], $0x1400  }
0x1c: {  	_ =	swait.ge [sflag:s16], $0x1400  }
0x1d: {  	[sflag:s16] =	ssyncset.done $0x0;
	s10 =	rddreg [dreg:$0xb]  }
0x1e: {  	s11 =	rddreg [dreg:$0xe];
	[sflag:s16] =	ssyncadd.s32 $0xFFFFEC00  }
0x1f: {  	[spmem:s11], [sflag:s7] =	dma.local [hbm:s10], $0x1400  }
0x20: {  	_ =	swait.ge [sflag:s16], $0x1400  }
0x21: {  	[sflag:s16] =	ssyncset.done $0x0  }
0x22: {  	[sflag:s16] =	ssyncadd.s32 $0xFFFFEC00  }
0x23: {  	[bflag:$0x0] =	sbarrier.arrive $0xFFFF  }
0x24: {  	s12 =	rddreg [dreg:$0x6]  }
0x25: {  	[tilespmem:s4], [sflag:$0x1] =	stream.linear.gather [hbm4b:s12+s4], $0x80, $0x38;
	[tilespmem:$0x18400] =	vst v63  }
0x26: {  	p0 =	por $0x1, $0x1;
	s13 =	rddreg [dreg:$0x7]  }
0x27: {  	[tilespmem:s18], [sflag:$0x1] =	stream.linear.gather [hbm4b:s13+s4], $0x80, $0x38;
	[tilespmem:$0x18400] =	vst v63  }
0x28: {  	p0 =	por p0, p0;
	s15 =	rddreg [dreg:$0x8]  }
0x29: {  	[tilespmem:s19], [sflag:$0x2] =	stream.linear.gather [hbm4b:s15+s4], $0x80, $0x38;
	[tilespmem:$0x18400] =	vst v63  }
0x2a: {  	s10 =	simm.s32 @!p0 $0x7;
	s17 =	rddreg [dreg:$0x9]  }
0x2b: {  	[tilespmem:s20], [sflag:$0x2] =	stream.linear.gather [hbm4b:s17+s4], $0x80, $0x38;
	[tilespmem:$0x18400] =	vst v63  }
0x2c: {  	_ =	swait.ge @!p0 [sflag:s10], $0x2000  }
0x2d: {  	[sflag:s10] =	ssyncset.done @!p0 $0x0  }
0x2e: {  	[sflag:s10] =	ssyncadd.s32 @!p0 $0xFFFFE000  }
0x2f: {  	_ =	swait.ge [sflag:s21], $0x80  }
0x30: {  	[sflag:s21] =	ssyncset.done $0x0  }
0x31: {  	[sflag:s21] =	ssyncadd.s32 $0xFFFFFF80  }
0x32: {  	_ =	swait.ge [sflag:s21], $0x80  }
0x33: {  	[sflag:s21] =	ssyncset.done $0x0  }
0x34: {  	s7 =	sadd.s32 $0x0, s14;
	[sflag:s21] =	ssyncadd.s32 $0xFFFFFF80  }
0x35: {  	[tilespmem:s22], [sflag:$0x5] =	stream.indirect.gather [spmem:s3], $0x40, s4, s19, $0xb8;
	[tilespmem:$0x18400] =	vst v63  }
0x36: {  	s11 =	sadd.s32 $0x20, s7  }
0x37: {  	[tilespmem:s23], [sflag:$0x3] =	stream.linear.gather [hbm4b:s11+s4], $0x80, $0x38;
	[tilespmem:$0x18400] =	vst v63  }
0x38: {  	s12 =	simm.s32 @!p0 $0x6;
	s15 =	sadd.s32 $0xA020, s7  }
0x39: {  	[tilespmem:s24], [sflag:$0x3] =	stream.linear.gather [hbm4b:s15+s4], $0x80, $0x38;
	[tilespmem:$0x18400] =	vst v63  }
0x3a: {  	_ =	swait.ge @!p0 [sflag:s12], $0x2000  }
0x3b: {  	s13 =	simm.s32 @!p0 $0x380;
	[sflag:s12] =	ssyncset.done @!p0 $0x0  }
0x3c: {  	s11 =	simm.s32 @!p0 $0x2400;
	[sflag:s12] =	ssyncadd.s32 @!p0 $0xFFFFE000;
	s12 =	simm.s32 @!p0 $0x80  }
0x3d: {  	[spmem:s1] =	stream.indirect.scatter.add.f32 @!p0 [tilespmem:s11], [sflag:$0x8], $0x40, s13, s12, $0xb8;
	[tilespmem:$0x18400] =	vst v63  }
0x3e: {  	s11 =	simm.s32 @!p0 $0x8  }
0x3f: {  	_ =	swait.ge @!p0 [sflag:s11], $0x2000  }
0x40: {  	[sflag:s11] =	ssyncset.done @!p0 $0x0  }
0x41: {  	[sflag:s11] =	ssyncadd.s32 @!p0 $0xFFFFE000  }
0x42: {  	_ =	swait.ge [sflag:s25], $0x80  }
0x43: {  	[sflag:s25] =	ssyncset.done $0x0  }
0x44: {  	[sflag:s25] =	ssyncadd.s32 $0xFFFFFF80  }
0x45: {  	_ =	swait.ge [sflag:s25], $0x80  }
0x46: {  	[sflag:s25] =	ssyncset.done $0x0  }
0x47: {  	[sflag:s25] =	ssyncadd.s32 $0xFFFFFF80  }
0x48: {  	[tilespmem:s26], [sflag:$0x6] =	stream.indirect.gather [spmem:s3], $0x40, s19, s19, $0xb8;
	[tilespmem:$0x18400] =	vst v63  }
0x49: {  	s17 =	sadd.s32 $0x30, s7  }
0x4a: {  	[tilespmem:s28], [sflag:$0x4] =	stream.linear.gather [hbm4b:s17+s4], $0x80, $0x38;
	[tilespmem:$0x18400] =	vst v63  }
0x4b: {  	s10 =	sadd.s32 $0xA030, s7  }
0x4c: {  	[tilespmem:s29], [sflag:$0x4] =	stream.linear.gather [hbm4b:s10+s4], $0x80, $0x38;
	[tilespmem:$0x18400] =	vst v63  }
0x4d: {  	_ =	swait.ge [sflag:s30], $0x2000  }
0x4e: {  	[sflag:s30] =	ssyncset.done $0x0  }
0x4f: {  	[sflag:s30] =	ssyncadd.s32 $0xFFFFE000  }
0x50: {  	[spmem:s1] =	stream.indirect.scatter.add.f32 [tilespmem:s22], [sflag:$0x7], $0x40, s18, s19, $0xb8;
	[tilespmem:$0x18400] =	vst v63  }
0x51: {  	_ =	swait.ge [sflag:s31], $0x2000  }
0x52: {  	[sflag:s31] =	ssyncset.done $0x0  }
0x53: {  	[sflag:s31] =	ssyncadd.s32 $0xFFFFE000  }
0x54: {  	_ =	swait.ge [sflag:s0], $0x80  }
0x55: {  	[sflag:s0] =	ssyncset.done $0x0  }
0x56: {  	[sflag:s0] =	ssyncadd.s32 $0xFFFFFF80  }
0x57: {  	_ =	swait.ge [sflag:s0], $0x80  }
0x58: {  	p0 =	por $0x0, $0x0;
	[sflag:s0] =	ssyncset.done $0x0  }
0x59: {  	s10 =	sadd.s32 @!p0 $0x0, s14;
	[sflag:s0] =	ssyncadd.s32 $0xFFFFFF80  }
0x5a: {  	[tilespmem:s22], [sflag:$0x5] =	stream.indirect.gather [spmem:s3], $0x40, s23, s19, $0xb8;
	[tilespmem:$0x18400] =	vst v63  }
0x5b: {  	s11 =	simm.s32 @!p0 $0x0;
	s12 =	sadd.s32 @!p0 $0x40, s10  }
0x5c: {  	[tilespmem:s11], [sflag:$0x1] =	stream.linear.gather @!p0 [hbm4b:s12+s11], $0x80, $0x38;
	[tilespmem:$0x18400] =	vst v63  }
0x5d: {  	s13 =	simm.s32 @!p0 $0x200;
	s12 =	sadd.s32 @!p0 $0xA040, s10  }
0x5e: {  	[tilespmem:s13], [sflag:$0x1] =	stream.linear.gather @!p0 [hbm4b:s12+s11], $0x80, $0x38;
	[tilespmem:$0x18400] =	vst v63  }
0x5f: {  	_ =	swait.ge [sflag:s2], $0x2000  }
0x60: {  	[sflag:s2] =	ssyncset.done $0x0  }
0x61: {  	[sflag:s2] =	ssyncadd.s32 $0xFFFFE000  }
0x62: {  	[spmem:s1] =	stream.indirect.scatter.add.f32 [tilespmem:s26], [sflag:$0x8], $0x40, s20, s19, $0xb8;
	[tilespmem:$0x18400] =	vst v63  }
0x63: {  	_ =	swait.ge [sflag:s5], $0x2000  }
0x64: {  	[sflag:s5] =	ssyncset.done $0x0  }
0x65: {  	[sflag:s5] =	ssyncadd.s32 $0xFFFFE000  }
0x66: {  	_ =	swait.ge [sflag:s8], $0x80  }
0x67: {  	[sflag:s8] =	ssyncset.done $0x0  }
0x68: {  	[sflag:s8] =	ssyncadd.s32 $0xFFFFFF80  }
0x69: {  	_ =	swait.ge [sflag:s8], $0x80  }
0x6a: {  	[sflag:s8] =	ssyncset.done $0x0  }
0x6b: {  	[sflag:s8] =	ssyncadd.s32 $0xFFFFFF80  }
0x6c: {  	[tilespmem:s26], [sflag:$0x6] =	stream.indirect.gather [spmem:s3], $0x40, s28, s19, $0xb8;
	[tilespmem:$0x18400] =	vst v63  }
0x6d: {  	s12 =	sadd.s32 @!p0 $0x50, s10;
	s13 =	simm.s32 @!p0 $0x80  }
0x6e: {  	[tilespmem:s13], [sflag:$0x2] =	stream.linear.gather @!p0 [hbm4b:s12+s11], $0x80, $0x38;
	[tilespmem:$0x18400] =	vst v63  }
0x6f: {  	p1 =	por $0x0, $0x0;
	s10 =	sadd.s32 @!p0 $0xA050, s10;
	s12 =	simm.s32 @!p0 $0x280  }
0x70: {  	[tilespmem:s12], [sflag:$0x2] =	stream.linear.gather @!p0 [hbm4b:s10+s11], $0x80, $0x38;
	[tilespmem:$0x18400] =	vst v63  }
0x71: {  	s10 =	simm.s32 $0x40;
	p0 =	por p1, p1;
	_ =	swait.ge [sflag:s30], $0x2000  }
0x72: {  	s11 =	simm.s32 $0x80;
	s13 =	simm.s32 @!p0 $0x7;
	[sflag:s30] =	ssyncset.done $0x0  }
.LBB2_2:
0x73: {  	p2 =	seq.s32 s11, $0x0  }
0x74: {  	[sflag:s30] =	ssyncadd.s32 $0xFFFFE000;
	s12 =	smov.u32 s11;
	s11 =	sadd.s32 $0x40, s11  }
0x75: {  	[spmem:s1] =	stream.indirect.scatter.add.f32 [tilespmem:s22], [sflag:$0x7], $0x40, s24, s19, $0xb8;
	[tilespmem:$0x18400] =	vst v63  }
0x76: {  	p1 =	sne.s32 s11, $0xA00;
	_ =	swait.ge @!p0 [sflag:s13], $0x2000  }
0x77: {  	[sflag:s13] =	ssyncset.done @!p0 $0x0  }
0x78: {  	[sflag:s13] =	ssyncadd.s32 @!p0 $0xFFFFE000  }
0x79: {  	_ =	swait.ge [sflag:s21], $0x80  }
0x7a: {  	[sflag:s21] =	ssyncset.done $0x0  }
0x7b: {  	[sflag:s21] =	ssyncadd.s32 $0xFFFFFF80  }
0x7c: {  	_ =	swait.ge [sflag:s21], $0x80  }
0x7d: {  	[sflag:s21] =	ssyncset.done $0x0  }
0x7e: {  	s13 =	sadd.s32 s10, s14;
	[sflag:s21] =	ssyncadd.s32 $0xFFFFFF80  }
0x7f: {  	[tilespmem:s22], [sflag:$0x5] =	stream.indirect.gather [spmem:s3], $0x40, s4, s19, $0xb8;
	[tilespmem:$0x18400] =	vst v63  }
0x80: {  	s17 =	sadd.s32 $0x20, s13  }
0x81: {  	[tilespmem:s23], [sflag:$0x3] =	stream.linear.gather [hbm4b:s17+s4], $0x80, $0x38;
	[tilespmem:$0x18400] =	vst v63  }
0x82: {  	s7 =	simm.s32 @!p0 $0x6;
	s17 =	sadd.s32 $0xA020, s13  }
0x83: {  	[tilespmem:s24], [sflag:$0x3] =	stream.linear.gather [hbm4b:s17+s4], $0x80, $0x38;
	[tilespmem:$0x18400] =	vst v63  }
0x84: {  	_ =	swait.ge @!p0 [sflag:s7], $0x2000  }
0x85: {  	s15 =	simm.s32 @!p0 $0x8;
	s17 =	simm.s32 @!p0 $0x2400;
	[sflag:s7] =	ssyncset.done @!p0 $0x0  }
0x86: {  	s6 =	simm.s32 @!p0 $0x380;
	[sflag:s7] =	ssyncadd.s32 @!p0 $0xFFFFE000;
	s7 =	simm.s32 @!p0 $0x80  }
0x87: {  	[spmem:s1] =	stream.indirect.scatter.add.f32 @!p0 [tilespmem:s17], [sflag:$0x8], $0x40, s6, s7, $0xb8;
	[tilespmem:$0x18400] =	vst v63  }
0x88: {  	_ =	swait.ge @!p0 [sflag:s15], $0x2000  }
0x89: {  	[sflag:s15] =	ssyncset.done @!p0 $0x0  }
0x8a: {  	[sflag:s15] =	ssyncadd.s32 @!p0 $0xFFFFE000;
	p0 =	por p2, p2  }
0x8b: {  	_ =	swait.ge [sflag:s25], $0x80  }
0x8c: {  	[sflag:s25] =	ssyncset.done $0x0  }
0x8d: {  	[sflag:s25] =	ssyncadd.s32 $0xFFFFFF80  }
0x8e: {  	_ =	swait.ge [sflag:s25], $0x80  }
0x8f: {  	[sflag:s25] =	ssyncset.done $0x0  }
0x90: {  	[sflag:s25] =	ssyncadd.s32 $0xFFFFFF80  }
0x91: {  	[tilespmem:s26], [sflag:$0x6] =	stream.indirect.gather [spmem:s3], $0x40, s19, s19, $0xb8;
	[tilespmem:$0x18400] =	vst v63  }
0x92: {  	s6 =	sadd.s32 $0x30, s13  }
0x93: {  	[tilespmem:s28], [sflag:$0x4] =	stream.linear.gather [hbm4b:s6+s4], $0x80, $0x38;
	[tilespmem:$0x18400] =	vst v63  }
0x94: {  	s6 =	sadd.s32 $0xA030, s13  }
0x95: {  	[tilespmem:s29], [sflag:$0x4] =	stream.linear.gather [hbm4b:s6+s4], $0x80, $0x38;
	[tilespmem:$0x18400] =	vst v63  }
0x96: {  	_ =	swait.ge [sflag:s30], $0x2000  }
0x97: {  	[sflag:s30] =	ssyncset.done $0x0  }
0x98: {  	[sflag:s30] =	ssyncadd.s32 $0xFFFFE000  }
0x99: {  	[spmem:s1] =	stream.indirect.scatter.add.f32 [tilespmem:s22], [sflag:$0x7], $0x40, s18, s19, $0xb8;
	[tilespmem:$0x18400] =	vst v63  }
0x9a: {  	_ =	swait.ge [sflag:s31], $0x2000  }
0x9b: {  	[sflag:s31] =	ssyncset.done $0x0  }
0x9c: {  	[sflag:s31] =	ssyncadd.s32 $0xFFFFE000  }
0x9d: {  	_ =	swait.ge [sflag:s0], $0x80  }
0x9e: {  	[sflag:s0] =	ssyncset.done $0x0  }
0x9f: {  	[sflag:s0] =	ssyncadd.s32 $0xFFFFFF80  }
0xa0: {  	_ =	swait.ge [sflag:s0], $0x80  }
0xa1: {  	[sflag:s0] =	ssyncset.done $0x0  }
0xa2: {  	p2 =	seq.s32 s10, $0x9C0;
	[sflag:s0] =	ssyncadd.s32 $0xFFFFFF80  }
0xa3: {  	[tilespmem:s22], [sflag:$0x5] =	stream.indirect.gather [spmem:s3], $0x40, s23, s19, $0xb8;
	[tilespmem:$0x18400] =	vst v63  }
0xa4: {  	s7 =	simm.s32 @!p2 $0x0;
	s6 =	sadd.s32 @!p2 s10, s14;
	s10 =	smov.u32 s12  }
0xa5: {  	s15 =	simm.s32 @!p2 $0x200;
	s12 =	sadd.s32 @!p2 $0x40, s6;
	s13 =	sadd.s32 @!p2 $0xA040, s6  }
0xa6: {  	[tilespmem:s7], [sflag:$0x1] =	stream.linear.gather @!p2 [hbm4b:s12+s7], $0x80, $0x38;
	[tilespmem:$0x18400] =	vst v63  }
0xa7: {  	s12 =	sadd.s32 @!p2 $0x50, s6;
	s6 =	sadd.s32 @!p2 $0xA050, s6  }
0xa8: {  	[tilespmem:s15], [sflag:$0x1] =	stream.linear.gather @!p2 [hbm4b:s13+s7], $0x80, $0x38;
	[tilespmem:$0x18400] =	vst v63  }
0xa9: {  	_ =	swait.ge [sflag:s2], $0x2000  }
0xaa: {  	[sflag:s2] =	ssyncset.done $0x0  }
0xab: {  	[sflag:s2] =	ssyncadd.s32 $0xFFFFE000  }
0xac: {  	[spmem:s1] =	stream.indirect.scatter.add.f32 [tilespmem:s26], [sflag:$0x8], $0x40, s20, s19, $0xb8;
	[tilespmem:$0x18400] =	vst v63  }
0xad: {  	_ =	swait.ge [sflag:s5], $0x2000  }
0xae: {  	[sflag:s5] =	ssyncset.done $0x0  }
0xaf: {  	[sflag:s5] =	ssyncadd.s32 $0xFFFFE000  }
0xb0: {  	_ =	swait.ge [sflag:s8], $0x80  }
0xb1: {  	[sflag:s8] =	ssyncset.done $0x0  }
0xb2: {  	[sflag:s8] =	ssyncadd.s32 $0xFFFFFF80  }
0xb3: {  	_ =	swait.ge [sflag:s8], $0x80  }
0xb4: {  	[sflag:s8] =	ssyncset.done $0x0  }
0xb5: {  	s13 =	simm.s32 @!p2 $0x80;
	[sflag:s8] =	ssyncadd.s32 $0xFFFFFF80  }
0xb6: {  	[tilespmem:s26], [sflag:$0x6] =	stream.indirect.gather [spmem:s3], $0x40, s28, s19, $0xb8;
	[tilespmem:$0x18400] =	vst v63  }
0xb7: {  	s15 =	simm.s32 @!p2 $0x280  }
0xb8: {  	[tilespmem:s13], [sflag:$0x2] =	stream.linear.gather @!p2 [hbm4b:s12+s7], $0x80, $0x38;
	[tilespmem:$0x18400] =	vst v63  }
.Ltmp0:
0xb9: {  	_ = 	snop;
	(pc) =	sbr.rel @p1 .LBB2_2-.Ltmp0, $4  }
0xba: {  	_ = 	snop  }
0xbb: {  	[tilespmem:s15], [sflag:$0x2] =	stream.linear.gather @!p2 [hbm4b:s6+s7], $0x80, $0x38;
	[tilespmem:$0x18400] =	vst v63  }
0xbc: {  	_ =	swait.ge [sflag:s30], $0x2000  }
0xbd: {  	s13 =	simm.s32 @!p0 $0x7;
	[sflag:s30] =	ssyncset.done $0x0  }
0xbe: {  	[sflag:s30] =	ssyncadd.s32 $0xFFFFE000  }
0xbf: {  	[spmem:s1] =	stream.indirect.scatter.add.f32 [tilespmem:s22], [sflag:$0x7], $0x40, s24, s19, $0xb8;
	[tilespmem:$0x18400] =	vst v63  }
0xc0: {  	_ =	swait.ge @!p0 [sflag:s13], $0x2000  }
0xc1: {  	[sflag:s13] =	ssyncset.done @!p0 $0x0  }
0xc2: {  	[sflag:s13] =	ssyncadd.s32 @!p0 $0xFFFFE000  }
0xc3: {  	_ =	swait.ge [sflag:s21], $0x80  }
0xc4: {  	[sflag:s21] =	ssyncset.done $0x0  }
0xc5: {  	[sflag:s21] =	ssyncadd.s32 $0xFFFFFF80  }
0xc6: {  	_ =	swait.ge [sflag:s21], $0x80  }
0xc7: {  	[sflag:s21] =	ssyncset.done $0x0  }
0xc8: {  	s6 =	sadd.s32 s10, s14;
	[sflag:s21] =	ssyncadd.s32 $0xFFFFFF80  }
0xc9: {  	[tilespmem:s22], [sflag:$0x5] =	stream.indirect.gather [spmem:s3], $0x40, s4, s19, $0xb8;
	[tilespmem:$0x18400] =	vst v63  }
0xca: {  	s7 =	sadd.s32 $0x20, s6  }
0xcb: {  	[tilespmem:s23], [sflag:$0x3] =	stream.linear.gather [hbm4b:s7+s4], $0x80, $0x38;
	[tilespmem:$0x18400] =	vst v63  }
0xcc: {  	s11 =	simm.s32 @!p0 $0x6;
	s12 =	sadd.s32 $0xA020, s6  }
0xcd: {  	[tilespmem:s24], [sflag:$0x3] =	stream.linear.gather [hbm4b:s12+s4], $0x80, $0x38;
	[tilespmem:$0x18400] =	vst v63  }
0xce: {  	_ =	swait.ge @!p0 [sflag:s11], $0x2000  }
0xcf: {  	s7 =	simm.s32 @!p0 $0x2400;
	[sflag:s11] =	ssyncset.done @!p0 $0x0  }
0xd0: {  	s12 =	simm.s32 @!p0 $0x380;
	[sflag:s11] =	ssyncadd.s32 @!p0 $0xFFFFE000;
	s11 =	simm.s32 @!p0 $0x80  }
0xd1: {  	[spmem:s1] =	stream.indirect.scatter.add.f32 @!p0 [tilespmem:s7], [sflag:$0x8], $0x40, s12, s11, $0xb8;
	[tilespmem:$0x18400] =	vst v63  }
0xd2: {  	s7 =	simm.s32 @!p0 $0x8  }
0xd3: {  	_ =	swait.ge @!p0 [sflag:s7], $0x2000  }
0xd4: {  	[sflag:s7] =	ssyncset.done @!p0 $0x0  }
0xd5: {  	[sflag:s7] =	ssyncadd.s32 @!p0 $0xFFFFE000  }
0xd6: {  	_ =	swait.ge [sflag:s25], $0x80  }
0xd7: {  	[sflag:s25] =	ssyncset.done $0x0  }
0xd8: {  	[sflag:s25] =	ssyncadd.s32 $0xFFFFFF80  }
0xd9: {  	_ =	swait.ge [sflag:s25], $0x80  }
0xda: {  	[sflag:s25] =	ssyncset.done $0x0  }
0xdb: {  	[sflag:s25] =	ssyncadd.s32 $0xFFFFFF80  }
0xdc: {  	[tilespmem:s26], [sflag:$0x6] =	stream.indirect.gather [spmem:s3], $0x40, s19, s19, $0xb8;
	[tilespmem:$0x18400] =	vst v63  }
0xdd: {  	s13 =	sadd.s32 $0x30, s6  }
0xde: {  	[tilespmem:s28], [sflag:$0x4] =	stream.linear.gather [hbm4b:s13+s4], $0x80, $0x38;
	[tilespmem:$0x18400] =	vst v63  }
0xdf: {  	s6 =	sadd.s32 $0xA030, s6  }
0xe0: {  	[tilespmem:s29], [sflag:$0x4] =	stream.linear.gather [hbm4b:s6+s4], $0x80, $0x38;
	[tilespmem:$0x18400] =	vst v63  }
0xe1: {  	_ =	swait.ge [sflag:s30], $0x2000  }
0xe2: {  	[sflag:s30] =	ssyncset.done $0x0  }
0xe3: {  	[sflag:s30] =	ssyncadd.s32 $0xFFFFE000  }
0xe4: {  	[spmem:s1] =	stream.indirect.scatter.add.f32 [tilespmem:s22], [sflag:$0x7], $0x40, s18, s19, $0xb8;
	[tilespmem:$0x18400] =	vst v63  }
0xe5: {  	_ =	swait.ge [sflag:s31], $0x2000  }
0xe6: {  	[sflag:s31] =	ssyncset.done $0x0  }
0xe7: {  	[sflag:s31] =	ssyncadd.s32 $0xFFFFE000  }
0xe8: {  	_ =	swait.ge [sflag:s0], $0x80  }
0xe9: {  	[sflag:s0] =	ssyncset.done $0x0  }
0xea: {  	[sflag:s0] =	ssyncadd.s32 $0xFFFFFF80  }
0xeb: {  	_ =	swait.ge [sflag:s0], $0x80  }
0xec: {  	p0 =	seq.s32 s10, $0x9C0;
	[sflag:s0] =	ssyncset.done $0x0  }
0xed: {  	s6 =	sadd.s32 @!p0 s10, s14;
	[sflag:s0] =	ssyncadd.s32 $0xFFFFFF80  }
0xee: {  	[tilespmem:s22], [sflag:$0x5] =	stream.indirect.gather [spmem:s3], $0x40, s23, s19, $0xb8;
	[tilespmem:$0x18400] =	vst v63  }
0xef: {  	s7 =	simm.s32 @!p0 $0x0;
	s10 =	sadd.s32 @!p0 $0x40, s6  }
0xf0: {  	[tilespmem:s7], [sflag:$0x1] =	stream.linear.gather @!p0 [hbm4b:s10+s7], $0x80, $0x38;
	[tilespmem:$0x18400] =	vst v63  }
0xf1: {  	s11 =	simm.s32 @!p0 $0x200;
	s10 =	sadd.s32 @!p0 $0xA040, s6  }
0xf2: {  	[tilespmem:s11], [sflag:$0x1] =	stream.linear.gather @!p0 [hbm4b:s10+s7], $0x80, $0x38;
	[tilespmem:$0x18400] =	vst v63  }
0xf3: {  	_ =	swait.ge [sflag:s2], $0x2000  }
0xf4: {  	[sflag:s2] =	ssyncset.done $0x0  }
0xf5: {  	[sflag:s2] =	ssyncadd.s32 $0xFFFFE000  }
0xf6: {  	[spmem:s1] =	stream.indirect.scatter.add.f32 [tilespmem:s26], [sflag:$0x8], $0x40, s20, s19, $0xb8;
	[tilespmem:$0x18400] =	vst v63  }
0xf7: {  	_ =	swait.ge [sflag:s5], $0x2000  }
0xf8: {  	[sflag:s5] =	ssyncset.done $0x0  }
0xf9: {  	[sflag:s5] =	ssyncadd.s32 $0xFFFFE000  }
0xfa: {  	_ =	swait.ge [sflag:s8], $0x80  }
0xfb: {  	[sflag:s8] =	ssyncset.done $0x0  }
0xfc: {  	[sflag:s8] =	ssyncadd.s32 $0xFFFFFF80  }
0xfd: {  	_ =	swait.ge [sflag:s8], $0x80  }
0xfe: {  	[sflag:s8] =	ssyncset.done $0x0  }
0xff: {  	[sflag:s8] =	ssyncadd.s32 $0xFFFFFF80  }
0x100: {  	[tilespmem:s26], [sflag:$0x6] =	stream.indirect.gather [spmem:s3], $0x40, s28, s19, $0xb8;
	[tilespmem:$0x18400] =	vst v63  }
0x101: {  	s10 =	sadd.s32 @!p0 $0x50, s6;
	s11 =	simm.s32 @!p0 $0x80  }
0x102: {  	[tilespmem:s11], [sflag:$0x2] =	stream.linear.gather @!p0 [hbm4b:s10+s7], $0x80, $0x38;
	[tilespmem:$0x18400] =	vst v63  }
0x103: {  	s6 =	sadd.s32 @!p0 $0xA050, s6;
	s10 =	simm.s32 @!p0 $0x280  }
0x104: {  	[tilespmem:s10], [sflag:$0x2] =	stream.linear.gather @!p0 [hbm4b:s6+s7], $0x80, $0x38;
	[tilespmem:$0x18400] =	vst v63  }
0x105: {  	_ =	swait.ge [sflag:s30], $0x2000  }
0x106: {  	[sflag:s30] =	ssyncset.done $0x0  }
0x107: {  	[sflag:s30] =	ssyncadd.s32 $0xFFFFE000  }
0x108: {  	[spmem:s1] =	stream.indirect.scatter.add.f32 [tilespmem:s22], [sflag:$0x7], $0x40, s24, s19, $0xb8;
	[tilespmem:$0x18400] =	vst v63  }
0x109: {  	_ =	swait.ge [sflag:s2], $0x2000  }
0x10a: {  	[sflag:s2] =	ssyncset.done $0x0  }
0x10b: {  	[sflag:s2] =	ssyncadd.s32 $0xFFFFE000  }
0x10c: {  	[spmem:s1] =	stream.indirect.scatter.add.f32 [tilespmem:s26], [sflag:$0x8], $0x40, s29, s19, $0xb8;
	[tilespmem:$0x18400] =	vst v63  }
0x10d: {  	_ =	swait.ge [sflag:s31], $0x2000  }
0x10e: {  	[sflag:s31] =	ssyncset.done $0x0  }
0x10f: {  	[sflag:s31] =	ssyncadd.s32 $0xFFFFE000  }
0x110: {  	_ =	swait.ge [sflag:s5], $0x2000  }
0x111: {  	[sflag:s5] =	ssyncset.done $0x0  }
0x112: {  	[sflag:s5] =	ssyncadd.s32 $0xFFFFE000  }
0x113: {  	[bflag:$0x0] =	sbarrier.arrive $0xFFFF  }
0x114: {  	s7 =	rddreg [dreg:$0x5]  }
0x115: {  	s15 =	rddreg [dreg:$0xc]  }
0x116: {  	s10 =	rddreg [dreg:$0xd]  }
0x117: {  	[hbm:s15], [sflag:s7] =	dma.local [spmem:s10], $0x1400  }
0x118: {  	_ =	swait.ge [sflag:s16], $0x1400  }
0x119: {  	s9 =	sadd.s32 $0x1, s9;
	s17 =	rddreg [dreg:$0xa]  }
0x11a: {  	p0 =	sne.s32 s9, s17  }
.Ltmp1:
0x11b: {  	_ = 	snop;
	(pc) =	sbr.rel @p0 .LBB2_1-.Ltmp1, $3  }
0x11c: {  	_ =	sdelay $0x1  }
0x11d: {  	[sflag:s16] =	ssyncset.done $0x0  }
0x11e: {  	[sflag:s16] =	ssyncadd.s32 $0xFFFFEC00  }
0x11f: {  	_ =	sfence.sel $0x180000  }
0x120: {  	[bflag:$0x0] =	sbarrier.arrive $0xFFFF  }
0x121: {  	_ =	strace $0x9000004A  }
0x122: {  	s0 =	stileid.u32;
	[bflag:$0x2] =	sbarrier.arrive $0xFFFF  }
0x123: {  	p0 =	sne.s32 s0, $0x0;
	s0 =	rddreg [dreg:$0x3]  }
0x124: {  	s0 =	sadd.s32 @!p0 $0x100000, s0  }
0x125: {  	[sflag:s0] =	ssyncadd.tile.s32 @!p0 $0x1;
	_ =	shalt  }
.Lfunc_end2:
_tile_overlayer_lowered:
.L_overlay_start_2:
0x126: {  	(tag) =	ssettag $0x2  }
0x127: {  	s0 =	rddreg [dreg:$0x0];
	s2 =	stileid.u32  }
0x128: {  	s1 =	rddreg [dreg:$0x1];
	p0 =	sne.s32 s2, $0x0  }
0x129: {  	s3 =	rddreg [dreg:$0x2];
	[bflag:$0x3] =	sbarrier.arrive $0xFFFF;
	s2 =	simm.s32 @!p0 $0x1C09  }
0x12a: {  	[timem:s3], [sflag:s2] =	dma.local @!p0 [hbm:s0], s1  }
0x12b: {  	s0 =	simm.s32 @!p0 $0x9  }
0x12c: {  	_ =	swait.ge @!p0 [sflag:s0], s1  }
0x12d: {  	s1 =	ssub.s32 @!p0 $0x0, s1;
	[sflag:s0] =	ssyncset.done @!p0 $0x0  }
0x12e: {  	[sflag:s0] =	ssyncadd.s32 @!p0 s1  }
0x12f: {  	[bflag:$0x3] =	sbarrier.arrive $0xFFFF  }
0x130: {  	_ =	shalt  }

// kernel: kernel.16.cloned.1.call-start
scs
__scs_entry_jumppad:
0x0: {  	(pc) =	sbr.rel $0x88, $3  }
0x1: {  	(tag) =	ssettag $0x0;
	lr =	simm.s32 $0x1  }
0x2: {  	[smem:$0x3F8B] =	sst lr;
	_ =	strace $0xD0000000  }
0x3: {  	_ = 	snop  }
0x4: {  	_ = 	snop  }
0x5: {  	_ = 	snop  }
0x6: {  	_ = 	snop  }
0x7: {  	_ = 	snop  }
__scs_overlays_trampoline_lowered:
0x8: {  	[smem:$0x3F9A] =	sst s0  }
0x9: {  	[smem:$0x3F9B] =	sst s1  }
0xa: {  	[smem:$0x3F9C] =	sst s2  }
0xb: {  	[smem:$0x3F9D] =	sst s3  }
0xc: {  	[smem:$0x3F9E] =	sst s4  }
0xd: {  	[smem:$0x3F9F] =	sst s5  }
0xe: {  	[smem:$0x3FA0] =	sst s6  }
0xf: {  	[smem:$0x3FA1] =	sst s7  }
0x10: {  	[smem:$0x3FA2] =	sst s8  }
0x11: {  	[smem:$0x3FA3] =	sst s9;
	s0 =	simm.s32 @!p0 $0x0  }
0x12: {  	s1 =	sld [smem:$0x3F89];
	s0 =	simm.s32 @p0 $0x1  }
0x13: {  	[smem:$0x3FA4] =	sst s0;
	s0 =	simm.s32 @!p1 $0x0  }
0x14: {  	s2 =	sld [smem:$0x3F88];
	s0 =	simm.s32 @p1 $0x1  }
0x15: {  	[smem:$0x3FA5] =	sst s0;
	s0 =	simm.s32 @!p2 $0x0  }
0x16: {  	s3 =	sld [smem:$0x3FDB];
	s0 =	simm.s32 @p2 $0x1  }
0x17: {  	s4 =	simm.s32 $0x1BF5;
	[smem:$0x3FA7] =	sst s0  }
0x18: {  	s0 =	sld [smem:$0x3F8A];
	_ =	swait.ge [sflag:s4], $0x0  }
0x19: {  	s7 =	sld [smem:$0x3F8B]  }
0x1a: {  	s8 =	sadd.s32 $0xFFFFE003, lr  }
0x1b: {  	s9 =	sadd.s32 $0xFFFFFEF7, lr;
	s5 =	simm.s32 $0xFFFFFFFF;
	p2 =	slt.u32 s8, $0xFFFFF086  }
0x1c: {  	p1 =	slt.u32 s9, $0xF7A;
	s5 =	simm.s32 @!p2 $0x0  }
0x1d: {  	s5 =	simm.s32 @p1 $0x1;
	p0 =	seq.s32 s7, s2  }
0x1e: {  	s7 =	smul.u32 @!p0 $0xF7A, s2;
	p2 =	seq.s32 @!p0 s5, $0x0  }
0x1f: {  	s9 =	smul.u32 $0xF7A, s1;
	s8 =	simm.s32 @!p0 $0x1BF5;
	p2 =	por !p2, p0  }
0x20: {  	[sflag:s8] =	ssyncset.s32 @!p0 $0xFFFFF086;
	s6 =	sadd.s32 @!p0 s3, s7;
	s7 =	simm.s32 @!p0 $0x108  }
0x21: {  	s3 =	sadd.s32 s3, s9;
	s6 =	sadd.s32 @!p0 $0x88, s6;
	s7 =	simm.s32 @p2 $0x1082  }
0x22: {  	[simem:s7], [sflag:s8] =	dma.local @!p0 [hbm:s6], $0xF7A  }
0x23: {  	s9 =	sor.u32 $0xD0000000, s2;
	s6 =	simm.s32 $0x108;
	_ =	swait.ge @!p0 [sflag:s8], $0x0  }
0x24: {  	s3 =	sadd.s32 $0x88, s3;
	s6 =	simm.s32 @!p1 $0x1082;
	[sflag:s4] =	ssyncset.s32 $0xFFFFF086  }
0x25: {  	[simem:s6], [sflag:s4] =	dma.local [hbm:s3], $0xF7A  }
0x26: {  	[smem:$0x3F8B] =	sst s1;
	(tag) =	ssettag s2;
	_ =	strace s9  }
0x27: {  	s1 =	sld [smem:$0x3F9B]  }
0x28: {  	s2 =	sld [smem:$0x3F9C]  }
0x29: {  	s4 =	sld [smem:$0x3F9E]  }
0x2a: {  	p0 =	seq.s32 s5, $0x0;
	s5 =	sld [smem:$0x3F9F]  }
0x2b: {  	s6 =	sld [smem:$0x3FA0]  }
0x2c: {  	s7 =	sld [smem:$0x3FA1]  }
0x2d: {  	s3 =	simm.s32 $0x108;
	s8 =	sld [smem:$0x3FA2]  }
0x2e: {  	s3 =	simm.s32 @!p0 $0x1082;
	s9 =	sld [smem:$0x3FA3]  }
0x2f: {  	lr =	sadd.s32 s0, s3;
	s0 =	sld [smem:$0x3F9A]  }
0x30: {  	s3 =	sld [smem:$0x3F9D]  }
0x31: {  	[smem:$0x3FA6] =	sst s10  }
0x32: {  	s10 =	sld [smem:$0x3FA4];
	_ =	sdelay $0x3  }
0x33: {  	p0 =	seq.s32 s10, $0x1;
	s10 =	sld [smem:$0x3FA6];
	_ =	sdelay $0x3  }
0x34: {  	[smem:$0x3FA6] =	sst s10  }
0x35: {  	s10 =	sld [smem:$0x3FA5];
	_ =	sdelay $0x3  }
0x36: {  	p1 =	seq.s32 s10, $0x1;
	s10 =	sld [smem:$0x3FA6];
	_ =	sdelay $0x3  }
0x37: {  	[smem:$0x3FA6] =	sst s10  }
0x38: {  	s10 =	sld [smem:$0x3FA7]  }
0x39: {  	_ = 	snop;
	(pc) =	sbr.ind lr, $3  }
0x3a: {  	_ = 	snop  }
0x3b: {  	_ = 	snop  }
0x3c: {  	p2 =	seq.s32 s10, $0x1;
	s10 =	sld [smem:$0x3FA6]  }
0x3d: {  	_ =	shalt  }
0x3e: {  	_ =	shalt  }
0x3f: {  	_ =	shalt  }
0x40: {  	_ =	shalt  }
0x41: {  	_ =	shalt  }
0x42: {  	_ =	shalt  }
0x43: {  	_ =	shalt  }
0x44: {  	_ =	shalt  }
0x45: {  	_ =	shalt  }
0x46: {  	_ =	shalt  }
0x47: {  	_ =	shalt  }
0x48: {  	_ =	shalt  }
0x49: {  	_ =	shalt  }
0x4a: {  	_ =	shalt  }
0x4b: {  	_ =	shalt  }
0x4c: {  	_ =	shalt  }
0x4d: {  	_ =	shalt  }
0x4e: {  	_ =	shalt  }
0x4f: {  	_ =	shalt  }
0x50: {  	_ =	shalt  }
0x51: {  	_ =	shalt  }
0x52: {  	_ =	shalt  }
0x53: {  	_ =	shalt  }
0x54: {  	_ =	shalt  }
0x55: {  	_ =	shalt  }
0x56: {  	_ =	shalt  }
0x57: {  	_ =	shalt  }
0x58: {  	_ =	shalt  }
0x59: {  	_ =	shalt  }
0x5a: {  	_ =	shalt  }
0x5b: {  	_ =	shalt  }
0x5c: {  	_ =	shalt  }
0x5d: {  	_ =	shalt  }
0x5e: {  	_ =	shalt  }
0x5f: {  	_ =	shalt  }
0x60: {  	_ =	shalt  }
0x61: {  	_ =	shalt  }
0x62: {  	_ =	shalt  }
0x63: {  	_ =	shalt  }
0x64: {  	_ =	shalt  }
0x65: {  	_ =	shalt  }
0x66: {  	_ =	shalt  }
0x67: {  	_ =	shalt  }
0x68: {  	_ =	shalt  }
0x69: {  	_ =	shalt  }
0x6a: {  	_ =	shalt  }
0x6b: {  	_ =	shalt  }
0x6c: {  	_ =	shalt  }
0x6d: {  	_ =	shalt  }
0x6e: {  	_ =	shalt  }
0x6f: {  	_ =	shalt  }
0x70: {  	_ =	shalt  }
0x71: {  	_ =	shalt  }
0x72: {  	_ =	shalt  }
0x73: {  	_ =	shalt  }
0x74: {  	_ =	shalt  }
0x75: {  	_ =	shalt  }
0x76: {  	_ =	shalt  }
0x77: {  	_ =	shalt  }
0x78: {  	_ =	shalt  }
0x79: {  	_ =	shalt  }
0x7a: {  	_ =	shalt  }
0x7b: {  	_ =	shalt  }
0x7c: {  	_ =	shalt  }
0x7d: {  	_ =	shalt  }
0x7e: {  	_ =	shalt  }
0x7f: {  	_ =	shalt  }
0x80: {  	_ =	shalt  }
0x81: {  	_ =	shalt  }
0x82: {  	_ =	shalt  }
0x83: {  	_ =	shalt  }
0x84: {  	_ =	shalt  }
0x85: {  	_ =	shalt  }
0x86: {  	_ =	shalt  }
0x87: {  	_ =	shalt  }
.Lfunc_end0:
.L_simem_size_0:
called_computation.2_lowered:
.L_overlay_start_0:
0x88: {  	s2 =	sld [smem:$0x3FD9]  }
0x89: {  	s3 =	sld [smem:$0x3FFE];
	_ =	sdelay $0x1  }
0x8a: {  	s1 =	srdreg.scid  }
0x8b: {  	s0 =	sand.u32 $0x1, s1  }
0x8c: {  	s16 =	sshll.u32 s0, $0xA;
	s2 =	sadd.s32 s3, s2  }
0x8d: {  	s2 =	sadd.s32 s2, s16  }
0x8e: {  	[smem:$0x3FB2] =	sst s2  }
0x8f: {  	_ = 	snop  }
0x90: {  	(tm) =	ssettm $0x1  }
0x91: {  	s17 =	sld [smem:$0x3FFB];
	_ =	sdelay $0x3  }
0x92: {  	_ =	strace s17  }
0x93: {  	s2 =	sld [smem:$0x3FFC];
	_ =	sdelay $0x3  }
0x94: {  	_ =	strace s2  }
0x95: {  	s2 =	sld [smem:$0x3FFD];
	_ =	sdelay $0x3  }
0x96: {  	_ =	strace s2  }
0x97: {  	_ =	strace $0x8FFFFFFF  }
0x98: {  	s18 =	sld [smem:$0x3FDB];
	_ =	sdelay $0x1  }
0x99: {  	s19 =	simm.s32 $_scs_section_size  }
0x9a: {  	s4 =	simm.s32 $_size__tile_overlayer_lowered;
	s5 =	simm.s32 $_tile_overlayer_lowered  }
0x9b: {  	s22 =	simm.s32 $0x1BFF;
	s21 =	sshll.u32 s5, $0x1;
	s2 =	sadd.s32 s19, s18  }
0x9c: {  	s6 =	simm.s32 $0x0;
	s20 =	sshll.u32 s4, $0x1;
	s4 =	sadd.s32 s21, s2  }
0x9d: {  	[timem:s6], [sflag:s22] =	dma.local [hbm:s4], s20  }
0x9e: {  	_ =	swait.ge [sflag:s22], s20  }
0x9f: {  	s3 =	ssub.s32 $0x0, s20;
	[sflag:s22] =	ssyncset.done $0x0  }
0xa0: {  	[sflag:s22] =	ssyncadd.s32 s3;
	_ =	sdelay $0x1  }
0xa1: {  	s23 =	simm.s32 $0x1B8B  }
0xa2: {  	_ =	swait.ge [sflag:s23], $0x1  }
0xa3: {  	[sflag:s23] =	ssyncset.done $0x0  }
0xa4: {  	s25 =	simm.s32 $0x1B8E;
	s24 =	sld [smem:$0x3FFE];
	[sflag:s23] =	ssyncadd.s32 $0xFFFFFFFF  }
0xa5: {  	s26 =	simm.s32 $execute0_lowered;
	[smem:$0x3FD2] =	sst s25  }
0xa6: {  	s4 =	sshll.u32 s26, $0x1;
	_ =	strace $0x8000004C;
	[dreg:$0x1] =	wrdreg $0xFFFFFFFF  }
0xa7: {  	s28 =	simm.s32 $_size_execute0_lowered;
	s2 =	sadd.s32 s2, s4;
	[dreg:$0x0] =	wrdreg $0x0  }
0xa8: {  	s4 =	sshll.u32 s28, $0x1;
	[dreg:$0x2] =	wrdreg s2  }
0xa9: {  	[dreg:$0x3] =	wrdreg s4  }
0xaa: {  	[dreg:$0x4] =	wrdreg $0xC0  }
0xab: {  	_ =	task [dreg:s6], $0x5FFFF  }
0xac: {  	[dreg:$0x1] =	wrdreg $0xFFFFFFFF  }
0xad: {  	[dreg:$0x0] =	wrdreg $0x60  }
0xae: {  	[dreg:$0x2] =	wrdreg s24  }
0xaf: {  	[dreg:$0x3] =	wrdreg $0xE4000  }
0xb0: {  	[dreg:$0x4] =	wrdreg $0x44000  }
0xb1: {  	[dreg:$0x5] =	wrdreg $0x9  }
0xb2: {  	_ =	task.clear_ibuf [dreg:s6], $0x6FFFF;
	_ =	strace $0x9000004C  }
0xb3: {  	s29 =	simm.s32 $0x9;
	_ =	strace $0x8000004E  }
0xb4: {  	_ =	swait.ge [sflag:s29], $0x1  }
0xb5: {  	[sflag:s29] =	ssyncadd.s32 $0xFFFFFFFF  }
0xb6: {  	_ =	strace $0x9000004E  }
0xb7: {  	_ =	sfence  }
0xb8: {  	s30 =	sld [smem:$0x0];
	_ =	sdelay $0x2  }
0xb9: {  	s31 =	sshll.u32 s1, $0xD;
	s1 =	sshrl.u32 s1, $0x2  }
0xba: {  	s3 =	sand.u32 $0x4000, s31;
	s1 =	sadd.s32 s1, s30  }
0xbb: {  	s0 =	sor.u32 s3, s0;
	s1 =	sshll.u32 s1, $0x11  }
0xbc: {  	s0 =	sor.u32 s1, s0  }
0xbd: {  	s0 =	sadd.s32 $0x8F2B, s0  }
0xbe: {  	[sflag:s0] =	ssyncadd.remote.s32 $0x1  }
0xbf: {  	_ =	sfence.sel $0xFFFF  }
0xc0: {  	[dreg:$0x0] =	wrdreg $0xFFFFFFFF;
	(pc) =	sbr.abs _section_cstart, $3  }
0xc1: {  	[dreg:$0x1] =	wrdreg $0xFFFFFFFF  }
0xc2: {  	_ =	task.clear_ibuf [dreg:s6], $0x2FFFF;
	_ =	strace $0x9FFFFFFF  }
0xc3: {  	(tm) =	ssettm $0x7FFFFFFF  }
tec
execute0_lowered:
.L_overlay_start_1:
0x0: {  	(tag) =	ssettag $0x1  }
0x1: {  	s0 =	rddreg [dreg:$0x0]  }
0x2: {  	s1 =	rddreg [dreg:$0x1]  }
0x3: {  	s3 =	rddreg [dreg:$0x2];
	s4 =	simm.s32 $0x0;
	s16 =	stileid.u32  }
0x4: {  	s5 =	srdreg.scid;
	s28 =	simm.s32 $0x180;
	s29 =	simm.s32 $0x380  }
0x5: {  	s30 =	simm.s32 $0x5;
	s31 =	simm.s32 $0x7;
	[smem:$0x7FF] =	sst s4  }
0x6: {  	s2 =	smul.u32 $0xA000, s16;
	s8 =	sadd.s32 $0x19600, s0;
	s9 =	sadd.s32 $0x5600, s0  }
0x7: {  	s5 =	sand.u32 $0x1, s5;
	s10 =	sadd.s32 $0x32C00, s0;
	s13 =	smul.u32 $0x5000, s16  }
0x8: {  	s14 =	sadd.s32 $0x96C00, s0;
	s18 =	sshll.u32 s16, $0x6;
	s23 =	smul.u32 $0xA00, s16  }
0x9: {  	s16 =	simm.s32 $0x9;
	_ =	strace $0x8000004D;
	s6 =	ssub.s32 $0x2, s5  }
0xa: {  	p0 =	seq.s32 s5, $0x0;
	s5 =	simm.s32 $0x8;
	s11 =	sshrl.u32 s2, $0x3  }
0xb: {  	s12 =	sshrl.u32 s6, $0x1;
	s15 =	sadd.s32 s2, s1;
	s13 =	sshrl.u32 s13, $0x3  }
0xc: {  	s2 =	sadd.s32 s2, s3;
	s9 =	smov.u32 @p0 s8;
	s8 =	simm.s32 $0x4  }
0xd: {  	s7 =	sadd.s32 s11, s0;
	s0 =	sadd.s32 $0x82C00, s0;
	s12 =	ssub.s32 s6, s12  }
0xe: {  	s19 =	sadd.s32 s10, s13;
	s25 =	sadd.s32 s9, s11;
	s26 =	sshrl.u32 s2, $0x3  }
0xf: {  	s2 =	simm.s32 $0x6;
	s9 =	simm.s32 $0x0;
	[dreg:$0x6] =	wrdreg s19  }
0x10: {  	s7 =	sadd.s32 $0x6EC00, s7;
	s20 =	sadd.s32 $0xA000, s19;
	[dreg:$0xb] =	wrdreg s25  }
0x11: {  	s21 =	sadd.s32 $0x10, s19;
	s22 =	sadd.s32 $0xA010, s19;
	[dreg:$0xe] =	wrdreg s26  }
0x12: {  	s24 =	smax.u32 s12, $0x1;
	s0 =	smov.u32 @p0 s14;
	[dreg:$0x4] =	wrdreg s7  }
0x13: {  	s14 =	sadd.s32 s23, s10;
	s10 =	sshrl.u32 s15, $0x3;
	[dreg:$0x7] =	wrdreg s20  }
0x14: {  	s19 =	simm.s32 $0x80;
	s23 =	simm.s32 $0x100;
	[dreg:$0x8] =	wrdreg s21  }
0x15: {  	s25 =	simm.s32 $0x2;
	s26 =	simm.s32 $0x2400;
	[dreg:$0x9] =	wrdreg s22  }
0x16: {  	s7 =	sor.u32 $0x1C09, s18;
	[dreg:$0xa] =	wrdreg s24;
	s0 =	sadd.s32 s0, s11  }
0x17: {  	s18 =	simm.s32 $0x200;
	s20 =	simm.s32 $0x280;
	[dreg:$0xd] =	wrdreg s10  }
0x18: {  	s21 =	simm.s32 $0x1;
	s22 =	simm.s32 $0x400;
	[dreg:$0xc] =	wrdreg s0  }
0x19: {  	s24 =	simm.s32 $0x300;
	s0 =	simm.s32 $0x3;
	[dreg:$0x5] =	wrdreg s7  }
.LBB2_1:
0x1a: {  	s6 =	rddreg [dreg:$0x4]  }
0x1b: {  	[spmem:s10], [sflag:s7] =	dma.local [hbm:s6], $0x1400  }
0x1c: {  	_ =	swait.ge [sflag:s16], $0x1400  }
0x1d: {  	[sflag:s16] =	ssyncset.done $0x0;
	s10 =	rddreg [dreg:$0xb]  }
0x1e: {  	s11 =	rddreg [dreg:$0xe];
	[sflag:s16] =	ssyncadd.s32 $0xFFFFEC00  }
0x1f: {  	[spmem:s11], [sflag:s7] =	dma.local [hbm:s10], $0x1400  }
0x20: {  	_ =	swait.ge [sflag:s16], $0x1400  }
0x21: {  	[sflag:s16] =	ssyncset.done $0x0  }
0x22: {  	[sflag:s16] =	ssyncadd.s32 $0xFFFFEC00  }
0x23: {  	[bflag:$0x0] =	sbarrier.arrive $0xFFFF  }
0x24: {  	s12 =	rddreg [dreg:$0x6]  }
0x25: {  	[tilespmem:s4], [sflag:$0x1] =	stream.linear.gather [hbm4b:s12+s4], $0x80, $0x38;
	[tilespmem:$0x18400] =	vst v63  }
0x26: {  	p0 =	por $0x1, $0x1;
	s13 =	rddreg [dreg:$0x7]  }
0x27: {  	[tilespmem:s18], [sflag:$0x1] =	stream.linear.gather [hbm4b:s13+s4], $0x80, $0x38;
	[tilespmem:$0x18400] =	vst v63  }
0x28: {  	p0 =	por p0, p0;
	s15 =	rddreg [dreg:$0x8]  }
0x29: {  	[tilespmem:s19], [sflag:$0x2] =	stream.linear.gather [hbm4b:s15+s4], $0x80, $0x38;
	[tilespmem:$0x18400] =	vst v63  }
0x2a: {  	s10 =	simm.s32 @!p0 $0x7;
	s17 =	rddreg [dreg:$0x9]  }
0x2b: {  	[tilespmem:s20], [sflag:$0x2] =	stream.linear.gather [hbm4b:s17+s4], $0x80, $0x38;
	[tilespmem:$0x18400] =	vst v63  }
0x2c: {  	_ =	swait.ge @!p0 [sflag:s10], $0x2000  }
0x2d: {  	[sflag:s10] =	ssyncset.done @!p0 $0x0  }
0x2e: {  	[sflag:s10] =	ssyncadd.s32 @!p0 $0xFFFFE000  }
0x2f: {  	_ =	swait.ge [sflag:s21], $0x80  }
0x30: {  	[sflag:s21] =	ssyncset.done $0x0  }
0x31: {  	[sflag:s21] =	ssyncadd.s32 $0xFFFFFF80  }
0x32: {  	_ =	swait.ge [sflag:s21], $0x80  }
0x33: {  	[sflag:s21] =	ssyncset.done $0x0  }
0x34: {  	s7 =	sadd.s32 $0x0, s14;
	[sflag:s21] =	ssyncadd.s32 $0xFFFFFF80  }
0x35: {  	[tilespmem:s22], [sflag:$0x5] =	stream.indirect.gather [spmem:s3], $0x40, s4, s19, $0xb8;
	[tilespmem:$0x18400] =	vst v63  }
0x36: {  	s11 =	sadd.s32 $0x20, s7  }
0x37: {  	[tilespmem:s23], [sflag:$0x3] =	stream.linear.gather [hbm4b:s11+s4], $0x80, $0x38;
	[tilespmem:$0x18400] =	vst v63  }
0x38: {  	s12 =	simm.s32 @!p0 $0x6;
	s15 =	sadd.s32 $0xA020, s7  }
0x39: {  	[tilespmem:s24], [sflag:$0x3] =	stream.linear.gather [hbm4b:s15+s4], $0x80, $0x38;
	[tilespmem:$0x18400] =	vst v63  }
0x3a: {  	_ =	swait.ge @!p0 [sflag:s12], $0x2000  }
0x3b: {  	s13 =	simm.s32 @!p0 $0x380;
	[sflag:s12] =	ssyncset.done @!p0 $0x0  }
0x3c: {  	s11 =	simm.s32 @!p0 $0x2400;
	[sflag:s12] =	ssyncadd.s32 @!p0 $0xFFFFE000;
	s12 =	simm.s32 @!p0 $0x80  }
0x3d: {  	[spmem:s1] =	stream.indirect.scatter.add.f32 @!p0 [tilespmem:s11], [sflag:$0x8], $0x40, s13, s12, $0xb8;
	[tilespmem:$0x18400] =	vst v63  }
0x3e: {  	s11 =	simm.s32 @!p0 $0x8  }
0x3f: {  	_ =	swait.ge @!p0 [sflag:s11], $0x2000  }
0x40: {  	[sflag:s11] =	ssyncset.done @!p0 $0x0  }
0x41: {  	[sflag:s11] =	ssyncadd.s32 @!p0 $0xFFFFE000  }
0x42: {  	_ =	swait.ge [sflag:s25], $0x80  }
0x43: {  	[sflag:s25] =	ssyncset.done $0x0  }
0x44: {  	[sflag:s25] =	ssyncadd.s32 $0xFFFFFF80  }
0x45: {  	_ =	swait.ge [sflag:s25], $0x80  }
0x46: {  	[sflag:s25] =	ssyncset.done $0x0  }
0x47: {  	[sflag:s25] =	ssyncadd.s32 $0xFFFFFF80  }
0x48: {  	[tilespmem:s26], [sflag:$0x6] =	stream.indirect.gather [spmem:s3], $0x40, s19, s19, $0xb8;
	[tilespmem:$0x18400] =	vst v63  }
0x49: {  	s17 =	sadd.s32 $0x30, s7  }
0x4a: {  	[tilespmem:s28], [sflag:$0x4] =	stream.linear.gather [hbm4b:s17+s4], $0x80, $0x38;
	[tilespmem:$0x18400] =	vst v63  }
0x4b: {  	s10 =	sadd.s32 $0xA030, s7  }
0x4c: {  	[tilespmem:s29], [sflag:$0x4] =	stream.linear.gather [hbm4b:s10+s4], $0x80, $0x38;
	[tilespmem:$0x18400] =	vst v63  }
0x4d: {  	_ =	swait.ge [sflag:s30], $0x2000  }
0x4e: {  	[sflag:s30] =	ssyncset.done $0x0  }
0x4f: {  	[sflag:s30] =	ssyncadd.s32 $0xFFFFE000  }
0x50: {  	[spmem:s1] =	stream.indirect.scatter.add.f32 [tilespmem:s22], [sflag:$0x7], $0x40, s18, s19, $0xb8;
	[tilespmem:$0x18400] =	vst v63  }
0x51: {  	_ =	swait.ge [sflag:s31], $0x2000  }
0x52: {  	[sflag:s31] =	ssyncset.done $0x0  }
0x53: {  	[sflag:s31] =	ssyncadd.s32 $0xFFFFE000  }
0x54: {  	_ =	swait.ge [sflag:s0], $0x80  }
0x55: {  	[sflag:s0] =	ssyncset.done $0x0  }
0x56: {  	[sflag:s0] =	ssyncadd.s32 $0xFFFFFF80  }
0x57: {  	_ =	swait.ge [sflag:s0], $0x80  }
0x58: {  	p0 =	por $0x0, $0x0;
	[sflag:s0] =	ssyncset.done $0x0  }
0x59: {  	s10 =	sadd.s32 @!p0 $0x0, s14;
	[sflag:s0] =	ssyncadd.s32 $0xFFFFFF80  }
0x5a: {  	[tilespmem:s22], [sflag:$0x5] =	stream.indirect.gather [spmem:s3], $0x40, s23, s19, $0xb8;
	[tilespmem:$0x18400] =	vst v63  }
0x5b: {  	s11 =	simm.s32 @!p0 $0x0;
	s12 =	sadd.s32 @!p0 $0x40, s10  }
0x5c: {  	[tilespmem:s11], [sflag:$0x1] =	stream.linear.gather @!p0 [hbm4b:s12+s11], $0x80, $0x38;
	[tilespmem:$0x18400] =	vst v63  }
0x5d: {  	s13 =	simm.s32 @!p0 $0x200;
	s12 =	sadd.s32 @!p0 $0xA040, s10  }
0x5e: {  	[tilespmem:s13], [sflag:$0x1] =	stream.linear.gather @!p0 [hbm4b:s12+s11], $0x80, $0x38;
	[tilespmem:$0x18400] =	vst v63  }
0x5f: {  	_ =	swait.ge [sflag:s2], $0x2000  }
0x60: {  	[sflag:s2] =	ssyncset.done $0x0  }
0x61: {  	[sflag:s2] =	ssyncadd.s32 $0xFFFFE000  }
0x62: {  	[spmem:s1] =	stream.indirect.scatter.add.f32 [tilespmem:s26], [sflag:$0x8], $0x40, s20, s19, $0xb8;
	[tilespmem:$0x18400] =	vst v63  }
0x63: {  	_ =	swait.ge [sflag:s5], $0x2000  }
0x64: {  	[sflag:s5] =	ssyncset.done $0x0  }
0x65: {  	[sflag:s5] =	ssyncadd.s32 $0xFFFFE000  }
0x66: {  	_ =	swait.ge [sflag:s8], $0x80  }
0x67: {  	[sflag:s8] =	ssyncset.done $0x0  }
0x68: {  	[sflag:s8] =	ssyncadd.s32 $0xFFFFFF80  }
0x69: {  	_ =	swait.ge [sflag:s8], $0x80  }
0x6a: {  	[sflag:s8] =	ssyncset.done $0x0  }
0x6b: {  	[sflag:s8] =	ssyncadd.s32 $0xFFFFFF80  }
0x6c: {  	[tilespmem:s26], [sflag:$0x6] =	stream.indirect.gather [spmem:s3], $0x40, s28, s19, $0xb8;
	[tilespmem:$0x18400] =	vst v63  }
0x6d: {  	s12 =	sadd.s32 @!p0 $0x50, s10;
	s13 =	simm.s32 @!p0 $0x80  }
0x6e: {  	[tilespmem:s13], [sflag:$0x2] =	stream.linear.gather @!p0 [hbm4b:s12+s11], $0x80, $0x38;
	[tilespmem:$0x18400] =	vst v63  }
0x6f: {  	p1 =	por $0x0, $0x0;
	s10 =	sadd.s32 @!p0 $0xA050, s10;
	s12 =	simm.s32 @!p0 $0x280  }
0x70: {  	[tilespmem:s12], [sflag:$0x2] =	stream.linear.gather @!p0 [hbm4b:s10+s11], $0x80, $0x38;
	[tilespmem:$0x18400] =	vst v63  }
0x71: {  	s10 =	simm.s32 $0x40;
	p0 =	por p1, p1;
	_ =	swait.ge [sflag:s30], $0x2000  }
0x72: {  	s11 =	simm.s32 $0x80;
	s13 =	simm.s32 @!p0 $0x7;
	[sflag:s30] =	ssyncset.done $0x0  }
.LBB2_2:
0x73: {  	p2 =	seq.s32 s11, $0x0  }
0x74: {  	[sflag:s30] =	ssyncadd.s32 $0xFFFFE000;
	s12 =	smov.u32 s11;
	s11 =	sadd.s32 $0x40, s11  }
0x75: {  	[spmem:s1] =	stream.indirect.scatter.add.f32 [tilespmem:s22], [sflag:$0x7], $0x40, s24, s19, $0xb8;
	[tilespmem:$0x18400] =	vst v63  }
0x76: {  	p1 =	sne.s32 s11, $0xA00;
	_ =	swait.ge @!p0 [sflag:s13], $0x2000  }
0x77: {  	[sflag:s13] =	ssyncset.done @!p0 $0x0  }
0x78: {  	[sflag:s13] =	ssyncadd.s32 @!p0 $0xFFFFE000  }
0x79: {  	_ =	swait.ge [sflag:s21], $0x80  }
0x7a: {  	[sflag:s21] =	ssyncset.done $0x0  }
0x7b: {  	[sflag:s21] =	ssyncadd.s32 $0xFFFFFF80  }
0x7c: {  	_ =	swait.ge [sflag:s21], $0x80  }
0x7d: {  	[sflag:s21] =	ssyncset.done $0x0  }
0x7e: {  	s13 =	sadd.s32 s10, s14;
	[sflag:s21] =	ssyncadd.s32 $0xFFFFFF80  }
0x7f: {  	[tilespmem:s22], [sflag:$0x5] =	stream.indirect.gather [spmem:s3], $0x40, s4, s19, $0xb8;
	[tilespmem:$0x18400] =	vst v63  }
0x80: {  	s17 =	sadd.s32 $0x20, s13  }
0x81: {  	[tilespmem:s23], [sflag:$0x3] =	stream.linear.gather [hbm4b:s17+s4], $0x80, $0x38;
	[tilespmem:$0x18400] =	vst v63  }
0x82: {  	s7 =	simm.s32 @!p0 $0x6;
	s17 =	sadd.s32 $0xA020, s13  }
0x83: {  	[tilespmem:s24], [sflag:$0x3] =	stream.linear.gather [hbm4b:s17+s4], $0x80, $0x38;
	[tilespmem:$0x18400] =	vst v63  }
0x84: {  	_ =	swait.ge @!p0 [sflag:s7], $0x2000  }
0x85: {  	s15 =	simm.s32 @!p0 $0x8;
	s17 =	simm.s32 @!p0 $0x2400;
	[sflag:s7] =	ssyncset.done @!p0 $0x0  }
0x86: {  	s6 =	simm.s32 @!p0 $0x380;
	[sflag:s7] =	ssyncadd.s32 @!p0 $0xFFFFE000;
	s7 =	simm.s32 @!p0 $0x80  }
0x87: {  	[spmem:s1] =	stream.indirect.scatter.add.f32 @!p0 [tilespmem:s17], [sflag:$0x8], $0x40, s6, s7, $0xb8;
	[tilespmem:$0x18400] =	vst v63  }
0x88: {  	_ =	swait.ge @!p0 [sflag:s15], $0x2000  }
0x89: {  	[sflag:s15] =	ssyncset.done @!p0 $0x0  }
0x8a: {  	[sflag:s15] =	ssyncadd.s32 @!p0 $0xFFFFE000;
	p0 =	por p2, p2  }
0x8b: {  	_ =	swait.ge [sflag:s25], $0x80  }
0x8c: {  	[sflag:s25] =	ssyncset.done $0x0  }
0x8d: {  	[sflag:s25] =	ssyncadd.s32 $0xFFFFFF80  }
0x8e: {  	_ =	swait.ge [sflag:s25], $0x80  }
0x8f: {  	[sflag:s25] =	ssyncset.done $0x0  }
0x90: {  	[sflag:s25] =	ssyncadd.s32 $0xFFFFFF80  }
0x91: {  	[tilespmem:s26], [sflag:$0x6] =	stream.indirect.gather [spmem:s3], $0x40, s19, s19, $0xb8;
	[tilespmem:$0x18400] =	vst v63  }
0x92: {  	s6 =	sadd.s32 $0x30, s13  }
0x93: {  	[tilespmem:s28], [sflag:$0x4] =	stream.linear.gather [hbm4b:s6+s4], $0x80, $0x38;
	[tilespmem:$0x18400] =	vst v63  }
0x94: {  	s6 =	sadd.s32 $0xA030, s13  }
0x95: {  	[tilespmem:s29], [sflag:$0x4] =	stream.linear.gather [hbm4b:s6+s4], $0x80, $0x38;
	[tilespmem:$0x18400] =	vst v63  }
0x96: {  	_ =	swait.ge [sflag:s30], $0x2000  }
0x97: {  	[sflag:s30] =	ssyncset.done $0x0  }
0x98: {  	[sflag:s30] =	ssyncadd.s32 $0xFFFFE000  }
0x99: {  	[spmem:s1] =	stream.indirect.scatter.add.f32 [tilespmem:s22], [sflag:$0x7], $0x40, s18, s19, $0xb8;
	[tilespmem:$0x18400] =	vst v63  }
0x9a: {  	_ =	swait.ge [sflag:s31], $0x2000  }
0x9b: {  	[sflag:s31] =	ssyncset.done $0x0  }
0x9c: {  	[sflag:s31] =	ssyncadd.s32 $0xFFFFE000  }
0x9d: {  	_ =	swait.ge [sflag:s0], $0x80  }
0x9e: {  	[sflag:s0] =	ssyncset.done $0x0  }
0x9f: {  	[sflag:s0] =	ssyncadd.s32 $0xFFFFFF80  }
0xa0: {  	_ =	swait.ge [sflag:s0], $0x80  }
0xa1: {  	[sflag:s0] =	ssyncset.done $0x0  }
0xa2: {  	p2 =	seq.s32 s10, $0x9C0;
	[sflag:s0] =	ssyncadd.s32 $0xFFFFFF80  }
0xa3: {  	[tilespmem:s22], [sflag:$0x5] =	stream.indirect.gather [spmem:s3], $0x40, s23, s19, $0xb8;
	[tilespmem:$0x18400] =	vst v63  }
0xa4: {  	s7 =	simm.s32 @!p2 $0x0;
	s6 =	sadd.s32 @!p2 s10, s14;
	s10 =	smov.u32 s12  }
0xa5: {  	s15 =	simm.s32 @!p2 $0x200;
	s12 =	sadd.s32 @!p2 $0x40, s6;
	s13 =	sadd.s32 @!p2 $0xA040, s6  }
0xa6: {  	[tilespmem:s7], [sflag:$0x1] =	stream.linear.gather @!p2 [hbm4b:s12+s7], $0x80, $0x38;
	[tilespmem:$0x18400] =	vst v63  }
0xa7: {  	s12 =	sadd.s32 @!p2 $0x50, s6;
	s6 =	sadd.s32 @!p2 $0xA050, s6  }
0xa8: {  	[tilespmem:s15], [sflag:$0x1] =	stream.linear.gather @!p2 [hbm4b:s13+s7], $0x80, $0x38;
	[tilespmem:$0x18400] =	vst v63  }
0xa9: {  	_ =	swait.ge [sflag:s2], $0x2000  }
0xaa: {  	[sflag:s2] =	ssyncset.done $0x0  }
0xab: {  	[sflag:s2] =	ssyncadd.s32 $0xFFFFE000  }
0xac: {  	[spmem:s1] =	stream.indirect.scatter.add.f32 [tilespmem:s26], [sflag:$0x8], $0x40, s20, s19, $0xb8;
	[tilespmem:$0x18400] =	vst v63  }
0xad: {  	_ =	swait.ge [sflag:s5], $0x2000  }
0xae: {  	[sflag:s5] =	ssyncset.done $0x0  }
0xaf: {  	[sflag:s5] =	ssyncadd.s32 $0xFFFFE000  }
0xb0: {  	_ =	swait.ge [sflag:s8], $0x80  }
0xb1: {  	[sflag:s8] =	ssyncset.done $0x0  }
0xb2: {  	[sflag:s8] =	ssyncadd.s32 $0xFFFFFF80  }
0xb3: {  	_ =	swait.ge [sflag:s8], $0x80  }
0xb4: {  	[sflag:s8] =	ssyncset.done $0x0  }
0xb5: {  	s13 =	simm.s32 @!p2 $0x80;
	[sflag:s8] =	ssyncadd.s32 $0xFFFFFF80  }
0xb6: {  	[tilespmem:s26], [sflag:$0x6] =	stream.indirect.gather [spmem:s3], $0x40, s28, s19, $0xb8;
	[tilespmem:$0x18400] =	vst v63  }
0xb7: {  	s15 =	simm.s32 @!p2 $0x280  }
0xb8: {  	[tilespmem:s13], [sflag:$0x2] =	stream.linear.gather @!p2 [hbm4b:s12+s7], $0x80, $0x38;
	[tilespmem:$0x18400] =	vst v63  }
.Ltmp0:
0xb9: {  	_ = 	snop;
	(pc) =	sbr.rel @p1 .LBB2_2-.Ltmp0, $4  }
0xba: {  	_ = 	snop  }
0xbb: {  	[tilespmem:s15], [sflag:$0x2] =	stream.linear.gather @!p2 [hbm4b:s6+s7], $0x80, $0x38;
	[tilespmem:$0x18400] =	vst v63  }
0xbc: {  	_ =	swait.ge [sflag:s30], $0x2000  }
0xbd: {  	s13 =	simm.s32 @!p0 $0x7;
	[sflag:s30] =	ssyncset.done $0x0  }
0xbe: {  	[sflag:s30] =	ssyncadd.s32 $0xFFFFE000  }
0xbf: {  	[spmem:s1] =	stream.indirect.scatter.add.f32 [tilespmem:s22], [sflag:$0x7], $0x40, s24, s19, $0xb8;
	[tilespmem:$0x18400] =	vst v63  }
0xc0: {  	_ =	swait.ge @!p0 [sflag:s13], $0x2000  }
0xc1: {  	[sflag:s13] =	ssyncset.done @!p0 $0x0  }
0xc2: {  	[sflag:s13] =	ssyncadd.s32 @!p0 $0xFFFFE000  }
0xc3: {  	_ =	swait.ge [sflag:s21], $0x80  }
0xc4: {  	[sflag:s21] =	ssyncset.done $0x0  }
0xc5: {  	[sflag:s21] =	ssyncadd.s32 $0xFFFFFF80  }
0xc6: {  	_ =	swait.ge [sflag:s21], $0x80  }
0xc7: {  	[sflag:s21] =	ssyncset.done $0x0  }
0xc8: {  	s6 =	sadd.s32 s10, s14;
	[sflag:s21] =	ssyncadd.s32 $0xFFFFFF80  }
0xc9: {  	[tilespmem:s22], [sflag:$0x5] =	stream.indirect.gather [spmem:s3], $0x40, s4, s19, $0xb8;
	[tilespmem:$0x18400] =	vst v63  }
0xca: {  	s7 =	sadd.s32 $0x20, s6  }
0xcb: {  	[tilespmem:s23], [sflag:$0x3] =	stream.linear.gather [hbm4b:s7+s4], $0x80, $0x38;
	[tilespmem:$0x18400] =	vst v63  }
0xcc: {  	s11 =	simm.s32 @!p0 $0x6;
	s12 =	sadd.s32 $0xA020, s6  }
0xcd: {  	[tilespmem:s24], [sflag:$0x3] =	stream.linear.gather [hbm4b:s12+s4], $0x80, $0x38;
	[tilespmem:$0x18400] =	vst v63  }
0xce: {  	_ =	swait.ge @!p0 [sflag:s11], $0x2000  }
0xcf: {  	s7 =	simm.s32 @!p0 $0x2400;
	[sflag:s11] =	ssyncset.done @!p0 $0x0  }
0xd0: {  	s12 =	simm.s32 @!p0 $0x380;
	[sflag:s11] =	ssyncadd.s32 @!p0 $0xFFFFE000;
	s11 =	simm.s32 @!p0 $0x80  }
0xd1: {  	[spmem:s1] =	stream.indirect.scatter.add.f32 @!p0 [tilespmem:s7], [sflag:$0x8], $0x40, s12, s11, $0xb8;
	[tilespmem:$0x18400] =	vst v63  }
0xd2: {  	s7 =	simm.s32 @!p0 $0x8  }
0xd3: {  	_ =	swait.ge @!p0 [sflag:s7], $0x2000  }
0xd4: {  	[sflag:s7] =	ssyncset.done @!p0 $0x0  }
0xd5: {  	[sflag:s7] =	ssyncadd.s32 @!p0 $0xFFFFE000  }
0xd6: {  	_ =	swait.ge [sflag:s25], $0x80  }
0xd7: {  	[sflag:s25] =	ssyncset.done $0x0  }
0xd8: {  	[sflag:s25] =	ssyncadd.s32 $0xFFFFFF80  }
0xd9: {  	_ =	swait.ge [sflag:s25], $0x80  }
0xda: {  	[sflag:s25] =	ssyncset.done $0x0  }
0xdb: {  	[sflag:s25] =	ssyncadd.s32 $0xFFFFFF80  }
0xdc: {  	[tilespmem:s26], [sflag:$0x6] =	stream.indirect.gather [spmem:s3], $0x40, s19, s19, $0xb8;
	[tilespmem:$0x18400] =	vst v63  }
0xdd: {  	s13 =	sadd.s32 $0x30, s6  }
0xde: {  	[tilespmem:s28], [sflag:$0x4] =	stream.linear.gather [hbm4b:s13+s4], $0x80, $0x38;
	[tilespmem:$0x18400] =	vst v63  }
0xdf: {  	s6 =	sadd.s32 $0xA030, s6  }
0xe0: {  	[tilespmem:s29], [sflag:$0x4] =	stream.linear.gather [hbm4b:s6+s4], $0x80, $0x38;
	[tilespmem:$0x18400] =	vst v63  }
0xe1: {  	_ =	swait.ge [sflag:s30], $0x2000  }
0xe2: {  	[sflag:s30] =	ssyncset.done $0x0  }
0xe3: {  	[sflag:s30] =	ssyncadd.s32 $0xFFFFE000  }
0xe4: {  	[spmem:s1] =	stream.indirect.scatter.add.f32 [tilespmem:s22], [sflag:$0x7], $0x40, s18, s19, $0xb8;
	[tilespmem:$0x18400] =	vst v63  }
0xe5: {  	_ =	swait.ge [sflag:s31], $0x2000  }
0xe6: {  	[sflag:s31] =	ssyncset.done $0x0  }
0xe7: {  	[sflag:s31] =	ssyncadd.s32 $0xFFFFE000  }
0xe8: {  	_ =	swait.ge [sflag:s0], $0x80  }
0xe9: {  	[sflag:s0] =	ssyncset.done $0x0  }
0xea: {  	[sflag:s0] =	ssyncadd.s32 $0xFFFFFF80  }
0xeb: {  	_ =	swait.ge [sflag:s0], $0x80  }
0xec: {  	p0 =	seq.s32 s10, $0x9C0;
	[sflag:s0] =	ssyncset.done $0x0  }
0xed: {  	s6 =	sadd.s32 @!p0 s10, s14;
	[sflag:s0] =	ssyncadd.s32 $0xFFFFFF80  }
0xee: {  	[tilespmem:s22], [sflag:$0x5] =	stream.indirect.gather [spmem:s3], $0x40, s23, s19, $0xb8;
	[tilespmem:$0x18400] =	vst v63  }
0xef: {  	s7 =	simm.s32 @!p0 $0x0;
	s10 =	sadd.s32 @!p0 $0x40, s6  }
0xf0: {  	[tilespmem:s7], [sflag:$0x1] =	stream.linear.gather @!p0 [hbm4b:s10+s7], $0x80, $0x38;
	[tilespmem:$0x18400] =	vst v63  }
0xf1: {  	s11 =	simm.s32 @!p0 $0x200;
	s10 =	sadd.s32 @!p0 $0xA040, s6  }
0xf2: {  	[tilespmem:s11], [sflag:$0x1] =	stream.linear.gather @!p0 [hbm4b:s10+s7], $0x80, $0x38;
	[tilespmem:$0x18400] =	vst v63  }
0xf3: {  	_ =	swait.ge [sflag:s2], $0x2000  }
0xf4: {  	[sflag:s2] =	ssyncset.done $0x0  }
0xf5: {  	[sflag:s2] =	ssyncadd.s32 $0xFFFFE000  }
0xf6: {  	[spmem:s1] =	stream.indirect.scatter.add.f32 [tilespmem:s26], [sflag:$0x8], $0x40, s20, s19, $0xb8;
	[tilespmem:$0x18400] =	vst v63  }
0xf7: {  	_ =	swait.ge [sflag:s5], $0x2000  }
0xf8: {  	[sflag:s5] =	ssyncset.done $0x0  }
0xf9: {  	[sflag:s5] =	ssyncadd.s32 $0xFFFFE000  }
0xfa: {  	_ =	swait.ge [sflag:s8], $0x80  }
0xfb: {  	[sflag:s8] =	ssyncset.done $0x0  }
0xfc: {  	[sflag:s8] =	ssyncadd.s32 $0xFFFFFF80  }
0xfd: {  	_ =	swait.ge [sflag:s8], $0x80  }
0xfe: {  	[sflag:s8] =	ssyncset.done $0x0  }
0xff: {  	[sflag:s8] =	ssyncadd.s32 $0xFFFFFF80  }
0x100: {  	[tilespmem:s26], [sflag:$0x6] =	stream.indirect.gather [spmem:s3], $0x40, s28, s19, $0xb8;
	[tilespmem:$0x18400] =	vst v63  }
0x101: {  	s10 =	sadd.s32 @!p0 $0x50, s6;
	s11 =	simm.s32 @!p0 $0x80  }
0x102: {  	[tilespmem:s11], [sflag:$0x2] =	stream.linear.gather @!p0 [hbm4b:s10+s7], $0x80, $0x38;
	[tilespmem:$0x18400] =	vst v63  }
0x103: {  	s6 =	sadd.s32 @!p0 $0xA050, s6;
	s10 =	simm.s32 @!p0 $0x280  }
0x104: {  	[tilespmem:s10], [sflag:$0x2] =	stream.linear.gather @!p0 [hbm4b:s6+s7], $0x80, $0x38;
	[tilespmem:$0x18400] =	vst v63  }
0x105: {  	_ =	swait.ge [sflag:s30], $0x2000  }
0x106: {  	[sflag:s30] =	ssyncset.done $0x0  }
0x107: {  	[sflag:s30] =	ssyncadd.s32 $0xFFFFE000  }
0x108: {  	[spmem:s1] =	stream.indirect.scatter.add.f32 [tilespmem:s22], [sflag:$0x7], $0x40, s24, s19, $0xb8;
	[tilespmem:$0x18400] =	vst v63  }
0x109: {  	_ =	swait.ge [sflag:s2], $0x2000  }
0x10a: {  	[sflag:s2] =	ssyncset.done $0x0  }
0x10b: {  	[sflag:s2] =	ssyncadd.s32 $0xFFFFE000  }
0x10c: {  	[spmem:s1] =	stream.indirect.scatter.add.f32 [tilespmem:s26], [sflag:$0x8], $0x40, s29, s19, $0xb8;
	[tilespmem:$0x18400] =	vst v63  }
0x10d: {  	_ =	swait.ge [sflag:s31], $0x2000  }
0x10e: {  	[sflag:s31] =	ssyncset.done $0x0  }
0x10f: {  	[sflag:s31] =	ssyncadd.s32 $0xFFFFE000  }
0x110: {  	_ =	swait.ge [sflag:s5], $0x2000  }
0x111: {  	[sflag:s5] =	ssyncset.done $0x0  }
0x112: {  	[sflag:s5] =	ssyncadd.s32 $0xFFFFE000  }
0x113: {  	[bflag:$0x0] =	sbarrier.arrive $0xFFFF  }
0x114: {  	s7 =	rddreg [dreg:$0x5]  }
0x115: {  	s15 =	rddreg [dreg:$0xc]  }
0x116: {  	s10 =	rddreg [dreg:$0xd]  }
0x117: {  	[hbm:s15], [sflag:s7] =	dma.local [spmem:s10], $0x1400  }
0x118: {  	_ =	swait.ge [sflag:s16], $0x1400  }
0x119: {  	s9 =	sadd.s32 $0x1, s9;
	s17 =	rddreg [dreg:$0xa]  }
0x11a: {  	p0 =	sne.s32 s9, s17  }
.Ltmp1:
0x11b: {  	_ = 	snop;
	(pc) =	sbr.rel @p0 .LBB2_1-.Ltmp1, $3  }
0x11c: {  	_ =	sdelay $0x1  }
0x11d: {  	[sflag:s16] =	ssyncset.done $0x0  }
0x11e: {  	[sflag:s16] =	ssyncadd.s32 $0xFFFFEC00  }
0x11f: {  	_ =	sfence.sel $0x180000  }
0x120: {  	[bflag:$0x0] =	sbarrier.arrive $0xFFFF  }
0x121: {  	_ =	strace $0x9000004D  }
0x122: {  	s0 =	stileid.u32;
	[bflag:$0x2] =	sbarrier.arrive $0xFFFF  }
0x123: {  	p0 =	sne.s32 s0, $0x0;
	s0 =	rddreg [dreg:$0x3]  }
0x124: {  	s0 =	sadd.s32 @!p0 $0x100000, s0  }
0x125: {  	[sflag:s0] =	ssyncadd.tile.s32 @!p0 $0x1;
	_ =	shalt  }
.Lfunc_end2:
_tile_overlayer_lowered:
.L_overlay_start_2:
0x126: {  	(tag) =	ssettag $0x2  }
0x127: {  	s0 =	rddreg [dreg:$0x0];
	s2 =	stileid.u32  }
0x128: {  	s1 =	rddreg [dreg:$0x1];
	p0 =	sne.s32 s2, $0x0  }
0x129: {  	s3 =	rddreg [dreg:$0x2];
	[bflag:$0x3] =	sbarrier.arrive $0xFFFF;
	s2 =	simm.s32 @!p0 $0x1C09  }
0x12a: {  	[timem:s3], [sflag:s2] =	dma.local @!p0 [hbm:s0], s1  }
0x12b: {  	s0 =	simm.s32 @!p0 $0x9  }
0x12c: {  	_ =	swait.ge @!p0 [sflag:s0], s1  }
0x12d: {  	s1 =	ssub.s32 @!p0 $0x0, s1;
	[sflag:s0] =	ssyncset.done @!p0 $0x0  }
0x12e: {  	[sflag:s0] =	ssyncadd.s32 @!p0 s1  }
0x12f: {  	[bflag:$0x3] =	sbarrier.arrive $0xFFFF  }
0x130: {  	_ =	shalt  }

// kernel: kernel.19.cloned.1.call-start
scs
__scs_entry_jumppad:
0x0: {  	(pc) =	sbr.rel $0x88, $3  }
0x1: {  	(tag) =	ssettag $0x0;
	lr =	simm.s32 $0x1  }
0x2: {  	[smem:$0x3F8B] =	sst lr;
	_ =	strace $0xD0000000  }
0x3: {  	_ = 	snop  }
0x4: {  	_ = 	snop  }
0x5: {  	_ = 	snop  }
0x6: {  	_ = 	snop  }
0x7: {  	_ = 	snop  }
__scs_overlays_trampoline_lowered:
0x8: {  	[smem:$0x3F9A] =	sst s0  }
0x9: {  	[smem:$0x3F9B] =	sst s1  }
0xa: {  	[smem:$0x3F9C] =	sst s2  }
0xb: {  	[smem:$0x3F9D] =	sst s3  }
0xc: {  	[smem:$0x3F9E] =	sst s4  }
0xd: {  	[smem:$0x3F9F] =	sst s5  }
0xe: {  	[smem:$0x3FA0] =	sst s6  }
0xf: {  	[smem:$0x3FA1] =	sst s7  }
0x10: {  	[smem:$0x3FA2] =	sst s8  }
0x11: {  	[smem:$0x3FA3] =	sst s9;
	s0 =	simm.s32 @!p0 $0x0  }
0x12: {  	s1 =	sld [smem:$0x3F89];
	s0 =	simm.s32 @p0 $0x1  }
0x13: {  	[smem:$0x3FA4] =	sst s0;
	s0 =	simm.s32 @!p1 $0x0  }
0x14: {  	s2 =	sld [smem:$0x3F88];
	s0 =	simm.s32 @p1 $0x1  }
0x15: {  	[smem:$0x3FA5] =	sst s0;
	s0 =	simm.s32 @!p2 $0x0  }
0x16: {  	s3 =	sld [smem:$0x3FDB];
	s0 =	simm.s32 @p2 $0x1  }
0x17: {  	s4 =	simm.s32 $0x1BF5;
	[smem:$0x3FA7] =	sst s0  }
0x18: {  	s0 =	sld [smem:$0x3F8A];
	_ =	swait.ge [sflag:s4], $0x0  }
0x19: {  	s7 =	sld [smem:$0x3F8B]  }
0x1a: {  	s8 =	sadd.s32 $0xFFFFE003, lr  }
0x1b: {  	s9 =	sadd.s32 $0xFFFFFEF7, lr;
	s5 =	simm.s32 $0xFFFFFFFF;
	p2 =	slt.u32 s8, $0xFFFFF086  }
0x1c: {  	p1 =	slt.u32 s9, $0xF7A;
	s5 =	simm.s32 @!p2 $0x0  }
0x1d: {  	s5 =	simm.s32 @p1 $0x1;
	p0 =	seq.s32 s7, s2  }
0x1e: {  	s7 =	smul.u32 @!p0 $0xF7A, s2;
	p2 =	seq.s32 @!p0 s5, $0x0  }
0x1f: {  	s9 =	smul.u32 $0xF7A, s1;
	s8 =	simm.s32 @!p0 $0x1BF5;
	p2 =	por !p2, p0  }
0x20: {  	[sflag:s8] =	ssyncset.s32 @!p0 $0xFFFFF086;
	s6 =	sadd.s32 @!p0 s3, s7;
	s7 =	simm.s32 @!p0 $0x108  }
0x21: {  	s3 =	sadd.s32 s3, s9;
	s6 =	sadd.s32 @!p0 $0x88, s6;
	s7 =	simm.s32 @p2 $0x1082  }
0x22: {  	[simem:s7], [sflag:s8] =	dma.local @!p0 [hbm:s6], $0xF7A  }
0x23: {  	s9 =	sor.u32 $0xD0000000, s2;
	s6 =	simm.s32 $0x108;
	_ =	swait.ge @!p0 [sflag:s8], $0x0  }
0x24: {  	s3 =	sadd.s32 $0x88, s3;
	s6 =	simm.s32 @!p1 $0x1082;
	[sflag:s4] =	ssyncset.s32 $0xFFFFF086  }
0x25: {  	[simem:s6], [sflag:s4] =	dma.local [hbm:s3], $0xF7A  }
0x26: {  	[smem:$0x3F8B] =	sst s1;
	(tag) =	ssettag s2;
	_ =	strace s9  }
0x27: {  	s1 =	sld [smem:$0x3F9B]  }
0x28: {  	s2 =	sld [smem:$0x3F9C]  }
0x29: {  	s4 =	sld [smem:$0x3F9E]  }
0x2a: {  	p0 =	seq.s32 s5, $0x0;
	s5 =	sld [smem:$0x3F9F]  }
0x2b: {  	s6 =	sld [smem:$0x3FA0]  }
0x2c: {  	s7 =	sld [smem:$0x3FA1]  }
0x2d: {  	s3 =	simm.s32 $0x108;
	s8 =	sld [smem:$0x3FA2]  }
0x2e: {  	s3 =	simm.s32 @!p0 $0x1082;
	s9 =	sld [smem:$0x3FA3]  }
0x2f: {  	lr =	sadd.s32 s0, s3;
	s0 =	sld [smem:$0x3F9A]  }
0x30: {  	s3 =	sld [smem:$0x3F9D]  }
0x31: {  	[smem:$0x3FA6] =	sst s10  }
0x32: {  	s10 =	sld [smem:$0x3FA4];
	_ =	sdelay $0x3  }
0x33: {  	p0 =	seq.s32 s10, $0x1;
	s10 =	sld [smem:$0x3FA6];
	_ =	sdelay $0x3  }
0x34: {  	[smem:$0x3FA6] =	sst s10  }
0x35: {  	s10 =	sld [smem:$0x3FA5];
	_ =	sdelay $0x3  }
0x36: {  	p1 =	seq.s32 s10, $0x1;
	s10 =	sld [smem:$0x3FA6];
	_ =	sdelay $0x3  }
0x37: {  	[smem:$0x3FA6] =	sst s10  }
0x38: {  	s10 =	sld [smem:$0x3FA7]  }
0x39: {  	_ = 	snop;
	(pc) =	sbr.ind lr, $3  }
0x3a: {  	_ = 	snop  }
0x3b: {  	_ = 	snop  }
0x3c: {  	p2 =	seq.s32 s10, $0x1;
	s10 =	sld [smem:$0x3FA6]  }
0x3d: {  	_ =	shalt  }
0x3e: {  	_ =	shalt  }
0x3f: {  	_ =	shalt  }
0x40: {  	_ =	shalt  }
0x41: {  	_ =	shalt  }
0x42: {  	_ =	shalt  }
0x43: {  	_ =	shalt  }
0x44: {  	_ =	shalt  }
0x45: {  	_ =	shalt  }
0x46: {  	_ =	shalt  }
0x47: {  	_ =	shalt  }
0x48: {  	_ =	shalt  }
0x49: {  	_ =	shalt  }
0x4a: {  	_ =	shalt  }
0x4b: {  	_ =	shalt  }
0x4c: {  	_ =	shalt  }
0x4d: {  	_ =	shalt  }
0x4e: {  	_ =	shalt  }
0x4f: {  	_ =	shalt  }
0x50: {  	_ =	shalt  }
0x51: {  	_ =	shalt  }
0x52: {  	_ =	shalt  }
0x53: {  	_ =	shalt  }
0x54: {  	_ =	shalt  }
0x55: {  	_ =	shalt  }
0x56: {  	_ =	shalt  }
0x57: {  	_ =	shalt  }
0x58: {  	_ =	shalt  }
0x59: {  	_ =	shalt  }
0x5a: {  	_ =	shalt  }
0x5b: {  	_ =	shalt  }
0x5c: {  	_ =	shalt  }
0x5d: {  	_ =	shalt  }
0x5e: {  	_ =	shalt  }
0x5f: {  	_ =	shalt  }
0x60: {  	_ =	shalt  }
0x61: {  	_ =	shalt  }
0x62: {  	_ =	shalt  }
0x63: {  	_ =	shalt  }
0x64: {  	_ =	shalt  }
0x65: {  	_ =	shalt  }
0x66: {  	_ =	shalt  }
0x67: {  	_ =	shalt  }
0x68: {  	_ =	shalt  }
0x69: {  	_ =	shalt  }
0x6a: {  	_ =	shalt  }
0x6b: {  	_ =	shalt  }
0x6c: {  	_ =	shalt  }
0x6d: {  	_ =	shalt  }
0x6e: {  	_ =	shalt  }
0x6f: {  	_ =	shalt  }
0x70: {  	_ =	shalt  }
0x71: {  	_ =	shalt  }
0x72: {  	_ =	shalt  }
0x73: {  	_ =	shalt  }
0x74: {  	_ =	shalt  }
0x75: {  	_ =	shalt  }
0x76: {  	_ =	shalt  }
0x77: {  	_ =	shalt  }
0x78: {  	_ =	shalt  }
0x79: {  	_ =	shalt  }
0x7a: {  	_ =	shalt  }
0x7b: {  	_ =	shalt  }
0x7c: {  	_ =	shalt  }
0x7d: {  	_ =	shalt  }
0x7e: {  	_ =	shalt  }
0x7f: {  	_ =	shalt  }
0x80: {  	_ =	shalt  }
0x81: {  	_ =	shalt  }
0x82: {  	_ =	shalt  }
0x83: {  	_ =	shalt  }
0x84: {  	_ =	shalt  }
0x85: {  	_ =	shalt  }
0x86: {  	_ =	shalt  }
0x87: {  	_ =	shalt  }
.Lfunc_end0:
.L_simem_size_0:
called_computation.3_lowered:
.L_overlay_start_0:
0x88: {  	s2 =	sld [smem:$0x3FD9]  }
0x89: {  	s3 =	sld [smem:$0x3FFE];
	_ =	sdelay $0x1  }
0x8a: {  	s1 =	srdreg.scid  }
0x8b: {  	s0 =	sand.u32 $0x1, s1  }
0x8c: {  	s16 =	sshll.u32 s0, $0xA;
	s2 =	sadd.s32 s3, s2  }
0x8d: {  	s2 =	sadd.s32 s2, s16  }
0x8e: {  	[smem:$0x3FB2] =	sst s2  }
0x8f: {  	_ = 	snop  }
0x90: {  	(tm) =	ssettm $0x1  }
0x91: {  	s17 =	sld [smem:$0x3FFB];
	_ =	sdelay $0x3  }
0x92: {  	_ =	strace s17  }
0x93: {  	s2 =	sld [smem:$0x3FFC];
	_ =	sdelay $0x3  }
0x94: {  	_ =	strace s2  }
0x95: {  	s2 =	sld [smem:$0x3FFD];
	_ =	sdelay $0x3  }
0x96: {  	_ =	strace s2  }
0x97: {  	_ =	strace $0x8FFFFFFF  }
0x98: {  	s18 =	sld [smem:$0x3FDB];
	_ =	sdelay $0x1  }
0x99: {  	s19 =	simm.s32 $_scs_section_size  }
0x9a: {  	s4 =	simm.s32 $_size__tile_overlayer_lowered;
	s5 =	simm.s32 $_tile_overlayer_lowered  }
0x9b: {  	s22 =	simm.s32 $0x1BFF;
	s21 =	sshll.u32 s5, $0x1;
	s2 =	sadd.s32 s19, s18  }
0x9c: {  	s6 =	simm.s32 $0x0;
	s20 =	sshll.u32 s4, $0x1;
	s4 =	sadd.s32 s21, s2  }
0x9d: {  	[timem:s6], [sflag:s22] =	dma.local [hbm:s4], s20  }
0x9e: {  	_ =	swait.ge [sflag:s22], s20  }
0x9f: {  	s3 =	ssub.s32 $0x0, s20;
	[sflag:s22] =	ssyncset.done $0x0  }
0xa0: {  	[sflag:s22] =	ssyncadd.s32 s3;
	_ =	sdelay $0x1  }
0xa1: {  	s23 =	simm.s32 $0x1B8B  }
0xa2: {  	_ =	swait.ge [sflag:s23], $0x1  }
0xa3: {  	[sflag:s23] =	ssyncset.done $0x0  }
0xa4: {  	s25 =	simm.s32 $0x1B8E;
	s24 =	sld [smem:$0x3FFE];
	[sflag:s23] =	ssyncadd.s32 $0xFFFFFFFF  }
0xa5: {  	s26 =	simm.s32 $execute0_lowered;
	[smem:$0x3FD2] =	sst s25  }
0xa6: {  	s4 =	sshll.u32 s26, $0x1;
	_ =	strace $0x8000004F;
	[dreg:$0x1] =	wrdreg $0xFFFFFFFF  }
0xa7: {  	s28 =	simm.s32 $_size_execute0_lowered;
	s2 =	sadd.s32 s2, s4;
	[dreg:$0x0] =	wrdreg $0x0  }
0xa8: {  	s4 =	sshll.u32 s28, $0x1;
	[dreg:$0x2] =	wrdreg s2  }
0xa9: {  	[dreg:$0x3] =	wrdreg s4  }
0xaa: {  	[dreg:$0x4] =	wrdreg $0xC0  }
0xab: {  	_ =	task [dreg:s6], $0x5FFFF  }
0xac: {  	[dreg:$0x1] =	wrdreg $0xFFFFFFFF  }
0xad: {  	[dreg:$0x0] =	wrdreg $0x60  }
0xae: {  	[dreg:$0x2] =	wrdreg s24  }
0xaf: {  	[dreg:$0x3] =	wrdreg $0xE4000  }
0xb0: {  	[dreg:$0x4] =	wrdreg $0x44000  }
0xb1: {  	[dreg:$0x5] =	wrdreg $0x9  }
0xb2: {  	_ =	task.clear_ibuf [dreg:s6], $0x6FFFF;
	_ =	strace $0x9000004F  }
0xb3: {  	s29 =	simm.s32 $0x9;
	_ =	strace $0x80000051  }
0xb4: {  	_ =	swait.ge [sflag:s29], $0x1  }
0xb5: {  	[sflag:s29] =	ssyncadd.s32 $0xFFFFFFFF  }
0xb6: {  	_ =	strace $0x90000051  }
0xb7: {  	_ =	sfence  }
0xb8: {  	s30 =	sld [smem:$0x0];
	_ =	sdelay $0x2  }
0xb9: {  	s31 =	sshll.u32 s1, $0xD;
	s1 =	sshrl.u32 s1, $0x2  }
0xba: {  	s3 =	sand.u32 $0x4000, s31;
	s1 =	sadd.s32 s1, s30  }
0xbb: {  	s0 =	sor.u32 s3, s0;
	s1 =	sshll.u32 s1, $0x11  }
0xbc: {  	s0 =	sor.u32 s1, s0  }
0xbd: {  	s0 =	sadd.s32 $0x8F2B, s0  }
0xbe: {  	[sflag:s0] =	ssyncadd.remote.s32 $0x1  }
0xbf: {  	_ =	sfence.sel $0xFFFF  }
0xc0: {  	[dreg:$0x0] =	wrdreg $0xFFFFFFFF;
	(pc) =	sbr.abs _section_cstart, $3  }
0xc1: {  	[dreg:$0x1] =	wrdreg $0xFFFFFFFF  }
0xc2: {  	_ =	task.clear_ibuf [dreg:s6], $0x2FFFF;
	_ =	strace $0x9FFFFFFF  }
0xc3: {  	(tm) =	ssettm $0x7FFFFFFF  }
tec
execute0_lowered:
.L_overlay_start_1:
0x0: {  	(tag) =	ssettag $0x1  }
0x1: {  	s0 =	rddreg [dreg:$0x0]  }
0x2: {  	s1 =	rddreg [dreg:$0x1]  }
0x3: {  	s3 =	rddreg [dreg:$0x2];
	s4 =	simm.s32 $0x0;
	s16 =	stileid.u32  }
0x4: {  	s5 =	srdreg.scid;
	s28 =	simm.s32 $0x180;
	s29 =	simm.s32 $0x380  }
0x5: {  	s30 =	simm.s32 $0x5;
	s31 =	simm.s32 $0x7;
	[smem:$0x7FF] =	sst s4  }
0x6: {  	s2 =	smul.u32 $0xA000, s16;
	s8 =	sadd.s32 $0x5AC00, s0;
	s9 =	sadd.s32 $0x46C00, s0  }
0x7: {  	s5 =	sand.u32 $0x1, s5;
	s10 =	sadd.s32 $0x32C00, s0;
	s13 =	smul.u32 $0x5000, s16  }
0x8: {  	s14 =	sadd.s32 $0x19600, s0;
	s18 =	sshll.u32 s16, $0x6;
	s23 =	smul.u32 $0xA00, s16  }
0x9: {  	s16 =	simm.s32 $0x9;
	_ =	strace $0x80000050;
	s6 =	ssub.s32 $0x2, s5  }
0xa: {  	p0 =	seq.s32 s5, $0x0;
	s5 =	simm.s32 $0x8;
	s11 =	sshrl.u32 s2, $0x3  }
0xb: {  	s12 =	sshrl.u32 s6, $0x1;
	s15 =	sadd.s32 s2, s1;
	s13 =	sshrl.u32 s13, $0x3  }
0xc: {  	s2 =	sadd.s32 s2, s3;
	s9 =	smov.u32 @p0 s8;
	s8 =	simm.s32 $0x4  }
0xd: {  	s7 =	sadd.s32 s11, s0;
	s0 =	sadd.s32 $0x5600, s0;
	s12 =	ssub.s32 s6, s12  }
0xe: {  	s19 =	sadd.s32 s10, s13;
	s25 =	sadd.s32 s9, s11;
	s26 =	sshrl.u32 s2, $0x3  }
0xf: {  	s2 =	simm.s32 $0x6;
	s9 =	simm.s32 $0x0;
	[dreg:$0x6] =	wrdreg s19  }
0x10: {  	s7 =	sadd.s32 $0x6EC00, s7;
	s20 =	sadd.s32 $0xA000, s19;
	[dreg:$0xb] =	wrdreg s25  }
0x11: {  	s21 =	sadd.s32 $0x10, s19;
	s22 =	sadd.s32 $0xA010, s19;
	[dreg:$0xe] =	wrdreg s26  }
0x12: {  	s24 =	smax.u32 s12, $0x1;
	s0 =	smov.u32 @p0 s14;
	[dreg:$0x4] =	wrdreg s7  }
0x13: {  	s14 =	sadd.s32 s23, s10;
	s10 =	sshrl.u32 s15, $0x3;
	[dreg:$0x7] =	wrdreg s20  }
0x14: {  	s19 =	simm.s32 $0x80;
	s23 =	simm.s32 $0x100;
	[dreg:$0x8] =	wrdreg s21  }
0x15: {  	s25 =	simm.s32 $0x2;
	s26 =	simm.s32 $0x2400;
	[dreg:$0x9] =	wrdreg s22  }
0x16: {  	s7 =	sor.u32 $0x1C09, s18;
	[dreg:$0xa] =	wrdreg s24;
	s0 =	sadd.s32 s0, s11  }
0x17: {  	s18 =	simm.s32 $0x200;
	s20 =	simm.s32 $0x280;
	[dreg:$0xd] =	wrdreg s10  }
0x18: {  	s21 =	simm.s32 $0x1;
	s22 =	simm.s32 $0x400;
	[dreg:$0xc] =	wrdreg s0  }
0x19: {  	s24 =	simm.s32 $0x300;
	s0 =	simm.s32 $0x3;
	[dreg:$0x5] =	wrdreg s7  }
.LBB2_1:
0x1a: {  	s6 =	rddreg [dreg:$0x4]  }
0x1b: {  	[spmem:s10], [sflag:s7] =	dma.local [hbm:s6], $0x1400  }
0x1c: {  	_ =	swait.ge [sflag:s16], $0x1400  }
0x1d: {  	[sflag:s16] =	ssyncset.done $0x0;
	s10 =	rddreg [dreg:$0xb]  }
0x1e: {  	s11 =	rddreg [dreg:$0xe];
	[sflag:s16] =	ssyncadd.s32 $0xFFFFEC00  }
0x1f: {  	[spmem:s11], [sflag:s7] =	dma.local [hbm:s10], $0x1400  }
0x20: {  	_ =	swait.ge [sflag:s16], $0x1400  }
0x21: {  	[sflag:s16] =	ssyncset.done $0x0  }
0x22: {  	[sflag:s16] =	ssyncadd.s32 $0xFFFFEC00  }
0x23: {  	[bflag:$0x0] =	sbarrier.arrive $0xFFFF  }
0x24: {  	s12 =	rddreg [dreg:$0x6]  }
0x25: {  	[tilespmem:s4], [sflag:$0x1] =	stream.linear.gather [hbm4b:s12+s4], $0x80, $0x38;
	[tilespmem:$0x18400] =	vst v63  }
0x26: {  	p0 =	por $0x1, $0x1;
	s13 =	rddreg [dreg:$0x7]  }
0x27: {  	[tilespmem:s18], [sflag:$0x1] =	stream.linear.gather [hbm4b:s13+s4], $0x80, $0x38;
	[tilespmem:$0x18400] =	vst v63  }
0x28: {  	p0 =	por p0, p0;
	s15 =	rddreg [dreg:$0x8]  }
0x29: {  	[tilespmem:s19], [sflag:$0x2] =	stream.linear.gather [hbm4b:s15+s4], $0x80, $0x38;
	[tilespmem:$0x18400] =	vst v63  }
0x2a: {  	s10 =	simm.s32 @!p0 $0x7;
	s17 =	rddreg [dreg:$0x9]  }
0x2b: {  	[tilespmem:s20], [sflag:$0x2] =	stream.linear.gather [hbm4b:s17+s4], $0x80, $0x38;
	[tilespmem:$0x18400] =	vst v63  }
0x2c: {  	_ =	swait.ge @!p0 [sflag:s10], $0x2000  }
0x2d: {  	[sflag:s10] =	ssyncset.done @!p0 $0x0  }
0x2e: {  	[sflag:s10] =	ssyncadd.s32 @!p0 $0xFFFFE000  }
0x2f: {  	_ =	swait.ge [sflag:s21], $0x80  }
0x30: {  	[sflag:s21] =	ssyncset.done $0x0  }
0x31: {  	[sflag:s21] =	ssyncadd.s32 $0xFFFFFF80  }
0x32: {  	_ =	swait.ge [sflag:s21], $0x80  }
0x33: {  	[sflag:s21] =	ssyncset.done $0x0  }
0x34: {  	s7 =	sadd.s32 $0x0, s14;
	[sflag:s21] =	ssyncadd.s32 $0xFFFFFF80  }
0x35: {  	[tilespmem:s22], [sflag:$0x5] =	stream.indirect.gather [spmem:s3], $0x40, s4, s19, $0xb8;
	[tilespmem:$0x18400] =	vst v63  }
0x36: {  	s11 =	sadd.s32 $0x20, s7  }
0x37: {  	[tilespmem:s23], [sflag:$0x3] =	stream.linear.gather [hbm4b:s11+s4], $0x80, $0x38;
	[tilespmem:$0x18400] =	vst v63  }
0x38: {  	s12 =	simm.s32 @!p0 $0x6;
	s15 =	sadd.s32 $0xA020, s7  }
0x39: {  	[tilespmem:s24], [sflag:$0x3] =	stream.linear.gather [hbm4b:s15+s4], $0x80, $0x38;
	[tilespmem:$0x18400] =	vst v63  }
0x3a: {  	_ =	swait.ge @!p0 [sflag:s12], $0x2000  }
0x3b: {  	s13 =	simm.s32 @!p0 $0x380;
	[sflag:s12] =	ssyncset.done @!p0 $0x0  }
0x3c: {  	s11 =	simm.s32 @!p0 $0x2400;
	[sflag:s12] =	ssyncadd.s32 @!p0 $0xFFFFE000;
	s12 =	simm.s32 @!p0 $0x80  }
0x3d: {  	[spmem:s1] =	stream.indirect.scatter.add.f32 @!p0 [tilespmem:s11], [sflag:$0x8], $0x40, s13, s12, $0xb8;
	[tilespmem:$0x18400] =	vst v63  }
0x3e: {  	s11 =	simm.s32 @!p0 $0x8  }
0x3f: {  	_ =	swait.ge @!p0 [sflag:s11], $0x2000  }
0x40: {  	[sflag:s11] =	ssyncset.done @!p0 $0x0  }
0x41: {  	[sflag:s11] =	ssyncadd.s32 @!p0 $0xFFFFE000  }
0x42: {  	_ =	swait.ge [sflag:s25], $0x80  }
0x43: {  	[sflag:s25] =	ssyncset.done $0x0  }
0x44: {  	[sflag:s25] =	ssyncadd.s32 $0xFFFFFF80  }
0x45: {  	_ =	swait.ge [sflag:s25], $0x80  }
0x46: {  	[sflag:s25] =	ssyncset.done $0x0  }
0x47: {  	[sflag:s25] =	ssyncadd.s32 $0xFFFFFF80  }
0x48: {  	[tilespmem:s26], [sflag:$0x6] =	stream.indirect.gather [spmem:s3], $0x40, s19, s19, $0xb8;
	[tilespmem:$0x18400] =	vst v63  }
0x49: {  	s17 =	sadd.s32 $0x30, s7  }
0x4a: {  	[tilespmem:s28], [sflag:$0x4] =	stream.linear.gather [hbm4b:s17+s4], $0x80, $0x38;
	[tilespmem:$0x18400] =	vst v63  }
0x4b: {  	s10 =	sadd.s32 $0xA030, s7  }
0x4c: {  	[tilespmem:s29], [sflag:$0x4] =	stream.linear.gather [hbm4b:s10+s4], $0x80, $0x38;
	[tilespmem:$0x18400] =	vst v63  }
0x4d: {  	_ =	swait.ge [sflag:s30], $0x2000  }
0x4e: {  	[sflag:s30] =	ssyncset.done $0x0  }
0x4f: {  	[sflag:s30] =	ssyncadd.s32 $0xFFFFE000  }
0x50: {  	[spmem:s1] =	stream.indirect.scatter.add.f32 [tilespmem:s22], [sflag:$0x7], $0x40, s18, s19, $0xb8;
	[tilespmem:$0x18400] =	vst v63  }
0x51: {  	_ =	swait.ge [sflag:s31], $0x2000  }
0x52: {  	[sflag:s31] =	ssyncset.done $0x0  }
0x53: {  	[sflag:s31] =	ssyncadd.s32 $0xFFFFE000  }
0x54: {  	_ =	swait.ge [sflag:s0], $0x80  }
0x55: {  	[sflag:s0] =	ssyncset.done $0x0  }
0x56: {  	[sflag:s0] =	ssyncadd.s32 $0xFFFFFF80  }
0x57: {  	_ =	swait.ge [sflag:s0], $0x80  }
0x58: {  	p0 =	por $0x0, $0x0;
	[sflag:s0] =	ssyncset.done $0x0  }
0x59: {  	s10 =	sadd.s32 @!p0 $0x0, s14;
	[sflag:s0] =	ssyncadd.s32 $0xFFFFFF80  }
0x5a: {  	[tilespmem:s22], [sflag:$0x5] =	stream.indirect.gather [spmem:s3], $0x40, s23, s19, $0xb8;
	[tilespmem:$0x18400] =	vst v63  }
0x5b: {  	s11 =	simm.s32 @!p0 $0x0;
	s12 =	sadd.s32 @!p0 $0x40, s10  }
0x5c: {  	[tilespmem:s11], [sflag:$0x1] =	stream.linear.gather @!p0 [hbm4b:s12+s11], $0x80, $0x38;
	[tilespmem:$0x18400] =	vst v63  }
0x5d: {  	s13 =	simm.s32 @!p0 $0x200;
	s12 =	sadd.s32 @!p0 $0xA040, s10  }
0x5e: {  	[tilespmem:s13], [sflag:$0x1] =	stream.linear.gather @!p0 [hbm4b:s12+s11], $0x80, $0x38;
	[tilespmem:$0x18400] =	vst v63  }
0x5f: {  	_ =	swait.ge [sflag:s2], $0x2000  }
0x60: {  	[sflag:s2] =	ssyncset.done $0x0  }
0x61: {  	[sflag:s2] =	ssyncadd.s32 $0xFFFFE000  }
0x62: {  	[spmem:s1] =	stream.indirect.scatter.add.f32 [tilespmem:s26], [sflag:$0x8], $0x40, s20, s19, $0xb8;
	[tilespmem:$0x18400] =	vst v63  }
0x63: {  	_ =	swait.ge [sflag:s5], $0x2000  }
0x64: {  	[sflag:s5] =	ssyncset.done $0x0  }
0x65: {  	[sflag:s5] =	ssyncadd.s32 $0xFFFFE000  }
0x66: {  	_ =	swait.ge [sflag:s8], $0x80  }
0x67: {  	[sflag:s8] =	ssyncset.done $0x0  }
0x68: {  	[sflag:s8] =	ssyncadd.s32 $0xFFFFFF80  }
0x69: {  	_ =	swait.ge [sflag:s8], $0x80  }
0x6a: {  	[sflag:s8] =	ssyncset.done $0x0  }
0x6b: {  	[sflag:s8] =	ssyncadd.s32 $0xFFFFFF80  }
0x6c: {  	[tilespmem:s26], [sflag:$0x6] =	stream.indirect.gather [spmem:s3], $0x40, s28, s19, $0xb8;
	[tilespmem:$0x18400] =	vst v63  }
0x6d: {  	s12 =	sadd.s32 @!p0 $0x50, s10;
	s13 =	simm.s32 @!p0 $0x80  }
0x6e: {  	[tilespmem:s13], [sflag:$0x2] =	stream.linear.gather @!p0 [hbm4b:s12+s11], $0x80, $0x38;
	[tilespmem:$0x18400] =	vst v63  }
0x6f: {  	p1 =	por $0x0, $0x0;
	s10 =	sadd.s32 @!p0 $0xA050, s10;
	s12 =	simm.s32 @!p0 $0x280  }
0x70: {  	[tilespmem:s12], [sflag:$0x2] =	stream.linear.gather @!p0 [hbm4b:s10+s11], $0x80, $0x38;
	[tilespmem:$0x18400] =	vst v63  }
0x71: {  	s10 =	simm.s32 $0x40;
	p0 =	por p1, p1;
	_ =	swait.ge [sflag:s30], $0x2000  }
0x72: {  	s11 =	simm.s32 $0x80;
	s13 =	simm.s32 @!p0 $0x7;
	[sflag:s30] =	ssyncset.done $0x0  }
.LBB2_2:
0x73: {  	p2 =	seq.s32 s11, $0x0  }
0x74: {  	[sflag:s30] =	ssyncadd.s32 $0xFFFFE000;
	s12 =	smov.u32 s11;
	s11 =	sadd.s32 $0x40, s11  }
0x75: {  	[spmem:s1] =	stream.indirect.scatter.add.f32 [tilespmem:s22], [sflag:$0x7], $0x40, s24, s19, $0xb8;
	[tilespmem:$0x18400] =	vst v63  }
0x76: {  	p1 =	sne.s32 s11, $0xA00;
	_ =	swait.ge @!p0 [sflag:s13], $0x2000  }
0x77: {  	[sflag:s13] =	ssyncset.done @!p0 $0x0  }
0x78: {  	[sflag:s13] =	ssyncadd.s32 @!p0 $0xFFFFE000  }
0x79: {  	_ =	swait.ge [sflag:s21], $0x80  }
0x7a: {  	[sflag:s21] =	ssyncset.done $0x0  }
0x7b: {  	[sflag:s21] =	ssyncadd.s32 $0xFFFFFF80  }
0x7c: {  	_ =	swait.ge [sflag:s21], $0x80  }
0x7d: {  	[sflag:s21] =	ssyncset.done $0x0  }
0x7e: {  	s13 =	sadd.s32 s10, s14;
	[sflag:s21] =	ssyncadd.s32 $0xFFFFFF80  }
0x7f: {  	[tilespmem:s22], [sflag:$0x5] =	stream.indirect.gather [spmem:s3], $0x40, s4, s19, $0xb8;
	[tilespmem:$0x18400] =	vst v63  }
0x80: {  	s17 =	sadd.s32 $0x20, s13  }
0x81: {  	[tilespmem:s23], [sflag:$0x3] =	stream.linear.gather [hbm4b:s17+s4], $0x80, $0x38;
	[tilespmem:$0x18400] =	vst v63  }
0x82: {  	s7 =	simm.s32 @!p0 $0x6;
	s17 =	sadd.s32 $0xA020, s13  }
0x83: {  	[tilespmem:s24], [sflag:$0x3] =	stream.linear.gather [hbm4b:s17+s4], $0x80, $0x38;
	[tilespmem:$0x18400] =	vst v63  }
0x84: {  	_ =	swait.ge @!p0 [sflag:s7], $0x2000  }
0x85: {  	s15 =	simm.s32 @!p0 $0x8;
	s17 =	simm.s32 @!p0 $0x2400;
	[sflag:s7] =	ssyncset.done @!p0 $0x0  }
0x86: {  	s6 =	simm.s32 @!p0 $0x380;
	[sflag:s7] =	ssyncadd.s32 @!p0 $0xFFFFE000;
	s7 =	simm.s32 @!p0 $0x80  }
0x87: {  	[spmem:s1] =	stream.indirect.scatter.add.f32 @!p0 [tilespmem:s17], [sflag:$0x8], $0x40, s6, s7, $0xb8;
	[tilespmem:$0x18400] =	vst v63  }
0x88: {  	_ =	swait.ge @!p0 [sflag:s15], $0x2000  }
0x89: {  	[sflag:s15] =	ssyncset.done @!p0 $0x0  }
0x8a: {  	[sflag:s15] =	ssyncadd.s32 @!p0 $0xFFFFE000;
	p0 =	por p2, p2  }
0x8b: {  	_ =	swait.ge [sflag:s25], $0x80  }
0x8c: {  	[sflag:s25] =	ssyncset.done $0x0  }
0x8d: {  	[sflag:s25] =	ssyncadd.s32 $0xFFFFFF80  }
0x8e: {  	_ =	swait.ge [sflag:s25], $0x80  }
0x8f: {  	[sflag:s25] =	ssyncset.done $0x0  }
0x90: {  	[sflag:s25] =	ssyncadd.s32 $0xFFFFFF80  }
0x91: {  	[tilespmem:s26], [sflag:$0x6] =	stream.indirect.gather [spmem:s3], $0x40, s19, s19, $0xb8;
	[tilespmem:$0x18400] =	vst v63  }
0x92: {  	s6 =	sadd.s32 $0x30, s13  }
0x93: {  	[tilespmem:s28], [sflag:$0x4] =	stream.linear.gather [hbm4b:s6+s4], $0x80, $0x38;
	[tilespmem:$0x18400] =	vst v63  }
0x94: {  	s6 =	sadd.s32 $0xA030, s13  }
0x95: {  	[tilespmem:s29], [sflag:$0x4] =	stream.linear.gather [hbm4b:s6+s4], $0x80, $0x38;
	[tilespmem:$0x18400] =	vst v63  }
0x96: {  	_ =	swait.ge [sflag:s30], $0x2000  }
0x97: {  	[sflag:s30] =	ssyncset.done $0x0  }
0x98: {  	[sflag:s30] =	ssyncadd.s32 $0xFFFFE000  }
0x99: {  	[spmem:s1] =	stream.indirect.scatter.add.f32 [tilespmem:s22], [sflag:$0x7], $0x40, s18, s19, $0xb8;
	[tilespmem:$0x18400] =	vst v63  }
0x9a: {  	_ =	swait.ge [sflag:s31], $0x2000  }
0x9b: {  	[sflag:s31] =	ssyncset.done $0x0  }
0x9c: {  	[sflag:s31] =	ssyncadd.s32 $0xFFFFE000  }
0x9d: {  	_ =	swait.ge [sflag:s0], $0x80  }
0x9e: {  	[sflag:s0] =	ssyncset.done $0x0  }
0x9f: {  	[sflag:s0] =	ssyncadd.s32 $0xFFFFFF80  }
0xa0: {  	_ =	swait.ge [sflag:s0], $0x80  }
0xa1: {  	[sflag:s0] =	ssyncset.done $0x0  }
0xa2: {  	p2 =	seq.s32 s10, $0x9C0;
	[sflag:s0] =	ssyncadd.s32 $0xFFFFFF80  }
0xa3: {  	[tilespmem:s22], [sflag:$0x5] =	stream.indirect.gather [spmem:s3], $0x40, s23, s19, $0xb8;
	[tilespmem:$0x18400] =	vst v63  }
0xa4: {  	s7 =	simm.s32 @!p2 $0x0;
	s6 =	sadd.s32 @!p2 s10, s14;
	s10 =	smov.u32 s12  }
0xa5: {  	s15 =	simm.s32 @!p2 $0x200;
	s12 =	sadd.s32 @!p2 $0x40, s6;
	s13 =	sadd.s32 @!p2 $0xA040, s6  }
0xa6: {  	[tilespmem:s7], [sflag:$0x1] =	stream.linear.gather @!p2 [hbm4b:s12+s7], $0x80, $0x38;
	[tilespmem:$0x18400] =	vst v63  }
0xa7: {  	s12 =	sadd.s32 @!p2 $0x50, s6;
	s6 =	sadd.s32 @!p2 $0xA050, s6  }
0xa8: {  	[tilespmem:s15], [sflag:$0x1] =	stream.linear.gather @!p2 [hbm4b:s13+s7], $0x80, $0x38;
	[tilespmem:$0x18400] =	vst v63  }
0xa9: {  	_ =	swait.ge [sflag:s2], $0x2000  }
0xaa: {  	[sflag:s2] =	ssyncset.done $0x0  }
0xab: {  	[sflag:s2] =	ssyncadd.s32 $0xFFFFE000  }
0xac: {  	[spmem:s1] =	stream.indirect.scatter.add.f32 [tilespmem:s26], [sflag:$0x8], $0x40, s20, s19, $0xb8;
	[tilespmem:$0x18400] =	vst v63  }
0xad: {  	_ =	swait.ge [sflag:s5], $0x2000  }
0xae: {  	[sflag:s5] =	ssyncset.done $0x0  }
0xaf: {  	[sflag:s5] =	ssyncadd.s32 $0xFFFFE000  }
0xb0: {  	_ =	swait.ge [sflag:s8], $0x80  }
0xb1: {  	[sflag:s8] =	ssyncset.done $0x0  }
0xb2: {  	[sflag:s8] =	ssyncadd.s32 $0xFFFFFF80  }
0xb3: {  	_ =	swait.ge [sflag:s8], $0x80  }
0xb4: {  	[sflag:s8] =	ssyncset.done $0x0  }
0xb5: {  	s13 =	simm.s32 @!p2 $0x80;
	[sflag:s8] =	ssyncadd.s32 $0xFFFFFF80  }
0xb6: {  	[tilespmem:s26], [sflag:$0x6] =	stream.indirect.gather [spmem:s3], $0x40, s28, s19, $0xb8;
	[tilespmem:$0x18400] =	vst v63  }
0xb7: {  	s15 =	simm.s32 @!p2 $0x280  }
0xb8: {  	[tilespmem:s13], [sflag:$0x2] =	stream.linear.gather @!p2 [hbm4b:s12+s7], $0x80, $0x38;
	[tilespmem:$0x18400] =	vst v63  }
.Ltmp0:
0xb9: {  	_ = 	snop;
	(pc) =	sbr.rel @p1 .LBB2_2-.Ltmp0, $4  }
0xba: {  	_ = 	snop  }
0xbb: {  	[tilespmem:s15], [sflag:$0x2] =	stream.linear.gather @!p2 [hbm4b:s6+s7], $0x80, $0x38;
	[tilespmem:$0x18400] =	vst v63  }
0xbc: {  	_ =	swait.ge [sflag:s30], $0x2000  }
0xbd: {  	s13 =	simm.s32 @!p0 $0x7;
	[sflag:s30] =	ssyncset.done $0x0  }
0xbe: {  	[sflag:s30] =	ssyncadd.s32 $0xFFFFE000  }
0xbf: {  	[spmem:s1] =	stream.indirect.scatter.add.f32 [tilespmem:s22], [sflag:$0x7], $0x40, s24, s19, $0xb8;
	[tilespmem:$0x18400] =	vst v63  }
0xc0: {  	_ =	swait.ge @!p0 [sflag:s13], $0x2000  }
0xc1: {  	[sflag:s13] =	ssyncset.done @!p0 $0x0  }
0xc2: {  	[sflag:s13] =	ssyncadd.s32 @!p0 $0xFFFFE000  }
0xc3: {  	_ =	swait.ge [sflag:s21], $0x80  }
0xc4: {  	[sflag:s21] =	ssyncset.done $0x0  }
0xc5: {  	[sflag:s21] =	ssyncadd.s32 $0xFFFFFF80  }
0xc6: {  	_ =	swait.ge [sflag:s21], $0x80  }
0xc7: {  	[sflag:s21] =	ssyncset.done $0x0  }
0xc8: {  	s6 =	sadd.s32 s10, s14;
	[sflag:s21] =	ssyncadd.s32 $0xFFFFFF80  }
0xc9: {  	[tilespmem:s22], [sflag:$0x5] =	stream.indirect.gather [spmem:s3], $0x40, s4, s19, $0xb8;
	[tilespmem:$0x18400] =	vst v63  }
0xca: {  	s7 =	sadd.s32 $0x20, s6  }
0xcb: {  	[tilespmem:s23], [sflag:$0x3] =	stream.linear.gather [hbm4b:s7+s4], $0x80, $0x38;
	[tilespmem:$0x18400] =	vst v63  }
0xcc: {  	s11 =	simm.s32 @!p0 $0x6;
	s12 =	sadd.s32 $0xA020, s6  }
0xcd: {  	[tilespmem:s24], [sflag:$0x3] =	stream.linear.gather [hbm4b:s12+s4], $0x80, $0x38;
	[tilespmem:$0x18400] =	vst v63  }
0xce: {  	_ =	swait.ge @!p0 [sflag:s11], $0x2000  }
0xcf: {  	s7 =	simm.s32 @!p0 $0x2400;
	[sflag:s11] =	ssyncset.done @!p0 $0x0  }
0xd0: {  	s12 =	simm.s32 @!p0 $0x380;
	[sflag:s11] =	ssyncadd.s32 @!p0 $0xFFFFE000;
	s11 =	simm.s32 @!p0 $0x80  }
0xd1: {  	[spmem:s1] =	stream.indirect.scatter.add.f32 @!p0 [tilespmem:s7], [sflag:$0x8], $0x40, s12, s11, $0xb8;
	[tilespmem:$0x18400] =	vst v63  }
0xd2: {  	s7 =	simm.s32 @!p0 $0x8  }
0xd3: {  	_ =	swait.ge @!p0 [sflag:s7], $0x2000  }
0xd4: {  	[sflag:s7] =	ssyncset.done @!p0 $0x0  }
0xd5: {  	[sflag:s7] =	ssyncadd.s32 @!p0 $0xFFFFE000  }
0xd6: {  	_ =	swait.ge [sflag:s25], $0x80  }
0xd7: {  	[sflag:s25] =	ssyncset.done $0x0  }
0xd8: {  	[sflag:s25] =	ssyncadd.s32 $0xFFFFFF80  }
0xd9: {  	_ =	swait.ge [sflag:s25], $0x80  }
0xda: {  	[sflag:s25] =	ssyncset.done $0x0  }
0xdb: {  	[sflag:s25] =	ssyncadd.s32 $0xFFFFFF80  }
0xdc: {  	[tilespmem:s26], [sflag:$0x6] =	stream.indirect.gather [spmem:s3], $0x40, s19, s19, $0xb8;
	[tilespmem:$0x18400] =	vst v63  }
0xdd: {  	s13 =	sadd.s32 $0x30, s6  }
0xde: {  	[tilespmem:s28], [sflag:$0x4] =	stream.linear.gather [hbm4b:s13+s4], $0x80, $0x38;
	[tilespmem:$0x18400] =	vst v63  }
0xdf: {  	s6 =	sadd.s32 $0xA030, s6  }
0xe0: {  	[tilespmem:s29], [sflag:$0x4] =	stream.linear.gather [hbm4b:s6+s4], $0x80, $0x38;
	[tilespmem:$0x18400] =	vst v63  }
0xe1: {  	_ =	swait.ge [sflag:s30], $0x2000  }
0xe2: {  	[sflag:s30] =	ssyncset.done $0x0  }
0xe3: {  	[sflag:s30] =	ssyncadd.s32 $0xFFFFE000  }
0xe4: {  	[spmem:s1] =	stream.indirect.scatter.add.f32 [tilespmem:s22], [sflag:$0x7], $0x40, s18, s19, $0xb8;
	[tilespmem:$0x18400] =	vst v63  }
0xe5: {  	_ =	swait.ge [sflag:s31], $0x2000  }
0xe6: {  	[sflag:s31] =	ssyncset.done $0x0  }
0xe7: {  	[sflag:s31] =	ssyncadd.s32 $0xFFFFE000  }
0xe8: {  	_ =	swait.ge [sflag:s0], $0x80  }
0xe9: {  	[sflag:s0] =	ssyncset.done $0x0  }
0xea: {  	[sflag:s0] =	ssyncadd.s32 $0xFFFFFF80  }
0xeb: {  	_ =	swait.ge [sflag:s0], $0x80  }
0xec: {  	p0 =	seq.s32 s10, $0x9C0;
	[sflag:s0] =	ssyncset.done $0x0  }
0xed: {  	s6 =	sadd.s32 @!p0 s10, s14;
	[sflag:s0] =	ssyncadd.s32 $0xFFFFFF80  }
0xee: {  	[tilespmem:s22], [sflag:$0x5] =	stream.indirect.gather [spmem:s3], $0x40, s23, s19, $0xb8;
	[tilespmem:$0x18400] =	vst v63  }
0xef: {  	s7 =	simm.s32 @!p0 $0x0;
	s10 =	sadd.s32 @!p0 $0x40, s6  }
0xf0: {  	[tilespmem:s7], [sflag:$0x1] =	stream.linear.gather @!p0 [hbm4b:s10+s7], $0x80, $0x38;
	[tilespmem:$0x18400] =	vst v63  }
0xf1: {  	s11 =	simm.s32 @!p0 $0x200;
	s10 =	sadd.s32 @!p0 $0xA040, s6  }
0xf2: {  	[tilespmem:s11], [sflag:$0x1] =	stream.linear.gather @!p0 [hbm4b:s10+s7], $0x80, $0x38;
	[tilespmem:$0x18400] =	vst v63  }
0xf3: {  	_ =	swait.ge [sflag:s2], $0x2000  }
0xf4: {  	[sflag:s2] =	ssyncset.done $0x0  }
0xf5: {  	[sflag:s2] =	ssyncadd.s32 $0xFFFFE000  }
0xf6: {  	[spmem:s1] =	stream.indirect.scatter.add.f32 [tilespmem:s26], [sflag:$0x8], $0x40, s20, s19, $0xb8;
	[tilespmem:$0x18400] =	vst v63  }
0xf7: {  	_ =	swait.ge [sflag:s5], $0x2000  }
0xf8: {  	[sflag:s5] =	ssyncset.done $0x0  }
0xf9: {  	[sflag:s5] =	ssyncadd.s32 $0xFFFFE000  }
0xfa: {  	_ =	swait.ge [sflag:s8], $0x80  }
0xfb: {  	[sflag:s8] =	ssyncset.done $0x0  }
0xfc: {  	[sflag:s8] =	ssyncadd.s32 $0xFFFFFF80  }
0xfd: {  	_ =	swait.ge [sflag:s8], $0x80  }
0xfe: {  	[sflag:s8] =	ssyncset.done $0x0  }
0xff: {  	[sflag:s8] =	ssyncadd.s32 $0xFFFFFF80  }
0x100: {  	[tilespmem:s26], [sflag:$0x6] =	stream.indirect.gather [spmem:s3], $0x40, s28, s19, $0xb8;
	[tilespmem:$0x18400] =	vst v63  }
0x101: {  	s10 =	sadd.s32 @!p0 $0x50, s6;
	s11 =	simm.s32 @!p0 $0x80  }
0x102: {  	[tilespmem:s11], [sflag:$0x2] =	stream.linear.gather @!p0 [hbm4b:s10+s7], $0x80, $0x38;
	[tilespmem:$0x18400] =	vst v63  }
0x103: {  	s6 =	sadd.s32 @!p0 $0xA050, s6;
	s10 =	simm.s32 @!p0 $0x280  }
0x104: {  	[tilespmem:s10], [sflag:$0x2] =	stream.linear.gather @!p0 [hbm4b:s6+s7], $0x80, $0x38;
	[tilespmem:$0x18400] =	vst v63  }
0x105: {  	_ =	swait.ge [sflag:s30], $0x2000  }
0x106: {  	[sflag:s30] =	ssyncset.done $0x0  }
0x107: {  	[sflag:s30] =	ssyncadd.s32 $0xFFFFE000  }
0x108: {  	[spmem:s1] =	stream.indirect.scatter.add.f32 [tilespmem:s22], [sflag:$0x7], $0x40, s24, s19, $0xb8;
	[tilespmem:$0x18400] =	vst v63  }
0x109: {  	_ =	swait.ge [sflag:s2], $0x2000  }
0x10a: {  	[sflag:s2] =	ssyncset.done $0x0  }
0x10b: {  	[sflag:s2] =	ssyncadd.s32 $0xFFFFE000  }
0x10c: {  	[spmem:s1] =	stream.indirect.scatter.add.f32 [tilespmem:s26], [sflag:$0x8], $0x40, s29, s19, $0xb8;
	[tilespmem:$0x18400] =	vst v63  }
0x10d: {  	_ =	swait.ge [sflag:s31], $0x2000  }
0x10e: {  	[sflag:s31] =	ssyncset.done $0x0  }
0x10f: {  	[sflag:s31] =	ssyncadd.s32 $0xFFFFE000  }
0x110: {  	_ =	swait.ge [sflag:s5], $0x2000  }
0x111: {  	[sflag:s5] =	ssyncset.done $0x0  }
0x112: {  	[sflag:s5] =	ssyncadd.s32 $0xFFFFE000  }
0x113: {  	[bflag:$0x0] =	sbarrier.arrive $0xFFFF  }
0x114: {  	s7 =	rddreg [dreg:$0x5]  }
0x115: {  	s15 =	rddreg [dreg:$0xc]  }
0x116: {  	s10 =	rddreg [dreg:$0xd]  }
0x117: {  	[hbm:s15], [sflag:s7] =	dma.local [spmem:s10], $0x1400  }
0x118: {  	_ =	swait.ge [sflag:s16], $0x1400  }
0x119: {  	s9 =	sadd.s32 $0x1, s9;
	s17 =	rddreg [dreg:$0xa]  }
0x11a: {  	p0 =	sne.s32 s9, s17  }
.Ltmp1:
0x11b: {  	_ = 	snop;
	(pc) =	sbr.rel @p0 .LBB2_1-.Ltmp1, $3  }
0x11c: {  	_ =	sdelay $0x1  }
0x11d: {  	[sflag:s16] =	ssyncset.done $0x0  }
0x11e: {  	[sflag:s16] =	ssyncadd.s32 $0xFFFFEC00  }
0x11f: {  	_ =	sfence.sel $0x180000  }
0x120: {  	[bflag:$0x0] =	sbarrier.arrive $0xFFFF  }
0x121: {  	_ =	strace $0x90000050  }
0x122: {  	s0 =	stileid.u32;
	[bflag:$0x2] =	sbarrier.arrive $0xFFFF  }
0x123: {  	p0 =	sne.s32 s0, $0x0;
	s0 =	rddreg [dreg:$0x3]  }
0x124: {  	s0 =	sadd.s32 @!p0 $0x100000, s0  }
0x125: {  	[sflag:s0] =	ssyncadd.tile.s32 @!p0 $0x1;
	_ =	shalt  }
.Lfunc_end2:
_tile_overlayer_lowered:
.L_overlay_start_2:
0x126: {  	(tag) =	ssettag $0x2  }
0x127: {  	s0 =	rddreg [dreg:$0x0];
	s2 =	stileid.u32  }
0x128: {  	s1 =	rddreg [dreg:$0x1];
	p0 =	sne.s32 s2, $0x0  }
0x129: {  	s3 =	rddreg [dreg:$0x2];
	[bflag:$0x3] =	sbarrier.arrive $0xFFFF;
	s2 =	simm.s32 @!p0 $0x1C09  }
0x12a: {  	[timem:s3], [sflag:s2] =	dma.local @!p0 [hbm:s0], s1  }
0x12b: {  	s0 =	simm.s32 @!p0 $0x9  }
0x12c: {  	_ =	swait.ge @!p0 [sflag:s0], s1  }
0x12d: {  	s1 =	ssub.s32 @!p0 $0x0, s1;
	[sflag:s0] =	ssyncset.done @!p0 $0x0  }
0x12e: {  	[sflag:s0] =	ssyncadd.s32 @!p0 s1  }
0x12f: {  	[bflag:$0x3] =	sbarrier.arrive $0xFFFF  }
0x130: {  	_ =	shalt  }

</sc_bundles>
